<compile_context>
chip_gen: v7x
topology: tpu7x:2x2x1
jax: 0.10.2.dev20260603
libtpu: 0.0.44.dev20260713+nightly
codegen_flags: <defaults>
</compile_context>

<pallas_src>
import functools

import numpy as np

import jax
import jax.numpy as jnp
from jax import lax
from jax.experimental import pallas as pl
from jax.experimental.pallas import tpu as pltpu
from jax.experimental.pallas import tpu_sc as plsc

N = 10000
E = 320000
F_IN = 128
DIM = 16
HEADS = 8
OUT = 40
G = 16

NC = 2
NS = 16
NW = NC * NS

N_PAD = 10240
DUMMY = N
CHUNK = 128
CHUNKS_A = 82
CHUNKS_B = 82
CMAX = max(CHUNKS_A, CHUNKS_B)
CMIN = min(CHUNKS_A, CHUNKS_B)
TOT_CHUNKS = NS * (CHUNKS_A + CHUNKS_B)
E_PAD = TOT_CHUNKS * CHUNK
ROWS_PER_TILE = N_PAD // NS

HH = HEADS // 2
W1ROW = 80
W2ROW = 32

_mesh = plsc.VectorSubcoreMesh(core_axis_name="c", subcore_axis_name="s",
                               num_cores=NC, num_subcores=NS)
_sc_params = pltpu.CompilerParams(use_tc_tiling_on_sc=False)


def _stage1_body(x_ref, w1_ref, asrc_ref, adst_ref,
                 xpa_ref, xpb_ref, as_ref, ad_ref):
    xp = jnp.dot(x_ref[...], w1_ref[...], preferred_element_type=jnp.float32)
    xpa_ref[...] = xp[:, :64]
    xpb_ref[...] = xp[:, 64:]
    as_ref[...] = jnp.dot(xp, asrc_ref[...], preferred_element_type=jnp.float32)
    ad_ref[...] = jnp.dot(xp, adst_ref[...], preferred_element_type=jnp.float32)


def _stage1(x_pad, W1, A_src, A_dst):
    bn = 1024
    return pl.pallas_call(
        _stage1_body,
        grid=(N_PAD // bn,),
        in_specs=[
            pl.BlockSpec((bn, F_IN), lambda i: (i, 0)),
            pl.BlockSpec((F_IN, F_IN), lambda i: (0, 0)),
            pl.BlockSpec((F_IN, 16), lambda i: (0, 0)),
            pl.BlockSpec((F_IN, 16), lambda i: (0, 0)),
        ],
        out_specs=[
            pl.BlockSpec((bn, 64), lambda i: (i, 0)),
            pl.BlockSpec((bn, 64), lambda i: (i, 0)),
            pl.BlockSpec((bn, 16), lambda i: (i, 0)),
            pl.BlockSpec((bn, 16), lambda i: (i, 0)),
        ],
        out_shape=[
            jax.ShapeDtypeStruct((N_PAD, 64), jnp.float32),
            jax.ShapeDtypeStruct((N_PAD, 64), jnp.float32),
            jax.ShapeDtypeStruct((N_PAD, 16), jnp.float32),
            jax.ShapeDtypeStruct((N_PAD, 16), jnp.float32),
        ],
    )(x_pad, W1, A_src, A_dst)


def _zero_rows(buf, width, rows):
    def zrow(e, _):
        for q in range(width // 16):
            buf[e, 16 * q:16 * q + 16] = jnp.zeros((16,), jnp.float32)
        return _
    lax.fori_loop(0, rows, zrow, None)


@functools.partial(
    pl.kernel, mesh=_mesh,
    out_type=jax.ShapeDtypeStruct((NC, 2 * N_PAD, W1ROW), jnp.float32),
    scratch_types=[
        pltpu.VMEM((CMAX, CHUNK), jnp.int32),
        pltpu.VMEM((CMAX, CHUNK), jnp.int32),
        pltpu.VMEM((CHUNK, 64), jnp.float32),
        pltpu.VMEM((CHUNK, 64), jnp.float32),
        pltpu.VMEM((CHUNK, 16), jnp.float32),
        pltpu.VMEM((CHUNK, 16), jnp.float32),
        pltpu.VMEM((CHUNK, 16), jnp.float32),
        pltpu.VMEM((CHUNK, 16), jnp.float32),
        pltpu.VMEM((CHUNK, W1ROW), jnp.float32),
        pltpu.VMEM((CHUNK, W1ROW), jnp.float32),
        pltpu.VMEM_SHARED((N_PAD, W1ROW), jnp.float32),
        pltpu.SemaphoreType.DMA,
        pltpu.SemaphoreType.DMA,
        pltpu.SemaphoreType.DMA,
        pltpu.SemaphoreType.DMA,
    ],
    compiler_params=_sc_params)
def _edge_pass1(xpa_hbm, xpb_hbm, as_hbm, ad_hbm, src_hbm, dst_hbm, out_hbm,
                src_i, dst_i, xp0, xp1, as0, as1, ad0, ad1, ob0, ob1, acc,
                sem0, sem1, ssem0, ssem1):
    out_b = (ob0, ob1)
    ssems = (ssem0, ssem1)
    xp_b = (xp0, xp1)
    as_b = (as0, as1)
    ad_b = (ad0, ad1)
    sems = (sem0, sem1)
    c_id = lax.axis_index("c")
    s_id = lax.axis_index("s")
    w_id = c_id * NS + s_id
    arow = s_id * ROWS_PER_TILE

    if CHUNKS_A == CHUNKS_B:
        my_chunks = CHUNKS_A
        row0 = w_id * CHUNKS_A
    else:
        my_chunks = jnp.where(c_id == 0, CHUNKS_A, CHUNKS_B)
        row0 = jnp.where(c_id == 0, s_id * CHUNKS_A,
                         NS * CHUNKS_A + s_id * CHUNKS_B)
    pltpu.sync_copy(src_hbm.at[pl.ds(row0, CMIN)],
                    src_i.at[pl.ds(0, CMIN)])
    pltpu.sync_copy(dst_hbm.at[pl.ds(row0, CMIN)],
                    dst_i.at[pl.ds(0, CMIN)])
    if CMAX > CMIN:
        @pl.when(my_chunks == CMAX)
        def _():
            pltpu.sync_copy(src_hbm.at[pl.ds(row0 + CMIN, CMAX - CMIN)],
                            src_i.at[pl.ds(CMIN, CMAX - CMIN)])
            pltpu.sync_copy(dst_hbm.at[pl.ds(row0 + CMIN, CMAX - CMIN)],
                            dst_i.at[pl.ds(CMIN, CMAX - CMIN)])

    for p in range(2):
        xp_tab = (xpa_hbm, xpb_hbm)[p]

        _zero_rows(out_b[0], W1ROW, CHUNK)

        def zacc(i, _):
            pltpu.sync_copy(out_b[0], acc.at[pl.ds(arow + i * CHUNK, CHUNK)])
            return _
        lax.fori_loop(0, ROWS_PER_TILE // CHUNK, zacc, None)
        plsc.subcore_barrier()

        def issue(c, slot):
            pltpu.async_copy(xp_tab.at[src_i.at[c]], xp_b[slot], sems[slot])
            pltpu.async_copy(as_hbm.at[src_i.at[c]], as_b[slot], sems[slot])
            pltpu.async_copy(ad_hbm.at[dst_i.at[c]], ad_b[slot], sems[slot])

        def wait(c, slot):
            pltpu.make_async_copy(xp_tab.at[src_i.at[c]], xp_b[slot],
                                  sems[slot]).wait()
            pltpu.make_async_copy(as_hbm.at[src_i.at[c]], as_b[slot],
                                  sems[slot]).wait()
            pltpu.make_async_copy(ad_hbm.at[dst_i.at[c]], ad_b[slot],
                                  sems[slot]).wait()

        def run_chunk(c, slot, scatter_pending):
            wait(c, slot)

            @pl.when(scatter_pending)
            def _():
                pltpu.make_async_copy(out_b[slot], acc.at[dst_i.at[c]],
                                      ssems[slot]).wait()

            @plsc.parallel_loop(0, CHUNK, 1, unroll=8)
            def edge(e):
                al = as_b[slot][e, :] + ad_b[slot][e, :]
                al = jnp.maximum(al, 0.2 * al)
                ea = jnp.exp(al)
                out_b[slot][e, 64:80] = ea
                for h in range(HH):
                    out_b[slot][e, 16 * h:16 * h + 16] = (
                        xp_b[slot][e, 16 * h:16 * h + 16] * ea[HH * p + h])
            pltpu.async_copy(out_b[slot], acc.at[dst_i.at[c]], ssems[slot],
                             add=True)

        issue(0, 0)
        half = my_chunks // 2

        def outer(g, _):
            issue(2 * g + 1, 1)
            run_chunk(2 * g, 0, g >= 1)

            @pl.when(g < half - 1)
            def _():
                issue(2 * g + 2, 0)

            run_chunk(2 * g + 1, 1, g >= 1)
            return _

        lax.fori_loop(0, half, outer, None)
        for slot in range(2):
            pltpu.make_async_copy(out_b[slot],
                                  acc.at[dst_i.at[my_chunks - 2 + slot]],
                                  ssems[slot]).wait()
        plsc.subcore_barrier()
        pltpu.sync_copy(acc.at[pl.ds(arow, ROWS_PER_TILE)],
                        out_hbm.at[c_id, pl.ds(p * N_PAD + arow,
                                               ROWS_PER_TILE)])


@functools.partial(
    pl.kernel, mesh=_mesh,
    out_type=jax.ShapeDtypeStruct((NC, N_PAD, W2ROW), jnp.float32),
    scratch_types=[
        pltpu.VMEM((CMAX, CHUNK), jnp.int32),
        pltpu.VMEM((CMAX, CHUNK), jnp.int32),
        pltpu.VMEM((CHUNK, 32), jnp.float32),
        pltpu.VMEM((CHUNK, 32), jnp.float32),
        pltpu.VMEM((CHUNK, 16), jnp.float32),
        pltpu.VMEM((CHUNK, 16), jnp.float32),
        pltpu.VMEM((CHUNK, W2ROW), jnp.float32),
        pltpu.VMEM((CHUNK, W2ROW), jnp.float32),
        pltpu.VMEM_SHARED((N_PAD, W2ROW), jnp.float32),
        pltpu.SemaphoreType.DMA,
        pltpu.SemaphoreType.DMA,
        pltpu.SemaphoreType.DMA,
        pltpu.SemaphoreType.DMA,
    ],
    compiler_params=_sc_params)
def _edge_pass2(s2_hbm, d2_hbm, src_hbm, dst_hbm, out_hbm,
                src_i, dst_i, s20, s21, d20, d21, ob0, ob1, acc,
                sem0, sem1, ssem0, ssem1):
    out_b = (ob0, ob1)
    ssems = (ssem0, ssem1)
    s2_b = (s20, s21)
    d2_b = (d20, d21)
    sems = (sem0, sem1)
    c_id = lax.axis_index("c")
    s_id = lax.axis_index("s")
    w_id = c_id * NS + s_id
    arow = s_id * ROWS_PER_TILE

    if CHUNKS_A == CHUNKS_B:
        my_chunks = CHUNKS_A
        row0 = w_id * CHUNKS_A
    else:
        my_chunks = jnp.where(c_id == 0, CHUNKS_A, CHUNKS_B)
        row0 = jnp.where(c_id == 0, s_id * CHUNKS_A,
                         NS * CHUNKS_A + s_id * CHUNKS_B)
    pltpu.sync_copy(src_hbm.at[pl.ds(row0, CMIN)],
                    src_i.at[pl.ds(0, CMIN)])
    pltpu.sync_copy(dst_hbm.at[pl.ds(row0, CMIN)],
                    dst_i.at[pl.ds(0, CMIN)])
    if CMAX > CMIN:
        @pl.when(my_chunks == CMAX)
        def _():
            pltpu.sync_copy(src_hbm.at[pl.ds(row0 + CMIN, CMAX - CMIN)],
                            src_i.at[pl.ds(CMIN, CMAX - CMIN)])
            pltpu.sync_copy(dst_hbm.at[pl.ds(row0 + CMIN, CMAX - CMIN)],
                            dst_i.at[pl.ds(CMIN, CMAX - CMIN)])

    _zero_rows(out_b[0], W2ROW, CHUNK)

    def zacc(i, _):
        pltpu.sync_copy(out_b[0], acc.at[pl.ds(arow + i * CHUNK, CHUNK)])
        return _
    lax.fori_loop(0, ROWS_PER_TILE // CHUNK, zacc, None)
    plsc.subcore_barrier()

    def issue(c, slot):
        pltpu.async_copy(s2_hbm.at[src_i.at[c]], s2_b[slot], sems[slot])
        pltpu.async_copy(d2_hbm.at[dst_i.at[c]], d2_b[slot], sems[slot])

    def wait(c, slot):
        pltpu.make_async_copy(s2_hbm.at[src_i.at[c]], s2_b[slot],
                              sems[slot]).wait()
        pltpu.make_async_copy(d2_hbm.at[dst_i.at[c]], d2_b[slot],
                              sems[slot]).wait()

    def run_chunk(c, slot, scatter_pending):
        wait(c, slot)

        @pl.when(scatter_pending)
        def _():
            pltpu.make_async_copy(out_b[slot], acc.at[dst_i.at[c]],
                                  ssems[slot]).wait()

        @plsc.parallel_loop(0, CHUNK, 1, unroll=8)
        def edge(e):
            al = s2_b[slot][e, 16:32] + d2_b[slot][e, :]
            al = jnp.maximum(al, 0.2 * al)
            ea = jnp.exp(al)
            out_b[slot][e, 16:32] = ea
            out_b[slot][e, 0:16] = s2_b[slot][e, 0:16] * ea[0]
        pltpu.async_copy(out_b[slot], acc.at[dst_i.at[c]], ssems[slot],
                         add=True)

    issue(0, 0)
    half = my_chunks // 2

    def outer(g, _):
        issue(2 * g + 1, 1)
        run_chunk(2 * g, 0, g >= 1)

        @pl.when(g < half - 1)
        def _():
            issue(2 * g + 2, 0)

        run_chunk(2 * g + 1, 1, g >= 1)
        return _

    lax.fori_loop(0, half, outer, None)
    for slot in range(2):
        pltpu.make_async_copy(out_b[slot],
                              acc.at[dst_i.at[my_chunks - 2 + slot]],
                              ssems[slot]).wait()
    plsc.subcore_barrier()
    pltpu.sync_copy(acc.at[pl.ds(arow, ROWS_PER_TILE)],
                    out_hbm.at[c_id, pl.ds(arow, ROWS_PER_TILE)])


def _stage2_body(acc_ref, b1_ref, bc8a_ref, bc8b_ref, w2a_ref, w2b_ref,
                 p_ref, q_ref, s2_ref, d2_ref):
    num_a = acc_ref[0, 0] + acc_ref[1, 0]
    num_b = acc_ref[0, 1] + acc_ref[1, 1]
    den = num_a[:, 64:72]
    r = 1.0 / (den + 1e-16)
    bca = jnp.dot(r, bc8a_ref[...], preferred_element_type=jnp.float32)
    bcb = jnp.dot(r, bc8b_ref[...], preferred_element_type=jnp.float32)
    ha = num_a[:, :64] * bca + b1_ref[:, :64]
    hb = num_b[:, :64] * bcb + b1_ref[:, 64:]
    ha = jnp.where(ha > 0, ha, jnp.exp(jnp.minimum(ha, 0.0)) - 1.0)
    hb = jnp.where(hb > 0, hb, jnp.exp(jnp.minimum(hb, 0.0)) - 1.0)
    xp2 = (jnp.dot(ha, w2a_ref[...], preferred_element_type=jnp.float32)
           + jnp.dot(hb, w2b_ref[...], preferred_element_type=jnp.float32))
    s2_ref[...] = jnp.dot(xp2, p_ref[...], preferred_element_type=jnp.float32)
    d2_ref[...] = jnp.dot(xp2, q_ref[...], preferred_element_type=jnp.float32)


def _stage2(acc1, b1, BC8, W2, P, Q):
    bn = 1024
    return pl.pallas_call(
        _stage2_body,
        grid=(N_PAD // bn,),
        in_specs=[
            pl.BlockSpec((NC, 2, bn, W1ROW), lambda i: (0, 0, i, 0)),
            pl.BlockSpec((1, F_IN), lambda i: (0, 0)),
            pl.BlockSpec((HEADS, 64), lambda i: (0, 0)),
            pl.BlockSpec((HEADS, 64), lambda i: (0, 0)),
            pl.BlockSpec((64, DIM), lambda i: (0, 0)),
            pl.BlockSpec((64, DIM), lambda i: (0, 0)),
            pl.BlockSpec((DIM, 32), lambda i: (0, 0)),
            pl.BlockSpec((DIM, 16), lambda i: (0, 0)),
        ],
        out_specs=[
            pl.BlockSpec((bn, 32), lambda i: (i, 0)),
            pl.BlockSpec((bn, 16), lambda i: (i, 0)),
        ],
        out_shape=[
            jax.ShapeDtypeStruct((N_PAD, 32), jnp.float32),
            jax.ShapeDtypeStruct((N_PAD, 16), jnp.float32),
        ],
    )(acc1, b1.reshape(1, F_IN), BC8[:, :64], BC8[:, 64:],
      W2[:64], W2[64:], P, Q)


def _stage3_body(acc_ref, batch_ref, b2_ref, lw1_ref, lb1_ref, lw2_ref,
                 lb2_ref, out_ref):
    num = acc_ref[0] + acc_ref[1]
    den = num[:, DIM:DIM + 1]
    h2 = num[:, :DIM] * (1.0 / (den + 1e-16)) + b2_ref[...]
    b = batch_ref[...]
    rows = []
    for g in range(G):
        rows.append(jnp.sum(jnp.where(b == g, h2, 0.0), axis=0, keepdims=True))
    pooled = jnp.concatenate(rows, axis=0)
    hid = jnp.maximum(
        jnp.dot(pooled, lw1_ref[...], preferred_element_type=jnp.float32)
        + lb1_ref[...], 0.0)
    out_ref[...] = (jnp.dot(hid, lw2_ref[...],
                            preferred_element_type=jnp.float32) + lb2_ref[...])


def _stage3(acc2, batch2d, b2, lw1, lb1, lw2, lb2):
    return pl.pallas_call(
        _stage3_body,
        out_shape=jax.ShapeDtypeStruct((G, OUT), jnp.float32),
    )(acc2, batch2d, b2.reshape(1, DIM), lw1, lb1.reshape(1, DIM),
      lw2, lb2.reshape(1, OUT))


def kernel(x, edge_index, batch, W1, a_src1, a_dst1, b1, W2, a_src2, a_dst2,
           b2, lw1, lb1, lw2, lb2):
    f32 = jnp.float32
    x_pad = jnp.pad(x.astype(f32), ((0, N_PAD - N), (0, 0)))

    hcol = np.repeat(np.arange(HEADS), DIM)
    m128x16 = (hcol[:, None] == np.arange(16)[None, :]).astype(np.float32)
    A_src = m128x16 * a_src1.reshape(-1)[:, None]
    A_dst = m128x16 * a_dst1.reshape(-1)[:, None]
    BC8 = jnp.asarray((np.arange(HEADS)[:, None] == hcol[None, :])
                      .astype(np.float32))
    eye16 = np.eye(DIM, dtype=np.float32)
    P = jnp.concatenate([jnp.asarray(eye16), a_src2.reshape(DIM, 1),
                         jnp.zeros((DIM, 32 - DIM - 1), f32)], axis=1)
    Q = jnp.concatenate([a_dst2.reshape(DIM, 1),
                         jnp.zeros((DIM, 15), f32)], axis=1)

    loop = jnp.arange(N, dtype=jnp.int32)
    pad_e = E_PAD - (E + N)
    src = jnp.concatenate([edge_index[0].astype(jnp.int32), loop,
                           jnp.zeros((pad_e,), jnp.int32)])
    dst = jnp.concatenate([edge_index[1].astype(jnp.int32), loop,
                           jnp.full((pad_e,), DUMMY, jnp.int32)])
    src2d = src.reshape(TOT_CHUNKS, CHUNK)
    dst2d = dst.reshape(TOT_CHUNKS, CHUNK)

    batch2d = jnp.pad(batch.astype(jnp.int32), (0, N_PAD - N),
                      constant_values=G).reshape(N_PAD, 1)

    xpa_t, xpb_t, as_t, ad_t = _stage1(x_pad, W1, A_src, A_dst)
    acc1 = _edge_pass1(xpa_t, xpb_t, as_t, ad_t, src2d, dst2d)
    acc1 = acc1.reshape(NC, 2, N_PAD, W1ROW)
    s2_t, d2_t = _stage2(acc1, b1, BC8, W2, P, Q)
    acc2 = _edge_pass2(s2_t, d2_t, src2d, dst2d)
    return _stage3(acc2, batch2d, b2, lw1, lb1, lw2, lb2)

# --- scband reference (transcript-rebuilt; emitter-appended) ---
"""Pipeline reference for scband-gat-64347200028750 (READ-ONLY COPY).

The authoritative reference and input builder live on the scoring server;
editing this copy changes nothing except your own understanding.
"""

import jax, jax.numpy as jnp
import numpy as np

N = 10000
E = 320000
F_IN = 128
DIM = 16
HEADS = 8
OUT = 40
G = 16


def setup_inputs(seed: int = 0) -> dict:
    key = jax.random.key(seed)
    ks = jax.random.split(key, 16)
    x = jax.random.normal(ks[0], (N, F_IN), dtype=jnp.float32)
    edge_index = jax.random.randint(ks[1], (2, E), 0, N, dtype=jnp.int32)
    batch = jnp.sort(jax.random.randint(ks[2], (N,), 0, G, dtype=jnp.int32))
    W1 = jax.random.normal(ks[3], (F_IN, HEADS * DIM), dtype=jnp.float32) / np.sqrt(F_IN)
    a_src1 = jax.random.normal(ks[4], (HEADS, DIM), dtype=jnp.float32) / np.sqrt(DIM)
    a_dst1 = jax.random.normal(ks[5], (HEADS, DIM), dtype=jnp.float32) / np.sqrt(DIM)
    b1 = jnp.zeros((HEADS * DIM,), dtype=jnp.float32)
    W2 = jax.random.normal(ks[6], (HEADS * DIM, DIM), dtype=jnp.float32) / np.sqrt(HEADS * DIM)
    a_src2 = jax.random.normal(ks[7], (1, DIM), dtype=jnp.float32) / np.sqrt(DIM)
    a_dst2 = jax.random.normal(ks[8], (1, DIM), dtype=jnp.float32) / np.sqrt(DIM)
    b2 = jnp.zeros((DIM,), dtype=jnp.float32)
    lw1 = jax.random.normal(ks[9], (DIM, DIM), dtype=jnp.float32) / np.sqrt(DIM)
    lb1 = jnp.zeros((DIM,), dtype=jnp.float32)
    lw2 = jax.random.normal(ks[10], (DIM, OUT), dtype=jnp.float32) / np.sqrt(DIM)
    lb2 = jnp.zeros((OUT,), dtype=jnp.float32)
    return {"x": x, "edge_index": edge_index, "batch": batch,
            "W1": W1, "a_src1": a_src1, "a_dst1": a_dst1, "b1": b1,
            "W2": W2, "a_src2": a_src2, "a_dst2": a_dst2, "b2": b2,
            "lw1": lw1, "lb1": lb1, "lw2": lw2, "lb2": lb2}


def gat_conv(x, src, dst, W, a_src, a_dst, b, heads, dim, concat):
    n = x.shape[0]
    xp = (x @ W).reshape(n, heads, dim)
    alpha_src = jnp.sum(xp * a_src[None], axis=-1)
    alpha_dst = jnp.sum(xp * a_dst[None], axis=-1)
    alpha = alpha_src[src] + alpha_dst[dst]
    alpha = jax.nn.leaky_relu(alpha, 0.2)
    amax = jax.ops.segment_max(alpha, dst, num_segments=n)
    amax = jnp.where(jnp.isfinite(amax), amax, 0.0)
    ea = jnp.exp(alpha - amax[dst])
    denom = jax.ops.segment_sum(ea, dst, num_segments=n)
    coef = ea / (denom[dst] + 1e-16)
    msg = xp[src] * coef[..., None]
    out = jax.ops.segment_sum(msg, dst, num_segments=n)
    if concat:
        return out.reshape(n, heads * dim) + b
    return jnp.mean(out, axis=1) + b


def reference(x, edge_index, batch, W1, a_src1, a_dst1, b1, W2, a_src2, a_dst2, b2, lw1, lb1, lw2, lb2):
    # eval mode: dropout is identity
    x = x.astype(jnp.float32)
    loop = jnp.arange(N, dtype=edge_index.dtype)
    src = jnp.concatenate([edge_index[0], loop])
    dst = jnp.concatenate([edge_index[1], loop])
    h = jax.nn.elu(gat_conv(x, src, dst, W1, a_src1, a_dst1, b1, HEADS, DIM, True))
    h = gat_conv(h, src, dst, W2, a_src2, a_dst2, b2, 1, DIM, False)
    pooled = jax.ops.segment_sum(h, batch, num_segments=G)
    out = jax.nn.relu(pooled @ lw1 + lb1) @ lw2 + lb2
    return out

if __name__ == "__main__":
    import jax
    _d = setup_inputs()
    print(jax.jit(kernel)(*tuple(_d.values())))

</pallas_src>

<mosaic_0001>
#map = affine_map<(d0, d1) -> (0, 0)>
#map1 = affine_map<(d0, d1) -> (0, 0, 0)>
module attributes {stable_mosaic.version = 14 : i64} {
  func.func @_edge_pass1(%arg0: i32, %arg1: i32, %arg2: memref<10240x64xf32, #tpu.memory_space<hbm>>, %arg3: memref<10240x64xf32, #tpu.memory_space<hbm>>, %arg4: memref<10240x16xf32, #tpu.memory_space<hbm>>, %arg5: memref<10240x16xf32, #tpu.memory_space<hbm>>, %arg6: memref<2624x128xi32, #tpu.memory_space<hbm>>, %arg7: memref<2624x128xi32, #tpu.memory_space<hbm>>, %arg8: memref<2x20480x80xf32, #tpu.memory_space<hbm>>, %arg9: memref<82x128xi32, #tpu.memory_space<vmem>>, %arg10: memref<82x128xi32, #tpu.memory_space<vmem>>, %arg11: memref<128x64xf32, #tpu.memory_space<vmem>>, %arg12: memref<128x64xf32, #tpu.memory_space<vmem>>, %arg13: memref<128x16xf32, #tpu.memory_space<vmem>>, %arg14: memref<128x16xf32, #tpu.memory_space<vmem>>, %arg15: memref<128x16xf32, #tpu.memory_space<vmem>>, %arg16: memref<128x16xf32, #tpu.memory_space<vmem>>, %arg17: memref<128x80xf32, #tpu.memory_space<vmem>>, %arg18: memref<128x80xf32, #tpu.memory_space<vmem>>, %arg19: memref<10240x80xf32, #tpu.memory_space<vmem_shared>>, %arg20: memref<!tpu.dma_semaphore, #tpu.memory_space<semaphore_mem>>, %arg21: memref<!tpu.dma_semaphore, #tpu.memory_space<semaphore_mem>>, %arg22: memref<!tpu.dma_semaphore, #tpu.memory_space<semaphore_mem>>, %arg23: memref<!tpu.dma_semaphore, #tpu.memory_space<semaphore_mem>>) attributes {dimension_semantics = [#tpu.dimension_semantics<core_parallel>, #tpu.dimension_semantics<subcore_parallel>], iteration_bounds = array<i64: 2, 16>, scalar_prefetch = 0 : i64, scratch_operands = 15 : i64, tpu.core_type = #tpu.core_type<sc_vector_subcore>, window_params = [{transform_indices = #map}, {transform_indices = #map}, {transform_indices = #map}, {transform_indices = #map}, {transform_indices = #map}, {transform_indices = #map}, {transform_indices = #map1}]} {
    %mul3A = arith.constant 16 : i32
    %mul3A_0 = arith.muli %arg0, %mul3A : i32
    %add3A = arith.addi %mul3A_0, %arg1 : i32
    %mul3A_1 = arith.constant 640 : i32
    %mul3A_2 = arith.muli %arg1, %mul3A_1 : i32
    %mul3A_3 = arith.constant 82 : i32
    %mul3A_4 = arith.muli %add3A, %mul3A_3 : i32
    "tpu.region"() ({
      %run_scoped3A = tpu.sem_alloc : memref<!tpu.dma_semaphore, #tpu.memory_space<semaphore_mem>>
      %dma_start3A_109 = arith.constant 0 : i32
      %dma_start3A_110 = arith.constant 0 : i32
      %dma_start3A_111 = tpu.memref_slice %arg9[%dma_start3A_109, %dma_start3A_110] : memref<82x128xi32, #tpu.memory_space<vmem>> -> memref<82x128xi32, #tpu.memory_space<vmem>>
      %dma_start3A_112 = arith.constant 0 : i32
      %dma_start3A_113 = tpu.memref_slice %arg6[%mul3A_4, %dma_start3A_112] : memref<2624x128xi32, #tpu.memory_space<hbm>> -> memref<82x128xi32, #tpu.memory_space<hbm>>
      %dma_start3A_114 = arith.constant 0 : i32
      %dma_start3A_115 = arith.constant 0 : i32
      %dma_start3A_116 = tpu.memref_slice %arg9[%dma_start3A_114, %dma_start3A_115] : memref<82x128xi32, #tpu.memory_space<vmem>> -> memref<82x128xi32, #tpu.memory_space<vmem>>
      %dma_start3A_117 = arith.constant 0 : i32
      %dma_start3A_118 = tpu.memref_slice %arg6[%mul3A_4, %dma_start3A_117] : memref<2624x128xi32, #tpu.memory_space<hbm>> -> memref<82x128xi32, #tpu.memory_space<hbm>>
      tpu.enqueue_dma source(%dma_start3A_118 : memref<82x128xi32, #tpu.memory_space<hbm>>) target(%dma_start3A_116 : memref<82x128xi32, #tpu.memory_space<vmem>>) target_semaphore(%run_scoped3A : memref<!tpu.dma_semaphore, #tpu.memory_space<semaphore_mem>>)
      %dma_wait3A_119 = arith.constant 0 : i32
      %dma_wait3A_120 = arith.constant 0 : i32
      %dma_wait3A_121 = tpu.memref_slice %arg9[%dma_wait3A_119, %dma_wait3A_120] : memref<82x128xi32, #tpu.memory_space<vmem>> -> memref<82x128xi32, #tpu.memory_space<vmem>>
      %dma_wait3A_122 = arith.constant 0 : i32
      %dma_wait3A_123 = tpu.memref_slice %arg6[%mul3A_4, %dma_wait3A_122] : memref<2624x128xi32, #tpu.memory_space<hbm>> -> memref<82x128xi32, #tpu.memory_space<hbm>>
      %dma_wait3A_124 = arith.constant 0 : i32
      %dma_wait3A_125 = arith.constant 0 : i32
      %dma_wait3A_126 = tpu.memref_slice %arg9[%dma_wait3A_124, %dma_wait3A_125] : memref<82x128xi32, #tpu.memory_space<vmem>> -> memref<82x128xi32, #tpu.memory_space<vmem>>
      %dma_wait3A_127 = arith.constant 0 : i32
      %dma_wait3A_128 = tpu.memref_slice %arg6[%mul3A_4, %dma_wait3A_127] : memref<2624x128xi32, #tpu.memory_space<hbm>> -> memref<82x128xi32, #tpu.memory_space<hbm>>
      tpu.wait_dma2 semaphore(%run_scoped3A : memref<!tpu.dma_semaphore, #tpu.memory_space<semaphore_mem>>) src(%dma_wait3A_128 : memref<82x128xi32, #tpu.memory_space<hbm>>) dst(%dma_wait3A_126 : memref<82x128xi32, #tpu.memory_space<vmem>>)
      tpu.yield
    }) : () -> ()
    "tpu.region"() ({
      %run_scoped3A = tpu.sem_alloc : memref<!tpu.dma_semaphore, #tpu.memory_space<semaphore_mem>>
      %dma_start3A_109 = arith.constant 0 : i32
      %dma_start3A_110 = arith.constant 0 : i32
      %dma_start3A_111 = tpu.memref_slice %arg10[%dma_start3A_109, %dma_start3A_110] : memref<82x128xi32, #tpu.memory_space<vmem>> -> memref<82x128xi32, #tpu.memory_space<vmem>>
      %dma_start3A_112 = arith.constant 0 : i32
      %dma_start3A_113 = tpu.memref_slice %arg7[%mul3A_4, %dma_start3A_112] : memref<2624x128xi32, #tpu.memory_space<hbm>> -> memref<82x128xi32, #tpu.memory_space<hbm>>
      %dma_start3A_114 = arith.constant 0 : i32
      %dma_start3A_115 = arith.constant 0 : i32
      %dma_start3A_116 = tpu.memref_slice %arg10[%dma_start3A_114, %dma_start3A_115] : memref<82x128xi32, #tpu.memory_space<vmem>> -> memref<82x128xi32, #tpu.memory_space<vmem>>
      %dma_start3A_117 = arith.constant 0 : i32
      %dma_start3A_118 = tpu.memref_slice %arg7[%mul3A_4, %dma_start3A_117] : memref<2624x128xi32, #tpu.memory_space<hbm>> -> memref<82x128xi32, #tpu.memory_space<hbm>>
      tpu.enqueue_dma source(%dma_start3A_118 : memref<82x128xi32, #tpu.memory_space<hbm>>) target(%dma_start3A_116 : memref<82x128xi32, #tpu.memory_space<vmem>>) target_semaphore(%run_scoped3A : memref<!tpu.dma_semaphore, #tpu.memory_space<semaphore_mem>>)
      %dma_wait3A_119 = arith.constant 0 : i32
      %dma_wait3A_120 = arith.constant 0 : i32
      %dma_wait3A_121 = tpu.memref_slice %arg10[%dma_wait3A_119, %dma_wait3A_120] : memref<82x128xi32, #tpu.memory_space<vmem>> -> memref<82x128xi32, #tpu.memory_space<vmem>>
      %dma_wait3A_122 = arith.constant 0 : i32
      %dma_wait3A_123 = tpu.memref_slice %arg7[%mul3A_4, %dma_wait3A_122] : memref<2624x128xi32, #tpu.memory_space<hbm>> -> memref<82x128xi32, #tpu.memory_space<hbm>>
      %dma_wait3A_124 = arith.constant 0 : i32
      %dma_wait3A_125 = arith.constant 0 : i32
      %dma_wait3A_126 = tpu.memref_slice %arg10[%dma_wait3A_124, %dma_wait3A_125] : memref<82x128xi32, #tpu.memory_space<vmem>> -> memref<82x128xi32, #tpu.memory_space<vmem>>
      %dma_wait3A_127 = arith.constant 0 : i32
      %dma_wait3A_128 = tpu.memref_slice %arg7[%mul3A_4, %dma_wait3A_127] : memref<2624x128xi32, #tpu.memory_space<hbm>> -> memref<82x128xi32, #tpu.memory_space<hbm>>
      tpu.wait_dma2 semaphore(%run_scoped3A : memref<!tpu.dma_semaphore, #tpu.memory_space<semaphore_mem>>) src(%dma_wait3A_128 : memref<82x128xi32, #tpu.memory_space<hbm>>) dst(%dma_wait3A_126 : memref<82x128xi32, #tpu.memory_space<vmem>>)
      tpu.yield
    }) : () -> ()
    %scan3A = arith.constant 0 : i32
    %scan3A_5 = arith.constant 128 : i32
    %scan3A_6 = arith.addi %scan3A, %scan3A_5 : i32
    %scan3A_7 = arith.constant 1 : i32
    scf.for %scan3A_109 = %scan3A to %scan3A_6 step %scan3A_7  : i32 {
      %broadcast_in_dim3A = arith.constant 0.000000e+00 : f32
      %broadcast_in_dim3A_110 = vector.broadcast %broadcast_in_dim3A : f32 to vector<16xf32>
      %swap3A = arith.index_cast %scan3A_109 : i32 to index
      %swap3A_111 = arith.constant 0 : index
      %swap3A_112 = tpu.vector_load %arg17[%swap3A, %swap3A_111] {strides = array<i32>} : memref<128x80xf32, #tpu.memory_space<vmem>>, vector<1x16xf32>,
      %swap3A_113 = vector.shape_cast %swap3A_112 : vector<1x16xf32> to vector<16xf32>
      %swap3A_114 = vector.shape_cast %broadcast_in_dim3A_110 : vector<16xf32> to vector<1x16xf32>
      tpu.vector_store %arg17[%swap3A, %swap3A_111], %swap3A_114 {strides = array<i32>} : memref<128x80xf32, #tpu.memory_space<vmem>>, vector<1x16xf32>,
      %broadcast_in_dim3A_115 = arith.constant 0.000000e+00 : f32
      %broadcast_in_dim3A_116 = vector.broadcast %broadcast_in_dim3A_115 : f32 to vector<16xf32>
      %swap3A_117 = arith.index_cast %scan3A_109 : i32 to index
      %swap3A_118 = arith.constant 16 : index
      %swap3A_119 = tpu.vector_load %arg17[%swap3A_117, %swap3A_118] {strides = array<i32>} : memref<128x80xf32, #tpu.memory_space<vmem>>, vector<1x16xf32>,
      %swap3A_120 = vector.shape_cast %swap3A_119 : vector<1x16xf32> to vector<16xf32>
      %swap3A_121 = vector.shape_cast %broadcast_in_dim3A_116 : vector<16xf32> to vector<1x16xf32>
      tpu.vector_store %arg17[%swap3A_117, %swap3A_118], %swap3A_121 {strides = array<i32>} : memref<128x80xf32, #tpu.memory_space<vmem>>, vector<1x16xf32>,
      %broadcast_in_dim3A_122 = arith.constant 0.000000e+00 : f32
      %broadcast_in_dim3A_123 = vector.broadcast %broadcast_in_dim3A_122 : f32 to vector<16xf32>
      %swap3A_124 = arith.index_cast %scan3A_109 : i32 to index
      %swap3A_125 = arith.constant 32 : index
      %swap3A_126 = tpu.vector_load %arg17[%swap3A_124, %swap3A_125] {strides = array<i32>} : memref<128x80xf32, #tpu.memory_space<vmem>>, vector<1x16xf32>,
      %swap3A_127 = vector.shape_cast %swap3A_126 : vector<1x16xf32> to vector<16xf32>
      %swap3A_128 = vector.shape_cast %broadcast_in_dim3A_123 : vector<16xf32> to vector<1x16xf32>
      tpu.vector_store %arg17[%swap3A_124, %swap3A_125], %swap3A_128 {strides = array<i32>} : memref<128x80xf32, #tpu.memory_space<vmem>>, vector<1x16xf32>,
      %broadcast_in_dim3A_129 = arith.constant 0.000000e+00 : f32
      %broadcast_in_dim3A_130 = vector.broadcast %broadcast_in_dim3A_129 : f32 to vector<16xf32>
      %swap3A_131 = arith.index_cast %scan3A_109 : i32 to index
      %swap3A_132 = arith.constant 48 : index
      %swap3A_133 = tpu.vector_load %arg17[%swap3A_131, %swap3A_132] {strides = array<i32>} : memref<128x80xf32, #tpu.memory_space<vmem>>, vector<1x16xf32>,
      %swap3A_134 = vector.shape_cast %swap3A_133 : vector<1x16xf32> to vector<16xf32>
      %swap3A_135 = vector.shape_cast %broadcast_in_dim3A_130 : vector<16xf32> to vector<1x16xf32>
      tpu.vector_store %arg17[%swap3A_131, %swap3A_132], %swap3A_135 {strides = array<i32>} : memref<128x80xf32, #tpu.memory_space<vmem>>, vector<1x16xf32>,
      %broadcast_in_dim3A_136 = arith.constant 0.000000e+00 : f32
      %broadcast_in_dim3A_137 = vector.broadcast %broadcast_in_dim3A_136 : f32 to vector<16xf32>
      %swap3A_138 = arith.index_cast %scan3A_109 : i32 to index
      %swap3A_139 = arith.constant 64 : index
      %swap3A_140 = tpu.vector_load %arg17[%swap3A_138, %swap3A_139] {strides = array<i32>} : memref<128x80xf32, #tpu.memory_space<vmem>>, vector<1x16xf32>,
      %swap3A_141 = vector.shape_cast %swap3A_140 : vector<1x16xf32> to vector<16xf32>
      %swap3A_142 = vector.shape_cast %broadcast_in_dim3A_137 : vector<16xf32> to vector<1x16xf32>
      tpu.vector_store %arg17[%swap3A_138, %swap3A_139], %swap3A_142 {strides = array<i32>} : memref<128x80xf32, #tpu.memory_space<vmem>>, vector<1x16xf32>,
    }
    %scan3A_8 = arith.constant 128 : i32
    %scan3A_9 = arith.constant 0 : i32
    %scan3A_10 = arith.constant 5 : i32
    %scan3A_11 = arith.addi %scan3A_9, %scan3A_10 : i32
    %scan3A_12 = arith.constant 1 : i32
    scf.for %scan3A_109 = %scan3A_9 to %scan3A_11 step %scan3A_12  : i32 {
      %mul3A_110 = arith.constant 128 : i32
      %mul3A_111 = arith.muli %scan3A_109, %mul3A_110 : i32
      %add3A_112 = arith.addi %mul3A_2, %mul3A_111 : i32
      "tpu.region"() ({
        %run_scoped3A = tpu.sem_alloc : memref<!tpu.dma_semaphore, #tpu.memory_space<semaphore_mem>>
        %dma_start3A_113 = arith.constant 0 : i32
        %dma_start3A_114 = tpu.memref_slice %arg19[%add3A_112, %dma_start3A_113] : memref<10240x80xf32, #tpu.memory_space<vmem_shared>> -> memref<128x80xf32, #tpu.memory_space<vmem_shared>>
        %dma_start3A_115 = arith.constant 0 : i32
        %dma_start3A_116 = tpu.memref_slice %arg19[%add3A_112, %dma_start3A_115] : memref<10240x80xf32, #tpu.memory_space<vmem_shared>> -> memref<128x80xf32, #tpu.memory_space<vmem_shared>>
        tpu.enqueue_dma source(%arg17 : memref<128x80xf32, #tpu.memory_space<vmem>>) target(%dma_start3A_116 : memref<128x80xf32, #tpu.memory_space<vmem_shared>>) target_semaphore(%run_scoped3A : memref<!tpu.dma_semaphore, #tpu.memory_space<semaphore_mem>>)
        %dma_wait3A_117 = arith.constant 0 : i32
        %dma_wait3A_118 = tpu.memref_slice %arg19[%add3A_112, %dma_wait3A_117] : memref<10240x80xf32, #tpu.memory_space<vmem_shared>> -> memref<128x80xf32, #tpu.memory_space<vmem_shared>>
        %dma_wait3A_119 = arith.constant 0 : i32
        %dma_wait3A_120 = tpu.memref_slice %arg19[%add3A_112, %dma_wait3A_119] : memref<10240x80xf32, #tpu.memory_space<vmem_shared>> -> memref<128x80xf32, #tpu.memory_space<vmem_shared>>
        tpu.wait_dma2 semaphore(%run_scoped3A : memref<!tpu.dma_semaphore, #tpu.memory_space<semaphore_mem>>) src(%arg17 : memref<128x80xf32, #tpu.memory_space<vmem>>) dst(%dma_wait3A_120 : memref<128x80xf32, #tpu.memory_space<vmem_shared>>)
        tpu.yield
      }) : () -> ()
    }
    %scan3A_13 = arith.constant 5 : i32
    %barrier3A = arith.constant 0 : index
    tpu.barrier barrier_id(%barrier3A)
    %dma_start3A = arith.constant 0 : i32
    %dma_start3A_14 = arith.constant 0 : i32
    %dma_start3A_15 = tpu.memref_slice %arg9[%dma_start3A, %dma_start3A_14] : memref<82x128xi32, #tpu.memory_space<vmem>> -> memref<1x128xi32, #tpu.memory_space<vmem>>
    %dma_start3A_16 = tpu.memref_squeeze %dma_start3A_15 : memref<1x128xi32, #tpu.memory_space<vmem>> -> memref<128xi32, #tpu.memory_space<vmem>>
    %dma_start3A_17 = arith.constant 0 : i32
    %dma_start3A_18 = arith.constant 0 : i32
    %dma_start3A_19 = tpu.memref_slice %arg2[%dma_start3A_17, %dma_start3A_18] : memref<10240x64xf32, #tpu.memory_space<hbm>> -> memref<10240x64xf32, #tpu.memory_space<hbm>>
    tpu.enqueue_indirect_dma source(%dma_start3A_19 : memref<10240x64xf32, #tpu.memory_space<hbm>>) target(%arg11 : memref<128x64xf32, #tpu.memory_space<vmem>>) offsets(%dma_start3A_16 : memref<128xi32, #tpu.memory_space<vmem>>) semaphore(%arg20 : memref<!tpu.dma_semaphore, #tpu.memory_space<semaphore_mem>>)
    %dma_start3A_20 = arith.constant 0 : i32
    %dma_start3A_21 = arith.constant 0 : i32
    %dma_start3A_22 = tpu.memref_slice %arg9[%dma_start3A_20, %dma_start3A_21] : memref<82x128xi32, #tpu.memory_space<vmem>> -> memref<1x128xi32, #tpu.memory_space<vmem>>
    %dma_start3A_23 = tpu.memref_squeeze %dma_start3A_22 : memref<1x128xi32, #tpu.memory_space<vmem>> -> memref<128xi32, #tpu.memory_space<vmem>>
    %dma_start3A_24 = arith.constant 0 : i32
    %dma_start3A_25 = arith.constant 0 : i32
    %dma_start3A_26 = tpu.memref_slice %arg4[%dma_start3A_24, %dma_start3A_25] : memref<10240x16xf32, #tpu.memory_space<hbm>> -> memref<10240x16xf32, #tpu.memory_space<hbm>>
    tpu.enqueue_indirect_dma source(%dma_start3A_26 : memref<10240x16xf32, #tpu.memory_space<hbm>>) target(%arg13 : memref<128x16xf32, #tpu.memory_space<vmem>>) offsets(%dma_start3A_23 : memref<128xi32, #tpu.memory_space<vmem>>) semaphore(%arg20 : memref<!tpu.dma_semaphore, #tpu.memory_space<semaphore_mem>>)
    %dma_start3A_27 = arith.constant 0 : i32
    %dma_start3A_28 = arith.constant 0 : i32
    %dma_start3A_29 = tpu.memref_slice %arg10[%dma_start3A_27, %dma_start3A_28] : memref<82x128xi32, #tpu.memory_space<vmem>> -> memref<1x128xi32, #tpu.memory_space<vmem>>
    %dma_start3A_30 = tpu.memref_squeeze %dma_start3A_29 : memref<1x128xi32, #tpu.memory_space<vmem>> -> memref<128xi32, #tpu.memory_space<vmem>>
    %dma_start3A_31 = arith.constant 0 : i32
    %dma_start3A_32 = arith.constant 0 : i32
    %dma_start3A_33 = tpu.memref_slice %arg5[%dma_start3A_31, %dma_start3A_32] : memref<10240x16xf32, #tpu.memory_space<hbm>> -> memref<10240x16xf32, #tpu.memory_space<hbm>>
    tpu.enqueue_indirect_dma source(%dma_start3A_33 : memref<10240x16xf32, #tpu.memory_space<hbm>>) target(%arg15 : memref<128x16xf32, #tpu.memory_space<vmem>>) offsets(%dma_start3A_30 : memref<128xi32, #tpu.memory_space<vmem>>) semaphore(%arg20 : memref<!tpu.dma_semaphore, #tpu.memory_space<semaphore_mem>>)
    %scan3A_34 = arith.constant 0 : i32
    %scan3A_35 = arith.constant 41 : i32
    %scan3A_36 = arith.addi %scan3A_34, %scan3A_35 : i32
    %scan3A_37 = arith.constant 1 : i32
    scf.for %scan3A_109 = %scan3A_34 to %scan3A_36 step %scan3A_37  : i32 {
      %mul3A_110 = arith.constant 2 : i32
      %mul3A_111 = arith.muli %mul3A_110, %scan3A_109 : i32
      %add3A_112 = arith.constant 1 : i32
      %add3A_113 = arith.addi %mul3A_111, %add3A_112 : i32
      %dma_start3A_114 = arith.constant 0 : i32
      %dma_start3A_115 = tpu.memref_slice %arg9[%add3A_113, %dma_start3A_114] : memref<82x128xi32, #tpu.memory_space<vmem>> -> memref<1x128xi32, #tpu.memory_space<vmem>>
      %dma_start3A_116 = tpu.memref_squeeze %dma_start3A_115 : memref<1x128xi32, #tpu.memory_space<vmem>> -> memref<128xi32, #tpu.memory_space<vmem>>
      %dma_start3A_117 = arith.constant 0 : i32
      %dma_start3A_118 = arith.constant 0 : i32
      %dma_start3A_119 = tpu.memref_slice %arg2[%dma_start3A_117, %dma_start3A_118] : memref<10240x64xf32, #tpu.memory_space<hbm>> -> memref<10240x64xf32, #tpu.memory_space<hbm>>
      tpu.enqueue_indirect_dma source(%dma_start3A_119 : memref<10240x64xf32, #tpu.memory_space<hbm>>) target(%arg12 : memref<128x64xf32, #tpu.memory_space<vmem>>) offsets(%dma_start3A_116 : memref<128xi32, #tpu.memory_space<vmem>>) semaphore(%arg21 : memref<!tpu.dma_semaphore, #tpu.memory_space<semaphore_mem>>)
      %dma_start3A_120 = arith.constant 0 : i32
      %dma_start3A_121 = tpu.memref_slice %arg9[%add3A_113, %dma_start3A_120] : memref<82x128xi32, #tpu.memory_space<vmem>> -> memref<1x128xi32, #tpu.memory_space<vmem>>
      %dma_start3A_122 = tpu.memref_squeeze %dma_start3A_121 : memref<1x128xi32, #tpu.memory_space<vmem>> -> memref<128xi32, #tpu.memory_space<vmem>>
      %dma_start3A_123 = arith.constant 0 : i32
      %dma_start3A_124 = arith.constant 0 : i32
      %dma_start3A_125 = tpu.memref_slice %arg4[%dma_start3A_123, %dma_start3A_124] : memref<10240x16xf32, #tpu.memory_space<hbm>> -> memref<10240x16xf32, #tpu.memory_space<hbm>>
      tpu.enqueue_indirect_dma source(%dma_start3A_125 : memref<10240x16xf32, #tpu.memory_space<hbm>>) target(%arg14 : memref<128x16xf32, #tpu.memory_space<vmem>>) offsets(%dma_start3A_122 : memref<128xi32, #tpu.memory_space<vmem>>) semaphore(%arg21 : memref<!tpu.dma_semaphore, #tpu.memory_space<semaphore_mem>>)
      %dma_start3A_126 = arith.constant 0 : i32
      %dma_start3A_127 = tpu.memref_slice %arg10[%add3A_113, %dma_start3A_126] : memref<82x128xi32, #tpu.memory_space<vmem>> -> memref<1x128xi32, #tpu.memory_space<vmem>>
      %dma_start3A_128 = tpu.memref_squeeze %dma_start3A_127 : memref<1x128xi32, #tpu.memory_space<vmem>> -> memref<128xi32, #tpu.memory_space<vmem>>
      %dma_start3A_129 = arith.constant 0 : i32
      %dma_start3A_130 = arith.constant 0 : i32
      %dma_start3A_131 = tpu.memref_slice %arg5[%dma_start3A_129, %dma_start3A_130] : memref<10240x16xf32, #tpu.memory_space<hbm>> -> memref<10240x16xf32, #tpu.memory_space<hbm>>
      tpu.enqueue_indirect_dma source(%dma_start3A_131 : memref<10240x16xf32, #tpu.memory_space<hbm>>) target(%arg16 : memref<128x16xf32, #tpu.memory_space<vmem>>) offsets(%dma_start3A_128 : memref<128xi32, #tpu.memory_space<vmem>>) semaphore(%arg21 : memref<!tpu.dma_semaphore, #tpu.memory_space<semaphore_mem>>)
      %mul3A_132 = arith.constant 2 : i32
      %mul3A_133 = arith.muli %mul3A_132, %scan3A_109 : i32
      %ge3A = arith.constant 1 : i32
      %ge3A_134 = arith.cmpi sge, %scan3A_109, %ge3A : i32
      %dma_wait3A_135 = arith.constant 0 : i32
      %dma_wait3A_136 = tpu.memref_slice %arg9[%mul3A_133, %dma_wait3A_135] : memref<82x128xi32, #tpu.memory_space<vmem>> -> memref<1x128xi32, #tpu.memory_space<vmem>>
      %dma_wait3A_137 = tpu.memref_squeeze %dma_wait3A_136 : memref<1x128xi32, #tpu.memory_space<vmem>> -> memref<128xi32, #tpu.memory_space<vmem>>
      %dma_wait3A_138 = arith.constant 0 : i32
      %dma_wait3A_139 = arith.constant 0 : i32
      %dma_wait3A_140 = tpu.memref_slice %arg2[%dma_wait3A_138, %dma_wait3A_139] : memref<10240x64xf32, #tpu.memory_space<hbm>> -> memref<10240x64xf32, #tpu.memory_space<hbm>>
      tpu.wait_indirect_dma semaphore(%arg20 : memref<!tpu.dma_semaphore, #tpu.memory_space<semaphore_mem>>) src(%dma_wait3A_140 : memref<10240x64xf32, #tpu.memory_space<hbm>>) dst(%arg11 : memref<128x64xf32, #tpu.memory_space<vmem>>)
      %dma_wait3A_141 = arith.constant 0 : i32
      %dma_wait3A_142 = tpu.memref_slice %arg9[%mul3A_133, %dma_wait3A_141] : memref<82x128xi32, #tpu.memory_space<vmem>> -> memref<1x128xi32, #tpu.memory_space<vmem>>
      %dma_wait3A_143 = tpu.memref_squeeze %dma_wait3A_142 : memref<1x128xi32, #tpu.memory_space<vmem>> -> memref<128xi32, #tpu.memory_space<vmem>>
      %dma_wait3A_144 = arith.constant 0 : i32
      %dma_wait3A_145 = arith.constant 0 : i32
      %dma_wait3A_146 = tpu.memref_slice %arg4[%dma_wait3A_144, %dma_wait3A_145] : memref<10240x16xf32, #tpu.memory_space<hbm>> -> memref<10240x16xf32, #tpu.memory_space<hbm>>
      tpu.wait_indirect_dma semaphore(%arg20 : memref<!tpu.dma_semaphore, #tpu.memory_space<semaphore_mem>>) src(%dma_wait3A_146 : memref<10240x16xf32, #tpu.memory_space<hbm>>) dst(%arg13 : memref<128x16xf32, #tpu.memory_space<vmem>>)
      %dma_wait3A_147 = arith.constant 0 : i32
      %dma_wait3A_148 = tpu.memref_slice %arg10[%mul3A_133, %dma_wait3A_147] : memref<82x128xi32, #tpu.memory_space<vmem>> -> memref<1x128xi32, #tpu.memory_space<vmem>>
      %dma_wait3A_149 = tpu.memref_squeeze %dma_wait3A_148 : memref<1x128xi32, #tpu.memory_space<vmem>> -> memref<128xi32, #tpu.memory_space<vmem>>
      %dma_wait3A_150 = arith.constant 0 : i32
      %dma_wait3A_151 = arith.constant 0 : i32
      %dma_wait3A_152 = tpu.memref_slice %arg5[%dma_wait3A_150, %dma_wait3A_151] : memref<10240x16xf32, #tpu.memory_space<hbm>> -> memref<10240x16xf32, #tpu.memory_space<hbm>>
      tpu.wait_indirect_dma semaphore(%arg20 : memref<!tpu.dma_semaphore, #tpu.memory_space<semaphore_mem>>) src(%dma_wait3A_152 : memref<10240x16xf32, #tpu.memory_space<hbm>>) dst(%arg15 : memref<128x16xf32, #tpu.memory_space<vmem>>)
      %convert_element_type3A = arith.extui %ge3A_134 : i1 to i32
      %cond3A = arith.constant 0 : i32
      %cond3A_153 = arith.cmpi ne, %convert_element_type3A, %cond3A : i32
      scf.if %cond3A_153 {
        %dma_wait3A_202 = arith.constant 0 : i32
        %dma_wait3A_203 = tpu.memref_slice %arg10[%mul3A_133, %dma_wait3A_202] : memref<82x128xi32, #tpu.memory_space<vmem>> -> memref<1x128xi32, #tpu.memory_space<vmem>>
        %dma_wait3A_204 = tpu.memref_squeeze %dma_wait3A_203 : memref<1x128xi32, #tpu.memory_space<vmem>> -> memref<128xi32, #tpu.memory_space<vmem>>
        %dma_wait3A_205 = arith.constant 0 : i32
        %dma_wait3A_206 = arith.constant 0 : i32
        %dma_wait3A_207 = tpu.memref_slice %arg19[%dma_wait3A_205, %dma_wait3A_206] : memref<10240x80xf32, #tpu.memory_space<vmem_shared>> -> memref<10240x80xf32, #tpu.memory_space<vmem_shared>>
        tpu.wait_indirect_dma semaphore(%arg22 : memref<!tpu.dma_semaphore, #tpu.memory_space<semaphore_mem>>) src(%arg17 : memref<128x80xf32, #tpu.memory_space<vmem>>) dst(%dma_wait3A_207 : memref<10240x80xf32, #tpu.memory_space<vmem_shared>>)
      } else {
      }
      %parallel_loop3A = arith.constant 0 : i32
      %parallel_loop3A_154 = arith.constant 128 : i32
      %parallel_loop3A_155 = arith.constant 1 : i32
      scf.for %parallel_loop3A_202 = %parallel_loop3A to %parallel_loop3A_154 step %parallel_loop3A_155  : i32 {
        %parallel_loop3A_203 = arith.index_cast %parallel_loop3A_202 : i32 to index
        %parallel_loop3A_204 = arith.constant 0 : index
        %parallel_loop3A_205 = tpu.vector_load %arg13[%parallel_loop3A_203, %parallel_loop3A_204] {strides = array<i32>} : memref<128x16xf32, #tpu.memory_space<vmem>>, vector<1x16xf32>,
        %parallel_loop3A_206 = vector.shape_cast %parallel_loop3A_205 : vector<1x16xf32> to vector<16xf32>
        %parallel_loop3A_207 = arith.index_cast %parallel_loop3A_202 : i32 to index
        %parallel_loop3A_208 = arith.constant 0 : index
        %parallel_loop3A_209 = tpu.vector_load %arg15[%parallel_loop3A_207, %parallel_loop3A_208] {strides = array<i32>} : memref<128x16xf32, #tpu.memory_space<vmem>>, vector<1x16xf32>,
        %parallel_loop3A_210 = vector.shape_cast %parallel_loop3A_209 : vector<1x16xf32> to vector<16xf32>
        %parallel_loop3A_211 = arith.addf %parallel_loop3A_206, %parallel_loop3A_210 : vector<16xf32>
        %parallel_loop3A_212 = arith.constant 2.000000e-01 : f32
        %parallel_loop3A_213 = vector.broadcast %parallel_loop3A_212 : f32 to vector<16xf32>
        %parallel_loop3A_214 = arith.mulf %parallel_loop3A_213, %parallel_loop3A_211 : vector<16xf32>
        %parallel_loop3A_215 = arith.maximumf %parallel_loop3A_211, %parallel_loop3A_214 : vector<16xf32>
        %parallel_loop3A_216 = math.exp %parallel_loop3A_215 : vector<16xf32>
        %parallel_loop3A_217 = arith.index_cast %parallel_loop3A_202 : i32 to index
        %parallel_loop3A_218 = arith.constant 64 : index
        %parallel_loop3A_219 = tpu.vector_load %arg17[%parallel_loop3A_217, %parallel_loop3A_218] {strides = array<i32>} : memref<128x80xf32, #tpu.memory_space<vmem>>, vector<1x16xf32>,
        %parallel_loop3A_220 = vector.shape_cast %parallel_loop3A_219 : vector<1x16xf32> to vector<16xf32>
        %parallel_loop3A_221 = vector.shape_cast %parallel_loop3A_216 : vector<16xf32> to vector<1x16xf32>
        tpu.vector_store %arg17[%parallel_loop3A_217, %parallel_loop3A_218], %parallel_loop3A_221 {strides = array<i32>} : memref<128x80xf32, #tpu.memory_space<vmem>>, vector<1x16xf32>,
        %parallel_loop3A_222 = arith.index_cast %parallel_loop3A_202 : i32 to index
        %parallel_loop3A_223 = arith.constant 0 : index
        %parallel_loop3A_224 = tpu.vector_load %arg11[%parallel_loop3A_222, %parallel_loop3A_223] {strides = array<i32>} : memref<128x64xf32, #tpu.memory_space<vmem>>, vector<1x16xf32>,
        %parallel_loop3A_225 = vector.shape_cast %parallel_loop3A_224 : vector<1x16xf32> to vector<16xf32>
        %parallel_loop3A_226 = vector.extract_strided_slice %parallel_loop3A_216 {offsets = [0], sizes = [1], strides = [1]} : vector<16xf32> to vector<1xf32>
        %parallel_loop3A_227 = vector.extract %parallel_loop3A_226[0] : f32 from vector<1xf32>
        %parallel_loop3A_228 = vector.broadcast %parallel_loop3A_227 : f32 to vector<16xf32>
        %parallel_loop3A_229 = arith.mulf %parallel_loop3A_225, %parallel_loop3A_228 : vector<16xf32>
        %parallel_loop3A_230 = arith.index_cast %parallel_loop3A_202 : i32 to index
        %parallel_loop3A_231 = arith.constant 0 : index
        %parallel_loop3A_232 = tpu.vector_load %arg17[%parallel_loop3A_230, %parallel_loop3A_231] {strides = array<i32>} : memref<128x80xf32, #tpu.memory_space<vmem>>, vector<1x16xf32>,
        %parallel_loop3A_233 = vector.shape_cast %parallel_loop3A_232 : vector<1x16xf32> to vector<16xf32>
        %parallel_loop3A_234 = vector.shape_cast %parallel_loop3A_229 : vector<16xf32> to vector<1x16xf32>
        tpu.vector_store %arg17[%parallel_loop3A_230, %parallel_loop3A_231], %parallel_loop3A_234 {strides = array<i32>} : memref<128x80xf32, #tpu.memory_space<vmem>>, vector<1x16xf32>,
        %parallel_loop3A_235 = arith.index_cast %parallel_loop3A_202 : i32 to index
        %parallel_loop3A_236 = arith.constant 16 : index
        %parallel_loop3A_237 = tpu.vector_load %arg11[%parallel_loop3A_235, %parallel_loop3A_236] {strides = array<i32>} : memref<128x64xf32, #tpu.memory_space<vmem>>, vector<1x16xf32>,
        %parallel_loop3A_238 = vector.shape_cast %parallel_loop3A_237 : vector<1x16xf32> to vector<16xf32>
        %parallel_loop3A_239 = vector.extract_strided_slice %parallel_loop3A_216 {offsets = [1], sizes = [1], strides = [1]} : vector<16xf32> to vector<1xf32>
        %parallel_loop3A_240 = vector.extract %parallel_loop3A_239[0] : f32 from vector<1xf32>
        %parallel_loop3A_241 = vector.broadcast %parallel_loop3A_240 : f32 to vector<16xf32>
        %parallel_loop3A_242 = arith.mulf %parallel_loop3A_238, %parallel_loop3A_241 : vector<16xf32>
        %parallel_loop3A_243 = arith.index_cast %parallel_loop3A_202 : i32 to index
        %parallel_loop3A_244 = arith.constant 16 : index
        %parallel_loop3A_245 = tpu.vector_load %arg17[%parallel_loop3A_243, %parallel_loop3A_244] {strides = array<i32>} : memref<128x80xf32, #tpu.memory_space<vmem>>, vector<1x16xf32>,
        %parallel_loop3A_246 = vector.shape_cast %parallel_loop3A_245 : vector<1x16xf32> to vector<16xf32>
        %parallel_loop3A_247 = vector.shape_cast %parallel_loop3A_242 : vector<16xf32> to vector<1x16xf32>
        tpu.vector_store %arg17[%parallel_loop3A_243, %parallel_loop3A_244], %parallel_loop3A_247 {strides = array<i32>} : memref<128x80xf32, #tpu.memory_space<vmem>>, vector<1x16xf32>,
        %parallel_loop3A_248 = arith.index_cast %parallel_loop3A_202 : i32 to index
        %parallel_loop3A_249 = arith.constant 32 : index
        %parallel_loop3A_250 = tpu.vector_load %arg11[%parallel_loop3A_248, %parallel_loop3A_249] {strides = array<i32>} : memref<128x64xf32, #tpu.memory_space<vmem>>, vector<1x16xf32>,
        %parallel_loop3A_251 = vector.shape_cast %parallel_loop3A_250 : vector<1x16xf32> to vector<16xf32>
        %parallel_loop3A_252 = vector.extract_strided_slice %parallel_loop3A_216 {offsets = [2], sizes = [1], strides = [1]} : vector<16xf32> to vector<1xf32>
        %parallel_loop3A_253 = vector.extract %parallel_loop3A_252[0] : f32 from vector<1xf32>
        %parallel_loop3A_254 = vector.broadcast %parallel_loop3A_253 : f32 to vector<16xf32>
        %parallel_loop3A_255 = arith.mulf %parallel_loop3A_251, %parallel_loop3A_254 : vector<16xf32>
        %parallel_loop3A_256 = arith.index_cast %parallel_loop3A_202 : i32 to index
        %parallel_loop3A_257 = arith.constant 32 : index
        %parallel_loop3A_258 = tpu.vector_load %arg17[%parallel_loop3A_256, %parallel_loop3A_257] {strides = array<i32>} : memref<128x80xf32, #tpu.memory_space<vmem>>, vector<1x16xf32>,
        %parallel_loop3A_259 = vector.shape_cast %parallel_loop3A_258 : vector<1x16xf32> to vector<16xf32>
        %parallel_loop3A_260 = vector.shape_cast %parallel_loop3A_255 : vector<16xf32> to vector<1x16xf32>
        tpu.vector_store %arg17[%parallel_loop3A_256, %parallel_loop3A_257], %parallel_loop3A_260 {strides = array<i32>} : memref<128x80xf32, #tpu.memory_space<vmem>>, vector<1x16xf32>,
        %parallel_loop3A_261 = arith.index_cast %parallel_loop3A_202 : i32 to index
        %parallel_loop3A_262 = arith.constant 48 : index
        %parallel_loop3A_263 = tpu.vector_load %arg11[%parallel_loop3A_261, %parallel_loop3A_262] {strides = array<i32>} : memref<128x64xf32, #tpu.memory_space<vmem>>, vector<1x16xf32>,
        %parallel_loop3A_264 = vector.shape_cast %parallel_loop3A_263 : vector<1x16xf32> to vector<16xf32>
        %parallel_loop3A_265 = vector.extract_strided_slice %parallel_loop3A_216 {offsets = [3], sizes = [1], strides = [1]} : vector<16xf32> to vector<1xf32>
        %parallel_loop3A_266 = vector.extract %parallel_loop3A_265[0] : f32 from vector<1xf32>
        %parallel_loop3A_267 = vector.broadcast %parallel_loop3A_266 : f32 to vector<16xf32>
        %parallel_loop3A_268 = arith.mulf %parallel_loop3A_264, %parallel_loop3A_267 : vector<16xf32>
        %parallel_loop3A_269 = arith.index_cast %parallel_loop3A_202 : i32 to index
        %parallel_loop3A_270 = arith.constant 48 : index
        %parallel_loop3A_271 = tpu.vector_load %arg17[%parallel_loop3A_269, %parallel_loop3A_270] {strides = array<i32>} : memref<128x80xf32, #tpu.memory_space<vmem>>, vector<1x16xf32>,
        %parallel_loop3A_272 = vector.shape_cast %parallel_loop3A_271 : vector<1x16xf32> to vector<16xf32>
        %parallel_loop3A_273 = vector.shape_cast %parallel_loop3A_268 : vector<16xf32> to vector<1x16xf32>
        tpu.vector_store %arg17[%parallel_loop3A_269, %parallel_loop3A_270], %parallel_loop3A_273 {strides = array<i32>} : memref<128x80xf32, #tpu.memory_space<vmem>>, vector<1x16xf32>,
      } {sc.loop_unroll_factor = 8 : i64, sc.parallel_access}
      %dma_start3A_156 = arith.constant 0 : i32
      %dma_start3A_157 = tpu.memref_slice %arg10[%mul3A_133, %dma_start3A_156] : memref<82x128xi32, #tpu.memory_space<vmem>> -> memref<1x128xi32, #tpu.memory_space<vmem>>
      %dma_start3A_158 = tpu.memref_squeeze %dma_start3A_157 : memref<1x128xi32, #tpu.memory_space<vmem>> -> memref<128xi32, #tpu.memory_space<vmem>>
      %dma_start3A_159 = arith.constant 0 : i32
      %dma_start3A_160 = arith.constant 0 : i32
      %dma_start3A_161 = tpu.memref_slice %arg19[%dma_start3A_159, %dma_start3A_160] : memref<10240x80xf32, #tpu.memory_space<vmem_shared>> -> memref<10240x80xf32, #tpu.memory_space<vmem_shared>>
      tpu.enqueue_indirect_dma source(%arg17 : memref<128x80xf32, #tpu.memory_space<vmem>>) target(%dma_start3A_161 : memref<10240x80xf32, #tpu.memory_space<vmem_shared>>) offsets(%dma_start3A_158 : memref<128xi32, #tpu.memory_space<vmem>>) semaphore(%arg22 : memref<!tpu.dma_semaphore, #tpu.memory_space<semaphore_mem>>) {add = true}
      %lt3A = arith.constant 40 : i32
      %lt3A_162 = arith.cmpi slt, %scan3A_109, %lt3A : i32
      %convert_element_type3A_163 = arith.extui %lt3A_162 : i1 to i32
      %cond3A_164 = arith.constant 0 : i32
      %cond3A_165 = arith.cmpi ne, %convert_element_type3A_163, %cond3A_164 : i32
      scf.if %cond3A_165 {
        %mul3A_202 = arith.constant 2 : i32
        %mul3A_203 = arith.muli %mul3A_202, %scan3A_109 : i32
        %add3A_204 = arith.constant 2 : i32
        %add3A_205 = arith.addi %mul3A_203, %add3A_204 : i32
        %dma_start3A_206 = arith.constant 0 : i32
        %dma_start3A_207 = tpu.memref_slice %arg9[%add3A_205, %dma_start3A_206] : memref<82x128xi32, #tpu.memory_space<vmem>> -> memref<1x128xi32, #tpu.memory_space<vmem>>
        %dma_start3A_208 = tpu.memref_squeeze %dma_start3A_207 : memref<1x128xi32, #tpu.memory_space<vmem>> -> memref<128xi32, #tpu.memory_space<vmem>>
        %dma_start3A_209 = arith.constant 0 : i32
        %dma_start3A_210 = arith.constant 0 : i32
        %dma_start3A_211 = tpu.memref_slice %arg2[%dma_start3A_209, %dma_start3A_210] : memref<10240x64xf32, #tpu.memory_space<hbm>> -> memref<10240x64xf32, #tpu.memory_space<hbm>>
        tpu.enqueue_indirect_dma source(%dma_start3A_211 : memref<10240x64xf32, #tpu.memory_space<hbm>>) target(%arg11 : memref<128x64xf32, #tpu.memory_space<vmem>>) offsets(%dma_start3A_208 : memref<128xi32, #tpu.memory_space<vmem>>) semaphore(%arg20 : memref<!tpu.dma_semaphore, #tpu.memory_space<semaphore_mem>>)
        %dma_start3A_212 = arith.constant 0 : i32
        %dma_start3A_213 = tpu.memref_slice %arg9[%add3A_205, %dma_start3A_212] : memref<82x128xi32, #tpu.memory_space<vmem>> -> memref<1x128xi32, #tpu.memory_space<vmem>>
        %dma_start3A_214 = tpu.memref_squeeze %dma_start3A_213 : memref<1x128xi32, #tpu.memory_space<vmem>> -> memref<128xi32, #tpu.memory_space<vmem>>
        %dma_start3A_215 = arith.constant 0 : i32
        %dma_start3A_216 = arith.constant 0 : i32
        %dma_start3A_217 = tpu.memref_slice %arg4[%dma_start3A_215, %dma_start3A_216] : memref<10240x16xf32, #tpu.memory_space<hbm>> -> memref<10240x16xf32, #tpu.memory_space<hbm>>
        tpu.enqueue_indirect_dma source(%dma_start3A_217 : memref<10240x16xf32, #tpu.memory_space<hbm>>) target(%arg13 : memref<128x16xf32, #tpu.memory_space<vmem>>) offsets(%dma_start3A_214 : memref<128xi32, #tpu.memory_space<vmem>>) semaphore(%arg20 : memref<!tpu.dma_semaphore, #tpu.memory_space<semaphore_mem>>)
        %dma_start3A_218 = arith.constant 0 : i32
        %dma_start3A_219 = tpu.memref_slice %arg10[%add3A_205, %dma_start3A_218] : memref<82x128xi32, #tpu.memory_space<vmem>> -> memref<1x128xi32, #tpu.memory_space<vmem>>
        %dma_start3A_220 = tpu.memref_squeeze %dma_start3A_219 : memref<1x128xi32, #tpu.memory_space<vmem>> -> memref<128xi32, #tpu.memory_space<vmem>>
        %dma_start3A_221 = arith.constant 0 : i32
        %dma_start3A_222 = arith.constant 0 : i32
        %dma_start3A_223 = tpu.memref_slice %arg5[%dma_start3A_221, %dma_start3A_222] : memref<10240x16xf32, #tpu.memory_space<hbm>> -> memref<10240x16xf32, #tpu.memory_space<hbm>>
        tpu.enqueue_indirect_dma source(%dma_start3A_223 : memref<10240x16xf32, #tpu.memory_space<hbm>>) target(%arg15 : memref<128x16xf32, #tpu.memory_space<vmem>>) offsets(%dma_start3A_220 : memref<128xi32, #tpu.memory_space<vmem>>) semaphore(%arg20 : memref<!tpu.dma_semaphore, #tpu.memory_space<semaphore_mem>>)
      } else {
      }
      %mul3A_166 = arith.constant 2 : i32
      %mul3A_167 = arith.muli %mul3A_166, %scan3A_109 : i32
      %add3A_168 = arith.constant 1 : i32
      %add3A_169 = arith.addi %mul3A_167, %add3A_168 : i32
      %ge3A_170 = arith.constant 1 : i32
      %ge3A_171 = arith.cmpi sge, %scan3A_109, %ge3A_170 : i32
      %dma_wait3A_172 = arith.constant 0 : i32
      %dma_wait3A_173 = tpu.memref_slice %arg9[%add3A_169, %dma_wait3A_172] : memref<82x128xi32, #tpu.memory_space<vmem>> -> memref<1x128xi32, #tpu.memory_space<vmem>>
      %dma_wait3A_174 = tpu.memref_squeeze %dma_wait3A_173 : memref<1x128xi32, #tpu.memory_space<vmem>> -> memref<128xi32, #tpu.memory_space<vmem>>
      %dma_wait3A_175 = arith.constant 0 : i32
      %dma_wait3A_176 = arith.constant 0 : i32
      %dma_wait3A_177 = tpu.memref_slice %arg2[%dma_wait3A_175, %dma_wait3A_176] : memref<10240x64xf32, #tpu.memory_space<hbm>> -> memref<10240x64xf32, #tpu.memory_space<hbm>>
      tpu.wait_indirect_dma semaphore(%arg21 : memref<!tpu.dma_semaphore, #tpu.memory_space<semaphore_mem>>) src(%dma_wait3A_177 : memref<10240x64xf32, #tpu.memory_space<hbm>>) dst(%arg12 : memref<128x64xf32, #tpu.memory_space<vmem>>)
      %dma_wait3A_178 = arith.constant 0 : i32
      %dma_wait3A_179 = tpu.memref_slice %arg9[%add3A_169, %dma_wait3A_178] : memref<82x128xi32, #tpu.memory_space<vmem>> -> memref<1x128xi32, #tpu.memory_space<vmem>>
      %dma_wait3A_180 = tpu.memref_squeeze %dma_wait3A_179 : memref<1x128xi32, #tpu.memory_space<vmem>> -> memref<128xi32, #tpu.memory_space<vmem>>
      %dma_wait3A_181 = arith.constant 0 : i32
      %dma_wait3A_182 = arith.constant 0 : i32
      %dma_wait3A_183 = tpu.memref_slice %arg4[%dma_wait3A_181, %dma_wait3A_182] : memref<10240x16xf32, #tpu.memory_space<hbm>> -> memref<10240x16xf32, #tpu.memory_space<hbm>>
      tpu.wait_indirect_dma semaphore(%arg21 : memref<!tpu.dma_semaphore, #tpu.memory_space<semaphore_mem>>) src(%dma_wait3A_183 : memref<10240x16xf32, #tpu.memory_space<hbm>>) dst(%arg14 : memref<128x16xf32, #tpu.memory_space<vmem>>)
      %dma_wait3A_184 = arith.constant 0 : i32
      %dma_wait3A_185 = tpu.memref_slice %arg10[%add3A_169, %dma_wait3A_184] : memref<82x128xi32, #tpu.memory_space<vmem>> -> memref<1x128xi32, #tpu.memory_space<vmem>>
      %dma_wait3A_186 = tpu.memref_squeeze %dma_wait3A_185 : memref<1x128xi32, #tpu.memory_space<vmem>> -> memref<128xi32, #tpu.memory_space<vmem>>
      %dma_wait3A_187 = arith.constant 0 : i32
      %dma_wait3A_188 = arith.constant 0 : i32
      %dma_wait3A_189 = tpu.memref_slice %arg5[%dma_wait3A_187, %dma_wait3A_188] : memref<10240x16xf32, #tpu.memory_space<hbm>> -> memref<10240x16xf32, #tpu.memory_space<hbm>>
      tpu.wait_indirect_dma semaphore(%arg21 : memref<!tpu.dma_semaphore, #tpu.memory_space<semaphore_mem>>) src(%dma_wait3A_189 : memref<10240x16xf32, #tpu.memory_space<hbm>>) dst(%arg16 : memref<128x16xf32, #tpu.memory_space<vmem>>)
      %convert_element_type3A_190 = arith.extui %ge3A_171 : i1 to i32
      %cond3A_191 = arith.constant 0 : i32
      %cond3A_192 = arith.cmpi ne, %convert_element_type3A_190, %cond3A_191 : i32
      scf.if %cond3A_192 {
        %dma_wait3A_202 = arith.constant 0 : i32
        %dma_wait3A_203 = tpu.memref_slice %arg10[%add3A_169, %dma_wait3A_202] : memref<82x128xi32, #tpu.memory_space<vmem>> -> memref<1x128xi32, #tpu.memory_space<vmem>>
        %dma_wait3A_204 = tpu.memref_squeeze %dma_wait3A_203 : memref<1x128xi32, #tpu.memory_space<vmem>> -> memref<128xi32, #tpu.memory_space<vmem>>
        %dma_wait3A_205 = arith.constant 0 : i32
        %dma_wait3A_206 = arith.constant 0 : i32
        %dma_wait3A_207 = tpu.memref_slice %arg19[%dma_wait3A_205, %dma_wait3A_206] : memref<10240x80xf32, #tpu.memory_space<vmem_shared>> -> memref<10240x80xf32, #tpu.memory_space<vmem_shared>>
        tpu.wait_indirect_dma semaphore(%arg23 : memref<!tpu.dma_semaphore, #tpu.memory_space<semaphore_mem>>) src(%arg18 : memref<128x80xf32, #tpu.memory_space<vmem>>) dst(%dma_wait3A_207 : memref<10240x80xf32, #tpu.memory_space<vmem_shared>>)
      } else {
      }
      %parallel_loop3A_193 = arith.constant 0 : i32
      %parallel_loop3A_194 = arith.constant 128 : i32
      %parallel_loop3A_195 = arith.constant 1 : i32
      scf.for %parallel_loop3A_202 = %parallel_loop3A_193 to %parallel_loop3A_194 step %parallel_loop3A_195  : i32 {
        %parallel_loop3A_203 = arith.index_cast %parallel_loop3A_202 : i32 to index
        %parallel_loop3A_204 = arith.constant 0 : index
        %parallel_loop3A_205 = tpu.vector_load %arg14[%parallel_loop3A_203, %parallel_loop3A_204] {strides = array<i32>} : memref<128x16xf32, #tpu.memory_space<vmem>>, vector<1x16xf32>,
        %parallel_loop3A_206 = vector.shape_cast %parallel_loop3A_205 : vector<1x16xf32> to vector<16xf32>
        %parallel_loop3A_207 = arith.index_cast %parallel_loop3A_202 : i32 to index
        %parallel_loop3A_208 = arith.constant 0 : index
        %parallel_loop3A_209 = tpu.vector_load %arg16[%parallel_loop3A_207, %parallel_loop3A_208] {strides = array<i32>} : memref<128x16xf32, #tpu.memory_space<vmem>>, vector<1x16xf32>,
        %parallel_loop3A_210 = vector.shape_cast %parallel_loop3A_209 : vector<1x16xf32> to vector<16xf32>
        %parallel_loop3A_211 = arith.addf %parallel_loop3A_206, %parallel_loop3A_210 : vector<16xf32>
        %parallel_loop3A_212 = arith.constant 2.000000e-01 : f32
        %parallel_loop3A_213 = vector.broadcast %parallel_loop3A_212 : f32 to vector<16xf32>
        %parallel_loop3A_214 = arith.mulf %parallel_loop3A_213, %parallel_loop3A_211 : vector<16xf32>
        %parallel_loop3A_215 = arith.maximumf %parallel_loop3A_211, %parallel_loop3A_214 : vector<16xf32>
        %parallel_loop3A_216 = math.exp %parallel_loop3A_215 : vector<16xf32>
        %parallel_loop3A_217 = arith.index_cast %parallel_loop3A_202 : i32 to index
        %parallel_loop3A_218 = arith.constant 64 : index
        %parallel_loop3A_219 = tpu.vector_load %arg18[%parallel_loop3A_217, %parallel_loop3A_218] {strides = array<i32>} : memref<128x80xf32, #tpu.memory_space<vmem>>, vector<1x16xf32>,
        %parallel_loop3A_220 = vector.shape_cast %parallel_loop3A_219 : vector<1x16xf32> to vector<16xf32>
        %parallel_loop3A_221 = vector.shape_cast %parallel_loop3A_216 : vector<16xf32> to vector<1x16xf32>
        tpu.vector_store %arg18[%parallel_loop3A_217, %parallel_loop3A_218], %parallel_loop3A_221 {strides = array<i32>} : memref<128x80xf32, #tpu.memory_space<vmem>>, vector<1x16xf32>,
        %parallel_loop3A_222 = arith.index_cast %parallel_loop3A_202 : i32 to index
        %parallel_loop3A_223 = arith.constant 0 : index
        %parallel_loop3A_224 = tpu.vector_load %arg12[%parallel_loop3A_222, %parallel_loop3A_223] {strides = array<i32>} : memref<128x64xf32, #tpu.memory_space<vmem>>, vector<1x16xf32>,
        %parallel_loop3A_225 = vector.shape_cast %parallel_loop3A_224 : vector<1x16xf32> to vector<16xf32>
        %parallel_loop3A_226 = vector.extract_strided_slice %parallel_loop3A_216 {offsets = [0], sizes = [1], strides = [1]} : vector<16xf32> to vector<1xf32>
        %parallel_loop3A_227 = vector.extract %parallel_loop3A_226[0] : f32 from vector<1xf32>
        %parallel_loop3A_228 = vector.broadcast %parallel_loop3A_227 : f32 to vector<16xf32>
        %parallel_loop3A_229 = arith.mulf %parallel_loop3A_225, %parallel_loop3A_228 : vector<16xf32>
        %parallel_loop3A_230 = arith.index_cast %parallel_loop3A_202 : i32 to index
        %parallel_loop3A_231 = arith.constant 0 : index
        %parallel_loop3A_232 = tpu.vector_load %arg18[%parallel_loop3A_230, %parallel_loop3A_231] {strides = array<i32>} : memref<128x80xf32, #tpu.memory_space<vmem>>, vector<1x16xf32>,
        %parallel_loop3A_233 = vector.shape_cast %parallel_loop3A_232 : vector<1x16xf32> to vector<16xf32>
        %parallel_loop3A_234 = vector.shape_cast %parallel_loop3A_229 : vector<16xf32> to vector<1x16xf32>
        tpu.vector_store %arg18[%parallel_loop3A_230, %parallel_loop3A_231], %parallel_loop3A_234 {strides = array<i32>} : memref<128x80xf32, #tpu.memory_space<vmem>>, vector<1x16xf32>,
        %parallel_loop3A_235 = arith.index_cast %parallel_loop3A_202 : i32 to index
        %parallel_loop3A_236 = arith.constant 16 : index
        %parallel_loop3A_237 = tpu.vector_load %arg12[%parallel_loop3A_235, %parallel_loop3A_236] {strides = array<i32>} : memref<128x64xf32, #tpu.memory_space<vmem>>, vector<1x16xf32>,
        %parallel_loop3A_238 = vector.shape_cast %parallel_loop3A_237 : vector<1x16xf32> to vector<16xf32>
        %parallel_loop3A_239 = vector.extract_strided_slice %parallel_loop3A_216 {offsets = [1], sizes = [1], strides = [1]} : vector<16xf32> to vector<1xf32>
        %parallel_loop3A_240 = vector.extract %parallel_loop3A_239[0] : f32 from vector<1xf32>
        %parallel_loop3A_241 = vector.broadcast %parallel_loop3A_240 : f32 to vector<16xf32>
        %parallel_loop3A_242 = arith.mulf %parallel_loop3A_238, %parallel_loop3A_241 : vector<16xf32>
        %parallel_loop3A_243 = arith.index_cast %parallel_loop3A_202 : i32 to index
        %parallel_loop3A_244 = arith.constant 16 : index
        %parallel_loop3A_245 = tpu.vector_load %arg18[%parallel_loop3A_243, %parallel_loop3A_244] {strides = array<i32>} : memref<128x80xf32, #tpu.memory_space<vmem>>, vector<1x16xf32>,
        %parallel_loop3A_246 = vector.shape_cast %parallel_loop3A_245 : vector<1x16xf32> to vector<16xf32>
        %parallel_loop3A_247 = vector.shape_cast %parallel_loop3A_242 : vector<16xf32> to vector<1x16xf32>
        tpu.vector_store %arg18[%parallel_loop3A_243, %parallel_loop3A_244], %parallel_loop3A_247 {strides = array<i32>} : memref<128x80xf32, #tpu.memory_space<vmem>>, vector<1x16xf32>,
        %parallel_loop3A_248 = arith.index_cast %parallel_loop3A_202 : i32 to index
        %parallel_loop3A_249 = arith.constant 32 : index
        %parallel_loop3A_250 = tpu.vector_load %arg12[%parallel_loop3A_248, %parallel_loop3A_249] {strides = array<i32>} : memref<128x64xf32, #tpu.memory_space<vmem>>, vector<1x16xf32>,
        %parallel_loop3A_251 = vector.shape_cast %parallel_loop3A_250 : vector<1x16xf32> to vector<16xf32>
        %parallel_loop3A_252 = vector.extract_strided_slice %parallel_loop3A_216 {offsets = [2], sizes = [1], strides = [1]} : vector<16xf32> to vector<1xf32>
        %parallel_loop3A_253 = vector.extract %parallel_loop3A_252[0] : f32 from vector<1xf32>
        %parallel_loop3A_254 = vector.broadcast %parallel_loop3A_253 : f32 to vector<16xf32>
        %parallel_loop3A_255 = arith.mulf %parallel_loop3A_251, %parallel_loop3A_254 : vector<16xf32>
        %parallel_loop3A_256 = arith.index_cast %parallel_loop3A_202 : i32 to index
        %parallel_loop3A_257 = arith.constant 32 : index
        %parallel_loop3A_258 = tpu.vector_load %arg18[%parallel_loop3A_256, %parallel_loop3A_257] {strides = array<i32>} : memref<128x80xf32, #tpu.memory_space<vmem>>, vector<1x16xf32>,
        %parallel_loop3A_259 = vector.shape_cast %parallel_loop3A_258 : vector<1x16xf32> to vector<16xf32>
        %parallel_loop3A_260 = vector.shape_cast %parallel_loop3A_255 : vector<16xf32> to vector<1x16xf32>
        tpu.vector_store %arg18[%parallel_loop3A_256, %parallel_loop3A_257], %parallel_loop3A_260 {strides = array<i32>} : memref<128x80xf32, #tpu.memory_space<vmem>>, vector<1x16xf32>,
        %parallel_loop3A_261 = arith.index_cast %parallel_loop3A_202 : i32 to index
        %parallel_loop3A_262 = arith.constant 48 : index
        %parallel_loop3A_263 = tpu.vector_load %arg12[%parallel_loop3A_261, %parallel_loop3A_262] {strides = array<i32>} : memref<128x64xf32, #tpu.memory_space<vmem>>, vector<1x16xf32>,
        %parallel_loop3A_264 = vector.shape_cast %parallel_loop3A_263 : vector<1x16xf32> to vector<16xf32>
        %parallel_loop3A_265 = vector.extract_strided_slice %parallel_loop3A_216 {offsets = [3], sizes = [1], strides = [1]} : vector<16xf32> to vector<1xf32>
        %parallel_loop3A_266 = vector.extract %parallel_loop3A_265[0] : f32 from vector<1xf32>
        %parallel_loop3A_267 = vector.broadcast %parallel_loop3A_266 : f32 to vector<16xf32>
        %parallel_loop3A_268 = arith.mulf %parallel_loop3A_264, %parallel_loop3A_267 : vector<16xf32>
        %parallel_loop3A_269 = arith.index_cast %parallel_loop3A_202 : i32 to index
        %parallel_loop3A_270 = arith.constant 48 : index
        %parallel_loop3A_271 = tpu.vector_load %arg18[%parallel_loop3A_269, %parallel_loop3A_270] {strides = array<i32>} : memref<128x80xf32, #tpu.memory_space<vmem>>, vector<1x16xf32>,
        %parallel_loop3A_272 = vector.shape_cast %parallel_loop3A_271 : vector<1x16xf32> to vector<16xf32>
        %parallel_loop3A_273 = vector.shape_cast %parallel_loop3A_268 : vector<16xf32> to vector<1x16xf32>
        tpu.vector_store %arg18[%parallel_loop3A_269, %parallel_loop3A_270], %parallel_loop3A_273 {strides = array<i32>} : memref<128x80xf32, #tpu.memory_space<vmem>>, vector<1x16xf32>,
      } {sc.loop_unroll_factor = 8 : i64, sc.parallel_access}
      %dma_start3A_196 = arith.constant 0 : i32
      %dma_start3A_197 = tpu.memref_slice %arg10[%add3A_169, %dma_start3A_196] : memref<82x128xi32, #tpu.memory_space<vmem>> -> memref<1x128xi32, #tpu.memory_space<vmem>>
      %dma_start3A_198 = tpu.memref_squeeze %dma_start3A_197 : memref<1x128xi32, #tpu.memory_space<vmem>> -> memref<128xi32, #tpu.memory_space<vmem>>
      %dma_start3A_199 = arith.constant 0 : i32
      %dma_start3A_200 = arith.constant 0 : i32
      %dma_start3A_201 = tpu.memref_slice %arg19[%dma_start3A_199, %dma_start3A_200] : memref<10240x80xf32, #tpu.memory_space<vmem_shared>> -> memref<10240x80xf32, #tpu.memory_space<vmem_shared>>
      tpu.enqueue_indirect_dma source(%arg18 : memref<128x80xf32, #tpu.memory_space<vmem>>) target(%dma_start3A_201 : memref<10240x80xf32, #tpu.memory_space<vmem_shared>>) offsets(%dma_start3A_198 : memref<128xi32, #tpu.memory_space<vmem>>) semaphore(%arg23 : memref<!tpu.dma_semaphore, #tpu.memory_space<semaphore_mem>>) {add = true}
    }
    %scan3A_38 = arith.constant 41 : i32
    %dma_wait3A = arith.constant 80 : i32
    %dma_wait3A_39 = arith.constant 0 : i32
    %dma_wait3A_40 = tpu.memref_slice %arg10[%dma_wait3A, %dma_wait3A_39] : memref<82x128xi32, #tpu.memory_space<vmem>> -> memref<1x128xi32, #tpu.memory_space<vmem>>
    %dma_wait3A_41 = tpu.memref_squeeze %dma_wait3A_40 : memref<1x128xi32, #tpu.memory_space<vmem>> -> memref<128xi32, #tpu.memory_space<vmem>>
    %dma_wait3A_42 = arith.constant 0 : i32
    %dma_wait3A_43 = arith.constant 0 : i32
    %dma_wait3A_44 = tpu.memref_slice %arg19[%dma_wait3A_42, %dma_wait3A_43] : memref<10240x80xf32, #tpu.memory_space<vmem_shared>> -> memref<10240x80xf32, #tpu.memory_space<vmem_shared>>
    tpu.wait_indirect_dma semaphore(%arg22 : memref<!tpu.dma_semaphore, #tpu.memory_space<semaphore_mem>>) src(%arg17 : memref<128x80xf32, #tpu.memory_space<vmem>>) dst(%dma_wait3A_44 : memref<10240x80xf32, #tpu.memory_space<vmem_shared>>)
    %dma_wait3A_45 = arith.constant 81 : i32
    %dma_wait3A_46 = arith.constant 0 : i32
    %dma_wait3A_47 = tpu.memref_slice %arg10[%dma_wait3A_45, %dma_wait3A_46] : memref<82x128xi32, #tpu.memory_space<vmem>> -> memref<1x128xi32, #tpu.memory_space<vmem>>
    %dma_wait3A_48 = tpu.memref_squeeze %dma_wait3A_47 : memref<1x128xi32, #tpu.memory_space<vmem>> -> memref<128xi32, #tpu.memory_space<vmem>>
    %dma_wait3A_49 = arith.constant 0 : i32
    %dma_wait3A_50 = arith.constant 0 : i32
    %dma_wait3A_51 = tpu.memref_slice %arg19[%dma_wait3A_49, %dma_wait3A_50] : memref<10240x80xf32, #tpu.memory_space<vmem_shared>> -> memref<10240x80xf32, #tpu.memory_space<vmem_shared>>
    tpu.wait_indirect_dma semaphore(%arg23 : memref<!tpu.dma_semaphore, #tpu.memory_space<semaphore_mem>>) src(%arg18 : memref<128x80xf32, #tpu.memory_space<vmem>>) dst(%dma_wait3A_51 : memref<10240x80xf32, #tpu.memory_space<vmem_shared>>)
    %barrier3A_52 = arith.constant 0 : index
    tpu.barrier barrier_id(%barrier3A_52)
    %add3A_53 = arith.constant 0 : i32
    %add3A_54 = arith.addi %add3A_53, %mul3A_2 : i32
    "tpu.region"() ({
      %run_scoped3A = tpu.sem_alloc : memref<!tpu.dma_semaphore, #tpu.memory_space<semaphore_mem>>
      %dma_start3A_109 = arith.constant 0 : i32
      %dma_start3A_110 = tpu.memref_slice %arg8[%arg0, %add3A_54, %dma_start3A_109] : memref<2x20480x80xf32, #tpu.memory_space<hbm>> -> memref<1x640x80xf32, #tpu.memory_space<hbm>>
      %dma_start3A_111 = tpu.memref_squeeze %dma_start3A_110 : memref<1x640x80xf32, #tpu.memory_space<hbm>> -> memref<640x80xf32, #tpu.memory_space<hbm>>
      %dma_start3A_112 = arith.constant 0 : i32
      %dma_start3A_113 = tpu.memref_slice %arg19[%mul3A_2, %dma_start3A_112] : memref<10240x80xf32, #tpu.memory_space<vmem_shared>> -> memref<640x80xf32, #tpu.memory_space<vmem_shared>>
      tpu.enqueue_dma source(%dma_start3A_113 : memref<640x80xf32, #tpu.memory_space<vmem_shared>>) target(%dma_start3A_111 : memref<640x80xf32, #tpu.memory_space<hbm>>) target_semaphore(%run_scoped3A : memref<!tpu.dma_semaphore, #tpu.memory_space<semaphore_mem>>)
      %dma_wait3A_114 = arith.constant 0 : i32
      %dma_wait3A_115 = tpu.memref_slice %arg8[%arg0, %add3A_54, %dma_wait3A_114] : memref<2x20480x80xf32, #tpu.memory_space<hbm>> -> memref<1x640x80xf32, #tpu.memory_space<hbm>>
      %dma_wait3A_116 = tpu.memref_squeeze %dma_wait3A_115 : memref<1x640x80xf32, #tpu.memory_space<hbm>> -> memref<640x80xf32, #tpu.memory_space<hbm>>
      %dma_wait3A_117 = arith.constant 0 : i32
      %dma_wait3A_118 = tpu.memref_slice %arg19[%mul3A_2, %dma_wait3A_117] : memref<10240x80xf32, #tpu.memory_space<vmem_shared>> -> memref<640x80xf32, #tpu.memory_space<vmem_shared>>
      tpu.wait_dma2 semaphore(%run_scoped3A : memref<!tpu.dma_semaphore, #tpu.memory_space<semaphore_mem>>) src(%dma_wait3A_118 : memref<640x80xf32, #tpu.memory_space<vmem_shared>>) dst(%dma_wait3A_116 : memref<640x80xf32, #tpu.memory_space<hbm>>)
      tpu.yield
    }) : () -> ()
    %scan3A_55 = arith.constant 0 : i32
    %scan3A_56 = arith.constant 128 : i32
    %scan3A_57 = arith.addi %scan3A_55, %scan3A_56 : i32
    %scan3A_58 = arith.constant 1 : i32
    scf.for %scan3A_109 = %scan3A_55 to %scan3A_57 step %scan3A_58  : i32 {
      %broadcast_in_dim3A = arith.constant 0.000000e+00 : f32
      %broadcast_in_dim3A_110 = vector.broadcast %broadcast_in_dim3A : f32 to vector<16xf32>
      %swap3A = arith.index_cast %scan3A_109 : i32 to index
      %swap3A_111 = arith.constant 0 : index
      %swap3A_112 = tpu.vector_load %arg17[%swap3A, %swap3A_111] {strides = array<i32>} : memref<128x80xf32, #tpu.memory_space<vmem>>, vector<1x16xf32>,
      %swap3A_113 = vector.shape_cast %swap3A_112 : vector<1x16xf32> to vector<16xf32>
      %swap3A_114 = vector.shape_cast %broadcast_in_dim3A_110 : vector<16xf32> to vector<1x16xf32>
      tpu.vector_store %arg17[%swap3A, %swap3A_111], %swap3A_114 {strides = array<i32>} : memref<128x80xf32, #tpu.memory_space<vmem>>, vector<1x16xf32>,
      %broadcast_in_dim3A_115 = arith.constant 0.000000e+00 : f32
      %broadcast_in_dim3A_116 = vector.broadcast %broadcast_in_dim3A_115 : f32 to vector<16xf32>
      %swap3A_117 = arith.index_cast %scan3A_109 : i32 to index
      %swap3A_118 = arith.constant 16 : index
      %swap3A_119 = tpu.vector_load %arg17[%swap3A_117, %swap3A_118] {strides = array<i32>} : memref<128x80xf32, #tpu.memory_space<vmem>>, vector<1x16xf32>,
      %swap3A_120 = vector.shape_cast %swap3A_119 : vector<1x16xf32> to vector<16xf32>
      %swap3A_121 = vector.shape_cast %broadcast_in_dim3A_116 : vector<16xf32> to vector<1x16xf32>
      tpu.vector_store %arg17[%swap3A_117, %swap3A_118], %swap3A_121 {strides = array<i32>} : memref<128x80xf32, #tpu.memory_space<vmem>>, vector<1x16xf32>,
      %broadcast_in_dim3A_122 = arith.constant 0.000000e+00 : f32
      %broadcast_in_dim3A_123 = vector.broadcast %broadcast_in_dim3A_122 : f32 to vector<16xf32>
      %swap3A_124 = arith.index_cast %scan3A_109 : i32 to index
      %swap3A_125 = arith.constant 32 : index
      %swap3A_126 = tpu.vector_load %arg17[%swap3A_124, %swap3A_125] {strides = array<i32>} : memref<128x80xf32, #tpu.memory_space<vmem>>, vector<1x16xf32>,
      %swap3A_127 = vector.shape_cast %swap3A_126 : vector<1x16xf32> to vector<16xf32>
      %swap3A_128 = vector.shape_cast %broadcast_in_dim3A_123 : vector<16xf32> to vector<1x16xf32>
      tpu.vector_store %arg17[%swap3A_124, %swap3A_125], %swap3A_128 {strides = array<i32>} : memref<128x80xf32, #tpu.memory_space<vmem>>, vector<1x16xf32>,
      %broadcast_in_dim3A_129 = arith.constant 0.000000e+00 : f32
      %broadcast_in_dim3A_130 = vector.broadcast %broadcast_in_dim3A_129 : f32 to vector<16xf32>
      %swap3A_131 = arith.index_cast %scan3A_109 : i32 to index
      %swap3A_132 = arith.constant 48 : index
      %swap3A_133 = tpu.vector_load %arg17[%swap3A_131, %swap3A_132] {strides = array<i32>} : memref<128x80xf32, #tpu.memory_space<vmem>>, vector<1x16xf32>,
      %swap3A_134 = vector.shape_cast %swap3A_133 : vector<1x16xf32> to vector<16xf32>
      %swap3A_135 = vector.shape_cast %broadcast_in_dim3A_130 : vector<16xf32> to vector<1x16xf32>
      tpu.vector_store %arg17[%swap3A_131, %swap3A_132], %swap3A_135 {strides = array<i32>} : memref<128x80xf32, #tpu.memory_space<vmem>>, vector<1x16xf32>,
      %broadcast_in_dim3A_136 = arith.constant 0.000000e+00 : f32
      %broadcast_in_dim3A_137 = vector.broadcast %broadcast_in_dim3A_136 : f32 to vector<16xf32>
      %swap3A_138 = arith.index_cast %scan3A_109 : i32 to index
      %swap3A_139 = arith.constant 64 : index
      %swap3A_140 = tpu.vector_load %arg17[%swap3A_138, %swap3A_139] {strides = array<i32>} : memref<128x80xf32, #tpu.memory_space<vmem>>, vector<1x16xf32>,
      %swap3A_141 = vector.shape_cast %swap3A_140 : vector<1x16xf32> to vector<16xf32>
      %swap3A_142 = vector.shape_cast %broadcast_in_dim3A_137 : vector<16xf32> to vector<1x16xf32>
      tpu.vector_store %arg17[%swap3A_138, %swap3A_139], %swap3A_142 {strides = array<i32>} : memref<128x80xf32, #tpu.memory_space<vmem>>, vector<1x16xf32>,
    }
    %scan3A_59 = arith.constant 128 : i32
    %scan3A_60 = arith.constant 0 : i32
    %scan3A_61 = arith.constant 5 : i32
    %scan3A_62 = arith.addi %scan3A_60, %scan3A_61 : i32
    %scan3A_63 = arith.constant 1 : i32
    scf.for %scan3A_109 = %scan3A_60 to %scan3A_62 step %scan3A_63  : i32 {
      %mul3A_110 = arith.constant 128 : i32
      %mul3A_111 = arith.muli %scan3A_109, %mul3A_110 : i32
      %add3A_112 = arith.addi %mul3A_2, %mul3A_111 : i32
      "tpu.region"() ({
        %run_scoped3A = tpu.sem_alloc : memref<!tpu.dma_semaphore, #tpu.memory_space<semaphore_mem>>
        %dma_start3A_113 = arith.constant 0 : i32
        %dma_start3A_114 = tpu.memref_slice %arg19[%add3A_112, %dma_start3A_113] : memref<10240x80xf32, #tpu.memory_space<vmem_shared>> -> memref<128x80xf32, #tpu.memory_space<vmem_shared>>
        %dma_start3A_115 = arith.constant 0 : i32
        %dma_start3A_116 = tpu.memref_slice %arg19[%add3A_112, %dma_start3A_115] : memref<10240x80xf32, #tpu.memory_space<vmem_shared>> -> memref<128x80xf32, #tpu.memory_space<vmem_shared>>
        tpu.enqueue_dma source(%arg17 : memref<128x80xf32, #tpu.memory_space<vmem>>) target(%dma_start3A_116 : memref<128x80xf32, #tpu.memory_space<vmem_shared>>) target_semaphore(%run_scoped3A : memref<!tpu.dma_semaphore, #tpu.memory_space<semaphore_mem>>)
        %dma_wait3A_117 = arith.constant 0 : i32
        %dma_wait3A_118 = tpu.memref_slice %arg19[%add3A_112, %dma_wait3A_117] : memref<10240x80xf32, #tpu.memory_space<vmem_shared>> -> memref<128x80xf32, #tpu.memory_space<vmem_shared>>
        %dma_wait3A_119 = arith.constant 0 : i32
        %dma_wait3A_120 = tpu.memref_slice %arg19[%add3A_112, %dma_wait3A_119] : memref<10240x80xf32, #tpu.memory_space<vmem_shared>> -> memref<128x80xf32, #tpu.memory_space<vmem_shared>>
        tpu.wait_dma2 semaphore(%run_scoped3A : memref<!tpu.dma_semaphore, #tpu.memory_space<semaphore_mem>>) src(%arg17 : memref<128x80xf32, #tpu.memory_space<vmem>>) dst(%dma_wait3A_120 : memref<128x80xf32, #tpu.memory_space<vmem_shared>>)
        tpu.yield
      }) : () -> ()
    }
    %scan3A_64 = arith.constant 5 : i32
    %barrier3A_65 = arith.constant 0 : index
    tpu.barrier barrier_id(%barrier3A_65)
    %dma_start3A_66 = arith.constant 0 : i32
    %dma_start3A_67 = arith.constant 0 : i32
    %dma_start3A_68 = tpu.memref_slice %arg9[%dma_start3A_66, %dma_start3A_67] : memref<82x128xi32, #tpu.memory_space<vmem>> -> memref<1x128xi32, #tpu.memory_space<vmem>>
    %dma_start3A_69 = tpu.memref_squeeze %dma_start3A_68 : memref<1x128xi32, #tpu.memory_space<vmem>> -> memref<128xi32, #tpu.memory_space<vmem>>
    %dma_start3A_70 = arith.constant 0 : i32
    %dma_start3A_71 = arith.constant 0 : i32
    %dma_start3A_72 = tpu.memref_slice %arg3[%dma_start3A_70, %dma_start3A_71] : memref<10240x64xf32, #tpu.memory_space<hbm>> -> memref<10240x64xf32, #tpu.memory_space<hbm>>
    tpu.enqueue_indirect_dma source(%dma_start3A_72 : memref<10240x64xf32, #tpu.memory_space<hbm>>) target(%arg11 : memref<128x64xf32, #tpu.memory_space<vmem>>) offsets(%dma_start3A_69 : memref<128xi32, #tpu.memory_space<vmem>>) semaphore(%arg20 : memref<!tpu.dma_semaphore, #tpu.memory_space<semaphore_mem>>)
    %dma_start3A_73 = arith.constant 0 : i32
    %dma_start3A_74 = arith.constant 0 : i32
    %dma_start3A_75 = tpu.memref_slice %arg9[%dma_start3A_73, %dma_start3A_74] : memref<82x128xi32, #tpu.memory_space<vmem>> -> memref<1x128xi32, #tpu.memory_space<vmem>>
    %dma_start3A_76 = tpu.memref_squeeze %dma_start3A_75 : memref<1x128xi32, #tpu.memory_space<vmem>> -> memref<128xi32, #tpu.memory_space<vmem>>
    %dma_start3A_77 = arith.constant 0 : i32
    %dma_start3A_78 = arith.constant 0 : i32
    %dma_start3A_79 = tpu.memref_slice %arg4[%dma_start3A_77, %dma_start3A_78] : memref<10240x16xf32, #tpu.memory_space<hbm>> -> memref<10240x16xf32, #tpu.memory_space<hbm>>
    tpu.enqueue_indirect_dma source(%dma_start3A_79 : memref<10240x16xf32, #tpu.memory_space<hbm>>) target(%arg13 : memref<128x16xf32, #tpu.memory_space<vmem>>) offsets(%dma_start3A_76 : memref<128xi32, #tpu.memory_space<vmem>>) semaphore(%arg20 : memref<!tpu.dma_semaphore, #tpu.memory_space<semaphore_mem>>)
    %dma_start3A_80 = arith.constant 0 : i32
    %dma_start3A_81 = arith.constant 0 : i32
    %dma_start3A_82 = tpu.memref_slice %arg10[%dma_start3A_80, %dma_start3A_81] : memref<82x128xi32, #tpu.memory_space<vmem>> -> memref<1x128xi32, #tpu.memory_space<vmem>>
    %dma_start3A_83 = tpu.memref_squeeze %dma_start3A_82 : memref<1x128xi32, #tpu.memory_space<vmem>> -> memref<128xi32, #tpu.memory_space<vmem>>
    %dma_start3A_84 = arith.constant 0 : i32
    %dma_start3A_85 = arith.constant 0 : i32
    %dma_start3A_86 = tpu.memref_slice %arg5[%dma_start3A_84, %dma_start3A_85] : memref<10240x16xf32, #tpu.memory_space<hbm>> -> memref<10240x16xf32, #tpu.memory_space<hbm>>
    tpu.enqueue_indirect_dma source(%dma_start3A_86 : memref<10240x16xf32, #tpu.memory_space<hbm>>) target(%arg15 : memref<128x16xf32, #tpu.memory_space<vmem>>) offsets(%dma_start3A_83 : memref<128xi32, #tpu.memory_space<vmem>>) semaphore(%arg20 : memref<!tpu.dma_semaphore, #tpu.memory_space<semaphore_mem>>)
    %scan3A_87 = arith.constant 0 : i32
    %scan3A_88 = arith.constant 41 : i32
    %scan3A_89 = arith.addi %scan3A_87, %scan3A_88 : i32
    %scan3A_90 = arith.constant 1 : i32
    scf.for %scan3A_109 = %scan3A_87 to %scan3A_89 step %scan3A_90  : i32 {
      %mul3A_110 = arith.constant 2 : i32
      %mul3A_111 = arith.muli %mul3A_110, %scan3A_109 : i32
      %add3A_112 = arith.constant 1 : i32
      %add3A_113 = arith.addi %mul3A_111, %add3A_112 : i32
      %dma_start3A_114 = arith.constant 0 : i32
      %dma_start3A_115 = tpu.memref_slice %arg9[%add3A_113, %dma_start3A_114] : memref<82x128xi32, #tpu.memory_space<vmem>> -> memref<1x128xi32, #tpu.memory_space<vmem>>
      %dma_start3A_116 = tpu.memref_squeeze %dma_start3A_115 : memref<1x128xi32, #tpu.memory_space<vmem>> -> memref<128xi32, #tpu.memory_space<vmem>>
      %dma_start3A_117 = arith.constant 0 : i32
      %dma_start3A_118 = arith.constant 0 : i32
      %dma_start3A_119 = tpu.memref_slice %arg3[%dma_start3A_117, %dma_start3A_118] : memref<10240x64xf32, #tpu.memory_space<hbm>> -> memref<10240x64xf32, #tpu.memory_space<hbm>>
      tpu.enqueue_indirect_dma source(%dma_start3A_119 : memref<10240x64xf32, #tpu.memory_space<hbm>>) target(%arg12 : memref<128x64xf32, #tpu.memory_space<vmem>>) offsets(%dma_start3A_116 : memref<128xi32, #tpu.memory_space<vmem>>) semaphore(%arg21 : memref<!tpu.dma_semaphore, #tpu.memory_space<semaphore_mem>>)
      %dma_start3A_120 = arith.constant 0 : i32
      %dma_start3A_121 = tpu.memref_slice %arg9[%add3A_113, %dma_start3A_120] : memref<82x128xi32, #tpu.memory_space<vmem>> -> memref<1x128xi32, #tpu.memory_space<vmem>>
      %dma_start3A_122 = tpu.memref_squeeze %dma_start3A_121 : memref<1x128xi32, #tpu.memory_space<vmem>> -> memref<128xi32, #tpu.memory_space<vmem>>
      %dma_start3A_123 = arith.constant 0 : i32
      %dma_start3A_124 = arith.constant 0 : i32
      %dma_start3A_125 = tpu.memref_slice %arg4[%dma_start3A_123, %dma_start3A_124] : memref<10240x16xf32, #tpu.memory_space<hbm>> -> memref<10240x16xf32, #tpu.memory_space<hbm>>
      tpu.enqueue_indirect_dma source(%dma_start3A_125 : memref<10240x16xf32, #tpu.memory_space<hbm>>) target(%arg14 : memref<128x16xf32, #tpu.memory_space<vmem>>) offsets(%dma_start3A_122 : memref<128xi32, #tpu.memory_space<vmem>>) semaphore(%arg21 : memref<!tpu.dma_semaphore, #tpu.memory_space<semaphore_mem>>)
      %dma_start3A_126 = arith.constant 0 : i32
      %dma_start3A_127 = tpu.memref_slice %arg10[%add3A_113, %dma_start3A_126] : memref<82x128xi32, #tpu.memory_space<vmem>> -> memref<1x128xi32, #tpu.memory_space<vmem>>
      %dma_start3A_128 = tpu.memref_squeeze %dma_start3A_127 : memref<1x128xi32, #tpu.memory_space<vmem>> -> memref<128xi32, #tpu.memory_space<vmem>>
      %dma_start3A_129 = arith.constant 0 : i32
      %dma_start3A_130 = arith.constant 0 : i32
      %dma_start3A_131 = tpu.memref_slice %arg5[%dma_start3A_129, %dma_start3A_130] : memref<10240x16xf32, #tpu.memory_space<hbm>> -> memref<10240x16xf32, #tpu.memory_space<hbm>>
      tpu.enqueue_indirect_dma source(%dma_start3A_131 : memref<10240x16xf32, #tpu.memory_space<hbm>>) target(%arg16 : memref<128x16xf32, #tpu.memory_space<vmem>>) offsets(%dma_start3A_128 : memref<128xi32, #tpu.memory_space<vmem>>) semaphore(%arg21 : memref<!tpu.dma_semaphore, #tpu.memory_space<semaphore_mem>>)
      %mul3A_132 = arith.constant 2 : i32
      %mul3A_133 = arith.muli %mul3A_132, %scan3A_109 : i32
      %ge3A = arith.constant 1 : i32
      %ge3A_134 = arith.cmpi sge, %scan3A_109, %ge3A : i32
      %dma_wait3A_135 = arith.constant 0 : i32
      %dma_wait3A_136 = tpu.memref_slice %arg9[%mul3A_133, %dma_wait3A_135] : memref<82x128xi32, #tpu.memory_space<vmem>> -> memref<1x128xi32, #tpu.memory_space<vmem>>
      %dma_wait3A_137 = tpu.memref_squeeze %dma_wait3A_136 : memref<1x128xi32, #tpu.memory_space<vmem>> -> memref<128xi32, #tpu.memory_space<vmem>>
      %dma_wait3A_138 = arith.constant 0 : i32
      %dma_wait3A_139 = arith.constant 0 : i32
      %dma_wait3A_140 = tpu.memref_slice %arg3[%dma_wait3A_138, %dma_wait3A_139] : memref<10240x64xf32, #tpu.memory_space<hbm>> -> memref<10240x64xf32, #tpu.memory_space<hbm>>
      tpu.wait_indirect_dma semaphore(%arg20 : memref<!tpu.dma_semaphore, #tpu.memory_space<semaphore_mem>>) src(%dma_wait3A_140 : memref<10240x64xf32, #tpu.memory_space<hbm>>) dst(%arg11 : memref<128x64xf32, #tpu.memory_space<vmem>>)
      %dma_wait3A_141 = arith.constant 0 : i32
      %dma_wait3A_142 = tpu.memref_slice %arg9[%mul3A_133, %dma_wait3A_141] : memref<82x128xi32, #tpu.memory_space<vmem>> -> memref<1x128xi32, #tpu.memory_space<vmem>>
      %dma_wait3A_143 = tpu.memref_squeeze %dma_wait3A_142 : memref<1x128xi32, #tpu.memory_space<vmem>> -> memref<128xi32, #tpu.memory_space<vmem>>
      %dma_wait3A_144 = arith.constant 0 : i32
      %dma_wait3A_145 = arith.constant 0 : i32
      %dma_wait3A_146 = tpu.memref_slice %arg4[%dma_wait3A_144, %dma_wait3A_145] : memref<10240x16xf32, #tpu.memory_space<hbm>> -> memref<10240x16xf32, #tpu.memory_space<hbm>>
      tpu.wait_indirect_dma semaphore(%arg20 : memref<!tpu.dma_semaphore, #tpu.memory_space<semaphore_mem>>) src(%dma_wait3A_146 : memref<10240x16xf32, #tpu.memory_space<hbm>>) dst(%arg13 : memref<128x16xf32, #tpu.memory_space<vmem>>)
      %dma_wait3A_147 = arith.constant 0 : i32
      %dma_wait3A_148 = tpu.memref_slice %arg10[%mul3A_133, %dma_wait3A_147] : memref<82x128xi32, #tpu.memory_space<vmem>> -> memref<1x128xi32, #tpu.memory_space<vmem>>
      %dma_wait3A_149 = tpu.memref_squeeze %dma_wait3A_148 : memref<1x128xi32, #tpu.memory_space<vmem>> -> memref<128xi32, #tpu.memory_space<vmem>>
      %dma_wait3A_150 = arith.constant 0 : i32
      %dma_wait3A_151 = arith.constant 0 : i32
      %dma_wait3A_152 = tpu.memref_slice %arg5[%dma_wait3A_150, %dma_wait3A_151] : memref<10240x16xf32, #tpu.memory_space<hbm>> -> memref<10240x16xf32, #tpu.memory_space<hbm>>
      tpu.wait_indirect_dma semaphore(%arg20 : memref<!tpu.dma_semaphore, #tpu.memory_space<semaphore_mem>>) src(%dma_wait3A_152 : memref<10240x16xf32, #tpu.memory_space<hbm>>) dst(%arg15 : memref<128x16xf32, #tpu.memory_space<vmem>>)
      %convert_element_type3A = arith.extui %ge3A_134 : i1 to i32
      %cond3A = arith.constant 0 : i32
      %cond3A_153 = arith.cmpi ne, %convert_element_type3A, %cond3A : i32
      scf.if %cond3A_153 {
        %dma_wait3A_202 = arith.constant 0 : i32
        %dma_wait3A_203 = tpu.memref_slice %arg10[%mul3A_133, %dma_wait3A_202] : memref<82x128xi32, #tpu.memory_space<vmem>> -> memref<1x128xi32, #tpu.memory_space<vmem>>
        %dma_wait3A_204 = tpu.memref_squeeze %dma_wait3A_203 : memref<1x128xi32, #tpu.memory_space<vmem>> -> memref<128xi32, #tpu.memory_space<vmem>>
        %dma_wait3A_205 = arith.constant 0 : i32
        %dma_wait3A_206 = arith.constant 0 : i32
        %dma_wait3A_207 = tpu.memref_slice %arg19[%dma_wait3A_205, %dma_wait3A_206] : memref<10240x80xf32, #tpu.memory_space<vmem_shared>> -> memref<10240x80xf32, #tpu.memory_space<vmem_shared>>
        tpu.wait_indirect_dma semaphore(%arg22 : memref<!tpu.dma_semaphore, #tpu.memory_space<semaphore_mem>>) src(%arg17 : memref<128x80xf32, #tpu.memory_space<vmem>>) dst(%dma_wait3A_207 : memref<10240x80xf32, #tpu.memory_space<vmem_shared>>)
      } else {
      }
      %parallel_loop3A = arith.constant 0 : i32
      %parallel_loop3A_154 = arith.constant 128 : i32
      %parallel_loop3A_155 = arith.constant 1 : i32
      scf.for %parallel_loop3A_202 = %parallel_loop3A to %parallel_loop3A_154 step %parallel_loop3A_155  : i32 {
        %parallel_loop3A_203 = arith.index_cast %parallel_loop3A_202 : i32 to index
        %parallel_loop3A_204 = arith.constant 0 : index
        %parallel_loop3A_205 = tpu.vector_load %arg13[%parallel_loop3A_203, %parallel_loop3A_204] {strides = array<i32>} : memref<128x16xf32, #tpu.memory_space<vmem>>, vector<1x16xf32>,
        %parallel_loop3A_206 = vector.shape_cast %parallel_loop3A_205 : vector<1x16xf32> to vector<16xf32>
        %parallel_loop3A_207 = arith.index_cast %parallel_loop3A_202 : i32 to index
        %parallel_loop3A_208 = arith.constant 0 : index
        %parallel_loop3A_209 = tpu.vector_load %arg15[%parallel_loop3A_207, %parallel_loop3A_208] {strides = array<i32>} : memref<128x16xf32, #tpu.memory_space<vmem>>, vector<1x16xf32>,
        %parallel_loop3A_210 = vector.shape_cast %parallel_loop3A_209 : vector<1x16xf32> to vector<16xf32>
        %parallel_loop3A_211 = arith.addf %parallel_loop3A_206, %parallel_loop3A_210 : vector<16xf32>
        %parallel_loop3A_212 = arith.constant 2.000000e-01 : f32
        %parallel_loop3A_213 = vector.broadcast %parallel_loop3A_212 : f32 to vector<16xf32>
        %parallel_loop3A_214 = arith.mulf %parallel_loop3A_213, %parallel_loop3A_211 : vector<16xf32>
        %parallel_loop3A_215 = arith.maximumf %parallel_loop3A_211, %parallel_loop3A_214 : vector<16xf32>
        %parallel_loop3A_216 = math.exp %parallel_loop3A_215 : vector<16xf32>
        %parallel_loop3A_217 = arith.index_cast %parallel_loop3A_202 : i32 to index
        %parallel_loop3A_218 = arith.constant 64 : index
        %parallel_loop3A_219 = tpu.vector_load %arg17[%parallel_loop3A_217, %parallel_loop3A_218] {strides = array<i32>} : memref<128x80xf32, #tpu.memory_space<vmem>>, vector<1x16xf32>,
        %parallel_loop3A_220 = vector.shape_cast %parallel_loop3A_219 : vector<1x16xf32> to vector<16xf32>
        %parallel_loop3A_221 = vector.shape_cast %parallel_loop3A_216 : vector<16xf32> to vector<1x16xf32>
        tpu.vector_store %arg17[%parallel_loop3A_217, %parallel_loop3A_218], %parallel_loop3A_221 {strides = array<i32>} : memref<128x80xf32, #tpu.memory_space<vmem>>, vector<1x16xf32>,
        %parallel_loop3A_222 = arith.index_cast %parallel_loop3A_202 : i32 to index
        %parallel_loop3A_223 = arith.constant 0 : index
        %parallel_loop3A_224 = tpu.vector_load %arg11[%parallel_loop3A_222, %parallel_loop3A_223] {strides = array<i32>} : memref<128x64xf32, #tpu.memory_space<vmem>>, vector<1x16xf32>,
        %parallel_loop3A_225 = vector.shape_cast %parallel_loop3A_224 : vector<1x16xf32> to vector<16xf32>
        %parallel_loop3A_226 = vector.extract_strided_slice %parallel_loop3A_216 {offsets = [4], sizes = [1], strides = [1]} : vector<16xf32> to vector<1xf32>
        %parallel_loop3A_227 = vector.extract %parallel_loop3A_226[0] : f32 from vector<1xf32>
        %parallel_loop3A_228 = vector.broadcast %parallel_loop3A_227 : f32 to vector<16xf32>
        %parallel_loop3A_229 = arith.mulf %parallel_loop3A_225, %parallel_loop3A_228 : vector<16xf32>
        %parallel_loop3A_230 = arith.index_cast %parallel_loop3A_202 : i32 to index
        %parallel_loop3A_231 = arith.constant 0 : index
        %parallel_loop3A_232 = tpu.vector_load %arg17[%parallel_loop3A_230, %parallel_loop3A_231] {strides = array<i32>} : memref<128x80xf32, #tpu.memory_space<vmem>>, vector<1x16xf32>,
        %parallel_loop3A_233 = vector.shape_cast %parallel_loop3A_232 : vector<1x16xf32> to vector<16xf32>
        %parallel_loop3A_234 = vector.shape_cast %parallel_loop3A_229 : vector<16xf32> to vector<1x16xf32>
        tpu.vector_store %arg17[%parallel_loop3A_230, %parallel_loop3A_231], %parallel_loop3A_234 {strides = array<i32>} : memref<128x80xf32, #tpu.memory_space<vmem>>, vector<1x16xf32>,
        %parallel_loop3A_235 = arith.index_cast %parallel_loop3A_202 : i32 to index
        %parallel_loop3A_236 = arith.constant 16 : index
        %parallel_loop3A_237 = tpu.vector_load %arg11[%parallel_loop3A_235, %parallel_loop3A_236] {strides = array<i32>} : memref<128x64xf32, #tpu.memory_space<vmem>>, vector<1x16xf32>,
        %parallel_loop3A_238 = vector.shape_cast %parallel_loop3A_237 : vector<1x16xf32> to vector<16xf32>
        %parallel_loop3A_239 = vector.extract_strided_slice %parallel_loop3A_216 {offsets = [5], sizes = [1], strides = [1]} : vector<16xf32> to vector<1xf32>
        %parallel_loop3A_240 = vector.extract %parallel_loop3A_239[0] : f32 from vector<1xf32>
        %parallel_loop3A_241 = vector.broadcast %parallel_loop3A_240 : f32 to vector<16xf32>
        %parallel_loop3A_242 = arith.mulf %parallel_loop3A_238, %parallel_loop3A_241 : vector<16xf32>
        %parallel_loop3A_243 = arith.index_cast %parallel_loop3A_202 : i32 to index
        %parallel_loop3A_244 = arith.constant 16 : index
        %parallel_loop3A_245 = tpu.vector_load %arg17[%parallel_loop3A_243, %parallel_loop3A_244] {strides = array<i32>} : memref<128x80xf32, #tpu.memory_space<vmem>>, vector<1x16xf32>,
        %parallel_loop3A_246 = vector.shape_cast %parallel_loop3A_245 : vector<1x16xf32> to vector<16xf32>
        %parallel_loop3A_247 = vector.shape_cast %parallel_loop3A_242 : vector<16xf32> to vector<1x16xf32>
        tpu.vector_store %arg17[%parallel_loop3A_243, %parallel_loop3A_244], %parallel_loop3A_247 {strides = array<i32>} : memref<128x80xf32, #tpu.memory_space<vmem>>, vector<1x16xf32>,
        %parallel_loop3A_248 = arith.index_cast %parallel_loop3A_202 : i32 to index
        %parallel_loop3A_249 = arith.constant 32 : index
        %parallel_loop3A_250 = tpu.vector_load %arg11[%parallel_loop3A_248, %parallel_loop3A_249] {strides = array<i32>} : memref<128x64xf32, #tpu.memory_space<vmem>>, vector<1x16xf32>,
        %parallel_loop3A_251 = vector.shape_cast %parallel_loop3A_250 : vector<1x16xf32> to vector<16xf32>
        %parallel_loop3A_252 = vector.extract_strided_slice %parallel_loop3A_216 {offsets = [6], sizes = [1], strides = [1]} : vector<16xf32> to vector<1xf32>
        %parallel_loop3A_253 = vector.extract %parallel_loop3A_252[0] : f32 from vector<1xf32>
        %parallel_loop3A_254 = vector.broadcast %parallel_loop3A_253 : f32 to vector<16xf32>
        %parallel_loop3A_255 = arith.mulf %parallel_loop3A_251, %parallel_loop3A_254 : vector<16xf32>
        %parallel_loop3A_256 = arith.index_cast %parallel_loop3A_202 : i32 to index
        %parallel_loop3A_257 = arith.constant 32 : index
        %parallel_loop3A_258 = tpu.vector_load %arg17[%parallel_loop3A_256, %parallel_loop3A_257] {strides = array<i32>} : memref<128x80xf32, #tpu.memory_space<vmem>>, vector<1x16xf32>,
        %parallel_loop3A_259 = vector.shape_cast %parallel_loop3A_258 : vector<1x16xf32> to vector<16xf32>
        %parallel_loop3A_260 = vector.shape_cast %parallel_loop3A_255 : vector<16xf32> to vector<1x16xf32>
        tpu.vector_store %arg17[%parallel_loop3A_256, %parallel_loop3A_257], %parallel_loop3A_260 {strides = array<i32>} : memref<128x80xf32, #tpu.memory_space<vmem>>, vector<1x16xf32>,
        %parallel_loop3A_261 = arith.index_cast %parallel_loop3A_202 : i32 to index
        %parallel_loop3A_262 = arith.constant 48 : index
        %parallel_loop3A_263 = tpu.vector_load %arg11[%parallel_loop3A_261, %parallel_loop3A_262] {strides = array<i32>} : memref<128x64xf32, #tpu.memory_space<vmem>>, vector<1x16xf32>,
        %parallel_loop3A_264 = vector.shape_cast %parallel_loop3A_263 : vector<1x16xf32> to vector<16xf32>
        %parallel_loop3A_265 = vector.extract_strided_slice %parallel_loop3A_216 {offsets = [7], sizes = [1], strides = [1]} : vector<16xf32> to vector<1xf32>
        %parallel_loop3A_266 = vector.extract %parallel_loop3A_265[0] : f32 from vector<1xf32>
        %parallel_loop3A_267 = vector.broadcast %parallel_loop3A_266 : f32 to vector<16xf32>
        %parallel_loop3A_268 = arith.mulf %parallel_loop3A_264, %parallel_loop3A_267 : vector<16xf32>
        %parallel_loop3A_269 = arith.index_cast %parallel_loop3A_202 : i32 to index
        %parallel_loop3A_270 = arith.constant 48 : index
        %parallel_loop3A_271 = tpu.vector_load %arg17[%parallel_loop3A_269, %parallel_loop3A_270] {strides = array<i32>} : memref<128x80xf32, #tpu.memory_space<vmem>>, vector<1x16xf32>,
        %parallel_loop3A_272 = vector.shape_cast %parallel_loop3A_271 : vector<1x16xf32> to vector<16xf32>
        %parallel_loop3A_273 = vector.shape_cast %parallel_loop3A_268 : vector<16xf32> to vector<1x16xf32>
        tpu.vector_store %arg17[%parallel_loop3A_269, %parallel_loop3A_270], %parallel_loop3A_273 {strides = array<i32>} : memref<128x80xf32, #tpu.memory_space<vmem>>, vector<1x16xf32>,
      } {sc.loop_unroll_factor = 8 : i64, sc.parallel_access}
      %dma_start3A_156 = arith.constant 0 : i32
      %dma_start3A_157 = tpu.memref_slice %arg10[%mul3A_133, %dma_start3A_156] : memref<82x128xi32, #tpu.memory_space<vmem>> -> memref<1x128xi32, #tpu.memory_space<vmem>>
      %dma_start3A_158 = tpu.memref_squeeze %dma_start3A_157 : memref<1x128xi32, #tpu.memory_space<vmem>> -> memref<128xi32, #tpu.memory_space<vmem>>
      %dma_start3A_159 = arith.constant 0 : i32
      %dma_start3A_160 = arith.constant 0 : i32
      %dma_start3A_161 = tpu.memref_slice %arg19[%dma_start3A_159, %dma_start3A_160] : memref<10240x80xf32, #tpu.memory_space<vmem_shared>> -> memref<10240x80xf32, #tpu.memory_space<vmem_shared>>
      tpu.enqueue_indirect_dma source(%arg17 : memref<128x80xf32, #tpu.memory_space<vmem>>) target(%dma_start3A_161 : memref<10240x80xf32, #tpu.memory_space<vmem_shared>>) offsets(%dma_start3A_158 : memref<128xi32, #tpu.memory_space<vmem>>) semaphore(%arg22 : memref<!tpu.dma_semaphore, #tpu.memory_space<semaphore_mem>>) {add = true}
      %lt3A = arith.constant 40 : i32
      %lt3A_162 = arith.cmpi slt, %scan3A_109, %lt3A : i32
      %convert_element_type3A_163 = arith.extui %lt3A_162 : i1 to i32
      %cond3A_164 = arith.constant 0 : i32
      %cond3A_165 = arith.cmpi ne, %convert_element_type3A_163, %cond3A_164 : i32
      scf.if %cond3A_165 {
        %mul3A_202 = arith.constant 2 : i32
        %mul3A_203 = arith.muli %mul3A_202, %scan3A_109 : i32
        %add3A_204 = arith.constant 2 : i32
        %add3A_205 = arith.addi %mul3A_203, %add3A_204 : i32
        %dma_start3A_206 = arith.constant 0 : i32
        %dma_start3A_207 = tpu.memref_slice %arg9[%add3A_205, %dma_start3A_206] : memref<82x128xi32, #tpu.memory_space<vmem>> -> memref<1x128xi32, #tpu.memory_space<vmem>>
        %dma_start3A_208 = tpu.memref_squeeze %dma_start3A_207 : memref<1x128xi32, #tpu.memory_space<vmem>> -> memref<128xi32, #tpu.memory_space<vmem>>
        %dma_start3A_209 = arith.constant 0 : i32
        %dma_start3A_210 = arith.constant 0 : i32
        %dma_start3A_211 = tpu.memref_slice %arg3[%dma_start3A_209, %dma_start3A_210] : memref<10240x64xf32, #tpu.memory_space<hbm>> -> memref<10240x64xf32, #tpu.memory_space<hbm>>
        tpu.enqueue_indirect_dma source(%dma_start3A_211 : memref<10240x64xf32, #tpu.memory_space<hbm>>) target(%arg11 : memref<128x64xf32, #tpu.memory_space<vmem>>) offsets(%dma_start3A_208 : memref<128xi32, #tpu.memory_space<vmem>>) semaphore(%arg20 : memref<!tpu.dma_semaphore, #tpu.memory_space<semaphore_mem>>)
        %dma_start3A_212 = arith.constant 0 : i32
        %dma_start3A_213 = tpu.memref_slice %arg9[%add3A_205, %dma_start3A_212] : memref<82x128xi32, #tpu.memory_space<vmem>> -> memref<1x128xi32, #tpu.memory_space<vmem>>
        %dma_start3A_214 = tpu.memref_squeeze %dma_start3A_213 : memref<1x128xi32, #tpu.memory_space<vmem>> -> memref<128xi32, #tpu.memory_space<vmem>>
        %dma_start3A_215 = arith.constant 0 : i32
        %dma_start3A_216 = arith.constant 0 : i32
        %dma_start3A_217 = tpu.memref_slice %arg4[%dma_start3A_215, %dma_start3A_216] : memref<10240x16xf32, #tpu.memory_space<hbm>> -> memref<10240x16xf32, #tpu.memory_space<hbm>>
        tpu.enqueue_indirect_dma source(%dma_start3A_217 : memref<10240x16xf32, #tpu.memory_space<hbm>>) target(%arg13 : memref<128x16xf32, #tpu.memory_space<vmem>>) offsets(%dma_start3A_214 : memref<128xi32, #tpu.memory_space<vmem>>) semaphore(%arg20 : memref<!tpu.dma_semaphore, #tpu.memory_space<semaphore_mem>>)
        %dma_start3A_218 = arith.constant 0 : i32
        %dma_start3A_219 = tpu.memref_slice %arg10[%add3A_205, %dma_start3A_218] : memref<82x128xi32, #tpu.memory_space<vmem>> -> memref<1x128xi32, #tpu.memory_space<vmem>>
        %dma_start3A_220 = tpu.memref_squeeze %dma_start3A_219 : memref<1x128xi32, #tpu.memory_space<vmem>> -> memref<128xi32, #tpu.memory_space<vmem>>
        %dma_start3A_221 = arith.constant 0 : i32
        %dma_start3A_222 = arith.constant 0 : i32
        %dma_start3A_223 = tpu.memref_slice %arg5[%dma_start3A_221, %dma_start3A_222] : memref<10240x16xf32, #tpu.memory_space<hbm>> -> memref<10240x16xf32, #tpu.memory_space<hbm>>
        tpu.enqueue_indirect_dma source(%dma_start3A_223 : memref<10240x16xf32, #tpu.memory_space<hbm>>) target(%arg15 : memref<128x16xf32, #tpu.memory_space<vmem>>) offsets(%dma_start3A_220 : memref<128xi32, #tpu.memory_space<vmem>>) semaphore(%arg20 : memref<!tpu.dma_semaphore, #tpu.memory_space<semaphore_mem>>)
      } else {
      }
      %mul3A_166 = arith.constant 2 : i32
      %mul3A_167 = arith.muli %mul3A_166, %scan3A_109 : i32
      %add3A_168 = arith.constant 1 : i32
      %add3A_169 = arith.addi %mul3A_167, %add3A_168 : i32
      %ge3A_170 = arith.constant 1 : i32
      %ge3A_171 = arith.cmpi sge, %scan3A_109, %ge3A_170 : i32
      %dma_wait3A_172 = arith.constant 0 : i32
      %dma_wait3A_173 = tpu.memref_slice %arg9[%add3A_169, %dma_wait3A_172] : memref<82x128xi32, #tpu.memory_space<vmem>> -> memref<1x128xi32, #tpu.memory_space<vmem>>
      %dma_wait3A_174 = tpu.memref_squeeze %dma_wait3A_173 : memref<1x128xi32, #tpu.memory_space<vmem>> -> memref<128xi32, #tpu.memory_space<vmem>>
      %dma_wait3A_175 = arith.constant 0 : i32
      %dma_wait3A_176 = arith.constant 0 : i32
      %dma_wait3A_177 = tpu.memref_slice %arg3[%dma_wait3A_175, %dma_wait3A_176] : memref<10240x64xf32, #tpu.memory_space<hbm>> -> memref<10240x64xf32, #tpu.memory_space<hbm>>
      tpu.wait_indirect_dma semaphore(%arg21 : memref<!tpu.dma_semaphore, #tpu.memory_space<semaphore_mem>>) src(%dma_wait3A_177 : memref<10240x64xf32, #tpu.memory_space<hbm>>) dst(%arg12 : memref<128x64xf32, #tpu.memory_space<vmem>>)
      %dma_wait3A_178 = arith.constant 0 : i32
      %dma_wait3A_179 = tpu.memref_slice %arg9[%add3A_169, %dma_wait3A_178] : memref<82x128xi32, #tpu.memory_space<vmem>> -> memref<1x128xi32, #tpu.memory_space<vmem>>
      %dma_wait3A_180 = tpu.memref_squeeze %dma_wait3A_179 : memref<1x128xi32, #tpu.memory_space<vmem>> -> memref<128xi32, #tpu.memory_space<vmem>>
      %dma_wait3A_181 = arith.constant 0 : i32
      %dma_wait3A_182 = arith.constant 0 : i32
      %dma_wait3A_183 = tpu.memref_slice %arg4[%dma_wait3A_181, %dma_wait3A_182] : memref<10240x16xf32, #tpu.memory_space<hbm>> -> memref<10240x16xf32, #tpu.memory_space<hbm>>
      tpu.wait_indirect_dma semaphore(%arg21 : memref<!tpu.dma_semaphore, #tpu.memory_space<semaphore_mem>>) src(%dma_wait3A_183 : memref<10240x16xf32, #tpu.memory_space<hbm>>) dst(%arg14 : memref<128x16xf32, #tpu.memory_space<vmem>>)
      %dma_wait3A_184 = arith.constant 0 : i32
      %dma_wait3A_185 = tpu.memref_slice %arg10[%add3A_169, %dma_wait3A_184] : memref<82x128xi32, #tpu.memory_space<vmem>> -> memref<1x128xi32, #tpu.memory_space<vmem>>
      %dma_wait3A_186 = tpu.memref_squeeze %dma_wait3A_185 : memref<1x128xi32, #tpu.memory_space<vmem>> -> memref<128xi32, #tpu.memory_space<vmem>>
      %dma_wait3A_187 = arith.constant 0 : i32
      %dma_wait3A_188 = arith.constant 0 : i32
      %dma_wait3A_189 = tpu.memref_slice %arg5[%dma_wait3A_187, %dma_wait3A_188] : memref<10240x16xf32, #tpu.memory_space<hbm>> -> memref<10240x16xf32, #tpu.memory_space<hbm>>
      tpu.wait_indirect_dma semaphore(%arg21 : memref<!tpu.dma_semaphore, #tpu.memory_space<semaphore_mem>>) src(%dma_wait3A_189 : memref<10240x16xf32, #tpu.memory_space<hbm>>) dst(%arg16 : memref<128x16xf32, #tpu.memory_space<vmem>>)
      %convert_element_type3A_190 = arith.extui %ge3A_171 : i1 to i32
      %cond3A_191 = arith.constant 0 : i32
      %cond3A_192 = arith.cmpi ne, %convert_element_type3A_190, %cond3A_191 : i32
      scf.if %cond3A_192 {
        %dma_wait3A_202 = arith.constant 0 : i32
        %dma_wait3A_203 = tpu.memref_slice %arg10[%add3A_169, %dma_wait3A_202] : memref<82x128xi32, #tpu.memory_space<vmem>> -> memref<1x128xi32, #tpu.memory_space<vmem>>
        %dma_wait3A_204 = tpu.memref_squeeze %dma_wait3A_203 : memref<1x128xi32, #tpu.memory_space<vmem>> -> memref<128xi32, #tpu.memory_space<vmem>>
        %dma_wait3A_205 = arith.constant 0 : i32
        %dma_wait3A_206 = arith.constant 0 : i32
        %dma_wait3A_207 = tpu.memref_slice %arg19[%dma_wait3A_205, %dma_wait3A_206] : memref<10240x80xf32, #tpu.memory_space<vmem_shared>> -> memref<10240x80xf32, #tpu.memory_space<vmem_shared>>
        tpu.wait_indirect_dma semaphore(%arg23 : memref<!tpu.dma_semaphore, #tpu.memory_space<semaphore_mem>>) src(%arg18 : memref<128x80xf32, #tpu.memory_space<vmem>>) dst(%dma_wait3A_207 : memref<10240x80xf32, #tpu.memory_space<vmem_shared>>)
      } else {
      }
      %parallel_loop3A_193 = arith.constant 0 : i32
      %parallel_loop3A_194 = arith.constant 128 : i32
      %parallel_loop3A_195 = arith.constant 1 : i32
      scf.for %parallel_loop3A_202 = %parallel_loop3A_193 to %parallel_loop3A_194 step %parallel_loop3A_195  : i32 {
        %parallel_loop3A_203 = arith.index_cast %parallel_loop3A_202 : i32 to index
        %parallel_loop3A_204 = arith.constant 0 : index
        %parallel_loop3A_205 = tpu.vector_load %arg14[%parallel_loop3A_203, %parallel_loop3A_204] {strides = array<i32>} : memref<128x16xf32, #tpu.memory_space<vmem>>, vector<1x16xf32>,
        %parallel_loop3A_206 = vector.shape_cast %parallel_loop3A_205 : vector<1x16xf32> to vector<16xf32>
        %parallel_loop3A_207 = arith.index_cast %parallel_loop3A_202 : i32 to index
        %parallel_loop3A_208 = arith.constant 0 : index
        %parallel_loop3A_209 = tpu.vector_load %arg16[%parallel_loop3A_207, %parallel_loop3A_208] {strides = array<i32>} : memref<128x16xf32, #tpu.memory_space<vmem>>, vector<1x16xf32>,
        %parallel_loop3A_210 = vector.shape_cast %parallel_loop3A_209 : vector<1x16xf32> to vector<16xf32>
        %parallel_loop3A_211 = arith.addf %parallel_loop3A_206, %parallel_loop3A_210 : vector<16xf32>
        %parallel_loop3A_212 = arith.constant 2.000000e-01 : f32
        %parallel_loop3A_213 = vector.broadcast %parallel_loop3A_212 : f32 to vector<16xf32>
        %parallel_loop3A_214 = arith.mulf %parallel_loop3A_213, %parallel_loop3A_211 : vector<16xf32>
        %parallel_loop3A_215 = arith.maximumf %parallel_loop3A_211, %parallel_loop3A_214 : vector<16xf32>
        %parallel_loop3A_216 = math.exp %parallel_loop3A_215 : vector<16xf32>
        %parallel_loop3A_217 = arith.index_cast %parallel_loop3A_202 : i32 to index
        %parallel_loop3A_218 = arith.constant 64 : index
        %parallel_loop3A_219 = tpu.vector_load %arg18[%parallel_loop3A_217, %parallel_loop3A_218] {strides = array<i32>} : memref<128x80xf32, #tpu.memory_space<vmem>>, vector<1x16xf32>,
        %parallel_loop3A_220 = vector.shape_cast %parallel_loop3A_219 : vector<1x16xf32> to vector<16xf32>
        %parallel_loop3A_221 = vector.shape_cast %parallel_loop3A_216 : vector<16xf32> to vector<1x16xf32>
        tpu.vector_store %arg18[%parallel_loop3A_217, %parallel_loop3A_218], %parallel_loop3A_221 {strides = array<i32>} : memref<128x80xf32, #tpu.memory_space<vmem>>, vector<1x16xf32>,
        %parallel_loop3A_222 = arith.index_cast %parallel_loop3A_202 : i32 to index
        %parallel_loop3A_223 = arith.constant 0 : index
        %parallel_loop3A_224 = tpu.vector_load %arg12[%parallel_loop3A_222, %parallel_loop3A_223] {strides = array<i32>} : memref<128x64xf32, #tpu.memory_space<vmem>>, vector<1x16xf32>,
        %parallel_loop3A_225 = vector.shape_cast %parallel_loop3A_224 : vector<1x16xf32> to vector<16xf32>
        %parallel_loop3A_226 = vector.extract_strided_slice %parallel_loop3A_216 {offsets = [4], sizes = [1], strides = [1]} : vector<16xf32> to vector<1xf32>
        %parallel_loop3A_227 = vector.extract %parallel_loop3A_226[0] : f32 from vector<1xf32>
        %parallel_loop3A_228 = vector.broadcast %parallel_loop3A_227 : f32 to vector<16xf32>
        %parallel_loop3A_229 = arith.mulf %parallel_loop3A_225, %parallel_loop3A_228 : vector<16xf32>
        %parallel_loop3A_230 = arith.index_cast %parallel_loop3A_202 : i32 to index
        %parallel_loop3A_231 = arith.constant 0 : index
        %parallel_loop3A_232 = tpu.vector_load %arg18[%parallel_loop3A_230, %parallel_loop3A_231] {strides = array<i32>} : memref<128x80xf32, #tpu.memory_space<vmem>>, vector<1x16xf32>,
        %parallel_loop3A_233 = vector.shape_cast %parallel_loop3A_232 : vector<1x16xf32> to vector<16xf32>
        %parallel_loop3A_234 = vector.shape_cast %parallel_loop3A_229 : vector<16xf32> to vector<1x16xf32>
        tpu.vector_store %arg18[%parallel_loop3A_230, %parallel_loop3A_231], %parallel_loop3A_234 {strides = array<i32>} : memref<128x80xf32, #tpu.memory_space<vmem>>, vector<1x16xf32>,
        %parallel_loop3A_235 = arith.index_cast %parallel_loop3A_202 : i32 to index
        %parallel_loop3A_236 = arith.constant 16 : index
        %parallel_loop3A_237 = tpu.vector_load %arg12[%parallel_loop3A_235, %parallel_loop3A_236] {strides = array<i32>} : memref<128x64xf32, #tpu.memory_space<vmem>>, vector<1x16xf32>,
        %parallel_loop3A_238 = vector.shape_cast %parallel_loop3A_237 : vector<1x16xf32> to vector<16xf32>
        %parallel_loop3A_239 = vector.extract_strided_slice %parallel_loop3A_216 {offsets = [5], sizes = [1], strides = [1]} : vector<16xf32> to vector<1xf32>
        %parallel_loop3A_240 = vector.extract %parallel_loop3A_239[0] : f32 from vector<1xf32>
        %parallel_loop3A_241 = vector.broadcast %parallel_loop3A_240 : f32 to vector<16xf32>
        %parallel_loop3A_242 = arith.mulf %parallel_loop3A_238, %parallel_loop3A_241 : vector<16xf32>
        %parallel_loop3A_243 = arith.index_cast %parallel_loop3A_202 : i32 to index
        %parallel_loop3A_244 = arith.constant 16 : index
        %parallel_loop3A_245 = tpu.vector_load %arg18[%parallel_loop3A_243, %parallel_loop3A_244] {strides = array<i32>} : memref<128x80xf32, #tpu.memory_space<vmem>>, vector<1x16xf32>,
        %parallel_loop3A_246 = vector.shape_cast %parallel_loop3A_245 : vector<1x16xf32> to vector<16xf32>
        %parallel_loop3A_247 = vector.shape_cast %parallel_loop3A_242 : vector<16xf32> to vector<1x16xf32>
        tpu.vector_store %arg18[%parallel_loop3A_243, %parallel_loop3A_244], %parallel_loop3A_247 {strides = array<i32>} : memref<128x80xf32, #tpu.memory_space<vmem>>, vector<1x16xf32>,
        %parallel_loop3A_248 = arith.index_cast %parallel_loop3A_202 : i32 to index
        %parallel_loop3A_249 = arith.constant 32 : index
        %parallel_loop3A_250 = tpu.vector_load %arg12[%parallel_loop3A_248, %parallel_loop3A_249] {strides = array<i32>} : memref<128x64xf32, #tpu.memory_space<vmem>>, vector<1x16xf32>,
        %parallel_loop3A_251 = vector.shape_cast %parallel_loop3A_250 : vector<1x16xf32> to vector<16xf32>
        %parallel_loop3A_252 = vector.extract_strided_slice %parallel_loop3A_216 {offsets = [6], sizes = [1], strides = [1]} : vector<16xf32> to vector<1xf32>
        %parallel_loop3A_253 = vector.extract %parallel_loop3A_252[0] : f32 from vector<1xf32>
        %parallel_loop3A_254 = vector.broadcast %parallel_loop3A_253 : f32 to vector<16xf32>
        %parallel_loop3A_255 = arith.mulf %parallel_loop3A_251, %parallel_loop3A_254 : vector<16xf32>
        %parallel_loop3A_256 = arith.index_cast %parallel_loop3A_202 : i32 to index
        %parallel_loop3A_257 = arith.constant 32 : index
        %parallel_loop3A_258 = tpu.vector_load %arg18[%parallel_loop3A_256, %parallel_loop3A_257] {strides = array<i32>} : memref<128x80xf32, #tpu.memory_space<vmem>>, vector<1x16xf32>,
        %parallel_loop3A_259 = vector.shape_cast %parallel_loop3A_258 : vector<1x16xf32> to vector<16xf32>
        %parallel_loop3A_260 = vector.shape_cast %parallel_loop3A_255 : vector<16xf32> to vector<1x16xf32>
        tpu.vector_store %arg18[%parallel_loop3A_256, %parallel_loop3A_257], %parallel_loop3A_260 {strides = array<i32>} : memref<128x80xf32, #tpu.memory_space<vmem>>, vector<1x16xf32>,
        %parallel_loop3A_261 = arith.index_cast %parallel_loop3A_202 : i32 to index
        %parallel_loop3A_262 = arith.constant 48 : index
        %parallel_loop3A_263 = tpu.vector_load %arg12[%parallel_loop3A_261, %parallel_loop3A_262] {strides = array<i32>} : memref<128x64xf32, #tpu.memory_space<vmem>>, vector<1x16xf32>,
        %parallel_loop3A_264 = vector.shape_cast %parallel_loop3A_263 : vector<1x16xf32> to vector<16xf32>
        %parallel_loop3A_265 = vector.extract_strided_slice %parallel_loop3A_216 {offsets = [7], sizes = [1], strides = [1]} : vector<16xf32> to vector<1xf32>
        %parallel_loop3A_266 = vector.extract %parallel_loop3A_265[0] : f32 from vector<1xf32>
        %parallel_loop3A_267 = vector.broadcast %parallel_loop3A_266 : f32 to vector<16xf32>
        %parallel_loop3A_268 = arith.mulf %parallel_loop3A_264, %parallel_loop3A_267 : vector<16xf32>
        %parallel_loop3A_269 = arith.index_cast %parallel_loop3A_202 : i32 to index
        %parallel_loop3A_270 = arith.constant 48 : index
        %parallel_loop3A_271 = tpu.vector_load %arg18[%parallel_loop3A_269, %parallel_loop3A_270] {strides = array<i32>} : memref<128x80xf32, #tpu.memory_space<vmem>>, vector<1x16xf32>,
        %parallel_loop3A_272 = vector.shape_cast %parallel_loop3A_271 : vector<1x16xf32> to vector<16xf32>
        %parallel_loop3A_273 = vector.shape_cast %parallel_loop3A_268 : vector<16xf32> to vector<1x16xf32>
        tpu.vector_store %arg18[%parallel_loop3A_269, %parallel_loop3A_270], %parallel_loop3A_273 {strides = array<i32>} : memref<128x80xf32, #tpu.memory_space<vmem>>, vector<1x16xf32>,
      } {sc.loop_unroll_factor = 8 : i64, sc.parallel_access}
      %dma_start3A_196 = arith.constant 0 : i32
      %dma_start3A_197 = tpu.memref_slice %arg10[%add3A_169, %dma_start3A_196] : memref<82x128xi32, #tpu.memory_space<vmem>> -> memref<1x128xi32, #tpu.memory_space<vmem>>
      %dma_start3A_198 = tpu.memref_squeeze %dma_start3A_197 : memref<1x128xi32, #tpu.memory_space<vmem>> -> memref<128xi32, #tpu.memory_space<vmem>>
      %dma_start3A_199 = arith.constant 0 : i32
      %dma_start3A_200 = arith.constant 0 : i32
      %dma_start3A_201 = tpu.memref_slice %arg19[%dma_start3A_199, %dma_start3A_200] : memref<10240x80xf32, #tpu.memory_space<vmem_shared>> -> memref<10240x80xf32, #tpu.memory_space<vmem_shared>>
      tpu.enqueue_indirect_dma source(%arg18 : memref<128x80xf32, #tpu.memory_space<vmem>>) target(%dma_start3A_201 : memref<10240x80xf32, #tpu.memory_space<vmem_shared>>) offsets(%dma_start3A_198 : memref<128xi32, #tpu.memory_space<vmem>>) semaphore(%arg23 : memref<!tpu.dma_semaphore, #tpu.memory_space<semaphore_mem>>) {add = true}
    }
    %scan3A_91 = arith.constant 41 : i32
    %dma_wait3A_92 = arith.constant 80 : i32
    %dma_wait3A_93 = arith.constant 0 : i32
    %dma_wait3A_94 = tpu.memref_slice %arg10[%dma_wait3A_92, %dma_wait3A_93] : memref<82x128xi32, #tpu.memory_space<vmem>> -> memref<1x128xi32, #tpu.memory_space<vmem>>
    %dma_wait3A_95 = tpu.memref_squeeze %dma_wait3A_94 : memref<1x128xi32, #tpu.memory_space<vmem>> -> memref<128xi32, #tpu.memory_space<vmem>>
    %dma_wait3A_96 = arith.constant 0 : i32
    %dma_wait3A_97 = arith.constant 0 : i32
    %dma_wait3A_98 = tpu.memref_slice %arg19[%dma_wait3A_96, %dma_wait3A_97] : memref<10240x80xf32, #tpu.memory_space<vmem_shared>> -> memref<10240x80xf32, #tpu.memory_space<vmem_shared>>
    tpu.wait_indirect_dma semaphore(%arg22 : memref<!tpu.dma_semaphore, #tpu.memory_space<semaphore_mem>>) src(%arg17 : memref<128x80xf32, #tpu.memory_space<vmem>>) dst(%dma_wait3A_98 : memref<10240x80xf32, #tpu.memory_space<vmem_shared>>)
    %dma_wait3A_99 = arith.constant 81 : i32
    %dma_wait3A_100 = arith.constant 0 : i32
    %dma_wait3A_101 = tpu.memref_slice %arg10[%dma_wait3A_99, %dma_wait3A_100] : memref<82x128xi32, #tpu.memory_space<vmem>> -> memref<1x128xi32, #tpu.memory_space<vmem>>
    %dma_wait3A_102 = tpu.memref_squeeze %dma_wait3A_101 : memref<1x128xi32, #tpu.memory_space<vmem>> -> memref<128xi32, #tpu.memory_space<vmem>>
    %dma_wait3A_103 = arith.constant 0 : i32
    %dma_wait3A_104 = arith.constant 0 : i32
    %dma_wait3A_105 = tpu.memref_slice %arg19[%dma_wait3A_103, %dma_wait3A_104] : memref<10240x80xf32, #tpu.memory_space<vmem_shared>> -> memref<10240x80xf32, #tpu.memory_space<vmem_shared>>
    tpu.wait_indirect_dma semaphore(%arg23 : memref<!tpu.dma_semaphore, #tpu.memory_space<semaphore_mem>>) src(%arg18 : memref<128x80xf32, #tpu.memory_space<vmem>>) dst(%dma_wait3A_105 : memref<10240x80xf32, #tpu.memory_space<vmem_shared>>)
    %barrier3A_106 = arith.constant 0 : index
    tpu.barrier barrier_id(%barrier3A_106)
    %add3A_107 = arith.constant 10240 : i32
    %add3A_108 = arith.addi %add3A_107, %mul3A_2 : i32
    "tpu.region"() ({
      %run_scoped3A = tpu.sem_alloc : memref<!tpu.dma_semaphore, #tpu.memory_space<semaphore_mem>>
      %dma_start3A_109 = arith.constant 0 : i32
      %dma_start3A_110 = tpu.memref_slice %arg8[%arg0, %add3A_108, %dma_start3A_109] : memref<2x20480x80xf32, #tpu.memory_space<hbm>> -> memref<1x640x80xf32, #tpu.memory_space<hbm>>
      %dma_start3A_111 = tpu.memref_squeeze %dma_start3A_110 : memref<1x640x80xf32, #tpu.memory_space<hbm>> -> memref<640x80xf32, #tpu.memory_space<hbm>>
      %dma_start3A_112 = arith.constant 0 : i32
      %dma_start3A_113 = tpu.memref_slice %arg19[%mul3A_2, %dma_start3A_112] : memref<10240x80xf32, #tpu.memory_space<vmem_shared>> -> memref<640x80xf32, #tpu.memory_space<vmem_shared>>
      tpu.enqueue_dma source(%dma_start3A_113 : memref<640x80xf32, #tpu.memory_space<vmem_shared>>) target(%dma_start3A_111 : memref<640x80xf32, #tpu.memory_space<hbm>>) target_semaphore(%run_scoped3A : memref<!tpu.dma_semaphore, #tpu.memory_space<semaphore_mem>>)
      %dma_wait3A_114 = arith.constant 0 : i32
      %dma_wait3A_115 = tpu.memref_slice %arg8[%arg0, %add3A_108, %dma_wait3A_114] : memref<2x20480x80xf32, #tpu.memory_space<hbm>> -> memref<1x640x80xf32, #tpu.memory_space<hbm>>
      %dma_wait3A_116 = tpu.memref_squeeze %dma_wait3A_115 : memref<1x640x80xf32, #tpu.memory_space<hbm>> -> memref<640x80xf32, #tpu.memory_space<hbm>>
      %dma_wait3A_117 = arith.constant 0 : i32
      %dma_wait3A_118 = tpu.memref_slice %arg19[%mul3A_2, %dma_wait3A_117] : memref<10240x80xf32, #tpu.memory_space<vmem_shared>> -> memref<640x80xf32, #tpu.memory_space<vmem_shared>>
      tpu.wait_dma2 semaphore(%run_scoped3A : memref<!tpu.dma_semaphore, #tpu.memory_space<semaphore_mem>>) src(%dma_wait3A_118 : memref<640x80xf32, #tpu.memory_space<vmem_shared>>) dst(%dma_wait3A_116 : memref<640x80xf32, #tpu.memory_space<hbm>>)
      tpu.yield
    }) : () -> ()
    return
  }
}

#map = affine_map<(d0, d1) -> (0, 0)>
#map1 = affine_map<(d0, d1) -> (0, 0, 0)>
module attributes {stable_mosaic.version = 14 : i64} {
  func.func @_edge_pass2(%arg0: i32, %arg1: i32, %arg2: memref<10240x32xf32, #tpu.memory_space<hbm>>, %arg3: memref<10240x16xf32, #tpu.memory_space<hbm>>, %arg4: memref<2624x128xi32, #tpu.memory_space<hbm>>, %arg5: memref<2624x128xi32, #tpu.memory_space<hbm>>, %arg6: memref<2x10240x32xf32, #tpu.memory_space<hbm>>, %arg7: memref<82x128xi32, #tpu.memory_space<vmem>>, %arg8: memref<82x128xi32, #tpu.memory_space<vmem>>, %arg9: memref<128x32xf32, #tpu.memory_space<vmem>>, %arg10: memref<128x32xf32, #tpu.memory_space<vmem>>, %arg11: memref<128x16xf32, #tpu.memory_space<vmem>>, %arg12: memref<128x16xf32, #tpu.memory_space<vmem>>, %arg13: memref<128x32xf32, #tpu.memory_space<vmem>>, %arg14: memref<128x32xf32, #tpu.memory_space<vmem>>, %arg15: memref<10240x32xf32, #tpu.memory_space<vmem_shared>>, %arg16: memref<!tpu.dma_semaphore, #tpu.memory_space<semaphore_mem>>, %arg17: memref<!tpu.dma_semaphore, #tpu.memory_space<semaphore_mem>>, %arg18: memref<!tpu.dma_semaphore, #tpu.memory_space<semaphore_mem>>, %arg19: memref<!tpu.dma_semaphore, #tpu.memory_space<semaphore_mem>>) attributes {dimension_semantics = [#tpu.dimension_semantics<core_parallel>, #tpu.dimension_semantics<subcore_parallel>], iteration_bounds = array<i64: 2, 16>, scalar_prefetch = 0 : i64, scratch_operands = 13 : i64, tpu.core_type = #tpu.core_type<sc_vector_subcore>, window_params = [{transform_indices = #map}, {transform_indices = #map}, {transform_indices = #map}, {transform_indices = #map}, {transform_indices = #map1}]} {
    %mul3A = arith.constant 16 : i32
    %mul3A_0 = arith.muli %arg0, %mul3A : i32
    %add3A = arith.addi %mul3A_0, %arg1 : i32
    %mul3A_1 = arith.constant 640 : i32
    %mul3A_2 = arith.muli %arg1, %mul3A_1 : i32
    %mul3A_3 = arith.constant 82 : i32
    %mul3A_4 = arith.muli %add3A, %mul3A_3 : i32
    "tpu.region"() ({
      %run_scoped3A = tpu.sem_alloc : memref<!tpu.dma_semaphore, #tpu.memory_space<semaphore_mem>>
      %dma_start3A_46 = arith.constant 0 : i32
      %dma_start3A_47 = arith.constant 0 : i32
      %dma_start3A_48 = tpu.memref_slice %arg7[%dma_start3A_46, %dma_start3A_47] : memref<82x128xi32, #tpu.memory_space<vmem>> -> memref<82x128xi32, #tpu.memory_space<vmem>>
      %dma_start3A_49 = arith.constant 0 : i32
      %dma_start3A_50 = tpu.memref_slice %arg4[%mul3A_4, %dma_start3A_49] : memref<2624x128xi32, #tpu.memory_space<hbm>> -> memref<82x128xi32, #tpu.memory_space<hbm>>
      %dma_start3A_51 = arith.constant 0 : i32
      %dma_start3A_52 = arith.constant 0 : i32
      %dma_start3A_53 = tpu.memref_slice %arg7[%dma_start3A_51, %dma_start3A_52] : memref<82x128xi32, #tpu.memory_space<vmem>> -> memref<82x128xi32, #tpu.memory_space<vmem>>
      %dma_start3A_54 = arith.constant 0 : i32
      %dma_start3A_55 = tpu.memref_slice %arg4[%mul3A_4, %dma_start3A_54] : memref<2624x128xi32, #tpu.memory_space<hbm>> -> memref<82x128xi32, #tpu.memory_space<hbm>>
      tpu.enqueue_dma source(%dma_start3A_55 : memref<82x128xi32, #tpu.memory_space<hbm>>) target(%dma_start3A_53 : memref<82x128xi32, #tpu.memory_space<vmem>>) target_semaphore(%run_scoped3A : memref<!tpu.dma_semaphore, #tpu.memory_space<semaphore_mem>>)
      %dma_wait3A_56 = arith.constant 0 : i32
      %dma_wait3A_57 = arith.constant 0 : i32
      %dma_wait3A_58 = tpu.memref_slice %arg7[%dma_wait3A_56, %dma_wait3A_57] : memref<82x128xi32, #tpu.memory_space<vmem>> -> memref<82x128xi32, #tpu.memory_space<vmem>>
      %dma_wait3A_59 = arith.constant 0 : i32
      %dma_wait3A_60 = tpu.memref_slice %arg4[%mul3A_4, %dma_wait3A_59] : memref<2624x128xi32, #tpu.memory_space<hbm>> -> memref<82x128xi32, #tpu.memory_space<hbm>>
      %dma_wait3A_61 = arith.constant 0 : i32
      %dma_wait3A_62 = arith.constant 0 : i32
      %dma_wait3A_63 = tpu.memref_slice %arg7[%dma_wait3A_61, %dma_wait3A_62] : memref<82x128xi32, #tpu.memory_space<vmem>> -> memref<82x128xi32, #tpu.memory_space<vmem>>
      %dma_wait3A_64 = arith.constant 0 : i32
      %dma_wait3A_65 = tpu.memref_slice %arg4[%mul3A_4, %dma_wait3A_64] : memref<2624x128xi32, #tpu.memory_space<hbm>> -> memref<82x128xi32, #tpu.memory_space<hbm>>
      tpu.wait_dma2 semaphore(%run_scoped3A : memref<!tpu.dma_semaphore, #tpu.memory_space<semaphore_mem>>) src(%dma_wait3A_65 : memref<82x128xi32, #tpu.memory_space<hbm>>) dst(%dma_wait3A_63 : memref<82x128xi32, #tpu.memory_space<vmem>>)
      tpu.yield
    }) : () -> ()
    "tpu.region"() ({
      %run_scoped3A = tpu.sem_alloc : memref<!tpu.dma_semaphore, #tpu.memory_space<semaphore_mem>>
      %dma_start3A_46 = arith.constant 0 : i32
      %dma_start3A_47 = arith.constant 0 : i32
      %dma_start3A_48 = tpu.memref_slice %arg8[%dma_start3A_46, %dma_start3A_47] : memref<82x128xi32, #tpu.memory_space<vmem>> -> memref<82x128xi32, #tpu.memory_space<vmem>>
      %dma_start3A_49 = arith.constant 0 : i32
      %dma_start3A_50 = tpu.memref_slice %arg5[%mul3A_4, %dma_start3A_49] : memref<2624x128xi32, #tpu.memory_space<hbm>> -> memref<82x128xi32, #tpu.memory_space<hbm>>
      %dma_start3A_51 = arith.constant 0 : i32
      %dma_start3A_52 = arith.constant 0 : i32
      %dma_start3A_53 = tpu.memref_slice %arg8[%dma_start3A_51, %dma_start3A_52] : memref<82x128xi32, #tpu.memory_space<vmem>> -> memref<82x128xi32, #tpu.memory_space<vmem>>
      %dma_start3A_54 = arith.constant 0 : i32
      %dma_start3A_55 = tpu.memref_slice %arg5[%mul3A_4, %dma_start3A_54] : memref<2624x128xi32, #tpu.memory_space<hbm>> -> memref<82x128xi32, #tpu.memory_space<hbm>>
      tpu.enqueue_dma source(%dma_start3A_55 : memref<82x128xi32, #tpu.memory_space<hbm>>) target(%dma_start3A_53 : memref<82x128xi32, #tpu.memory_space<vmem>>) target_semaphore(%run_scoped3A : memref<!tpu.dma_semaphore, #tpu.memory_space<semaphore_mem>>)
      %dma_wait3A_56 = arith.constant 0 : i32
      %dma_wait3A_57 = arith.constant 0 : i32
      %dma_wait3A_58 = tpu.memref_slice %arg8[%dma_wait3A_56, %dma_wait3A_57] : memref<82x128xi32, #tpu.memory_space<vmem>> -> memref<82x128xi32, #tpu.memory_space<vmem>>
      %dma_wait3A_59 = arith.constant 0 : i32
      %dma_wait3A_60 = tpu.memref_slice %arg5[%mul3A_4, %dma_wait3A_59] : memref<2624x128xi32, #tpu.memory_space<hbm>> -> memref<82x128xi32, #tpu.memory_space<hbm>>
      %dma_wait3A_61 = arith.constant 0 : i32
      %dma_wait3A_62 = arith.constant 0 : i32
      %dma_wait3A_63 = tpu.memref_slice %arg8[%dma_wait3A_61, %dma_wait3A_62] : memref<82x128xi32, #tpu.memory_space<vmem>> -> memref<82x128xi32, #tpu.memory_space<vmem>>
      %dma_wait3A_64 = arith.constant 0 : i32
      %dma_wait3A_65 = tpu.memref_slice %arg5[%mul3A_4, %dma_wait3A_64] : memref<2624x128xi32, #tpu.memory_space<hbm>> -> memref<82x128xi32, #tpu.memory_space<hbm>>
      tpu.wait_dma2 semaphore(%run_scoped3A : memref<!tpu.dma_semaphore, #tpu.memory_space<semaphore_mem>>) src(%dma_wait3A_65 : memref<82x128xi32, #tpu.memory_space<hbm>>) dst(%dma_wait3A_63 : memref<82x128xi32, #tpu.memory_space<vmem>>)
      tpu.yield
    }) : () -> ()
    %scan3A = arith.constant 0 : i32
    %scan3A_5 = arith.constant 128 : i32
    %scan3A_6 = arith.addi %scan3A, %scan3A_5 : i32
    %scan3A_7 = arith.constant 1 : i32
    scf.for %scan3A_46 = %scan3A to %scan3A_6 step %scan3A_7  : i32 {
      %broadcast_in_dim3A = arith.constant 0.000000e+00 : f32
      %broadcast_in_dim3A_47 = vector.broadcast %broadcast_in_dim3A : f32 to vector<16xf32>
      %swap3A = arith.index_cast %scan3A_46 : i32 to index
      %swap3A_48 = arith.constant 0 : index
      %swap3A_49 = tpu.vector_load %arg13[%swap3A, %swap3A_48] {strides = array<i32>} : memref<128x32xf32, #tpu.memory_space<vmem>>, vector<1x16xf32>,
      %swap3A_50 = vector.shape_cast %swap3A_49 : vector<1x16xf32> to vector<16xf32>
      %swap3A_51 = vector.shape_cast %broadcast_in_dim3A_47 : vector<16xf32> to vector<1x16xf32>
      tpu.vector_store %arg13[%swap3A, %swap3A_48], %swap3A_51 {strides = array<i32>} : memref<128x32xf32, #tpu.memory_space<vmem>>, vector<1x16xf32>,
      %broadcast_in_dim3A_52 = arith.constant 0.000000e+00 : f32
      %broadcast_in_dim3A_53 = vector.broadcast %broadcast_in_dim3A_52 : f32 to vector<16xf32>
      %swap3A_54 = arith.index_cast %scan3A_46 : i32 to index
      %swap3A_55 = arith.constant 16 : index
      %swap3A_56 = tpu.vector_load %arg13[%swap3A_54, %swap3A_55] {strides = array<i32>} : memref<128x32xf32, #tpu.memory_space<vmem>>, vector<1x16xf32>,
      %swap3A_57 = vector.shape_cast %swap3A_56 : vector<1x16xf32> to vector<16xf32>
      %swap3A_58 = vector.shape_cast %broadcast_in_dim3A_53 : vector<16xf32> to vector<1x16xf32>
      tpu.vector_store %arg13[%swap3A_54, %swap3A_55], %swap3A_58 {strides = array<i32>} : memref<128x32xf32, #tpu.memory_space<vmem>>, vector<1x16xf32>,
    }
    %scan3A_8 = arith.constant 128 : i32
    %scan3A_9 = arith.constant 0 : i32
    %scan3A_10 = arith.constant 5 : i32
    %scan3A_11 = arith.addi %scan3A_9, %scan3A_10 : i32
    %scan3A_12 = arith.constant 1 : i32
    scf.for %scan3A_46 = %scan3A_9 to %scan3A_11 step %scan3A_12  : i32 {
      %mul3A_47 = arith.constant 128 : i32
      %mul3A_48 = arith.muli %scan3A_46, %mul3A_47 : i32
      %add3A_49 = arith.addi %mul3A_2, %mul3A_48 : i32
      "tpu.region"() ({
        %run_scoped3A = tpu.sem_alloc : memref<!tpu.dma_semaphore, #tpu.memory_space<semaphore_mem>>
        %dma_start3A_50 = arith.constant 0 : i32
        %dma_start3A_51 = tpu.memref_slice %arg15[%add3A_49, %dma_start3A_50] : memref<10240x32xf32, #tpu.memory_space<vmem_shared>> -> memref<128x32xf32, #tpu.memory_space<vmem_shared>>
        %dma_start3A_52 = arith.constant 0 : i32
        %dma_start3A_53 = tpu.memref_slice %arg15[%add3A_49, %dma_start3A_52] : memref<10240x32xf32, #tpu.memory_space<vmem_shared>> -> memref<128x32xf32, #tpu.memory_space<vmem_shared>>
        tpu.enqueue_dma source(%arg13 : memref<128x32xf32, #tpu.memory_space<vmem>>) target(%dma_start3A_53 : memref<128x32xf32, #tpu.memory_space<vmem_shared>>) target_semaphore(%run_scoped3A : memref<!tpu.dma_semaphore, #tpu.memory_space<semaphore_mem>>)
        %dma_wait3A_54 = arith.constant 0 : i32
        %dma_wait3A_55 = tpu.memref_slice %arg15[%add3A_49, %dma_wait3A_54] : memref<10240x32xf32, #tpu.memory_space<vmem_shared>> -> memref<128x32xf32, #tpu.memory_space<vmem_shared>>
        %dma_wait3A_56 = arith.constant 0 : i32
        %dma_wait3A_57 = tpu.memref_slice %arg15[%add3A_49, %dma_wait3A_56] : memref<10240x32xf32, #tpu.memory_space<vmem_shared>> -> memref<128x32xf32, #tpu.memory_space<vmem_shared>>
        tpu.wait_dma2 semaphore(%run_scoped3A : memref<!tpu.dma_semaphore, #tpu.memory_space<semaphore_mem>>) src(%arg13 : memref<128x32xf32, #tpu.memory_space<vmem>>) dst(%dma_wait3A_57 : memref<128x32xf32, #tpu.memory_space<vmem_shared>>)
        tpu.yield
      }) : () -> ()
    }
    %scan3A_13 = arith.constant 5 : i32
    %barrier3A = arith.constant 0 : index
    tpu.barrier barrier_id(%barrier3A)
    %dma_start3A = arith.constant 0 : i32
    %dma_start3A_14 = arith.constant 0 : i32
    %dma_start3A_15 = tpu.memref_slice %arg7[%dma_start3A, %dma_start3A_14] : memref<82x128xi32, #tpu.memory_space<vmem>> -> memref<1x128xi32, #tpu.memory_space<vmem>>
    %dma_start3A_16 = tpu.memref_squeeze %dma_start3A_15 : memref<1x128xi32, #tpu.memory_space<vmem>> -> memref<128xi32, #tpu.memory_space<vmem>>
    %dma_start3A_17 = arith.constant 0 : i32
    %dma_start3A_18 = arith.constant 0 : i32
    %dma_start3A_19 = tpu.memref_slice %arg2[%dma_start3A_17, %dma_start3A_18] : memref<10240x32xf32, #tpu.memory_space<hbm>> -> memref<10240x32xf32, #tpu.memory_space<hbm>>
    tpu.enqueue_indirect_dma source(%dma_start3A_19 : memref<10240x32xf32, #tpu.memory_space<hbm>>) target(%arg9 : memref<128x32xf32, #tpu.memory_space<vmem>>) offsets(%dma_start3A_16 : memref<128xi32, #tpu.memory_space<vmem>>) semaphore(%arg16 : memref<!tpu.dma_semaphore, #tpu.memory_space<semaphore_mem>>)
    %dma_start3A_20 = arith.constant 0 : i32
    %dma_start3A_21 = arith.constant 0 : i32
    %dma_start3A_22 = tpu.memref_slice %arg8[%dma_start3A_20, %dma_start3A_21] : memref<82x128xi32, #tpu.memory_space<vmem>> -> memref<1x128xi32, #tpu.memory_space<vmem>>
    %dma_start3A_23 = tpu.memref_squeeze %dma_start3A_22 : memref<1x128xi32, #tpu.memory_space<vmem>> -> memref<128xi32, #tpu.memory_space<vmem>>
    %dma_start3A_24 = arith.constant 0 : i32
    %dma_start3A_25 = arith.constant 0 : i32
    %dma_start3A_26 = tpu.memref_slice %arg3[%dma_start3A_24, %dma_start3A_25] : memref<10240x16xf32, #tpu.memory_space<hbm>> -> memref<10240x16xf32, #tpu.memory_space<hbm>>
    tpu.enqueue_indirect_dma source(%dma_start3A_26 : memref<10240x16xf32, #tpu.memory_space<hbm>>) target(%arg11 : memref<128x16xf32, #tpu.memory_space<vmem>>) offsets(%dma_start3A_23 : memref<128xi32, #tpu.memory_space<vmem>>) semaphore(%arg16 : memref<!tpu.dma_semaphore, #tpu.memory_space<semaphore_mem>>)
    %scan3A_27 = arith.constant 0 : i32
    %scan3A_28 = arith.constant 41 : i32
    %scan3A_29 = arith.addi %scan3A_27, %scan3A_28 : i32
    %scan3A_30 = arith.constant 1 : i32
    scf.for %scan3A_46 = %scan3A_27 to %scan3A_29 step %scan3A_30  : i32 {
      %mul3A_47 = arith.constant 2 : i32
      %mul3A_48 = arith.muli %mul3A_47, %scan3A_46 : i32
      %add3A_49 = arith.constant 1 : i32
      %add3A_50 = arith.addi %mul3A_48, %add3A_49 : i32
      %dma_start3A_51 = arith.constant 0 : i32
      %dma_start3A_52 = tpu.memref_slice %arg7[%add3A_50, %dma_start3A_51] : memref<82x128xi32, #tpu.memory_space<vmem>> -> memref<1x128xi32, #tpu.memory_space<vmem>>
      %dma_start3A_53 = tpu.memref_squeeze %dma_start3A_52 : memref<1x128xi32, #tpu.memory_space<vmem>> -> memref<128xi32, #tpu.memory_space<vmem>>
      %dma_start3A_54 = arith.constant 0 : i32
      %dma_start3A_55 = arith.constant 0 : i32
      %dma_start3A_56 = tpu.memref_slice %arg2[%dma_start3A_54, %dma_start3A_55] : memref<10240x32xf32, #tpu.memory_space<hbm>> -> memref<10240x32xf32, #tpu.memory_space<hbm>>
      tpu.enqueue_indirect_dma source(%dma_start3A_56 : memref<10240x32xf32, #tpu.memory_space<hbm>>) target(%arg10 : memref<128x32xf32, #tpu.memory_space<vmem>>) offsets(%dma_start3A_53 : memref<128xi32, #tpu.memory_space<vmem>>) semaphore(%arg17 : memref<!tpu.dma_semaphore, #tpu.memory_space<semaphore_mem>>)
      %dma_start3A_57 = arith.constant 0 : i32
      %dma_start3A_58 = tpu.memref_slice %arg8[%add3A_50, %dma_start3A_57] : memref<82x128xi32, #tpu.memory_space<vmem>> -> memref<1x128xi32, #tpu.memory_space<vmem>>
      %dma_start3A_59 = tpu.memref_squeeze %dma_start3A_58 : memref<1x128xi32, #tpu.memory_space<vmem>> -> memref<128xi32, #tpu.memory_space<vmem>>
      %dma_start3A_60 = arith.constant 0 : i32
      %dma_start3A_61 = arith.constant 0 : i32
      %dma_start3A_62 = tpu.memref_slice %arg3[%dma_start3A_60, %dma_start3A_61] : memref<10240x16xf32, #tpu.memory_space<hbm>> -> memref<10240x16xf32, #tpu.memory_space<hbm>>
      tpu.enqueue_indirect_dma source(%dma_start3A_62 : memref<10240x16xf32, #tpu.memory_space<hbm>>) target(%arg12 : memref<128x16xf32, #tpu.memory_space<vmem>>) offsets(%dma_start3A_59 : memref<128xi32, #tpu.memory_space<vmem>>) semaphore(%arg17 : memref<!tpu.dma_semaphore, #tpu.memory_space<semaphore_mem>>)
      %mul3A_63 = arith.constant 2 : i32
      %mul3A_64 = arith.muli %mul3A_63, %scan3A_46 : i32
      %ge3A = arith.constant 1 : i32
      %ge3A_65 = arith.cmpi sge, %scan3A_46, %ge3A : i32
      %dma_wait3A_66 = arith.constant 0 : i32
      %dma_wait3A_67 = tpu.memref_slice %arg7[%mul3A_64, %dma_wait3A_66] : memref<82x128xi32, #tpu.memory_space<vmem>> -> memref<1x128xi32, #tpu.memory_space<vmem>>
      %dma_wait3A_68 = tpu.memref_squeeze %dma_wait3A_67 : memref<1x128xi32, #tpu.memory_space<vmem>> -> memref<128xi32, #tpu.memory_space<vmem>>
      %dma_wait3A_69 = arith.constant 0 : i32
      %dma_wait3A_70 = arith.constant 0 : i32
      %dma_wait3A_71 = tpu.memref_slice %arg2[%dma_wait3A_69, %dma_wait3A_70] : memref<10240x32xf32, #tpu.memory_space<hbm>> -> memref<10240x32xf32, #tpu.memory_space<hbm>>
      tpu.wait_indirect_dma semaphore(%arg16 : memref<!tpu.dma_semaphore, #tpu.memory_space<semaphore_mem>>) src(%dma_wait3A_71 : memref<10240x32xf32, #tpu.memory_space<hbm>>) dst(%arg9 : memref<128x32xf32, #tpu.memory_space<vmem>>)
      %dma_wait3A_72 = arith.constant 0 : i32
      %dma_wait3A_73 = tpu.memref_slice %arg8[%mul3A_64, %dma_wait3A_72] : memref<82x128xi32, #tpu.memory_space<vmem>> -> memref<1x128xi32, #tpu.memory_space<vmem>>
      %dma_wait3A_74 = tpu.memref_squeeze %dma_wait3A_73 : memref<1x128xi32, #tpu.memory_space<vmem>> -> memref<128xi32, #tpu.memory_space<vmem>>
      %dma_wait3A_75 = arith.constant 0 : i32
      %dma_wait3A_76 = arith.constant 0 : i32
      %dma_wait3A_77 = tpu.memref_slice %arg3[%dma_wait3A_75, %dma_wait3A_76] : memref<10240x16xf32, #tpu.memory_space<hbm>> -> memref<10240x16xf32, #tpu.memory_space<hbm>>
      tpu.wait_indirect_dma semaphore(%arg16 : memref<!tpu.dma_semaphore, #tpu.memory_space<semaphore_mem>>) src(%dma_wait3A_77 : memref<10240x16xf32, #tpu.memory_space<hbm>>) dst(%arg11 : memref<128x16xf32, #tpu.memory_space<vmem>>)
      %convert_element_type3A = arith.extui %ge3A_65 : i1 to i32
      %cond3A = arith.constant 0 : i32
      %cond3A_78 = arith.cmpi ne, %convert_element_type3A, %cond3A : i32
      scf.if %cond3A_78 {
        %dma_wait3A_121 = arith.constant 0 : i32
        %dma_wait3A_122 = tpu.memref_slice %arg8[%mul3A_64, %dma_wait3A_121] : memref<82x128xi32, #tpu.memory_space<vmem>> -> memref<1x128xi32, #tpu.memory_space<vmem>>
        %dma_wait3A_123 = tpu.memref_squeeze %dma_wait3A_122 : memref<1x128xi32, #tpu.memory_space<vmem>> -> memref<128xi32, #tpu.memory_space<vmem>>
        %dma_wait3A_124 = arith.constant 0 : i32
        %dma_wait3A_125 = arith.constant 0 : i32
        %dma_wait3A_126 = tpu.memref_slice %arg15[%dma_wait3A_124, %dma_wait3A_125] : memref<10240x32xf32, #tpu.memory_space<vmem_shared>> -> memref<10240x32xf32, #tpu.memory_space<vmem_shared>>
        tpu.wait_indirect_dma semaphore(%arg18 : memref<!tpu.dma_semaphore, #tpu.memory_space<semaphore_mem>>) src(%arg13 : memref<128x32xf32, #tpu.memory_space<vmem>>) dst(%dma_wait3A_126 : memref<10240x32xf32, #tpu.memory_space<vmem_shared>>)
      } else {
      }
      %parallel_loop3A = arith.constant 0 : i32
      %parallel_loop3A_79 = arith.constant 128 : i32
      %parallel_loop3A_80 = arith.constant 1 : i32
      scf.for %parallel_loop3A_121 = %parallel_loop3A to %parallel_loop3A_79 step %parallel_loop3A_80  : i32 {
        %parallel_loop3A_122 = arith.index_cast %parallel_loop3A_121 : i32 to index
        %parallel_loop3A_123 = arith.constant 16 : index
        %parallel_loop3A_124 = tpu.vector_load %arg9[%parallel_loop3A_122, %parallel_loop3A_123] {strides = array<i32>} : memref<128x32xf32, #tpu.memory_space<vmem>>, vector<1x16xf32>,
        %parallel_loop3A_125 = vector.shape_cast %parallel_loop3A_124 : vector<1x16xf32> to vector<16xf32>
        %parallel_loop3A_126 = arith.index_cast %parallel_loop3A_121 : i32 to index
        %parallel_loop3A_127 = arith.constant 0 : index
        %parallel_loop3A_128 = tpu.vector_load %arg11[%parallel_loop3A_126, %parallel_loop3A_127] {strides = array<i32>} : memref<128x16xf32, #tpu.memory_space<vmem>>, vector<1x16xf32>,
        %parallel_loop3A_129 = vector.shape_cast %parallel_loop3A_128 : vector<1x16xf32> to vector<16xf32>
        %parallel_loop3A_130 = arith.addf %parallel_loop3A_125, %parallel_loop3A_129 : vector<16xf32>
        %parallel_loop3A_131 = arith.constant 2.000000e-01 : f32
        %parallel_loop3A_132 = vector.broadcast %parallel_loop3A_131 : f32 to vector<16xf32>
        %parallel_loop3A_133 = arith.mulf %parallel_loop3A_132, %parallel_loop3A_130 : vector<16xf32>
        %parallel_loop3A_134 = arith.maximumf %parallel_loop3A_130, %parallel_loop3A_133 : vector<16xf32>
        %parallel_loop3A_135 = math.exp %parallel_loop3A_134 : vector<16xf32>
        %parallel_loop3A_136 = arith.index_cast %parallel_loop3A_121 : i32 to index
        %parallel_loop3A_137 = arith.constant 16 : index
        %parallel_loop3A_138 = tpu.vector_load %arg13[%parallel_loop3A_136, %parallel_loop3A_137] {strides = array<i32>} : memref<128x32xf32, #tpu.memory_space<vmem>>, vector<1x16xf32>,
        %parallel_loop3A_139 = vector.shape_cast %parallel_loop3A_138 : vector<1x16xf32> to vector<16xf32>
        %parallel_loop3A_140 = vector.shape_cast %parallel_loop3A_135 : vector<16xf32> to vector<1x16xf32>
        tpu.vector_store %arg13[%parallel_loop3A_136, %parallel_loop3A_137], %parallel_loop3A_140 {strides = array<i32>} : memref<128x32xf32, #tpu.memory_space<vmem>>, vector<1x16xf32>,
        %parallel_loop3A_141 = arith.index_cast %parallel_loop3A_121 : i32 to index
        %parallel_loop3A_142 = arith.constant 0 : index
        %parallel_loop3A_143 = tpu.vector_load %arg9[%parallel_loop3A_141, %parallel_loop3A_142] {strides = array<i32>} : memref<128x32xf32, #tpu.memory_space<vmem>>, vector<1x16xf32>,
        %parallel_loop3A_144 = vector.shape_cast %parallel_loop3A_143 : vector<1x16xf32> to vector<16xf32>
        %parallel_loop3A_145 = vector.extract_strided_slice %parallel_loop3A_135 {offsets = [0], sizes = [1], strides = [1]} : vector<16xf32> to vector<1xf32>
        %parallel_loop3A_146 = vector.extract %parallel_loop3A_145[0] : f32 from vector<1xf32>
        %parallel_loop3A_147 = vector.broadcast %parallel_loop3A_146 : f32 to vector<16xf32>
        %parallel_loop3A_148 = arith.mulf %parallel_loop3A_144, %parallel_loop3A_147 : vector<16xf32>
        %parallel_loop3A_149 = arith.index_cast %parallel_loop3A_121 : i32 to index
        %parallel_loop3A_150 = arith.constant 0 : index
        %parallel_loop3A_151 = tpu.vector_load %arg13[%parallel_loop3A_149, %parallel_loop3A_150] {strides = array<i32>} : memref<128x32xf32, #tpu.memory_space<vmem>>, vector<1x16xf32>,
        %parallel_loop3A_152 = vector.shape_cast %parallel_loop3A_151 : vector<1x16xf32> to vector<16xf32>
        %parallel_loop3A_153 = vector.shape_cast %parallel_loop3A_148 : vector<16xf32> to vector<1x16xf32>
        tpu.vector_store %arg13[%parallel_loop3A_149, %parallel_loop3A_150], %parallel_loop3A_153 {strides = array<i32>} : memref<128x32xf32, #tpu.memory_space<vmem>>, vector<1x16xf32>,
      } {sc.loop_unroll_factor = 8 : i64, sc.parallel_access}
      %dma_start3A_81 = arith.constant 0 : i32
      %dma_start3A_82 = tpu.memref_slice %arg8[%mul3A_64, %dma_start3A_81] : memref<82x128xi32, #tpu.memory_space<vmem>> -> memref<1x128xi32, #tpu.memory_space<vmem>>
      %dma_start3A_83 = tpu.memref_squeeze %dma_start3A_82 : memref<1x128xi32, #tpu.memory_space<vmem>> -> memref<128xi32, #tpu.memory_space<vmem>>
      %dma_start3A_84 = arith.constant 0 : i32
      %dma_start3A_85 = arith.constant 0 : i32
      %dma_start3A_86 = tpu.memref_slice %arg15[%dma_start3A_84, %dma_start3A_85] : memref<10240x32xf32, #tpu.memory_space<vmem_shared>> -> memref<10240x32xf32, #tpu.memory_space<vmem_shared>>
      tpu.enqueue_indirect_dma source(%arg13 : memref<128x32xf32, #tpu.memory_space<vmem>>) target(%dma_start3A_86 : memref<10240x32xf32, #tpu.memory_space<vmem_shared>>) offsets(%dma_start3A_83 : memref<128xi32, #tpu.memory_space<vmem>>) semaphore(%arg18 : memref<!tpu.dma_semaphore, #tpu.memory_space<semaphore_mem>>) {add = true}
      %lt3A = arith.constant 40 : i32
      %lt3A_87 = arith.cmpi slt, %scan3A_46, %lt3A : i32
      %convert_element_type3A_88 = arith.extui %lt3A_87 : i1 to i32
      %cond3A_89 = arith.constant 0 : i32
      %cond3A_90 = arith.cmpi ne, %convert_element_type3A_88, %cond3A_89 : i32
      scf.if %cond3A_90 {
        %mul3A_121 = arith.constant 2 : i32
        %mul3A_122 = arith.muli %mul3A_121, %scan3A_46 : i32
        %add3A_123 = arith.constant 2 : i32
        %add3A_124 = arith.addi %mul3A_122, %add3A_123 : i32
        %dma_start3A_125 = arith.constant 0 : i32
        %dma_start3A_126 = tpu.memref_slice %arg7[%add3A_124, %dma_start3A_125] : memref<82x128xi32, #tpu.memory_space<vmem>> -> memref<1x128xi32, #tpu.memory_space<vmem>>
        %dma_start3A_127 = tpu.memref_squeeze %dma_start3A_126 : memref<1x128xi32, #tpu.memory_space<vmem>> -> memref<128xi32, #tpu.memory_space<vmem>>
        %dma_start3A_128 = arith.constant 0 : i32
        %dma_start3A_129 = arith.constant 0 : i32
        %dma_start3A_130 = tpu.memref_slice %arg2[%dma_start3A_128, %dma_start3A_129] : memref<10240x32xf32, #tpu.memory_space<hbm>> -> memref<10240x32xf32, #tpu.memory_space<hbm>>
        tpu.enqueue_indirect_dma source(%dma_start3A_130 : memref<10240x32xf32, #tpu.memory_space<hbm>>) target(%arg9 : memref<128x32xf32, #tpu.memory_space<vmem>>) offsets(%dma_start3A_127 : memref<128xi32, #tpu.memory_space<vmem>>) semaphore(%arg16 : memref<!tpu.dma_semaphore, #tpu.memory_space<semaphore_mem>>)
        %dma_start3A_131 = arith.constant 0 : i32
        %dma_start3A_132 = tpu.memref_slice %arg8[%add3A_124, %dma_start3A_131] : memref<82x128xi32, #tpu.memory_space<vmem>> -> memref<1x128xi32, #tpu.memory_space<vmem>>
        %dma_start3A_133 = tpu.memref_squeeze %dma_start3A_132 : memref<1x128xi32, #tpu.memory_space<vmem>> -> memref<128xi32, #tpu.memory_space<vmem>>
        %dma_start3A_134 = arith.constant 0 : i32
        %dma_start3A_135 = arith.constant 0 : i32
        %dma_start3A_136 = tpu.memref_slice %arg3[%dma_start3A_134, %dma_start3A_135] : memref<10240x16xf32, #tpu.memory_space<hbm>> -> memref<10240x16xf32, #tpu.memory_space<hbm>>
        tpu.enqueue_indirect_dma source(%dma_start3A_136 : memref<10240x16xf32, #tpu.memory_space<hbm>>) target(%arg11 : memref<128x16xf32, #tpu.memory_space<vmem>>) offsets(%dma_start3A_133 : memref<128xi32, #tpu.memory_space<vmem>>) semaphore(%arg16 : memref<!tpu.dma_semaphore, #tpu.memory_space<semaphore_mem>>)
      } else {
      }
      %mul3A_91 = arith.constant 2 : i32
      %mul3A_92 = arith.muli %mul3A_91, %scan3A_46 : i32
      %add3A_93 = arith.constant 1 : i32
      %add3A_94 = arith.addi %mul3A_92, %add3A_93 : i32
      %ge3A_95 = arith.constant 1 : i32
      %ge3A_96 = arith.cmpi sge, %scan3A_46, %ge3A_95 : i32
      %dma_wait3A_97 = arith.constant 0 : i32
      %dma_wait3A_98 = tpu.memref_slice %arg7[%add3A_94, %dma_wait3A_97] : memref<82x128xi32, #tpu.memory_space<vmem>> -> memref<1x128xi32, #tpu.memory_space<vmem>>
      %dma_wait3A_99 = tpu.memref_squeeze %dma_wait3A_98 : memref<1x128xi32, #tpu.memory_space<vmem>> -> memref<128xi32, #tpu.memory_space<vmem>>
      %dma_wait3A_100 = arith.constant 0 : i32
      %dma_wait3A_101 = arith.constant 0 : i32
      %dma_wait3A_102 = tpu.memref_slice %arg2[%dma_wait3A_100, %dma_wait3A_101] : memref<10240x32xf32, #tpu.memory_space<hbm>> -> memref<10240x32xf32, #tpu.memory_space<hbm>>
      tpu.wait_indirect_dma semaphore(%arg17 : memref<!tpu.dma_semaphore, #tpu.memory_space<semaphore_mem>>) src(%dma_wait3A_102 : memref<10240x32xf32, #tpu.memory_space<hbm>>) dst(%arg10 : memref<128x32xf32, #tpu.memory_space<vmem>>)
      %dma_wait3A_103 = arith.constant 0 : i32
      %dma_wait3A_104 = tpu.memref_slice %arg8[%add3A_94, %dma_wait3A_103] : memref<82x128xi32, #tpu.memory_space<vmem>> -> memref<1x128xi32, #tpu.memory_space<vmem>>
      %dma_wait3A_105 = tpu.memref_squeeze %dma_wait3A_104 : memref<1x128xi32, #tpu.memory_space<vmem>> -> memref<128xi32, #tpu.memory_space<vmem>>
      %dma_wait3A_106 = arith.constant 0 : i32
      %dma_wait3A_107 = arith.constant 0 : i32
      %dma_wait3A_108 = tpu.memref_slice %arg3[%dma_wait3A_106, %dma_wait3A_107] : memref<10240x16xf32, #tpu.memory_space<hbm>> -> memref<10240x16xf32, #tpu.memory_space<hbm>>
      tpu.wait_indirect_dma semaphore(%arg17 : memref<!tpu.dma_semaphore, #tpu.memory_space<semaphore_mem>>) src(%dma_wait3A_108 : memref<10240x16xf32, #tpu.memory_space<hbm>>) dst(%arg12 : memref<128x16xf32, #tpu.memory_space<vmem>>)
      %convert_element_type3A_109 = arith.extui %ge3A_96 : i1 to i32
      %cond3A_110 = arith.constant 0 : i32
      %cond3A_111 = arith.cmpi ne, %convert_element_type3A_109, %cond3A_110 : i32
      scf.if %cond3A_111 {
        %dma_wait3A_121 = arith.constant 0 : i32
        %dma_wait3A_122 = tpu.memref_slice %arg8[%add3A_94, %dma_wait3A_121] : memref<82x128xi32, #tpu.memory_space<vmem>> -> memref<1x128xi32, #tpu.memory_space<vmem>>
        %dma_wait3A_123 = tpu.memref_squeeze %dma_wait3A_122 : memref<1x128xi32, #tpu.memory_space<vmem>> -> memref<128xi32, #tpu.memory_space<vmem>>
        %dma_wait3A_124 = arith.constant 0 : i32
        %dma_wait3A_125 = arith.constant 0 : i32
        %dma_wait3A_126 = tpu.memref_slice %arg15[%dma_wait3A_124, %dma_wait3A_125] : memref<10240x32xf32, #tpu.memory_space<vmem_shared>> -> memref<10240x32xf32, #tpu.memory_space<vmem_shared>>
        tpu.wait_indirect_dma semaphore(%arg19 : memref<!tpu.dma_semaphore, #tpu.memory_space<semaphore_mem>>) src(%arg14 : memref<128x32xf32, #tpu.memory_space<vmem>>) dst(%dma_wait3A_126 : memref<10240x32xf32, #tpu.memory_space<vmem_shared>>)
      } else {
      }
      %parallel_loop3A_112 = arith.constant 0 : i32
      %parallel_loop3A_113 = arith.constant 128 : i32
      %parallel_loop3A_114 = arith.constant 1 : i32
      scf.for %parallel_loop3A_121 = %parallel_loop3A_112 to %parallel_loop3A_113 step %parallel_loop3A_114  : i32 {
        %parallel_loop3A_122 = arith.index_cast %parallel_loop3A_121 : i32 to index
        %parallel_loop3A_123 = arith.constant 16 : index
        %parallel_loop3A_124 = tpu.vector_load %arg10[%parallel_loop3A_122, %parallel_loop3A_123] {strides = array<i32>} : memref<128x32xf32, #tpu.memory_space<vmem>>, vector<1x16xf32>,
        %parallel_loop3A_125 = vector.shape_cast %parallel_loop3A_124 : vector<1x16xf32> to vector<16xf32>
        %parallel_loop3A_126 = arith.index_cast %parallel_loop3A_121 : i32 to index
        %parallel_loop3A_127 = arith.constant 0 : index
        %parallel_loop3A_128 = tpu.vector_load %arg12[%parallel_loop3A_126, %parallel_loop3A_127] {strides = array<i32>} : memref<128x16xf32, #tpu.memory_space<vmem>>, vector<1x16xf32>,
        %parallel_loop3A_129 = vector.shape_cast %parallel_loop3A_128 : vector<1x16xf32> to vector<16xf32>
        %parallel_loop3A_130 = arith.addf %parallel_loop3A_125, %parallel_loop3A_129 : vector<16xf32>
        %parallel_loop3A_131 = arith.constant 2.000000e-01 : f32
        %parallel_loop3A_132 = vector.broadcast %parallel_loop3A_131 : f32 to vector<16xf32>
        %parallel_loop3A_133 = arith.mulf %parallel_loop3A_132, %parallel_loop3A_130 : vector<16xf32>
        %parallel_loop3A_134 = arith.maximumf %parallel_loop3A_130, %parallel_loop3A_133 : vector<16xf32>
        %parallel_loop3A_135 = math.exp %parallel_loop3A_134 : vector<16xf32>
        %parallel_loop3A_136 = arith.index_cast %parallel_loop3A_121 : i32 to index
        %parallel_loop3A_137 = arith.constant 16 : index
        %parallel_loop3A_138 = tpu.vector_load %arg14[%parallel_loop3A_136, %parallel_loop3A_137] {strides = array<i32>} : memref<128x32xf32, #tpu.memory_space<vmem>>, vector<1x16xf32>,
        %parallel_loop3A_139 = vector.shape_cast %parallel_loop3A_138 : vector<1x16xf32> to vector<16xf32>
        %parallel_loop3A_140 = vector.shape_cast %parallel_loop3A_135 : vector<16xf32> to vector<1x16xf32>
        tpu.vector_store %arg14[%parallel_loop3A_136, %parallel_loop3A_137], %parallel_loop3A_140 {strides = array<i32>} : memref<128x32xf32, #tpu.memory_space<vmem>>, vector<1x16xf32>,
        %parallel_loop3A_141 = arith.index_cast %parallel_loop3A_121 : i32 to index
        %parallel_loop3A_142 = arith.constant 0 : index
        %parallel_loop3A_143 = tpu.vector_load %arg10[%parallel_loop3A_141, %parallel_loop3A_142] {strides = array<i32>} : memref<128x32xf32, #tpu.memory_space<vmem>>, vector<1x16xf32>,
        %parallel_loop3A_144 = vector.shape_cast %parallel_loop3A_143 : vector<1x16xf32> to vector<16xf32>
        %parallel_loop3A_145 = vector.extract_strided_slice %parallel_loop3A_135 {offsets = [0], sizes = [1], strides = [1]} : vector<16xf32> to vector<1xf32>
        %parallel_loop3A_146 = vector.extract %parallel_loop3A_145[0] : f32 from vector<1xf32>
        %parallel_loop3A_147 = vector.broadcast %parallel_loop3A_146 : f32 to vector<16xf32>
        %parallel_loop3A_148 = arith.mulf %parallel_loop3A_144, %parallel_loop3A_147 : vector<16xf32>
        %parallel_loop3A_149 = arith.index_cast %parallel_loop3A_121 : i32 to index
        %parallel_loop3A_150 = arith.constant 0 : index
        %parallel_loop3A_151 = tpu.vector_load %arg14[%parallel_loop3A_149, %parallel_loop3A_150] {strides = array<i32>} : memref<128x32xf32, #tpu.memory_space<vmem>>, vector<1x16xf32>,
        %parallel_loop3A_152 = vector.shape_cast %parallel_loop3A_151 : vector<1x16xf32> to vector<16xf32>
        %parallel_loop3A_153 = vector.shape_cast %parallel_loop3A_148 : vector<16xf32> to vector<1x16xf32>
        tpu.vector_store %arg14[%parallel_loop3A_149, %parallel_loop3A_150], %parallel_loop3A_153 {strides = array<i32>} : memref<128x32xf32, #tpu.memory_space<vmem>>, vector<1x16xf32>,
      } {sc.loop_unroll_factor = 8 : i64, sc.parallel_access}
      %dma_start3A_115 = arith.constant 0 : i32
      %dma_start3A_116 = tpu.memref_slice %arg8[%add3A_94, %dma_start3A_115] : memref<82x128xi32, #tpu.memory_space<vmem>> -> memref<1x128xi32, #tpu.memory_space<vmem>>
      %dma_start3A_117 = tpu.memref_squeeze %dma_start3A_116 : memref<1x128xi32, #tpu.memory_space<vmem>> -> memref<128xi32, #tpu.memory_space<vmem>>
      %dma_start3A_118 = arith.constant 0 : i32
      %dma_start3A_119 = arith.constant 0 : i32
      %dma_start3A_120 = tpu.memref_slice %arg15[%dma_start3A_118, %dma_start3A_119] : memref<10240x32xf32, #tpu.memory_space<vmem_shared>> -> memref<10240x32xf32, #tpu.memory_space<vmem_shared>>
      tpu.enqueue_indirect_dma source(%arg14 : memref<128x32xf32, #tpu.memory_space<vmem>>) target(%dma_start3A_120 : memref<10240x32xf32, #tpu.memory_space<vmem_shared>>) offsets(%dma_start3A_117 : memref<128xi32, #tpu.memory_space<vmem>>) semaphore(%arg19 : memref<!tpu.dma_semaphore, #tpu.memory_space<semaphore_mem>>) {add = true}
    }
    %scan3A_31 = arith.constant 41 : i32
    %dma_wait3A = arith.constant 80 : i32
    %dma_wait3A_32 = arith.constant 0 : i32
    %dma_wait3A_33 = tpu.memref_slice %arg8[%dma_wait3A, %dma_wait3A_32] : memref<82x128xi32, #tpu.memory_space<vmem>> -> memref<1x128xi32, #tpu.memory_space<vmem>>
    %dma_wait3A_34 = tpu.memref_squeeze %dma_wait3A_33 : memref<1x128xi32, #tpu.memory_space<vmem>> -> memref<128xi32, #tpu.memory_space<vmem>>
    %dma_wait3A_35 = arith.constant 0 : i32
    %dma_wait3A_36 = arith.constant 0 : i32
    %dma_wait3A_37 = tpu.memref_slice %arg15[%dma_wait3A_35, %dma_wait3A_36] : memref<10240x32xf32, #tpu.memory_space<vmem_shared>> -> memref<10240x32xf32, #tpu.memory_space<vmem_shared>>
    tpu.wait_indirect_dma semaphore(%arg18 : memref<!tpu.dma_semaphore, #tpu.memory_space<semaphore_mem>>) src(%arg13 : memref<128x32xf32, #tpu.memory_space<vmem>>) dst(%dma_wait3A_37 : memref<10240x32xf32, #tpu.memory_space<vmem_shared>>)
    %dma_wait3A_38 = arith.constant 81 : i32
    %dma_wait3A_39 = arith.constant 0 : i32
    %dma_wait3A_40 = tpu.memref_slice %arg8[%dma_wait3A_38, %dma_wait3A_39] : memref<82x128xi32, #tpu.memory_space<vmem>> -> memref<1x128xi32, #tpu.memory_space<vmem>>
    %dma_wait3A_41 = tpu.memref_squeeze %dma_wait3A_40 : memref<1x128xi32, #tpu.memory_space<vmem>> -> memref<128xi32, #tpu.memory_space<vmem>>
    %dma_wait3A_42 = arith.constant 0 : i32
    %dma_wait3A_43 = arith.constant 0 : i32
    %dma_wait3A_44 = tpu.memref_slice %arg15[%dma_wait3A_42, %dma_wait3A_43] : memref<10240x32xf32, #tpu.memory_space<vmem_shared>> -> memref<10240x32xf32, #tpu.memory_space<vmem_shared>>
    tpu.wait_indirect_dma semaphore(%arg19 : memref<!tpu.dma_semaphore, #tpu.memory_space<semaphore_mem>>) src(%arg14 : memref<128x32xf32, #tpu.memory_space<vmem>>) dst(%dma_wait3A_44 : memref<10240x32xf32, #tpu.memory_space<vmem_shared>>)
    %barrier3A_45 = arith.constant 0 : index
    tpu.barrier barrier_id(%barrier3A_45)
    "tpu.region"() ({
      %run_scoped3A = tpu.sem_alloc : memref<!tpu.dma_semaphore, #tpu.memory_space<semaphore_mem>>
      %dma_start3A_46 = arith.constant 0 : i32
      %dma_start3A_47 = tpu.memref_slice %arg6[%arg0, %mul3A_2, %dma_start3A_46] : memref<2x10240x32xf32, #tpu.memory_space<hbm>> -> memref<1x640x32xf32, #tpu.memory_space<hbm>>
      %dma_start3A_48 = tpu.memref_squeeze %dma_start3A_47 : memref<1x640x32xf32, #tpu.memory_space<hbm>> -> memref<640x32xf32, #tpu.memory_space<hbm>>
      %dma_start3A_49 = arith.constant 0 : i32
      %dma_start3A_50 = tpu.memref_slice %arg15[%mul3A_2, %dma_start3A_49] : memref<10240x32xf32, #tpu.memory_space<vmem_shared>> -> memref<640x32xf32, #tpu.memory_space<vmem_shared>>
      tpu.enqueue_dma source(%dma_start3A_50 : memref<640x32xf32, #tpu.memory_space<vmem_shared>>) target(%dma_start3A_48 : memref<640x32xf32, #tpu.memory_space<hbm>>) target_semaphore(%run_scoped3A : memref<!tpu.dma_semaphore, #tpu.memory_space<semaphore_mem>>)
      %dma_wait3A_51 = arith.constant 0 : i32
      %dma_wait3A_52 = tpu.memref_slice %arg6[%arg0, %mul3A_2, %dma_wait3A_51] : memref<2x10240x32xf32, #tpu.memory_space<hbm>> -> memref<1x640x32xf32, #tpu.memory_space<hbm>>
      %dma_wait3A_53 = tpu.memref_squeeze %dma_wait3A_52 : memref<1x640x32xf32, #tpu.memory_space<hbm>> -> memref<640x32xf32, #tpu.memory_space<hbm>>
      %dma_wait3A_54 = arith.constant 0 : i32
      %dma_wait3A_55 = tpu.memref_slice %arg15[%mul3A_2, %dma_wait3A_54] : memref<10240x32xf32, #tpu.memory_space<vmem_shared>> -> memref<640x32xf32, #tpu.memory_space<vmem_shared>>
      tpu.wait_dma2 semaphore(%run_scoped3A : memref<!tpu.dma_semaphore, #tpu.memory_space<semaphore_mem>>) src(%dma_wait3A_55 : memref<640x32xf32, #tpu.memory_space<vmem_shared>>) dst(%dma_wait3A_53 : memref<640x32xf32, #tpu.memory_space<hbm>>)
      tpu.yield
    }) : () -> ()
    return
  }
}

module attributes {stable_mosaic.version = 14 : i64} {
  func.func @_stage1_body(%arg0: i32, %arg1: memref<1024x128xf32, #tpu.memory_space<vmem>>, %arg2: memref<128x128xf32, #tpu.memory_space<vmem>>, %arg3: memref<128x16xf32, #tpu.memory_space<vmem>>, %arg4: memref<128x16xf32, #tpu.memory_space<vmem>>, %arg5: memref<1024x64xf32, #tpu.memory_space<vmem>>, %arg6: memref<1024x64xf32, #tpu.memory_space<vmem>>, %arg7: memref<1024x16xf32, #tpu.memory_space<vmem>>, %arg8: memref<1024x16xf32, #tpu.memory_space<vmem>>) attributes {dimension_semantics = [#tpu.dimension_semantics<arbitrary>], iteration_bounds = array<i64: 10>, scalar_prefetch = 0 : i64, scratch_operands = 0 : i64, tpu.core_type = #tpu.core_type<tc>, window_params = [{transform_indices = @transform_0, window_bounds = array<i64: 1024, 128>}, {pipeline_mode = #tpu.pipeline_mode<synchronous>, transform_indices = @transform_1, window_bounds = array<i64: 128, 128>}, {pipeline_mode = #tpu.pipeline_mode<synchronous>, transform_indices = @transform_2, window_bounds = array<i64: 128, 16>}, {pipeline_mode = #tpu.pipeline_mode<synchronous>, transform_indices = @transform_3, window_bounds = array<i64: 128, 16>}, {transform_indices = @transform_4, window_bounds = array<i64: 1024, 64>}, {transform_indices = @transform_5, window_bounds = array<i64: 1024, 64>}, {transform_indices = @transform_6, window_bounds = array<i64: 1024, 16>}, {transform_indices = @transform_7, window_bounds = array<i64: 1024, 16>}]} {
    %get3A = arith.constant 0 : index
    %get3A_0 = arith.constant 0 : index
    %get3A_1 = vector.load %arg1[%get3A, %get3A_0] : memref<1024x128xf32, #tpu.memory_space<vmem>>, vector<1024x128xf32>
    %get3A_2 = arith.constant 0 : index
    %get3A_3 = arith.constant 0 : index
    %get3A_4 = vector.load %arg2[%get3A_2, %get3A_3] : memref<128x128xf32, #tpu.memory_space<vmem>>, vector<128x128xf32>
    %dot_general3A = arith.constant dense<0.000000e+00> : vector<1024x128xf32>
    %dot_general3A_5 = tpu.matmul %get3A_1, %get3A_4, %dot_general3A {dimension_numbers = #tpu.dot_dimension_numbers<[1], [0], [0], [1], [0, 0, 1, 1], [], []>, transpose_lhs_hint = false} : vector<1024x128xf32>, vector<128x128xf32>, vector<1024x128xf32> -> vector<1024x128xf32>
    %slice3A = vector.extract_strided_slice %dot_general3A_5 {offsets = [0, 0], sizes = [1024, 64], strides = [1, 1]} : vector<1024x128xf32> to vector<1024x64xf32>
    %swap3A = arith.constant 0 : index
    %swap3A_6 = arith.constant 0 : index
    %swap3A_7 = vector.load %arg5[%swap3A, %swap3A_6] : memref<1024x64xf32, #tpu.memory_space<vmem>>, vector<1024x64xf32>
    tpu.vector_store %arg5[%swap3A, %swap3A_6], %slice3A {strides = array<i32>} : memref<1024x64xf32, #tpu.memory_space<vmem>>, vector<1024x64xf32>,
    %slice3A_8 = vector.extract_strided_slice %dot_general3A_5 {offsets = [0, 64], sizes = [1024, 64], strides = [1, 1]} : vector<1024x128xf32> to vector<1024x64xf32>
    %swap3A_9 = arith.constant 0 : index
    %swap3A_10 = arith.constant 0 : index
    %swap3A_11 = vector.load %arg6[%swap3A_9, %swap3A_10] : memref<1024x64xf32, #tpu.memory_space<vmem>>, vector<1024x64xf32>
    tpu.vector_store %arg6[%swap3A_9, %swap3A_10], %slice3A_8 {strides = array<i32>} : memref<1024x64xf32, #tpu.memory_space<vmem>>, vector<1024x64xf32>,
    %get3A_12 = arith.constant 0 : index
    %get3A_13 = arith.constant 0 : index
    %get3A_14 = vector.load %arg3[%get3A_12, %get3A_13] : memref<128x16xf32, #tpu.memory_space<vmem>>, vector<128x16xf32>
    %dot_general3A_15 = arith.constant dense<0.000000e+00> : vector<1024x16xf32>
    %dot_general3A_16 = tpu.matmul %dot_general3A_5, %get3A_14, %dot_general3A_15 {dimension_numbers = #tpu.dot_dimension_numbers<[1], [0], [0], [1], [0, 0, 1, 1], [], []>, transpose_lhs_hint = false} : vector<1024x128xf32>, vector<128x16xf32>, vector<1024x16xf32> -> vector<1024x16xf32>
    %swap3A_17 = arith.constant 0 : index
    %swap3A_18 = arith.constant 0 : index
    %swap3A_19 = vector.load %arg7[%swap3A_17, %swap3A_18] : memref<1024x16xf32, #tpu.memory_space<vmem>>, vector<1024x16xf32>
    tpu.vector_store %arg7[%swap3A_17, %swap3A_18], %dot_general3A_16 {strides = array<i32>} : memref<1024x16xf32, #tpu.memory_space<vmem>>, vector<1024x16xf32>,
    %get3A_20 = arith.constant 0 : index
    %get3A_21 = arith.constant 0 : index
    %get3A_22 = vector.load %arg4[%get3A_20, %get3A_21] : memref<128x16xf32, #tpu.memory_space<vmem>>, vector<128x16xf32>
    %dot_general3A_23 = arith.constant dense<0.000000e+00> : vector<1024x16xf32>
    %dot_general3A_24 = tpu.matmul %dot_general3A_5, %get3A_22, %dot_general3A_23 {dimension_numbers = #tpu.dot_dimension_numbers<[1], [0], [0], [1], [0, 0, 1, 1], [], []>, transpose_lhs_hint = false} : vector<1024x128xf32>, vector<128x16xf32>, vector<1024x16xf32> -> vector<1024x16xf32>
    %swap3A_25 = arith.constant 0 : index
    %swap3A_26 = arith.constant 0 : index
    %swap3A_27 = vector.load %arg8[%swap3A_25, %swap3A_26] : memref<1024x16xf32, #tpu.memory_space<vmem>>, vector<1024x16xf32>
    tpu.vector_store %arg8[%swap3A_25, %swap3A_26], %dot_general3A_24 {strides = array<i32>} : memref<1024x16xf32, #tpu.memory_space<vmem>>, vector<1024x16xf32>,
    return
  }
  func.func @transform_0(%arg0: i32) -> (i32, i32) {
    %c0_i32 = arith.constant 0 : i32
    %c0_i32_0 = arith.constant 0 : i32
    return %arg0, %c0_i32 : i32, i32
  }
  func.func @transform_1(%arg0: i32) -> (i32, i32) {
    %c0_i32 = arith.constant 0 : i32
    %c0_i32_0 = arith.constant 0 : i32
    %c0_i32_1 = arith.constant 0 : i32
    return %c0_i32, %c0_i32_0 : i32, i32
  }
  func.func @transform_2(%arg0: i32) -> (i32, i32) {
    %c0_i32 = arith.constant 0 : i32
    %c0_i32_0 = arith.constant 0 : i32
    %c0_i32_1 = arith.constant 0 : i32
    return %c0_i32, %c0_i32_0 : i32, i32
  }
  func.func @transform_3(%arg0: i32) -> (i32, i32) {
    %c0_i32 = arith.constant 0 : i32
    %c0_i32_0 = arith.constant 0 : i32
    %c0_i32_1 = arith.constant 0 : i32
    return %c0_i32, %c0_i32_0 : i32, i32
  }
  func.func @transform_4(%arg0: i32) -> (i32, i32) {
    %c0_i32 = arith.constant 0 : i32
    %c0_i32_0 = arith.constant 0 : i32
    return %arg0, %c0_i32 : i32, i32
  }
  func.func @transform_5(%arg0: i32) -> (i32, i32) {
    %c0_i32 = arith.constant 0 : i32
    %c0_i32_0 = arith.constant 0 : i32
    return %arg0, %c0_i32 : i32, i32
  }
  func.func @transform_6(%arg0: i32) -> (i32, i32) {
    %c0_i32 = arith.constant 0 : i32
    %c0_i32_0 = arith.constant 0 : i32
    return %arg0, %c0_i32 : i32, i32
  }
  func.func @transform_7(%arg0: i32) -> (i32, i32) {
    %c0_i32 = arith.constant 0 : i32
    %c0_i32_0 = arith.constant 0 : i32
    return %arg0, %c0_i32 : i32, i32
  }
}

module attributes {stable_mosaic.version = 14 : i64} {
  func.func @_stage2_body(%arg0: i32, %arg1: memref<2x2x1024x80xf32, #tpu.memory_space<vmem>>, %arg2: memref<1x128xf32, #tpu.memory_space<vmem>>, %arg3: memref<8x64xf32, #tpu.memory_space<vmem>>, %arg4: memref<8x64xf32, #tpu.memory_space<vmem>>, %arg5: memref<64x16xf32, #tpu.memory_space<vmem>>, %arg6: memref<64x16xf32, #tpu.memory_space<vmem>>, %arg7: memref<16x32xf32, #tpu.memory_space<vmem>>, %arg8: memref<16x16xf32, #tpu.memory_space<vmem>>, %arg9: memref<1024x32xf32, #tpu.memory_space<vmem>>, %arg10: memref<1024x16xf32, #tpu.memory_space<vmem>>) attributes {dimension_semantics = [#tpu.dimension_semantics<arbitrary>], iteration_bounds = array<i64: 10>, scalar_prefetch = 0 : i64, scratch_operands = 0 : i64, tpu.core_type = #tpu.core_type<tc>, window_params = [{transform_indices = @transform_0, window_bounds = array<i64: 2, 2, 1024, 80>}, {pipeline_mode = #tpu.pipeline_mode<synchronous>, transform_indices = @transform_1, window_bounds = array<i64: 1, 128>}, {pipeline_mode = #tpu.pipeline_mode<synchronous>, transform_indices = @transform_2, window_bounds = array<i64: 8, 64>}, {pipeline_mode = #tpu.pipeline_mode<synchronous>, transform_indices = @transform_3, window_bounds = array<i64: 8, 64>}, {pipeline_mode = #tpu.pipeline_mode<synchronous>, transform_indices = @transform_4, window_bounds = array<i64: 64, 16>}, {pipeline_mode = #tpu.pipeline_mode<synchronous>, transform_indices = @transform_5, window_bounds = array<i64: 64, 16>}, {pipeline_mode = #tpu.pipeline_mode<synchronous>, transform_indices = @transform_6, window_bounds = array<i64: 16, 32>}, {pipeline_mode = #tpu.pipeline_mode<synchronous>, transform_indices = @transform_7, window_bounds = array<i64: 16, 16>}, {transform_indices = @transform_8, window_bounds = array<i64: 1024, 32>}, {transform_indices = @transform_9, window_bounds = array<i64: 1024, 16>}]} {
    %get3A = arith.constant 0 : index
    %get3A_0 = arith.constant 0 : index
    %get3A_1 = arith.constant 0 : index
    %get3A_2 = arith.constant 0 : index
    %get3A_3 = vector.load %arg1[%get3A, %get3A_0, %get3A_1, %get3A_2] : memref<2x2x1024x80xf32, #tpu.memory_space<vmem>>, vector<1x1x1024x80xf32>
    %get3A_4 = vector.shape_cast %get3A_3 : vector<1x1x1024x80xf32> to vector<1024x80xf32>
    %get3A_5 = arith.constant 1 : index
    %get3A_6 = arith.constant 0 : index
    %get3A_7 = arith.constant 0 : index
    %get3A_8 = arith.constant 0 : index
    %get3A_9 = vector.load %arg1[%get3A_5, %get3A_6, %get3A_7, %get3A_8] : memref<2x2x1024x80xf32, #tpu.memory_space<vmem>>, vector<1x1x1024x80xf32>
    %get3A_10 = vector.shape_cast %get3A_9 : vector<1x1x1024x80xf32> to vector<1024x80xf32>
    %add3A = arith.addf %get3A_4, %get3A_10 : vector<1024x80xf32>
    %get3A_11 = arith.constant 0 : index
    %get3A_12 = arith.constant 1 : index
    %get3A_13 = arith.constant 0 : index
    %get3A_14 = arith.constant 0 : index
    %get3A_15 = vector.load %arg1[%get3A_11, %get3A_12, %get3A_13, %get3A_14] : memref<2x2x1024x80xf32, #tpu.memory_space<vmem>>, vector<1x1x1024x80xf32>
    %get3A_16 = vector.shape_cast %get3A_15 : vector<1x1x1024x80xf32> to vector<1024x80xf32>
    %get3A_17 = arith.constant 1 : index
    %get3A_18 = arith.constant 1 : index
    %get3A_19 = arith.constant 0 : index
    %get3A_20 = arith.constant 0 : index
    %get3A_21 = vector.load %arg1[%get3A_17, %get3A_18, %get3A_19, %get3A_20] : memref<2x2x1024x80xf32, #tpu.memory_space<vmem>>, vector<1x1x1024x80xf32>
    %get3A_22 = vector.shape_cast %get3A_21 : vector<1x1x1024x80xf32> to vector<1024x80xf32>
    %add3A_23 = arith.addf %get3A_16, %get3A_22 : vector<1024x80xf32>
    %slice3A = vector.extract_strided_slice %add3A {offsets = [0, 64], sizes = [1024, 8], strides = [1, 1]} : vector<1024x80xf32> to vector<1024x8xf32>
    %add3A_24 = arith.constant 1.000000e-16 : f32
    %add3A_25 = vector.broadcast %add3A_24 : f32 to vector<1024x8xf32>
    %add3A_26 = arith.addf %slice3A, %add3A_25 : vector<1024x8xf32>
    %div3A = arith.constant 1.000000e+00 : f32
    %div3A_27 = vector.broadcast %div3A : f32 to vector<1024x8xf32>
    %div3A_28 = arith.divf %div3A_27, %add3A_26 : vector<1024x8xf32>
    %get3A_29 = arith.constant 0 : index
    %get3A_30 = arith.constant 0 : index
    %get3A_31 = vector.load %arg3[%get3A_29, %get3A_30] : memref<8x64xf32, #tpu.memory_space<vmem>>, vector<8x64xf32>
    %dot_general3A = arith.constant dense<0.000000e+00> : vector<1024x64xf32>
    %dot_general3A_32 = tpu.matmul %div3A_28, %get3A_31, %dot_general3A {dimension_numbers = #tpu.dot_dimension_numbers<[1], [0], [0], [1], [0, 0, 1, 1], [], []>, transpose_lhs_hint = false} : vector<1024x8xf32>, vector<8x64xf32>, vector<1024x64xf32> -> vector<1024x64xf32>
    %get3A_33 = arith.constant 0 : index
    %get3A_34 = arith.constant 0 : index
    %get3A_35 = vector.load %arg4[%get3A_33, %get3A_34] : memref<8x64xf32, #tpu.memory_space<vmem>>, vector<8x64xf32>
    %dot_general3A_36 = arith.constant dense<0.000000e+00> : vector<1024x64xf32>
    %dot_general3A_37 = tpu.matmul %div3A_28, %get3A_35, %dot_general3A_36 {dimension_numbers = #tpu.dot_dimension_numbers<[1], [0], [0], [1], [0, 0, 1, 1], [], []>, transpose_lhs_hint = false} : vector<1024x8xf32>, vector<8x64xf32>, vector<1024x64xf32> -> vector<1024x64xf32>
    %slice3A_38 = vector.extract_strided_slice %add3A {offsets = [0, 0], sizes = [1024, 64], strides = [1, 1]} : vector<1024x80xf32> to vector<1024x64xf32>
    %mul3A = arith.mulf %slice3A_38, %dot_general3A_32 : vector<1024x64xf32>
    %get3A_39 = arith.constant 0 : index
    %get3A_40 = arith.constant 0 : index
    %get3A_41 = vector.load %arg2[%get3A_39, %get3A_40] : memref<1x128xf32, #tpu.memory_space<vmem>>, vector<1x64xf32>
    %add3A_42 = vector.broadcast %get3A_41 : vector<1x64xf32> to vector<1024x64xf32>
    %add3A_43 = arith.addf %mul3A, %add3A_42 : vector<1024x64xf32>
    %slice3A_44 = vector.extract_strided_slice %add3A_23 {offsets = [0, 0], sizes = [1024, 64], strides = [1, 1]} : vector<1024x80xf32> to vector<1024x64xf32>
    %mul3A_45 = arith.mulf %slice3A_44, %dot_general3A_37 : vector<1024x64xf32>
    %get3A_46 = arith.constant 0 : index
    %get3A_47 = arith.constant 64 : index
    %get3A_48 = vector.load %arg2[%get3A_46, %get3A_47] : memref<1x128xf32, #tpu.memory_space<vmem>>, vector<1x64xf32>
    %add3A_49 = vector.broadcast %get3A_48 : vector<1x64xf32> to vector<1024x64xf32>
    %add3A_50 = arith.addf %mul3A_45, %add3A_49 : vector<1024x64xf32>
    %gt3A = arith.constant 0.000000e+00 : f32
    %gt3A_51 = vector.broadcast %gt3A : f32 to vector<1024x64xf32>
    %gt3A_52 = arith.cmpf ogt, %add3A_43, %gt3A_51 : vector<1024x64xf32>
    %min3A = arith.constant 0.000000e+00 : f32
    %min3A_53 = vector.broadcast %min3A : f32 to vector<1024x64xf32>
    %min3A_54 = arith.minimumf %add3A_43, %min3A_53 : vector<1024x64xf32>
    %exp3A = math.exp %min3A_54 : vector<1024x64xf32>
    %sub3A = arith.constant 1.000000e+00 : f32
    %sub3A_55 = vector.broadcast %sub3A : f32 to vector<1024x64xf32>
    %sub3A_56 = arith.subf %exp3A, %sub3A_55 : vector<1024x64xf32>
    %select_n3A = arith.select %gt3A_52, %add3A_43, %sub3A_56 : vector<1024x64xi1>, vector<1024x64xf32>
    %gt3A_57 = arith.constant 0.000000e+00 : f32
    %gt3A_58 = vector.broadcast %gt3A_57 : f32 to vector<1024x64xf32>
    %gt3A_59 = arith.cmpf ogt, %add3A_50, %gt3A_58 : vector<1024x64xf32>
    %min3A_60 = arith.constant 0.000000e+00 : f32
    %min3A_61 = vector.broadcast %min3A_60 : f32 to vector<1024x64xf32>
    %min3A_62 = arith.minimumf %add3A_50, %min3A_61 : vector<1024x64xf32>
    %exp3A_63 = math.exp %min3A_62 : vector<1024x64xf32>
    %sub3A_64 = arith.constant 1.000000e+00 : f32
    %sub3A_65 = vector.broadcast %sub3A_64 : f32 to vector<1024x64xf32>
    %sub3A_66 = arith.subf %exp3A_63, %sub3A_65 : vector<1024x64xf32>
    %select_n3A_67 = arith.select %gt3A_59, %add3A_50, %sub3A_66 : vector<1024x64xi1>, vector<1024x64xf32>
    %get3A_68 = arith.constant 0 : index
    %get3A_69 = arith.constant 0 : index
    %get3A_70 = vector.load %arg5[%get3A_68, %get3A_69] : memref<64x16xf32, #tpu.memory_space<vmem>>, vector<64x16xf32>
    %dot_general3A_71 = arith.constant dense<0.000000e+00> : vector<1024x16xf32>
    %dot_general3A_72 = tpu.matmul %select_n3A, %get3A_70, %dot_general3A_71 {dimension_numbers = #tpu.dot_dimension_numbers<[1], [0], [0], [1], [0, 0, 1, 1], [], []>, transpose_lhs_hint = false} : vector<1024x64xf32>, vector<64x16xf32>, vector<1024x16xf32> -> vector<1024x16xf32>
    %get3A_73 = arith.constant 0 : index
    %get3A_74 = arith.constant 0 : index
    %get3A_75 = vector.load %arg6[%get3A_73, %get3A_74] : memref<64x16xf32, #tpu.memory_space<vmem>>, vector<64x16xf32>
    %dot_general3A_76 = arith.constant dense<0.000000e+00> : vector<1024x16xf32>
    %dot_general3A_77 = tpu.matmul %select_n3A_67, %get3A_75, %dot_general3A_76 {dimension_numbers = #tpu.dot_dimension_numbers<[1], [0], [0], [1], [0, 0, 1, 1], [], []>, transpose_lhs_hint = false} : vector<1024x64xf32>, vector<64x16xf32>, vector<1024x16xf32> -> vector<1024x16xf32>
    %add3A_78 = arith.addf %dot_general3A_72, %dot_general3A_77 : vector<1024x16xf32>
    %get3A_79 = arith.constant 0 : index
    %get3A_80 = arith.constant 0 : index
    %get3A_81 = vector.load %arg7[%get3A_79, %get3A_80] : memref<16x32xf32, #tpu.memory_space<vmem>>, vector<16x32xf32>
    %dot_general3A_82 = arith.constant dense<0.000000e+00> : vector<1024x32xf32>
    %dot_general3A_83 = tpu.matmul %add3A_78, %get3A_81, %dot_general3A_82 {dimension_numbers = #tpu.dot_dimension_numbers<[1], [0], [0], [1], [0, 0, 1, 1], [], []>, transpose_lhs_hint = false} : vector<1024x16xf32>, vector<16x32xf32>, vector<1024x32xf32> -> vector<1024x32xf32>
    %swap3A = arith.constant 0 : index
    %swap3A_84 = arith.constant 0 : index
    %swap3A_85 = vector.load %arg9[%swap3A, %swap3A_84] : memref<1024x32xf32, #tpu.memory_space<vmem>>, vector<1024x32xf32>
    tpu.vector_store %arg9[%swap3A, %swap3A_84], %dot_general3A_83 {strides = array<i32>} : memref<1024x32xf32, #tpu.memory_space<vmem>>, vector<1024x32xf32>,
    %get3A_86 = arith.constant 0 : index
    %get3A_87 = arith.constant 0 : index
    %get3A_88 = vector.load %arg8[%get3A_86, %get3A_87] : memref<16x16xf32, #tpu.memory_space<vmem>>, vector<16x16xf32>
    %dot_general3A_89 = arith.constant dense<0.000000e+00> : vector<1024x16xf32>
    %dot_general3A_90 = tpu.matmul %add3A_78, %get3A_88, %dot_general3A_89 {dimension_numbers = #tpu.dot_dimension_numbers<[1], [0], [0], [1], [0, 0, 1, 1], [], []>, transpose_lhs_hint = false} : vector<1024x16xf32>, vector<16x16xf32>, vector<1024x16xf32> -> vector<1024x16xf32>
    %swap3A_91 = arith.constant 0 : index
    %swap3A_92 = arith.constant 0 : index
    %swap3A_93 = vector.load %arg10[%swap3A_91, %swap3A_92] : memref<1024x16xf32, #tpu.memory_space<vmem>>, vector<1024x16xf32>
    tpu.vector_store %arg10[%swap3A_91, %swap3A_92], %dot_general3A_90 {strides = array<i32>} : memref<1024x16xf32, #tpu.memory_space<vmem>>, vector<1024x16xf32>,
    return
  }
  func.func @transform_0(%arg0: i32) -> (i32, i32, i32, i32) {
    %c0_i32 = arith.constant 0 : i32
    %c0_i32_0 = arith.constant 0 : i32
    %c0_i32_1 = arith.constant 0 : i32
    %c0_i32_2 = arith.constant 0 : i32
    return %c0_i32, %c0_i32_0, %arg0, %c0_i32_1 : i32, i32, i32, i32
  }
  func.func @transform_1(%arg0: i32) -> (i32, i32) {
    %c0_i32 = arith.constant 0 : i32
    %c0_i32_0 = arith.constant 0 : i32
    %c0_i32_1 = arith.constant 0 : i32
    return %c0_i32, %c0_i32_0 : i32, i32
  }
  func.func @transform_2(%arg0: i32) -> (i32, i32) {
    %c0_i32 = arith.constant 0 : i32
    %c0_i32_0 = arith.constant 0 : i32
    %c0_i32_1 = arith.constant 0 : i32
    return %c0_i32, %c0_i32_0 : i32, i32
  }
  func.func @transform_3(%arg0: i32) -> (i32, i32) {
    %c0_i32 = arith.constant 0 : i32
    %c0_i32_0 = arith.constant 0 : i32
    %c0_i32_1 = arith.constant 0 : i32
    return %c0_i32, %c0_i32_0 : i32, i32
  }
  func.func @transform_4(%arg0: i32) -> (i32, i32) {
    %c0_i32 = arith.constant 0 : i32
    %c0_i32_0 = arith.constant 0 : i32
    %c0_i32_1 = arith.constant 0 : i32
    return %c0_i32, %c0_i32_0 : i32, i32
  }
  func.func @transform_5(%arg0: i32) -> (i32, i32) {
    %c0_i32 = arith.constant 0 : i32
    %c0_i32_0 = arith.constant 0 : i32
    %c0_i32_1 = arith.constant 0 : i32
    return %c0_i32, %c0_i32_0 : i32, i32
  }
  func.func @transform_6(%arg0: i32) -> (i32, i32) {
    %c0_i32 = arith.constant 0 : i32
    %c0_i32_0 = arith.constant 0 : i32
    %c0_i32_1 = arith.constant 0 : i32
    return %c0_i32, %c0_i32_0 : i32, i32
  }
  func.func @transform_7(%arg0: i32) -> (i32, i32) {
    %c0_i32 = arith.constant 0 : i32
    %c0_i32_0 = arith.constant 0 : i32
    %c0_i32_1 = arith.constant 0 : i32
    return %c0_i32, %c0_i32_0 : i32, i32
  }
  func.func @transform_8(%arg0: i32) -> (i32, i32) {
    %c0_i32 = arith.constant 0 : i32
    %c0_i32_0 = arith.constant 0 : i32
    return %arg0, %c0_i32 : i32, i32
  }
  func.func @transform_9(%arg0: i32) -> (i32, i32) {
    %c0_i32 = arith.constant 0 : i32
    %c0_i32_0 = arith.constant 0 : i32
    return %arg0, %c0_i32 : i32, i32
  }
}

module attributes {stable_mosaic.version = 14 : i64} {
  func.func @_stage3_body(%arg0: memref<2x10240x32xf32, #tpu.memory_space<vmem>>, %arg1: memref<10240x1xi32, #tpu.memory_space<vmem>>, %arg2: memref<1x16xf32, #tpu.memory_space<vmem>>, %arg3: memref<16x16xf32, #tpu.memory_space<vmem>>, %arg4: memref<1x16xf32, #tpu.memory_space<vmem>>, %arg5: memref<16x40xf32, #tpu.memory_space<vmem>>, %arg6: memref<1x40xf32, #tpu.memory_space<vmem>>, %arg7: memref<16x40xf32, #tpu.memory_space<vmem>>) attributes {dimension_semantics = [], scalar_prefetch = 0 : i64, scratch_operands = 0 : i64, tpu.core_type = #tpu.core_type<tc>} {
    %get3A = arith.constant 0 : index
    %get3A_0 = arith.constant 0 : index
    %get3A_1 = arith.constant 0 : index
    %get3A_2 = vector.load %arg0[%get3A, %get3A_0, %get3A_1] : memref<2x10240x32xf32, #tpu.memory_space<vmem>>, vector<1x10240x32xf32>
    %get3A_3 = vector.shape_cast %get3A_2 : vector<1x10240x32xf32> to vector<10240x32xf32>
    %get3A_4 = arith.constant 1 : index
    %get3A_5 = arith.constant 0 : index
    %get3A_6 = arith.constant 0 : index
    %get3A_7 = vector.load %arg0[%get3A_4, %get3A_5, %get3A_6] : memref<2x10240x32xf32, #tpu.memory_space<vmem>>, vector<1x10240x32xf32>
    %get3A_8 = vector.shape_cast %get3A_7 : vector<1x10240x32xf32> to vector<10240x32xf32>
    %add3A = arith.addf %get3A_3, %get3A_8 : vector<10240x32xf32>
    %slice3A = vector.extract_strided_slice %add3A {offsets = [0, 16], sizes = [10240, 1], strides = [1, 1]} : vector<10240x32xf32> to vector<10240x1xf32>
    %slice3A_9 = vector.extract_strided_slice %add3A {offsets = [0, 0], sizes = [10240, 16], strides = [1, 1]} : vector<10240x32xf32> to vector<10240x16xf32>
    %add3A_10 = arith.constant 1.000000e-16 : f32
    %add3A_11 = vector.broadcast %add3A_10 : f32 to vector<10240x1xf32>
    %add3A_12 = arith.addf %slice3A, %add3A_11 : vector<10240x1xf32>
    %div3A = arith.constant 1.000000e+00 : f32
    %div3A_13 = vector.broadcast %div3A : f32 to vector<10240x1xf32>
    %div3A_14 = arith.divf %div3A_13, %add3A_12 : vector<10240x1xf32>
    %mul3A = vector.broadcast %div3A_14 : vector<10240x1xf32> to vector<10240x16xf32>
    %mul3A_15 = arith.mulf %slice3A_9, %mul3A : vector<10240x16xf32>
    %get3A_16 = arith.constant 0 : index
    %get3A_17 = arith.constant 0 : index
    %get3A_18 = vector.load %arg2[%get3A_16, %get3A_17] : memref<1x16xf32, #tpu.memory_space<vmem>>, vector<1x16xf32>
    %add3A_19 = vector.broadcast %get3A_18 : vector<1x16xf32> to vector<10240x16xf32>
    %add3A_20 = arith.addf %mul3A_15, %add3A_19 : vector<10240x16xf32>
    %get3A_21 = arith.constant 0 : index
    %get3A_22 = arith.constant 0 : index
    %get3A_23 = vector.load %arg1[%get3A_21, %get3A_22] : memref<10240x1xi32, #tpu.memory_space<vmem>>, vector<10240x1xi32>
    %eq3A = arith.constant 0 : i32
    %eq3A_24 = vector.broadcast %eq3A : i32 to vector<10240x1xi32>
    %eq3A_25 = arith.cmpi eq, %get3A_23, %eq3A_24 : vector<10240x1xi32>
    %jit3A = arith.constant 0.000000e+00 : f32
    %broadcast_in_dim3A = vector.shape_cast %eq3A_25 : vector<10240x1xi1> to vector<10240x1xi1>
    %broadcast_in_dim3A_26 = vector.broadcast %broadcast_in_dim3A : vector<10240x1xi1> to vector<10240x16xi1>
    %broadcast_in_dim3A_27 = vector.broadcast %jit3A : f32 to vector<10240x16xf32>
    %select_n3A = arith.select %broadcast_in_dim3A_26, %add3A_20, %broadcast_in_dim3A_27 : vector<10240x16xi1>, vector<10240x16xf32>
    %reduce_sum3A = arith.constant dense<0.000000e+00> : vector<16xf32>
    %reduce_sum3A_28 = vector.multi_reduction <add>, %select_n3A, %reduce_sum3A [0] : vector<10240x16xf32> to vector<16xf32>
    %broadcast_in_dim3A_29 = vector.shape_cast %reduce_sum3A_28 : vector<16xf32> to vector<1x16xf32>
    %eq3A_30 = arith.constant 1 : i32
    %eq3A_31 = vector.broadcast %eq3A_30 : i32 to vector<10240x1xi32>
    %eq3A_32 = arith.cmpi eq, %get3A_23, %eq3A_31 : vector<10240x1xi32>
    %jit3A_33 = arith.constant 0.000000e+00 : f32
    %broadcast_in_dim3A_34 = vector.shape_cast %eq3A_32 : vector<10240x1xi1> to vector<10240x1xi1>
    %broadcast_in_dim3A_35 = vector.broadcast %broadcast_in_dim3A_34 : vector<10240x1xi1> to vector<10240x16xi1>
    %broadcast_in_dim3A_36 = vector.broadcast %jit3A_33 : f32 to vector<10240x16xf32>
    %select_n3A_37 = arith.select %broadcast_in_dim3A_35, %add3A_20, %broadcast_in_dim3A_36 : vector<10240x16xi1>, vector<10240x16xf32>
    %reduce_sum3A_38 = arith.constant dense<0.000000e+00> : vector<16xf32>
    %reduce_sum3A_39 = vector.multi_reduction <add>, %select_n3A_37, %reduce_sum3A_38 [0] : vector<10240x16xf32> to vector<16xf32>
    %broadcast_in_dim3A_40 = vector.shape_cast %reduce_sum3A_39 : vector<16xf32> to vector<1x16xf32>
    %eq3A_41 = arith.constant 2 : i32
    %eq3A_42 = vector.broadcast %eq3A_41 : i32 to vector<10240x1xi32>
    %eq3A_43 = arith.cmpi eq, %get3A_23, %eq3A_42 : vector<10240x1xi32>
    %jit3A_44 = arith.constant 0.000000e+00 : f32
    %broadcast_in_dim3A_45 = vector.shape_cast %eq3A_43 : vector<10240x1xi1> to vector<10240x1xi1>
    %broadcast_in_dim3A_46 = vector.broadcast %broadcast_in_dim3A_45 : vector<10240x1xi1> to vector<10240x16xi1>
    %broadcast_in_dim3A_47 = vector.broadcast %jit3A_44 : f32 to vector<10240x16xf32>
    %select_n3A_48 = arith.select %broadcast_in_dim3A_46, %add3A_20, %broadcast_in_dim3A_47 : vector<10240x16xi1>, vector<10240x16xf32>
    %reduce_sum3A_49 = arith.constant dense<0.000000e+00> : vector<16xf32>
    %reduce_sum3A_50 = vector.multi_reduction <add>, %select_n3A_48, %reduce_sum3A_49 [0] : vector<10240x16xf32> to vector<16xf32>
    %broadcast_in_dim3A_51 = vector.shape_cast %reduce_sum3A_50 : vector<16xf32> to vector<1x16xf32>
    %eq3A_52 = arith.constant 3 : i32
    %eq3A_53 = vector.broadcast %eq3A_52 : i32 to vector<10240x1xi32>
    %eq3A_54 = arith.cmpi eq, %get3A_23, %eq3A_53 : vector<10240x1xi32>
    %jit3A_55 = arith.constant 0.000000e+00 : f32
    %broadcast_in_dim3A_56 = vector.shape_cast %eq3A_54 : vector<10240x1xi1> to vector<10240x1xi1>
    %broadcast_in_dim3A_57 = vector.broadcast %broadcast_in_dim3A_56 : vector<10240x1xi1> to vector<10240x16xi1>
    %broadcast_in_dim3A_58 = vector.broadcast %jit3A_55 : f32 to vector<10240x16xf32>
    %select_n3A_59 = arith.select %broadcast_in_dim3A_57, %add3A_20, %broadcast_in_dim3A_58 : vector<10240x16xi1>, vector<10240x16xf32>
    %reduce_sum3A_60 = arith.constant dense<0.000000e+00> : vector<16xf32>
    %reduce_sum3A_61 = vector.multi_reduction <add>, %select_n3A_59, %reduce_sum3A_60 [0] : vector<10240x16xf32> to vector<16xf32>
    %broadcast_in_dim3A_62 = vector.shape_cast %reduce_sum3A_61 : vector<16xf32> to vector<1x16xf32>
    %eq3A_63 = arith.constant 4 : i32
    %eq3A_64 = vector.broadcast %eq3A_63 : i32 to vector<10240x1xi32>
    %eq3A_65 = arith.cmpi eq, %get3A_23, %eq3A_64 : vector<10240x1xi32>
    %jit3A_66 = arith.constant 0.000000e+00 : f32
    %broadcast_in_dim3A_67 = vector.shape_cast %eq3A_65 : vector<10240x1xi1> to vector<10240x1xi1>
    %broadcast_in_dim3A_68 = vector.broadcast %broadcast_in_dim3A_67 : vector<10240x1xi1> to vector<10240x16xi1>
    %broadcast_in_dim3A_69 = vector.broadcast %jit3A_66 : f32 to vector<10240x16xf32>
    %select_n3A_70 = arith.select %broadcast_in_dim3A_68, %add3A_20, %broadcast_in_dim3A_69 : vector<10240x16xi1>, vector<10240x16xf32>
    %reduce_sum3A_71 = arith.constant dense<0.000000e+00> : vector<16xf32>
    %reduce_sum3A_72 = vector.multi_reduction <add>, %select_n3A_70, %reduce_sum3A_71 [0] : vector<10240x16xf32> to vector<16xf32>
    %broadcast_in_dim3A_73 = vector.shape_cast %reduce_sum3A_72 : vector<16xf32> to vector<1x16xf32>
    %eq3A_74 = arith.constant 5 : i32
    %eq3A_75 = vector.broadcast %eq3A_74 : i32 to vector<10240x1xi32>
    %eq3A_76 = arith.cmpi eq, %get3A_23, %eq3A_75 : vector<10240x1xi32>
    %jit3A_77 = arith.constant 0.000000e+00 : f32
    %broadcast_in_dim3A_78 = vector.shape_cast %eq3A_76 : vector<10240x1xi1> to vector<10240x1xi1>
    %broadcast_in_dim3A_79 = vector.broadcast %broadcast_in_dim3A_78 : vector<10240x1xi1> to vector<10240x16xi1>
    %broadcast_in_dim3A_80 = vector.broadcast %jit3A_77 : f32 to vector<10240x16xf32>
    %select_n3A_81 = arith.select %broadcast_in_dim3A_79, %add3A_20, %broadcast_in_dim3A_80 : vector<10240x16xi1>, vector<10240x16xf32>
    %reduce_sum3A_82 = arith.constant dense<0.000000e+00> : vector<16xf32>
    %reduce_sum3A_83 = vector.multi_reduction <add>, %select_n3A_81, %reduce_sum3A_82 [0] : vector<10240x16xf32> to vector<16xf32>
    %broadcast_in_dim3A_84 = vector.shape_cast %reduce_sum3A_83 : vector<16xf32> to vector<1x16xf32>
    %eq3A_85 = arith.constant 6 : i32
    %eq3A_86 = vector.broadcast %eq3A_85 : i32 to vector<10240x1xi32>
    %eq3A_87 = arith.cmpi eq, %get3A_23, %eq3A_86 : vector<10240x1xi32>
    %jit3A_88 = arith.constant 0.000000e+00 : f32
    %broadcast_in_dim3A_89 = vector.shape_cast %eq3A_87 : vector<10240x1xi1> to vector<10240x1xi1>
    %broadcast_in_dim3A_90 = vector.broadcast %broadcast_in_dim3A_89 : vector<10240x1xi1> to vector<10240x16xi1>
    %broadcast_in_dim3A_91 = vector.broadcast %jit3A_88 : f32 to vector<10240x16xf32>
    %select_n3A_92 = arith.select %broadcast_in_dim3A_90, %add3A_20, %broadcast_in_dim3A_91 : vector<10240x16xi1>, vector<10240x16xf32>
    %reduce_sum3A_93 = arith.constant dense<0.000000e+00> : vector<16xf32>
    %reduce_sum3A_94 = vector.multi_reduction <add>, %select_n3A_92, %reduce_sum3A_93 [0] : vector<10240x16xf32> to vector<16xf32>
    %broadcast_in_dim3A_95 = vector.shape_cast %reduce_sum3A_94 : vector<16xf32> to vector<1x16xf32>
    %eq3A_96 = arith.constant 7 : i32
    %eq3A_97 = vector.broadcast %eq3A_96 : i32 to vector<10240x1xi32>
    %eq3A_98 = arith.cmpi eq, %get3A_23, %eq3A_97 : vector<10240x1xi32>
    %jit3A_99 = arith.constant 0.000000e+00 : f32
    %broadcast_in_dim3A_100 = vector.shape_cast %eq3A_98 : vector<10240x1xi1> to vector<10240x1xi1>
    %broadcast_in_dim3A_101 = vector.broadcast %broadcast_in_dim3A_100 : vector<10240x1xi1> to vector<10240x16xi1>
    %broadcast_in_dim3A_102 = vector.broadcast %jit3A_99 : f32 to vector<10240x16xf32>
    %select_n3A_103 = arith.select %broadcast_in_dim3A_101, %add3A_20, %broadcast_in_dim3A_102 : vector<10240x16xi1>, vector<10240x16xf32>
    %reduce_sum3A_104 = arith.constant dense<0.000000e+00> : vector<16xf32>
    %reduce_sum3A_105 = vector.multi_reduction <add>, %select_n3A_103, %reduce_sum3A_104 [0] : vector<10240x16xf32> to vector<16xf32>
    %broadcast_in_dim3A_106 = vector.shape_cast %reduce_sum3A_105 : vector<16xf32> to vector<1x16xf32>
    %eq3A_107 = arith.constant 8 : i32
    %eq3A_108 = vector.broadcast %eq3A_107 : i32 to vector<10240x1xi32>
    %eq3A_109 = arith.cmpi eq, %get3A_23, %eq3A_108 : vector<10240x1xi32>
    %jit3A_110 = arith.constant 0.000000e+00 : f32
    %broadcast_in_dim3A_111 = vector.shape_cast %eq3A_109 : vector<10240x1xi1> to vector<10240x1xi1>
    %broadcast_in_dim3A_112 = vector.broadcast %broadcast_in_dim3A_111 : vector<10240x1xi1> to vector<10240x16xi1>
    %broadcast_in_dim3A_113 = vector.broadcast %jit3A_110 : f32 to vector<10240x16xf32>
    %select_n3A_114 = arith.select %broadcast_in_dim3A_112, %add3A_20, %broadcast_in_dim3A_113 : vector<10240x16xi1>, vector<10240x16xf32>
    %reduce_sum3A_115 = arith.constant dense<0.000000e+00> : vector<16xf32>
    %reduce_sum3A_116 = vector.multi_reduction <add>, %select_n3A_114, %reduce_sum3A_115 [0] : vector<10240x16xf32> to vector<16xf32>
    %broadcast_in_dim3A_117 = vector.shape_cast %reduce_sum3A_116 : vector<16xf32> to vector<1x16xf32>
    %eq3A_118 = arith.constant 9 : i32
    %eq3A_119 = vector.broadcast %eq3A_118 : i32 to vector<10240x1xi32>
    %eq3A_120 = arith.cmpi eq, %get3A_23, %eq3A_119 : vector<10240x1xi32>
    %jit3A_121 = arith.constant 0.000000e+00 : f32
    %broadcast_in_dim3A_122 = vector.shape_cast %eq3A_120 : vector<10240x1xi1> to vector<10240x1xi1>
    %broadcast_in_dim3A_123 = vector.broadcast %broadcast_in_dim3A_122 : vector<10240x1xi1> to vector<10240x16xi1>
    %broadcast_in_dim3A_124 = vector.broadcast %jit3A_121 : f32 to vector<10240x16xf32>
    %select_n3A_125 = arith.select %broadcast_in_dim3A_123, %add3A_20, %broadcast_in_dim3A_124 : vector<10240x16xi1>, vector<10240x16xf32>
    %reduce_sum3A_126 = arith.constant dense<0.000000e+00> : vector<16xf32>
    %reduce_sum3A_127 = vector.multi_reduction <add>, %select_n3A_125, %reduce_sum3A_126 [0] : vector<10240x16xf32> to vector<16xf32>
    %broadcast_in_dim3A_128 = vector.shape_cast %reduce_sum3A_127 : vector<16xf32> to vector<1x16xf32>
    %eq3A_129 = arith.constant 10 : i32
    %eq3A_130 = vector.broadcast %eq3A_129 : i32 to vector<10240x1xi32>
    %eq3A_131 = arith.cmpi eq, %get3A_23, %eq3A_130 : vector<10240x1xi32>
    %jit3A_132 = arith.constant 0.000000e+00 : f32
    %broadcast_in_dim3A_133 = vector.shape_cast %eq3A_131 : vector<10240x1xi1> to vector<10240x1xi1>
    %broadcast_in_dim3A_134 = vector.broadcast %broadcast_in_dim3A_133 : vector<10240x1xi1> to vector<10240x16xi1>
    %broadcast_in_dim3A_135 = vector.broadcast %jit3A_132 : f32 to vector<10240x16xf32>
    %select_n3A_136 = arith.select %broadcast_in_dim3A_134, %add3A_20, %broadcast_in_dim3A_135 : vector<10240x16xi1>, vector<10240x16xf32>
    %reduce_sum3A_137 = arith.constant dense<0.000000e+00> : vector<16xf32>
    %reduce_sum3A_138 = vector.multi_reduction <add>, %select_n3A_136, %reduce_sum3A_137 [0] : vector<10240x16xf32> to vector<16xf32>
    %broadcast_in_dim3A_139 = vector.shape_cast %reduce_sum3A_138 : vector<16xf32> to vector<1x16xf32>
    %eq3A_140 = arith.constant 11 : i32
    %eq3A_141 = vector.broadcast %eq3A_140 : i32 to vector<10240x1xi32>
    %eq3A_142 = arith.cmpi eq, %get3A_23, %eq3A_141 : vector<10240x1xi32>
    %jit3A_143 = arith.constant 0.000000e+00 : f32
    %broadcast_in_dim3A_144 = vector.shape_cast %eq3A_142 : vector<10240x1xi1> to vector<10240x1xi1>
    %broadcast_in_dim3A_145 = vector.broadcast %broadcast_in_dim3A_144 : vector<10240x1xi1> to vector<10240x16xi1>
    %broadcast_in_dim3A_146 = vector.broadcast %jit3A_143 : f32 to vector<10240x16xf32>
    %select_n3A_147 = arith.select %broadcast_in_dim3A_145, %add3A_20, %broadcast_in_dim3A_146 : vector<10240x16xi1>, vector<10240x16xf32>
    %reduce_sum3A_148 = arith.constant dense<0.000000e+00> : vector<16xf32>
    %reduce_sum3A_149 = vector.multi_reduction <add>, %select_n3A_147, %reduce_sum3A_148 [0] : vector<10240x16xf32> to vector<16xf32>
    %broadcast_in_dim3A_150 = vector.shape_cast %reduce_sum3A_149 : vector<16xf32> to vector<1x16xf32>
    %eq3A_151 = arith.constant 12 : i32
    %eq3A_152 = vector.broadcast %eq3A_151 : i32 to vector<10240x1xi32>
    %eq3A_153 = arith.cmpi eq, %get3A_23, %eq3A_152 : vector<10240x1xi32>
    %jit3A_154 = arith.constant 0.000000e+00 : f32
    %broadcast_in_dim3A_155 = vector.shape_cast %eq3A_153 : vector<10240x1xi1> to vector<10240x1xi1>
    %broadcast_in_dim3A_156 = vector.broadcast %broadcast_in_dim3A_155 : vector<10240x1xi1> to vector<10240x16xi1>
    %broadcast_in_dim3A_157 = vector.broadcast %jit3A_154 : f32 to vector<10240x16xf32>
    %select_n3A_158 = arith.select %broadcast_in_dim3A_156, %add3A_20, %broadcast_in_dim3A_157 : vector<10240x16xi1>, vector<10240x16xf32>
    %reduce_sum3A_159 = arith.constant dense<0.000000e+00> : vector<16xf32>
    %reduce_sum3A_160 = vector.multi_reduction <add>, %select_n3A_158, %reduce_sum3A_159 [0] : vector<10240x16xf32> to vector<16xf32>
    %broadcast_in_dim3A_161 = vector.shape_cast %reduce_sum3A_160 : vector<16xf32> to vector<1x16xf32>
    %eq3A_162 = arith.constant 13 : i32
    %eq3A_163 = vector.broadcast %eq3A_162 : i32 to vector<10240x1xi32>
    %eq3A_164 = arith.cmpi eq, %get3A_23, %eq3A_163 : vector<10240x1xi32>
    %jit3A_165 = arith.constant 0.000000e+00 : f32
    %broadcast_in_dim3A_166 = vector.shape_cast %eq3A_164 : vector<10240x1xi1> to vector<10240x1xi1>
    %broadcast_in_dim3A_167 = vector.broadcast %broadcast_in_dim3A_166 : vector<10240x1xi1> to vector<10240x16xi1>
    %broadcast_in_dim3A_168 = vector.broadcast %jit3A_165 : f32 to vector<10240x16xf32>
    %select_n3A_169 = arith.select %broadcast_in_dim3A_167, %add3A_20, %broadcast_in_dim3A_168 : vector<10240x16xi1>, vector<10240x16xf32>
    %reduce_sum3A_170 = arith.constant dense<0.000000e+00> : vector<16xf32>
    %reduce_sum3A_171 = vector.multi_reduction <add>, %select_n3A_169, %reduce_sum3A_170 [0] : vector<10240x16xf32> to vector<16xf32>
    %broadcast_in_dim3A_172 = vector.shape_cast %reduce_sum3A_171 : vector<16xf32> to vector<1x16xf32>
    %eq3A_173 = arith.constant 14 : i32
    %eq3A_174 = vector.broadcast %eq3A_173 : i32 to vector<10240x1xi32>
    %eq3A_175 = arith.cmpi eq, %get3A_23, %eq3A_174 : vector<10240x1xi32>
    %jit3A_176 = arith.constant 0.000000e+00 : f32
    %broadcast_in_dim3A_177 = vector.shape_cast %eq3A_175 : vector<10240x1xi1> to vector<10240x1xi1>
    %broadcast_in_dim3A_178 = vector.broadcast %broadcast_in_dim3A_177 : vector<10240x1xi1> to vector<10240x16xi1>
    %broadcast_in_dim3A_179 = vector.broadcast %jit3A_176 : f32 to vector<10240x16xf32>
    %select_n3A_180 = arith.select %broadcast_in_dim3A_178, %add3A_20, %broadcast_in_dim3A_179 : vector<10240x16xi1>, vector<10240x16xf32>
    %reduce_sum3A_181 = arith.constant dense<0.000000e+00> : vector<16xf32>
    %reduce_sum3A_182 = vector.multi_reduction <add>, %select_n3A_180, %reduce_sum3A_181 [0] : vector<10240x16xf32> to vector<16xf32>
    %broadcast_in_dim3A_183 = vector.shape_cast %reduce_sum3A_182 : vector<16xf32> to vector<1x16xf32>
    %eq3A_184 = arith.constant 15 : i32
    %eq3A_185 = vector.broadcast %eq3A_184 : i32 to vector<10240x1xi32>
    %eq3A_186 = arith.cmpi eq, %get3A_23, %eq3A_185 : vector<10240x1xi32>
    %jit3A_187 = arith.constant 0.000000e+00 : f32
    %broadcast_in_dim3A_188 = vector.shape_cast %eq3A_186 : vector<10240x1xi1> to vector<10240x1xi1>
    %broadcast_in_dim3A_189 = vector.broadcast %broadcast_in_dim3A_188 : vector<10240x1xi1> to vector<10240x16xi1>
    %broadcast_in_dim3A_190 = vector.broadcast %jit3A_187 : f32 to vector<10240x16xf32>
    %select_n3A_191 = arith.select %broadcast_in_dim3A_189, %add3A_20, %broadcast_in_dim3A_190 : vector<10240x16xi1>, vector<10240x16xf32>
    %reduce_sum3A_192 = arith.constant dense<0.000000e+00> : vector<16xf32>
    %reduce_sum3A_193 = vector.multi_reduction <add>, %select_n3A_191, %reduce_sum3A_192 [0] : vector<10240x16xf32> to vector<16xf32>
    %broadcast_in_dim3A_194 = vector.shape_cast %reduce_sum3A_193 : vector<16xf32> to vector<1x16xf32>
    %concatenate3A = tpu.concatenate %broadcast_in_dim3A_29, %broadcast_in_dim3A_40, %broadcast_in_dim3A_51, %broadcast_in_dim3A_62, %broadcast_in_dim3A_73, %broadcast_in_dim3A_84, %broadcast_in_dim3A_95, %broadcast_in_dim3A_106, %broadcast_in_dim3A_117, %broadcast_in_dim3A_128, %broadcast_in_dim3A_139, %broadcast_in_dim3A_150, %broadcast_in_dim3A_161, %broadcast_in_dim3A_172, %broadcast_in_dim3A_183, %broadcast_in_dim3A_194 in 0 : vector<1x16xf32>, vector<1x16xf32>, vector<1x16xf32>, vector<1x16xf32>, vector<1x16xf32>, vector<1x16xf32>, vector<1x16xf32>, vector<1x16xf32>, vector<1x16xf32>, vector<1x16xf32>, vector<1x16xf32>, vector<1x16xf32>, vector<1x16xf32>, vector<1x16xf32>, vector<1x16xf32>, vector<1x16xf32> -> vector<16x16xf32>
    %get3A_195 = arith.constant 0 : index
    %get3A_196 = arith.constant 0 : index
    %get3A_197 = vector.load %arg3[%get3A_195, %get3A_196] : memref<16x16xf32, #tpu.memory_space<vmem>>, vector<16x16xf32>
    %dot_general3A = arith.constant dense<0.000000e+00> : vector<16x16xf32>
    %dot_general3A_198 = tpu.matmul %concatenate3A, %get3A_197, %dot_general3A {dimension_numbers = #tpu.dot_dimension_numbers<[1], [0], [0], [1], [0, 0, 1, 1], [], []>, transpose_lhs_hint = false} : vector<16x16xf32>, vector<16x16xf32>, vector<16x16xf32> -> vector<16x16xf32>
    %get3A_199 = arith.constant 0 : index
    %get3A_200 = arith.constant 0 : index
    %get3A_201 = vector.load %arg4[%get3A_199, %get3A_200] : memref<1x16xf32, #tpu.memory_space<vmem>>, vector<1x16xf32>
    %add3A_202 = vector.broadcast %get3A_201 : vector<1x16xf32> to vector<16x16xf32>
    %add3A_203 = arith.addf %dot_general3A_198, %add3A_202 : vector<16x16xf32>
    %max3A = arith.constant 0.000000e+00 : f32
    %max3A_204 = vector.broadcast %max3A : f32 to vector<16x16xf32>
    %max3A_205 = arith.maximumf %add3A_203, %max3A_204 : vector<16x16xf32>
    %get3A_206 = arith.constant 0 : index
    %get3A_207 = arith.constant 0 : index
    %get3A_208 = vector.load %arg5[%get3A_206, %get3A_207] : memref<16x40xf32, #tpu.memory_space<vmem>>, vector<16x40xf32>
    %dot_general3A_209 = arith.constant dense<0.000000e+00> : vector<16x40xf32>
    %dot_general3A_210 = tpu.matmul %max3A_205, %get3A_208, %dot_general3A_209 {dimension_numbers = #tpu.dot_dimension_numbers<[1], [0], [0], [1], [0, 0, 1, 1], [], []>, transpose_lhs_hint = false} : vector<16x16xf32>, vector<16x40xf32>, vector<16x40xf32> -> vector<16x40xf32>
    %get3A_211 = arith.constant 0 : index
    %get3A_212 = arith.constant 0 : index
    %get3A_213 = vector.load %arg6[%get3A_211, %get3A_212] : memref<1x40xf32, #tpu.memory_space<vmem>>, vector<1x40xf32>
    %add3A_214 = vector.broadcast %get3A_213 : vector<1x40xf32> to vector<16x40xf32>
    %add3A_215 = arith.addf %dot_general3A_210, %add3A_214 : vector<16x40xf32>
    %swap3A = arith.constant 0 : index
    %swap3A_216 = arith.constant 0 : index
    %swap3A_217 = vector.load %arg7[%swap3A, %swap3A_216] : memref<16x40xf32, #tpu.memory_space<vmem>>, vector<16x40xf32>
    tpu.vector_store %arg7[%swap3A, %swap3A_216], %add3A_215 {strides = array<i32>} : memref<16x40xf32, #tpu.memory_space<vmem>>, vector<16x40xf32>,
    return
  }
}

</mosaic_0001>

<sc_bundles>
// kernel: kernel.10.cloned.1.call-start
scs
__scs_entry_jumppad:
0x0: {  	(pc) =	sbr.rel $0x88, $3  }
0x1: {  	(tag) =	ssettag $0x0;
	lr =	simm.s32 $0x1  }
0x2: {  	[smem:$0x3F92] =	sst lr;
	_ =	strace $0xD0000000  }
0x3: {  	_ = 	snop  }
0x4: {  	_ = 	snop  }
0x5: {  	_ = 	snop  }
0x6: {  	_ = 	snop  }
0x7: {  	_ = 	snop  }
__scs_overlays_trampoline_lowered:
0x8: {  	[smem:$0x3FA1] =	sst s0  }
0x9: {  	[smem:$0x3FA2] =	sst s1  }
0xa: {  	[smem:$0x3FA3] =	sst s2  }
0xb: {  	[smem:$0x3FA4] =	sst s3  }
0xc: {  	[smem:$0x3FA5] =	sst s4  }
0xd: {  	[smem:$0x3FA6] =	sst s5  }
0xe: {  	[smem:$0x3FA7] =	sst s6  }
0xf: {  	[smem:$0x3FA8] =	sst s7  }
0x10: {  	[smem:$0x3FA9] =	sst s8  }
0x11: {  	[smem:$0x3FAA] =	sst s9;
	s0 =	simm.s32 @!p0 $0x0  }
0x12: {  	s1 =	sld [smem:$0x3F90];
	s0 =	simm.s32 @p0 $0x1  }
0x13: {  	[smem:$0x3FAB] =	sst s0;
	s0 =	simm.s32 @!p1 $0x0  }
0x14: {  	s2 =	sld [smem:$0x3F8F];
	s0 =	simm.s32 @p1 $0x1  }
0x15: {  	[smem:$0x3FAC] =	sst s0;
	s0 =	simm.s32 @!p2 $0x0  }
0x16: {  	s3 =	sld [smem:$0x3FDB];
	s0 =	simm.s32 @p2 $0x1  }
0x17: {  	s4 =	simm.s32 $0x1BF5;
	[smem:$0x3FAE] =	sst s0  }
0x18: {  	s0 =	sld [smem:$0x3F91];
	_ =	swait.ge [sflag:s4], $0x0  }
0x19: {  	s7 =	sld [smem:$0x3F92]  }
0x1a: {  	s8 =	sadd.s32 $0xFFFFE003, lr  }
0x1b: {  	s9 =	sadd.s32 $0xFFFFFEF7, lr;
	s5 =	simm.s32 $0xFFFFFFFF;
	p2 =	slt.u32 s8, $0xFFFFF086  }
0x1c: {  	p1 =	slt.u32 s9, $0xF7A;
	s5 =	simm.s32 @!p2 $0x0  }
0x1d: {  	s5 =	simm.s32 @p1 $0x1;
	p0 =	seq.s32 s7, s2  }
0x1e: {  	s7 =	smul.u32 @!p0 $0xF7A, s2;
	p2 =	seq.s32 @!p0 s5, $0x0  }
0x1f: {  	s9 =	smul.u32 $0xF7A, s1;
	s8 =	simm.s32 @!p0 $0x1BF5;
	p2 =	por !p2, p0  }
0x20: {  	[sflag:s8] =	ssyncset.s32 @!p0 $0xFFFFF086;
	s6 =	sadd.s32 @!p0 s3, s7;
	s7 =	simm.s32 @!p0 $0x108  }
0x21: {  	s3 =	sadd.s32 s3, s9;
	s6 =	sadd.s32 @!p0 $0x88, s6;
	s7 =	simm.s32 @p2 $0x1082  }
0x22: {  	[simem:s7], [sflag:s8] =	dma.local @!p0 [hbm:s6], $0xF7A  }
0x23: {  	s9 =	sor.u32 $0xD0000000, s2;
	s6 =	simm.s32 $0x108;
	_ =	swait.ge @!p0 [sflag:s8], $0x0  }
0x24: {  	s3 =	sadd.s32 $0x88, s3;
	s6 =	simm.s32 @!p1 $0x1082;
	[sflag:s4] =	ssyncset.s32 $0xFFFFF086  }
0x25: {  	[simem:s6], [sflag:s4] =	dma.local [hbm:s3], $0xF7A  }
0x26: {  	[smem:$0x3F92] =	sst s1;
	(tag) =	ssettag s2;
	_ =	strace s9  }
0x27: {  	s1 =	sld [smem:$0x3FA2]  }
0x28: {  	s2 =	sld [smem:$0x3FA3]  }
0x29: {  	s4 =	sld [smem:$0x3FA5]  }
0x2a: {  	p0 =	seq.s32 s5, $0x0;
	s5 =	sld [smem:$0x3FA6]  }
0x2b: {  	s6 =	sld [smem:$0x3FA7]  }
0x2c: {  	s7 =	sld [smem:$0x3FA8]  }
0x2d: {  	s3 =	simm.s32 $0x108;
	s8 =	sld [smem:$0x3FA9]  }
0x2e: {  	s3 =	simm.s32 @!p0 $0x1082;
	s9 =	sld [smem:$0x3FAA]  }
0x2f: {  	lr =	sadd.s32 s0, s3;
	s0 =	sld [smem:$0x3FA1]  }
0x30: {  	s3 =	sld [smem:$0x3FA4]  }
0x31: {  	[smem:$0x3FAD] =	sst s10  }
0x32: {  	s10 =	sld [smem:$0x3FAB];
	_ =	sdelay $0x3  }
0x33: {  	p0 =	seq.s32 s10, $0x1;
	s10 =	sld [smem:$0x3FAD];
	_ =	sdelay $0x3  }
0x34: {  	[smem:$0x3FAD] =	sst s10  }
0x35: {  	s10 =	sld [smem:$0x3FAC];
	_ =	sdelay $0x3  }
0x36: {  	p1 =	seq.s32 s10, $0x1;
	s10 =	sld [smem:$0x3FAD];
	_ =	sdelay $0x3  }
0x37: {  	[smem:$0x3FAD] =	sst s10  }
0x38: {  	s10 =	sld [smem:$0x3FAE]  }
0x39: {  	_ = 	snop;
	(pc) =	sbr.ind lr, $3  }
0x3a: {  	_ = 	snop  }
0x3b: {  	_ = 	snop  }
0x3c: {  	p2 =	seq.s32 s10, $0x1;
	s10 =	sld [smem:$0x3FAD]  }
0x3d: {  	_ =	shalt  }
0x3e: {  	_ =	shalt  }
0x3f: {  	_ =	shalt  }
0x40: {  	_ =	shalt  }
0x41: {  	_ =	shalt  }
0x42: {  	_ =	shalt  }
0x43: {  	_ =	shalt  }
0x44: {  	_ =	shalt  }
0x45: {  	_ =	shalt  }
0x46: {  	_ =	shalt  }
0x47: {  	_ =	shalt  }
0x48: {  	_ =	shalt  }
0x49: {  	_ =	shalt  }
0x4a: {  	_ =	shalt  }
0x4b: {  	_ =	shalt  }
0x4c: {  	_ =	shalt  }
0x4d: {  	_ =	shalt  }
0x4e: {  	_ =	shalt  }
0x4f: {  	_ =	shalt  }
0x50: {  	_ =	shalt  }
0x51: {  	_ =	shalt  }
0x52: {  	_ =	shalt  }
0x53: {  	_ =	shalt  }
0x54: {  	_ =	shalt  }
0x55: {  	_ =	shalt  }
0x56: {  	_ =	shalt  }
0x57: {  	_ =	shalt  }
0x58: {  	_ =	shalt  }
0x59: {  	_ =	shalt  }
0x5a: {  	_ =	shalt  }
0x5b: {  	_ =	shalt  }
0x5c: {  	_ =	shalt  }
0x5d: {  	_ =	shalt  }
0x5e: {  	_ =	shalt  }
0x5f: {  	_ =	shalt  }
0x60: {  	_ =	shalt  }
0x61: {  	_ =	shalt  }
0x62: {  	_ =	shalt  }
0x63: {  	_ =	shalt  }
0x64: {  	_ =	shalt  }
0x65: {  	_ =	shalt  }
0x66: {  	_ =	shalt  }
0x67: {  	_ =	shalt  }
0x68: {  	_ =	shalt  }
0x69: {  	_ =	shalt  }
0x6a: {  	_ =	shalt  }
0x6b: {  	_ =	shalt  }
0x6c: {  	_ =	shalt  }
0x6d: {  	_ =	shalt  }
0x6e: {  	_ =	shalt  }
0x6f: {  	_ =	shalt  }
0x70: {  	_ =	shalt  }
0x71: {  	_ =	shalt  }
0x72: {  	_ =	shalt  }
0x73: {  	_ =	shalt  }
0x74: {  	_ =	shalt  }
0x75: {  	_ =	shalt  }
0x76: {  	_ =	shalt  }
0x77: {  	_ =	shalt  }
0x78: {  	_ =	shalt  }
0x79: {  	_ =	shalt  }
0x7a: {  	_ =	shalt  }
0x7b: {  	_ =	shalt  }
0x7c: {  	_ =	shalt  }
0x7d: {  	_ =	shalt  }
0x7e: {  	_ =	shalt  }
0x7f: {  	_ =	shalt  }
0x80: {  	_ =	shalt  }
0x81: {  	_ =	shalt  }
0x82: {  	_ =	shalt  }
0x83: {  	_ =	shalt  }
0x84: {  	_ =	shalt  }
0x85: {  	_ =	shalt  }
0x86: {  	_ =	shalt  }
0x87: {  	_ =	shalt  }
.Lfunc_end0:
.L_simem_size_0:
called_computation.1_lowered:
.L_overlay_start_0:
0x88: {  	s2 =	sld [smem:$0x3FD9]  }
0x89: {  	s3 =	sld [smem:$0x3FFE];
	_ =	sdelay $0x1  }
0x8a: {  	s1 =	srdreg.scid  }
0x8b: {  	s0 =	sand.u32 $0x1, s1  }
0x8c: {  	s16 =	sshll.u32 s0, $0xA;
	s2 =	sadd.s32 s3, s2  }
0x8d: {  	s2 =	sadd.s32 s2, s16  }
0x8e: {  	[smem:$0x3FB9] =	sst s2  }
0x8f: {  	_ = 	snop  }
0x90: {  	(tm) =	ssettm $0x1  }
0x91: {  	s17 =	sld [smem:$0x3FFB];
	_ =	sdelay $0x3  }
0x92: {  	_ =	strace s17  }
0x93: {  	s2 =	sld [smem:$0x3FFC];
	_ =	sdelay $0x3  }
0x94: {  	_ =	strace s2  }
0x95: {  	s2 =	sld [smem:$0x3FFD];
	_ =	sdelay $0x3  }
0x96: {  	_ =	strace s2  }
0x97: {  	_ =	strace $0x8FFFFFFF  }
0x98: {  	s18 =	sld [smem:$0x3FDB];
	_ =	sdelay $0x1  }
0x99: {  	s19 =	simm.s32 $_scs_section_size  }
0x9a: {  	s4 =	simm.s32 $_size__tile_overlayer_lowered;
	s5 =	simm.s32 $_tile_overlayer_lowered  }
0x9b: {  	s22 =	simm.s32 $0x1BFF;
	s21 =	sshll.u32 s5, $0x1;
	s2 =	sadd.s32 s19, s18  }
0x9c: {  	s6 =	simm.s32 $0x0;
	s20 =	sshll.u32 s4, $0x1;
	s4 =	sadd.s32 s21, s2  }
0x9d: {  	[timem:s6], [sflag:s22] =	dma.local [hbm:s4], s20  }
0x9e: {  	_ =	swait.ge [sflag:s22], s20  }
0x9f: {  	s3 =	ssub.s32 $0x0, s20;
	[sflag:s22] =	ssyncset.done $0x0  }
0xa0: {  	[sflag:s22] =	ssyncadd.s32 s3;
	_ =	sdelay $0x1  }
0xa1: {  	s23 =	simm.s32 $0x1B8B  }
0xa2: {  	_ =	swait.ge [sflag:s23], $0x1  }
0xa3: {  	[sflag:s23] =	ssyncset.done $0x0  }
0xa4: {  	s25 =	simm.s32 $0x1B8E;
	s24 =	sld [smem:$0x3FFE];
	[sflag:s23] =	ssyncadd.s32 $0xFFFFFFFF  }
0xa5: {  	s26 =	simm.s32 $execute0_lowered;
	[smem:$0x3FD2] =	sst s25  }
0xa6: {  	s4 =	sshll.u32 s26, $0x1;
	_ =	strace $0x80000049;
	[dreg:$0x1] =	wrdreg $0xFFFFFFFF  }
0xa7: {  	s28 =	simm.s32 $_size_execute0_lowered;
	s2 =	sadd.s32 s2, s4;
	[dreg:$0x0] =	wrdreg $0x0  }
0xa8: {  	s4 =	sshll.u32 s28, $0x1;
	[dreg:$0x2] =	wrdreg s2  }
0xa9: {  	[dreg:$0x3] =	wrdreg s4  }
0xaa: {  	[dreg:$0x4] =	wrdreg $0xC0  }
0xab: {  	_ =	task [dreg:s6], $0x5FFFF  }
0xac: {  	[dreg:$0x1] =	wrdreg $0xFFFFFFFF  }
0xad: {  	[dreg:$0x0] =	wrdreg $0x60  }
0xae: {  	[dreg:$0x2] =	wrdreg s24  }
0xaf: {  	[dreg:$0x3] =	wrdreg $0xA2000  }
0xb0: {  	[dreg:$0x4] =	wrdreg $0x9  }
0xb1: {  	_ =	task.clear_ibuf [dreg:s6], $0x5FFFF;
	_ =	strace $0x90000049  }
0xb2: {  	s29 =	simm.s32 $0x9;
	_ =	strace $0x8000004B  }
0xb3: {  	_ =	swait.ge [sflag:s29], $0x1  }
0xb4: {  	[sflag:s29] =	ssyncadd.s32 $0xFFFFFFFF  }
0xb5: {  	_ =	strace $0x9000004B  }
0xb6: {  	_ =	sfence  }
0xb7: {  	s30 =	sld [smem:$0x0];
	_ =	sdelay $0x2  }
0xb8: {  	s31 =	sshll.u32 s1, $0xD;
	s1 =	sshrl.u32 s1, $0x2  }
0xb9: {  	s3 =	sand.u32 $0x4000, s31;
	s1 =	sadd.s32 s1, s30  }
0xba: {  	s0 =	sor.u32 s3, s0;
	s1 =	sshll.u32 s1, $0x11  }
0xbb: {  	s0 =	sor.u32 s1, s0  }
0xbc: {  	s0 =	sadd.s32 $0x8F2B, s0  }
0xbd: {  	[sflag:s0] =	ssyncadd.remote.s32 $0x1  }
0xbe: {  	_ =	sfence.sel $0xFFFF  }
0xbf: {  	[dreg:$0x0] =	wrdreg $0xFFFFFFFF;
	(pc) =	sbr.abs _section_cstart, $3  }
0xc0: {  	[dreg:$0x1] =	wrdreg $0xFFFFFFFF  }
0xc1: {  	_ =	task.clear_ibuf [dreg:s6], $0x2FFFF;
	_ =	strace $0x9FFFFFFF  }
0xc2: {  	(tm) =	ssettm $0x7FFFFFFF  }
0xc3: {  	_ =	shalt  }
tec
execute0_lowered:
.L_overlay_start_1:
0x0: {  	(tag) =	ssettag $0x1  }
0x1: {  	s0 =	rddreg [dreg:$0x0]  }
0x2: {  	s1 =	rddreg [dreg:$0x1];
	s2 =	srdreg.scid;
	s4 =	simm.s32 $0x0  }
0x3: {  	s8 =	stileid.u32;
	s15 =	simm.s32 $0x5;
	s17 =	simm.s32 $0x8200  }
0x4: {  	s18 =	simm.s32 $0x80;
	s21 =	simm.s32 $0x6200;
	s22 =	simm.s32 $0x7A00  }
0x5: {  	s23 =	simm.s32 $0x1;
	s28 =	simm.s32 $0x3;
	s29 =	simm.s32 $0x4  }
0x6: {  	s30 =	simm.s32 $0x0;
	s2 =	sand.u32 $0x1, s2;
	s6 =	smul.u32 $0x5000, s8  }
0x7: {  	[smem:$0x7FF] =	sst s4;
	s4 =	sadd.s32 $0x2800, s0;
	s3 =	smul.u32 $0x50000, s2  }
0x8: {  	s5 =	sshll.u32 s2, $0x4;
	_ =	strace $0x8000004A;
	s2 =	ssub.s32 $0x2, s2  }
0x9: {  	s7 =	sor.u32 s8, s5;
	s5 =	sadd.s32 $0xC800, s0;
	s8 =	smul.u32 $0x14000, s8  }
0xa: {  	s24 =	sshrl.u32 s2, $0x1;
	s31 =	sadd.s32 s6, s1;
	s7 =	smul.u32 $0x520, s7  }
0xb: {  	s3 =	sadd.s32 s6, s3;
	s2 =	ssub.s32 s2, s24;
	s6 =	simm.s32 $0x2900  }
0xc: {  	s24 =	simm.s32 $0x2;
	s3 =	sshrl.u32 s3, $0x3;
	s26 =	sshrl.u32 s8, $0x2  }
0xd: {  	s10 =	smax.u32 s2, $0x1;
	s7 =	sadd.s32 s7, s0;
	s0 =	sadd.s32 s3, s0  }
0xe: {  	s8 =	sadd.s32 s26, s1;
	s26 =	simm.s32 $0x9200;
	s25 =	sadd.s32 $0x3EC00, s7  }
0xf: {  	s7 =	sadd.s32 $0x34800, s7;
	s9 =	sadd.s32 $0x11800, s0;
	s11 =	sadd.s32 $0x1000, s8  }
0x10: {  	s12 =	sadd.s32 $0x2000, s8;
	s13 =	sadd.s32 $0x3000, s8;
	[dreg:$0x3] =	wrdreg s25  }
0x11: {  	v0 =	vimm.f32 $0.0e+00;
	s14 =	sadd.s32 $0x4000, s8;
	[dreg:$0x4] =	wrdreg s7;
	s25 =	sshrl.u32 s31, $0x3  }
.LBB2_1:
0x12: {  	s0 =	simm.s32 $0x0;
	s2 =	rddreg [dreg:$0x3]  }
0x13: {  	[tilespmem:s0], [sflag:$0x5] =	stream.linear.gather [hbm4b:s2+s0], $0x2900, $0x38;
	[tilespmem:$0xF200] =	vst v63  }
0x14: {  	_ =	swait.ge [sflag:s15], $0x2900  }
0x15: {  	[sflag:s15] =	ssyncset.done $0x0  }
0x16: {  	s31 =	rddreg [dreg:$0x4];
	[sflag:s15] =	ssyncadd.s32 $0xFFFFD700  }
0x17: {  	[tilespmem:s6], [sflag:$0x5] =	stream.linear.gather [hbm4b:s31+s0], $0x2900, $0x38;
	[tilespmem:$0xF200] =	vst v63  }
0x18: {  	_ =	swait.ge [sflag:s15], $0x2900  }
0x19: {  	[sflag:s15] =	ssyncset.done $0x0  }
0x1a: {  	s2 =	simm.s32 $0x0;
	s0 =	simm.s32 $0x80;
	[sflag:s15] =	ssyncadd.s32 $0xFFFFD700  }
.LBB2_2:
0x1b: {  	p0 =	sne.s32 s0, $0x3F80;
	[tilespmem:s2+$0x8200] =	vst v0;
	s3 =	smov.u32 s0;
	s0 =	sadd.s32 $0x80, s0  }
.Ltmp0:
0x1c: {  	[tilespmem:s2+$0x8210] =	vst v0;
	(pc) =	sbr.rel @p0 .LBB2_2-.Ltmp0, $2  }
0x1d: {  	_ =	sdelay $0x2  }
0x1e: {  	s2 =	sshra.s32 s3, $0x2  }
0x1f: {  	[tilespmem:s2+$0x8200] =	vst v0  }
0x20: {  	[tilespmem:s2+$0x8210] =	vst v0  }
0x21: {  	[spmem:s8] =	stream.linear.scatter [tilespmem:s17], [sflag:$0x5], $0x1000, $0x38;
	[tilespmem:$0xF200] =	vst v63  }
0x22: {  	_ =	swait.ge [sflag:s15], $0x1000  }
0x23: {  	[sflag:s15] =	ssyncset.done $0x0  }
0x24: {  	[sflag:s15] =	ssyncadd.s32 $0xFFFFF000  }
0x25: {  	[spmem:s11] =	stream.linear.scatter [tilespmem:s17], [sflag:$0x5], $0x1000, $0x38;
	[tilespmem:$0xF200] =	vst v63  }
0x26: {  	_ =	swait.ge [sflag:s15], $0x1000  }
0x27: {  	[sflag:s15] =	ssyncset.done $0x0  }
0x28: {  	[sflag:s15] =	ssyncadd.s32 $0xFFFFF000  }
0x29: {  	[spmem:s12] =	stream.linear.scatter [tilespmem:s17], [sflag:$0x5], $0x1000, $0x38;
	[tilespmem:$0xF200] =	vst v63  }
0x2a: {  	_ =	swait.ge [sflag:s15], $0x1000  }
0x2b: {  	[sflag:s15] =	ssyncset.done $0x0  }
0x2c: {  	[sflag:s15] =	ssyncadd.s32 $0xFFFFF000  }
0x2d: {  	[spmem:s13] =	stream.linear.scatter [tilespmem:s17], [sflag:$0x5], $0x1000, $0x38;
	[tilespmem:$0xF200] =	vst v63  }
0x2e: {  	_ =	swait.ge [sflag:s15], $0x1000  }
0x2f: {  	[sflag:s15] =	ssyncset.done $0x0  }
0x30: {  	[sflag:s15] =	ssyncadd.s32 $0xFFFFF000  }
0x31: {  	[spmem:s14] =	stream.linear.scatter [tilespmem:s17], [sflag:$0x5], $0x1000, $0x38;
	[tilespmem:$0xF200] =	vst v63  }
0x32: {  	_ =	swait.ge [sflag:s15], $0x1000  }
0x33: {  	[sflag:s15] =	ssyncset.done $0x0  }
0x34: {  	[sflag:s15] =	ssyncadd.s32 $0xFFFFF000  }
0x35: {  	s31 =	simm.s32 $0x0;
	s0 =	simm.s32 $0x5200;
	[bflag:$0x0] =	sbarrier.arrive $0xFFFF  }
0x36: {  	[tilespmem:s0], [sflag:$0x1] =	stream.indirect.gather [hbm4b:s4+s18], $0x20, s31, s18, $0xb8;
	[tilespmem:$0xF200] =	vst v63  }
0x37: {  	s20 =	simm.s32 $0x7200  }
0x38: {  	[tilespmem:s20], [sflag:$0x1] =	stream.indirect.gather [hbm4b:s5+s18], $0x10, s6, s18, $0xb8;
	[tilespmem:$0xF200] =	vst v63  }
.LBB2_4:
0x39: {  	s19 =	sshll.u32 s31, $0x8  }
0x3a: {  	s0 =	sor.u32 $0x80, s19  }
0x3b: {  	[tilespmem:s21], [sflag:$0x2] =	stream.indirect.gather [hbm4b:s4+s18], $0x20, s0, s18, $0xb8;
	[tilespmem:$0xF200] =	vst v63  }
0x3c: {  	s0 =	sadd.s32 $0x2980, s19  }
0x3d: {  	[tilespmem:s22], [sflag:$0x2] =	stream.indirect.gather [hbm4b:s5+s18], $0x10, s0, s18, $0xb8;
	[tilespmem:$0xF200] =	vst v63  }
0x3e: {  	_ =	swait.ge [sflag:s23], $0x1000  }
0x3f: {  	[sflag:s23] =	ssyncset.done $0x0  }
0x40: {  	[sflag:s23] =	ssyncadd.s32 $0xFFFFF000  }
0x41: {  	_ =	swait.ge [sflag:s23], $0x800  }
0x42: {  	p0 =	seq.s32 s31, $0x0;
	[sflag:s23] =	ssyncset.done $0x0  }
0x43: {  	s2 =	simm.s32 @!p0 $0x3;
	[sflag:s23] =	ssyncadd.s32 $0xFFFFF800  }
0x44: {  	_ =	swait.ge @!p0 [sflag:s2], $0x1000  }
0x45: {  	[sflag:s2] =	ssyncset.done @!p0 $0x0  }
0x46: {  	s16 =	simm.s32 $0x5280;
	[sflag:s2] =	ssyncadd.s32 @!p0 $0xFFFFF000  }
0x47: {  	s20 =	simm.s32 $0x7240;
	v1 =	vld [tilespmem:s16+$0x70]  }
0x48: {  	v2 =	vld [tilespmem:s20+$0x30];
	_ =	sdelay $0x2  }
0x49: {  	v3 =	vld [tilespmem:s20+$0xFFFFFFC0]  }
0x4a: {  	v4 =	vld [tilespmem:s16+$0xFFFFFFB0]  }
0x4b: {  	v5 =	vld [tilespmem:s16+$0xFFFFFFD0];
	v1 =	vadd.f32 v2, v1  }
0x4c: {  	v2 =	vld [tilespmem:s20+$0xFFFFFFD0]  }
0x4d: {  	v7 =	vld [tilespmem:s20+$0xFFFFFFE0];
	v6 =	vmul.f32 $2.000000030e-01, v1  }
0x4e: {  	v8 =	vld [tilespmem:s16+$0xFFFFFFF0]  }
0x4f: {  	v1 =	vmax.f32 v1, v6;
	v6 =	vld [tilespmem:s20+$0xFFFFFFF0]  }
0x50: {  	v9 =	vld [tilespmem:s16+$0x10]  }
0x51: {  	v1 =	vmul.f32 $1.442695020e+00, v1;
	v2 =	vadd.f32 v2, v4;
	v4 =	vld [tilespmem:s20+$0x0]  }
0x52: {  	v10 =	vld [tilespmem:s20+$0x10]  }
0x53: {  	(erf) = vpow2.f32 v1;
	v1 =	vadd.f32 v7, v5;
	v5 =	vld [tilespmem:s16+$0x30];
	v7 =	vmul.f32 $2.000000030e-01, v2  }
0x54: {  	v6 =	vadd.f32 v6, v8;
	v8 =	vld [tilespmem:s16+$0x50]  }
0x55: {  	v11 =	vmul.f32 $2.000000030e-01, v1;
	v2 =	vmax.f32 v2, v7;
	v7 =	vld [tilespmem:s20+$0x20]  }
0x56: {  	v12 =	vld [tilespmem:s16+$0xFFFFFF90];
	v4 =	vadd.f32 v4, v9  }
0x57: {  	v2 =	vmul.f32 $1.442695020e+00, v2;
	v1 =	vmax.f32 v1, v11;
	v11 =	vmul.f32 $2.000000030e-01, v6  }
0x58: {  	s3 =	simm.s32 $0x72C0;
	v9 =	vmul.f32 $2.000000030e-01, v4;
	v5 =	vadd.f32 v10, v5  }
0x59: {  	s2 =	simm.s32 $0x5380;
	v13 =	vld [tilespmem:s3+$0xFFFFFFF0];
	v1 =	vmul.f32 $1.442695020e+00, v1;
	(erf) = vpow2.f32 v2;
	v6 =	vmax.f32 v6, v11  }
0x5a: {  	v16 =	vld [tilespmem:s2+$0x10];
	v2 =	vmax.f32 v4, v9;
	v4 =	vmul.f32 $2.000000030e-01, v5;
	v7 =	vadd.f32 v7, v8  }
0x5b: {  	v21 =	vld [tilespmem:s3+$0x10];
	v3 =	vadd.f32 v3, v12;
	v6 =	vmul.f32 $1.442695020e+00, v6;
	v2 =	vmul.f32 $1.442695020e+00, v2  }
0x5c: {  	v10 =	vld [tilespmem:s3+$0x30];
	v8 =	vpop (erf);
	(erf) = vpow2.f32 v1;
	v4 =	vmax.f32 v5, v4;
	v5 =	vmul.f32 $2.000000030e-01, v7  }
0x5d: {  	v9 =	vmul.f32 $2.000000030e-01, v3;
	v1 =	vld [tilespmem:s2+$0x70];
	(erf) = vpow2.f32 v6  }
0x5e: {  	s20 =	simm.s32 $0x8280;
	v11 =	vld [tilespmem:s3+$0xFFFFFFD0];
	v4 =	vmul.f32 $1.442695020e+00, v4;
	v5 =	vmax.f32 v7, v5;
	(erf) = vpow2.f32 v2  }
0x5f: {  	[tilespmem:s20+$0x70] =	vst v8;
	v2 =	vmax.f32 v3, v9;
	v9 =	vld [tilespmem:s2+$0xFFFFFFB0];
	v3 =	vmul.f32 $1.442695020e+00, v5  }
0x60: {  	v6 =	vld [tilespmem:s16+$0x60];
	(erf) = vpow2.f32 v4;
	v2 =	vmul.f32 $1.442695020e+00, v2  }
0x61: {  	v12 =	vld [tilespmem:s3+$0xFFFFFFE0];
	(erf) = vpow2.f32 v3  }
0x62: {  	v3 =	vld [tilespmem:s2+$0xFFFFFFD0];
	(erf) = vpow2.f32 v2;
	v2 =	vadd.f32 v10, v1  }
0x63: {  	v10 =	vld [tilespmem:s2+$0xFFFFFFF0];
	v1 =	vbroadcast v8, $0x0  }
0x64: {  	v23 =	vld [tilespmem:s2+$0x50];
	v8 =	vpop (erf);
	v9 =	vadd.f32 v11, v9;
	v15 =	vmul.f32 $2.000000030e-01, v2  }
0x65: {  	v19 =	vmul.f32 v1, v6;
	v6 =	vld [tilespmem:s3+$0x0];
	v14 =	vpop (erf)  }
0x66: {  	v4 =	vbroadcast v8, $0x0;
	v22 =	vmul.f32 $2.000000030e-01, v9;
	v17 =	vpop (erf);
	v11 =	vmax.f32 v2, v15;
	v15 =	vld [tilespmem:s2+$0x30]  }
0x67: {  	v25 =	vld [tilespmem:s3+$0x20];
	v5 =	vbroadcast v14, $0x0;
	v12 =	vadd.f32 v12, v3;
	v18 =	vpop (erf);
	v11 =	vmul.f32 $1.442695020e+00, v11  }
0x68: {  	v1 =	vbroadcast v17, $0x0;
	v10 =	vadd.f32 v13, v10;
	v2 =	vbroadcast v18, $0x0  }
0x69: {  	v9 =	vmax.f32 v9, v22;
	v20 =	vpop (erf);
	v13 =	vmul.f32 $2.000000030e-01, v12;
	(erf) = vpow2.f32 v11  }
0x6a: {  	v7 =	vld [tilespmem:s3+$0xFFFFFFC0];
	[tilespmem:s20+$0xFFFFFFB0] =	vst v8;
	v9 =	vmul.f32 $1.442695020e+00, v9;
	v3 =	vbroadcast v20, $0x0  }
0x6b: {  	[tilespmem:s20+$0xFFFFFFD0] =	vst v14;
	v22 =	vld [tilespmem:s2+$0xFFFFFF90];
	v26 =	vmul.f32 $2.000000030e-01, v10;
	v16 =	vadd.f32 v6, v16;
	v24 =	vpop (erf);
	v15 =	vadd.f32 v21, v15  }
0x6c: {  	[tilespmem:s20+$0xFFFFFFF0] =	vst v17;
	v14 =	vld [tilespmem:s16+$0xFFFFFFC0];
	v17 =	vadd.f32 v25, v23;
	(erf) = vpow2.f32 v9;
	v11 =	vpop (erf);
	v6 =	vbroadcast v24, $0x0  }
0x6d: {  	v8 =	vmax.f32 v12, v13;
	v13 =	vld [tilespmem:s16+$0xFFFFFFA0];
	v63 =	vmul.f32 $2.000000030e-01, v16;
	[tilespmem:s20+$0xFFFFFF90] =	vst v11;
	v23 =	vmul.f32 $2.000000030e-01, v15  }
0x6e: {  	[tilespmem:s20+$0x60] =	vst v19;
	v10 =	vmax.f32 v10, v26;
	v8 =	vmul.f32 $1.442695020e+00, v8;
	v11 =	vbroadcast v11, $0x0;
	v12 =	vld [tilespmem:s16+$0xFFFFFF80]  }
0x6f: {  	[tilespmem:s20+$0x10] =	vst v18;
	v9 =	vld [tilespmem:s16+$0xFFFFFFE0];
	v10 =	vmul.f32 $1.442695020e+00, v10;
	v21 =	vmax.f32 v16, v63;
	v15 =	vmax.f32 v15, v23  }
0x70: {  	[tilespmem:s20+$0x30] =	vst v20;
	v16 =	vadd.f32 v7, v22;
	(erf) = vpow2.f32 v8;
	v8 =	vld [tilespmem:s16+$0x0];
	v18 =	vmul.f32 $1.442695020e+00, v21  }
0x71: {  	s7 =	simm.s32 $0x5480;
	[tilespmem:s20+$0x50] =	vst v24;
	v7 =	vld [tilespmem:s16+$0x20];
	v21 =	vmul.f32 $2.000000030e-01, v17;
	(erf) = vpow2.f32 v10  }
0x72: {  	s6 =	simm.s32 $0x8;
	v10 =	vld [tilespmem:s16+$0x40];
	s16 =	simm.s32 $0x8380;
	v20 =	vmul.f32 $2.000000030e-01, v16;
	v19 =	vmul.f32 $1.442695020e+00, v15;
	v15 =	vpop (erf)  }
.LBB2_5:
0x73: {  	v22 =	vld [tilespmem:s7+$0x70];
	v17 =	vmax.f32 v17, v21;
	[tilespmem:s16+$0x70] =	vst v15;
	(erf) = vpow2.f32 v18;
	v11 =	vmul.f32 v11, v12  }
0x74: {  	s3 =	sadd.s32 $0x80, s3;
	v12 =	vmax.f32 v16, v20;
	v16 =	vmul.f32 $1.442695020e+00, v17;
	v17 =	vld [tilespmem:s2+$0x60];
	(erf) = vpow2.f32 v19  }
0x75: {  	s6 =	sadd.s32 $0x8, s6;
	v4 =	vmul.f32 v4, v13;
	v18 =	vld [tilespmem:s3+$0x30];
	v20 =	vmul.f32 $1.442695020e+00, v12;
	[tilespmem:s20+$0xFFFFFF80] =	vst v11  }
0x76: {  	v5 =	vmul.f32 v5, v14;
	p1 =	slt.u32 s6, $0x78;
	v19 =	vld [tilespmem:s3+$0xFFFFFFC0];
	(erf) = vpow2.f32 v16  }
0x77: {  	v13 =	vbroadcast v15, $0x0;
	v11 =	vld [tilespmem:s7+$0xFFFFFFB0];
	(erf) = vpow2.f32 v20;
	v12 =	vpop (erf);
	[tilespmem:s20+$0xFFFFFFA0] =	vst v4  }
0x78: {  	v9 =	vmul.f32 v1, v9;
	v14 =	vld [tilespmem:s3+$0xFFFFFFD0];
	[tilespmem:s16+$0xFFFFFFB0] =	vst v12;
	v4 =	vbroadcast v12, $0x0  }
0x79: {  	v8 =	vmul.f32 v2, v8;
	v12 =	vld [tilespmem:s7+$0xFFFFFFD0];
	v13 =	vmul.f32 v13, v17;
	v1 =	vpop (erf);
	[tilespmem:s20+$0xFFFFFFC0] =	vst v5  }
0x7a: {  	v7 =	vmul.f32 v3, v7;
	v15 =	vld [tilespmem:s3+$0xFFFFFFE0];
	v16 =	vadd.f32 v18, v22;
	[tilespmem:s16+$0xFFFFFFD0] =	vst v1;
	v5 =	vbroadcast v1, $0x0;
	v2 =	vpop (erf)  }
0x7b: {  	v10 =	vmul.f32 v6, v10;
	v17 =	vld [tilespmem:s7+$0xFFFFFFF0];
	v1 =	vbroadcast v2, $0x0;
	[tilespmem:s16+$0x60] =	vst v13  }
0x7c: {  	v13 =	vld [tilespmem:s3+$0xFFFFFFF0];
	v3 =	vmul.f32 $2.000000030e-01, v16;
	[tilespmem:s16+$0xFFFFFFF0] =	vst v2;
	v2 =	vpop (erf)  }
0x7d: {  	v11 =	vadd.f32 v14, v11;
	v14 =	vld [tilespmem:s7+$0x10];
	[tilespmem:s16+$0x10] =	vst v2;
	v2 =	vbroadcast v2, $0x0;
	v6 =	vpop (erf)  }
0x7e: {  	v18 =	vld [tilespmem:s3+$0x0];
	v16 =	vmax.f32 v16, v3;
	[tilespmem:s16+$0x30] =	vst v6;
	v3 =	vbroadcast v6, $0x0  }
0x7f: {  	v20 =	vmul.f32 $2.000000030e-01, v11;
	v12 =	vadd.f32 v15, v12;
	v15 =	vld [tilespmem:s7+$0x30];
	v16 =	vmul.f32 $1.442695020e+00, v16;
	v6 =	vpop (erf);
	[tilespmem:s20+$0xFFFFFFE0] =	vst v9  }
0x80: {  	v9 =	vld [tilespmem:s3+$0x10];
	[tilespmem:s16+$0x50] =	vst v6;
	v6 =	vbroadcast v6, $0x0;
	v21 =	vpop (erf)  }
0x81: {  	v22 =	vmul.f32 $2.000000030e-01, v12;
	v13 =	vadd.f32 v13, v17;
	v17 =	vld [tilespmem:s7+$0x50];
	(erf) = vpow2.f32 v16;
	[tilespmem:s16+$0xFFFFFF90] =	vst v21  }
0x82: {  	v16 =	vmax.f32 v11, v20;
	v11 =	vbroadcast v21, $0x0;
	v20 =	vld [tilespmem:s3+$0x20];
	[tilespmem:s20+$0x0] =	vst v8  }
0x83: {  	v8 =	vld [tilespmem:s7+$0xFFFFFF90];
	v12 =	vmax.f32 v12, v22;
	v21 =	vmul.f32 $2.000000030e-01, v13;
	v18 =	vadd.f32 v18, v14;
	[tilespmem:s20+$0x20] =	vst v7  }
0x84: {  	v7 =	vmul.f32 $1.442695020e+00, v16;
	v22 =	vmul.f32 $1.442695020e+00, v12;
	v12 =	vld [tilespmem:s2+$0xFFFFFF80];
	[tilespmem:s20+$0x40] =	vst v10;
	s20 =	smov.u32 s16  }
0x85: {  	v10 =	vmax.f32 v13, v21;
	v16 =	vmul.f32 $2.000000030e-01, v18;
	v15 =	vadd.f32 v9, v15;
	v13 =	vld [tilespmem:s2+$0xFFFFFFA0]  }
.Ltmp1:
0x86: {  	v10 =	vmul.f32 $1.442695020e+00, v10;
	(erf) = vpow2.f32 v7;
	v14 =	vld [tilespmem:s2+$0xFFFFFFC0];
	(pc) =	sbr.rel @p1 .LBB2_5-.Ltmp1, $4  }
0x87: {  	v7 =	vmax.f32 v18, v16;
	v21 =	vmul.f32 $2.000000030e-01, v15;
	v17 =	vadd.f32 v20, v17;
	v9 =	vld [tilespmem:s2+$0xFFFFFFE0]  }
0x88: {  	v16 =	vadd.f32 v19, v8;
	v18 =	vmul.f32 $1.442695020e+00, v7;
	(erf) = vpow2.f32 v22;
	v8 =	vld [tilespmem:s2+$0x0]  }
0x89: {  	v22 =	vmax.f32 v15, v21;
	v21 =	vmul.f32 $2.000000030e-01, v17;
	(erf) = vpow2.f32 v10;
	v7 =	vld [tilespmem:s2+$0x20]  }
0x8a: {  	s16 =	sadd.s32 $0x100, s16;
	v20 =	vmul.f32 $2.000000030e-01, v16;
	v19 =	vmul.f32 $1.442695020e+00, v22;
	v15 =	vpop (erf);
	v10 =	vld [tilespmem:s2+$0x40];
	s2 =	smov.u32 s7;
	s7 =	sadd.s32 $0x100, s7  }
0x8b: {  	v17 =	vmax.f32 v17, v21;
	(erf) = vpow2.f32 v18  }
0x8c: {  	v11 =	vmul.f32 v11, v12;
	v16 =	vmax.f32 v16, v20;
	v17 =	vmul.f32 $1.442695020e+00, v17  }
0x8d: {  	[tilespmem:s16+$0x70] =	vst v15;
	(erf) = vpow2.f32 v19;
	v16 =	vmul.f32 $1.442695020e+00, v16  }
0x8e: {  	v4 =	vmul.f32 v4, v13;
	v12 =	vld [tilespmem:s2+$0x60];
	(erf) = vpow2.f32 v17  }
0x8f: {  	v5 =	vmul.f32 v5, v14;
	[tilespmem:s20+$0xFFFFFF80] =	vst v11;
	(erf) = vpow2.f32 v16  }
0x90: {  	v1 =	vmul.f32 v1, v9;
	[tilespmem:s20+$0xFFFFFFA0] =	vst v4  }
0x91: {  	v13 =	vbroadcast v15, $0x0;
	[tilespmem:s20+$0xFFFFFFC0] =	vst v5;
	v2 =	vmul.f32 v2, v8  }
0x92: {  	[tilespmem:s20+$0xFFFFFFE0] =	vst v1;
	v11 =	vpop (erf)  }
0x93: {  	v3 =	vmul.f32 v3, v7;
	[tilespmem:s20+$0x0] =	vst v2;
	v4 =	vpop (erf);
	v12 =	vmul.f32 v13, v12  }
0x94: {  	[tilespmem:s16+$0xFFFFFFB0] =	vst v11;
	v14 =	vpop (erf)  }
0x95: {  	[tilespmem:s20+$0x20] =	vst v3;
	v5 =	vpop (erf)  }
0x96: {  	[tilespmem:s16+$0xFFFFFFD0] =	vst v4;
	v13 =	vpop (erf)  }
0x97: {  	v16 =	vld [tilespmem:s2+$0xFFFFFFA0];
	[tilespmem:s16+$0x60] =	vst v12;
	v12 =	vpop (erf)  }
0x98: {  	v1 =	vld [tilespmem:s2+$0xFFFFFFC0];
	[tilespmem:s16+$0x10] =	vst v5;
	v15 =	vpop (erf)  }
0x99: {  	v2 =	vld [tilespmem:s2+$0x0];
	[tilespmem:s16+$0xFFFFFF90] =	vst v15  }
0x9a: {  	[tilespmem:s16+$0x30] =	vst v13;
	v9 =	vld [tilespmem:s2+$0xFFFFFF80]  }
0x9b: {  	v6 =	vmul.f32 v6, v10;
	v11 =	vbroadcast v11, $0x0;
	[tilespmem:s16+$0xFFFFFFF0] =	vst v14;
	v3 =	vld [tilespmem:s2+$0x20]  }
0x9c: {  	v4 =	vbroadcast v4, $0x0;
	v8 =	vld [tilespmem:s2+$0xFFFFFFE0];
	v5 =	vbroadcast v5, $0x0  }
0x9d: {  	v10 =	vmul.f32 v11, v16;
	[tilespmem:s16+$0x50] =	vst v12;
	v7 =	vbroadcast v15, $0x0  }
0x9e: {  	[tilespmem:s20+$0x40] =	vst v6;
	v1 =	vmul.f32 v4, v1;
	v4 =	vbroadcast v13, $0x0;
	v6 =	vld [tilespmem:s2+$0x40]  }
0x9f: {  	[tilespmem:s16+$0xFFFFFFA0] =	vst v10;
	v7 =	vmul.f32 v7, v9;
	v9 =	vbroadcast v14, $0x0  }
0xa0: {  	[tilespmem:s16+$0xFFFFFFC0] =	vst v1;
	v1 =	vmul.f32 v5, v2;
	v2 =	vmul.f32 v4, v3  }
0xa1: {  	[tilespmem:s16+$0xFFFFFF80] =	vst v7;
	v7 =	vmul.f32 v9, v8;
	v8 =	vbroadcast v12, $0x0  }
0xa2: {  	[tilespmem:s16+$0x0] =	vst v1  }
0xa3: {  	[tilespmem:s16+$0x20] =	vst v2;
	v3 =	vmul.f32 v8, v6  }
0xa4: {  	s7 =	sand.u32 $0x3FFFFF00, s19;
	[tilespmem:s16+$0xFFFFFFE0] =	vst v7  }
0xa5: {  	p1 =	seq.s32 s31, $0x28;
	s2 =	sadd.s32 $0x2900, s7;
	[tilespmem:s16+$0x40] =	vst v3  }
0xa6: {  	[spmem:s1] =	stream.indirect.scatter.add.f32 [tilespmem:s17], [sflag:$0x3], $0x20, s2, s18, $0xb8;
	[tilespmem:$0xF200] =	vst v63  }
0xa7: {  	s3 =	simm.s32 @!p1 $0x80;
	s6 =	simm.s32 @!p1 $0x5200;
	s2 =	sadd.s32 @!p1 $0x100, s19  }
0xa8: {  	[tilespmem:s6], [sflag:$0x1] =	stream.indirect.gather @!p1 [hbm4b:s4+s3], $0x20, s2, s3, $0xb8;
	[tilespmem:$0xF200] =	vst v63  }
0xa9: {  	s2 =	sadd.s32 @!p1 $0x2A00, s19;
	s6 =	simm.s32 @!p1 $0x7200  }
0xaa: {  	[tilespmem:s6], [sflag:$0x1] =	stream.indirect.gather @!p1 [hbm4b:s5+s3], $0x10, s2, s3, $0xb8;
	[tilespmem:$0xF200] =	vst v63  }
0xab: {  	_ =	swait.ge [sflag:s24], $0x1000  }
0xac: {  	[sflag:s24] =	ssyncset.done $0x0  }
0xad: {  	[sflag:s24] =	ssyncadd.s32 $0xFFFFF000  }
0xae: {  	_ =	swait.ge [sflag:s24], $0x800  }
0xaf: {  	[sflag:s24] =	ssyncset.done $0x0  }
0xb0: {  	s2 =	simm.s32 @!p0 $0x4;
	[sflag:s24] =	ssyncadd.s32 $0xFFFFF800  }
0xb1: {  	_ =	swait.ge @!p0 [sflag:s2], $0x1000  }
0xb2: {  	[sflag:s2] =	ssyncset.done @!p0 $0x0  }
0xb3: {  	s16 =	simm.s32 $0x6280;
	[sflag:s2] =	ssyncadd.s32 @!p0 $0xFFFFF000  }
0xb4: {  	s20 =	simm.s32 $0x7A40;
	v1 =	vld [tilespmem:s16+$0x70]  }
0xb5: {  	v2 =	vld [tilespmem:s20+$0x30];
	_ =	sdelay $0x2  }
0xb6: {  	v3 =	vld [tilespmem:s20+$0xFFFFFFC0]  }
0xb7: {  	v4 =	vld [tilespmem:s16+$0xFFFFFFB0]  }
0xb8: {  	v5 =	vld [tilespmem:s16+$0xFFFFFFD0];
	v1 =	vadd.f32 v2, v1  }
0xb9: {  	v2 =	vld [tilespmem:s20+$0xFFFFFFD0]  }
0xba: {  	v7 =	vld [tilespmem:s20+$0xFFFFFFE0];
	v6 =	vmul.f32 $2.000000030e-01, v1  }
0xbb: {  	v8 =	vld [tilespmem:s16+$0xFFFFFFF0]  }
0xbc: {  	v1 =	vmax.f32 v1, v6;
	v6 =	vld [tilespmem:s20+$0xFFFFFFF0]  }
0xbd: {  	v9 =	vld [tilespmem:s16+$0x10]  }
0xbe: {  	v1 =	vmul.f32 $1.442695020e+00, v1;
	v2 =	vadd.f32 v2, v4;
	v4 =	vld [tilespmem:s20+$0x0]  }
0xbf: {  	v10 =	vld [tilespmem:s20+$0x10]  }
0xc0: {  	(erf) = vpow2.f32 v1;
	v1 =	vadd.f32 v7, v5;
	v5 =	vld [tilespmem:s16+$0x30];
	v7 =	vmul.f32 $2.000000030e-01, v2  }
0xc1: {  	v6 =	vadd.f32 v6, v8;
	v8 =	vld [tilespmem:s16+$0x50]  }
0xc2: {  	v11 =	vmul.f32 $2.000000030e-01, v1;
	v2 =	vmax.f32 v2, v7;
	v7 =	vld [tilespmem:s20+$0x20]  }
0xc3: {  	v12 =	vld [tilespmem:s16+$0xFFFFFF90];
	v4 =	vadd.f32 v4, v9  }
0xc4: {  	v2 =	vmul.f32 $1.442695020e+00, v2;
	v1 =	vmax.f32 v1, v11;
	v11 =	vmul.f32 $2.000000030e-01, v6  }
0xc5: {  	s3 =	simm.s32 $0x7AC0;
	v9 =	vmul.f32 $2.000000030e-01, v4;
	v5 =	vadd.f32 v10, v5  }
0xc6: {  	s2 =	simm.s32 $0x6380;
	v13 =	vld [tilespmem:s3+$0xFFFFFFF0];
	v1 =	vmul.f32 $1.442695020e+00, v1;
	(erf) = vpow2.f32 v2;
	v6 =	vmax.f32 v6, v11  }
0xc7: {  	v16 =	vld [tilespmem:s2+$0x10];
	v2 =	vmax.f32 v4, v9;
	v4 =	vmul.f32 $2.000000030e-01, v5;
	v7 =	vadd.f32 v7, v8  }
0xc8: {  	v21 =	vld [tilespmem:s3+$0x10];
	v3 =	vadd.f32 v3, v12;
	v6 =	vmul.f32 $1.442695020e+00, v6;
	(erf) = vpow2.f32 v1  }
0xc9: {  	v10 =	vld [tilespmem:s3+$0x30];
	v2 =	vmul.f32 $1.442695020e+00, v2;
	v4 =	vmax.f32 v5, v4;
	v5 =	vmul.f32 $2.000000030e-01, v7  }
0xca: {  	v1 =	vld [tilespmem:s2+$0x70];
	v9 =	vmul.f32 $2.000000030e-01, v3;
	(erf) = vpow2.f32 v6  }
0xcb: {  	s19 =	simm.s32 $0x9280;
	v11 =	vld [tilespmem:s3+$0xFFFFFFD0];
	v8 =	vpop (erf);
	v4 =	vmul.f32 $1.442695020e+00, v4;
	(erf) = vpow2.f32 v2;
	v5 =	vmax.f32 v7, v5  }
0xcc: {  	[tilespmem:s19+$0x70] =	vst v8;
	v2 =	vmax.f32 v3, v9;
	v9 =	vld [tilespmem:s2+$0xFFFFFFB0];
	v3 =	vmul.f32 $1.442695020e+00, v5  }
0xcd: {  	v6 =	vld [tilespmem:s16+$0x60];
	v2 =	vmul.f32 $1.442695020e+00, v2;
	(erf) = vpow2.f32 v4  }
0xce: {  	v23 =	vld [tilespmem:s2+$0x50];
	(erf) = vpow2.f32 v3  }
0xcf: {  	v12 =	vld [tilespmem:s3+$0xFFFFFFE0];
	(erf) = vpow2.f32 v2;
	v2 =	vadd.f32 v10, v1  }
0xd0: {  	v3 =	vld [tilespmem:s2+$0xFFFFFFD0];
	v1 =	vbroadcast v8, $0x0  }
0xd1: {  	v10 =	vld [tilespmem:s2+$0xFFFFFFF0];
	v8 =	vpop (erf);
	v9 =	vadd.f32 v11, v9;
	v15 =	vmul.f32 $2.000000030e-01, v2  }
0xd2: {  	v4 =	vbroadcast v8, $0x0;
	v14 =	vpop (erf);
	v19 =	vmul.f32 v1, v6;
	v6 =	vld [tilespmem:s3+$0x0]  }
0xd3: {  	v5 =	vbroadcast v14, $0x0;
	v22 =	vmul.f32 $2.000000030e-01, v9;
	v17 =	vpop (erf);
	v11 =	vmax.f32 v2, v15;
	v15 =	vld [tilespmem:s2+$0x30]  }
0xd4: {  	v25 =	vld [tilespmem:s3+$0x20];
	v1 =	vbroadcast v17, $0x0;
	v18 =	vpop (erf);
	v11 =	vmul.f32 $1.442695020e+00, v11  }
0xd5: {  	v12 =	vadd.f32 v12, v3;
	v9 =	vmax.f32 v9, v22;
	v2 =	vbroadcast v18, $0x0  }
0xd6: {  	v10 =	vadd.f32 v13, v10;
	v9 =	vmul.f32 $1.442695020e+00, v9;
	v20 =	vpop (erf);
	(erf) = vpow2.f32 v11  }
0xd7: {  	v7 =	vld [tilespmem:s3+$0xFFFFFFC0];
	[tilespmem:s19+$0xFFFFFFB0] =	vst v8;
	v13 =	vmul.f32 $2.000000030e-01, v12;
	v3 =	vbroadcast v20, $0x0  }
0xd8: {  	[tilespmem:s19+$0xFFFFFFD0] =	vst v14;
	v22 =	vld [tilespmem:s2+$0xFFFFFF90];
	v26 =	vmul.f32 $2.000000030e-01, v10;
	v16 =	vadd.f32 v6, v16;
	v24 =	vpop (erf);
	v15 =	vadd.f32 v21, v15  }
0xd9: {  	v14 =	vld [tilespmem:s16+$0xFFFFFFC0];
	[tilespmem:s19+$0xFFFFFFF0] =	vst v17;
	v17 =	vadd.f32 v25, v23;
	(erf) = vpow2.f32 v9;
	v11 =	vpop (erf);
	v6 =	vbroadcast v24, $0x0  }
0xda: {  	v8 =	vmax.f32 v12, v13;
	v13 =	vld [tilespmem:s16+$0xFFFFFFA0];
	v63 =	vmul.f32 $2.000000030e-01, v16;
	[tilespmem:s19+$0xFFFFFF90] =	vst v11;
	v23 =	vmul.f32 $2.000000030e-01, v15  }
0xdb: {  	[tilespmem:s19+$0x60] =	vst v19;
	v10 =	vmax.f32 v10, v26;
	v8 =	vmul.f32 $1.442695020e+00, v8;
	v11 =	vbroadcast v11, $0x0;
	v12 =	vld [tilespmem:s16+$0xFFFFFF80]  }
0xdc: {  	[tilespmem:s19+$0x10] =	vst v18;
	v9 =	vld [tilespmem:s16+$0xFFFFFFE0];
	v10 =	vmul.f32 $1.442695020e+00, v10;
	v21 =	vmax.f32 v16, v63;
	v15 =	vmax.f32 v15, v23  }
0xdd: {  	[tilespmem:s19+$0x30] =	vst v20;
	v16 =	vadd.f32 v7, v22;
	(erf) = vpow2.f32 v8;
	v8 =	vld [tilespmem:s16+$0x0];
	v18 =	vmul.f32 $1.442695020e+00, v21  }
0xde: {  	s7 =	simm.s32 $0x6480;
	[tilespmem:s19+$0x50] =	vst v24;
	v7 =	vld [tilespmem:s16+$0x20];
	v21 =	vmul.f32 $2.000000030e-01, v17;
	(erf) = vpow2.f32 v10  }
0xdf: {  	s6 =	simm.s32 $0x8;
	v10 =	vld [tilespmem:s16+$0x40];
	s16 =	simm.s32 $0x9380;
	v20 =	vmul.f32 $2.000000030e-01, v16;
	v19 =	vmul.f32 $1.442695020e+00, v15;
	v15 =	vpop (erf)  }
.LBB2_7:
0xe0: {  	v22 =	vld [tilespmem:s7+$0x70];
	v17 =	vmax.f32 v17, v21;
	[tilespmem:s16+$0x70] =	vst v15;
	(erf) = vpow2.f32 v18;
	v11 =	vmul.f32 v11, v12  }
0xe1: {  	s3 =	sadd.s32 $0x80, s3;
	v12 =	vmax.f32 v16, v20;
	v16 =	vmul.f32 $1.442695020e+00, v17;
	v17 =	vld [tilespmem:s2+$0x60];
	(erf) = vpow2.f32 v19  }
0xe2: {  	s6 =	sadd.s32 $0x8, s6;
	v4 =	vmul.f32 v4, v13;
	v18 =	vld [tilespmem:s3+$0x30];
	v20 =	vmul.f32 $1.442695020e+00, v12;
	[tilespmem:s19+$0xFFFFFF80] =	vst v11  }
0xe3: {  	v5 =	vmul.f32 v5, v14;
	p0 =	slt.u32 s6, $0x78;
	v19 =	vld [tilespmem:s3+$0xFFFFFFC0];
	(erf) = vpow2.f32 v16  }
0xe4: {  	v13 =	vbroadcast v15, $0x0;
	v11 =	vld [tilespmem:s7+$0xFFFFFFB0];
	(erf) = vpow2.f32 v20;
	v12 =	vpop (erf);
	[tilespmem:s19+$0xFFFFFFA0] =	vst v4  }
0xe5: {  	v9 =	vmul.f32 v1, v9;
	v14 =	vld [tilespmem:s3+$0xFFFFFFD0];
	[tilespmem:s16+$0xFFFFFFB0] =	vst v12;
	v4 =	vbroadcast v12, $0x0  }
0xe6: {  	v8 =	vmul.f32 v2, v8;
	v12 =	vld [tilespmem:s7+$0xFFFFFFD0];
	v13 =	vmul.f32 v13, v17;
	v1 =	vpop (erf);
	[tilespmem:s19+$0xFFFFFFC0] =	vst v5  }
0xe7: {  	v7 =	vmul.f32 v3, v7;
	v15 =	vld [tilespmem:s3+$0xFFFFFFE0];
	v16 =	vadd.f32 v18, v22;
	[tilespmem:s16+$0xFFFFFFD0] =	vst v1;
	v5 =	vbroadcast v1, $0x0;
	v2 =	vpop (erf)  }
0xe8: {  	v10 =	vmul.f32 v6, v10;
	v17 =	vld [tilespmem:s7+$0xFFFFFFF0];
	v1 =	vbroadcast v2, $0x0;
	[tilespmem:s16+$0x60] =	vst v13  }
0xe9: {  	v13 =	vld [tilespmem:s3+$0xFFFFFFF0];
	v3 =	vmul.f32 $2.000000030e-01, v16;
	[tilespmem:s16+$0xFFFFFFF0] =	vst v2;
	v2 =	vpop (erf)  }
0xea: {  	v11 =	vadd.f32 v14, v11;
	v14 =	vld [tilespmem:s7+$0x10];
	[tilespmem:s16+$0x10] =	vst v2;
	v2 =	vbroadcast v2, $0x0;
	v6 =	vpop (erf)  }
0xeb: {  	v18 =	vld [tilespmem:s3+$0x0];
	v16 =	vmax.f32 v16, v3;
	[tilespmem:s16+$0x30] =	vst v6;
	v3 =	vbroadcast v6, $0x0  }
0xec: {  	v20 =	vmul.f32 $2.000000030e-01, v11;
	v12 =	vadd.f32 v15, v12;
	v15 =	vld [tilespmem:s7+$0x30];
	v16 =	vmul.f32 $1.442695020e+00, v16;
	v6 =	vpop (erf);
	[tilespmem:s19+$0xFFFFFFE0] =	vst v9  }
0xed: {  	v9 =	vld [tilespmem:s3+$0x10];
	[tilespmem:s16+$0x50] =	vst v6;
	v6 =	vbroadcast v6, $0x0;
	v21 =	vpop (erf)  }
0xee: {  	v22 =	vmul.f32 $2.000000030e-01, v12;
	v13 =	vadd.f32 v13, v17;
	v17 =	vld [tilespmem:s7+$0x50];
	(erf) = vpow2.f32 v16;
	[tilespmem:s16+$0xFFFFFF90] =	vst v21  }
0xef: {  	v16 =	vmax.f32 v11, v20;
	v11 =	vbroadcast v21, $0x0;
	v20 =	vld [tilespmem:s3+$0x20];
	[tilespmem:s19+$0x0] =	vst v8  }
0xf0: {  	v8 =	vld [tilespmem:s7+$0xFFFFFF90];
	v12 =	vmax.f32 v12, v22;
	v21 =	vmul.f32 $2.000000030e-01, v13;
	v18 =	vadd.f32 v18, v14;
	[tilespmem:s19+$0x20] =	vst v7  }
0xf1: {  	v7 =	vmul.f32 $1.442695020e+00, v16;
	v22 =	vmul.f32 $1.442695020e+00, v12;
	v12 =	vld [tilespmem:s2+$0xFFFFFF80];
	[tilespmem:s19+$0x40] =	vst v10;
	s19 =	smov.u32 s16  }
0xf2: {  	v10 =	vmax.f32 v13, v21;
	v16 =	vmul.f32 $2.000000030e-01, v18;
	v15 =	vadd.f32 v9, v15;
	v13 =	vld [tilespmem:s2+$0xFFFFFFA0]  }
.Ltmp2:
0xf3: {  	v10 =	vmul.f32 $1.442695020e+00, v10;
	(erf) = vpow2.f32 v7;
	v14 =	vld [tilespmem:s2+$0xFFFFFFC0];
	(pc) =	sbr.rel @p0 .LBB2_7-.Ltmp2, $4  }
0xf4: {  	v7 =	vmax.f32 v18, v16;
	v21 =	vmul.f32 $2.000000030e-01, v15;
	v17 =	vadd.f32 v20, v17;
	v9 =	vld [tilespmem:s2+$0xFFFFFFE0]  }
0xf5: {  	v16 =	vadd.f32 v19, v8;
	v18 =	vmul.f32 $1.442695020e+00, v7;
	(erf) = vpow2.f32 v22;
	v8 =	vld [tilespmem:s2+$0x0]  }
0xf6: {  	v22 =	vmax.f32 v15, v21;
	v21 =	vmul.f32 $2.000000030e-01, v17;
	(erf) = vpow2.f32 v10;
	v7 =	vld [tilespmem:s2+$0x20]  }
0xf7: {  	s16 =	sadd.s32 $0x100, s16;
	v20 =	vmul.f32 $2.000000030e-01, v16;
	v19 =	vmul.f32 $1.442695020e+00, v22;
	v15 =	vpop (erf);
	v10 =	vld [tilespmem:s2+$0x40];
	s2 =	smov.u32 s7;
	s7 =	sadd.s32 $0x100, s7  }
0xf8: {  	(erf) = vpow2.f32 v18;
	v11 =	vmul.f32 v11, v12  }
0xf9: {  	v17 =	vmax.f32 v17, v21;
	[tilespmem:s16+$0x70] =	vst v15;
	v4 =	vmul.f32 v4, v13;
	v5 =	vmul.f32 v5, v14  }
0xfa: {  	v16 =	vmax.f32 v16, v20;
	v17 =	vmul.f32 $1.442695020e+00, v17;
	(erf) = vpow2.f32 v19;
	[tilespmem:s19+$0xFFFFFF80] =	vst v11  }
0xfb: {  	v1 =	vmul.f32 v1, v9;
	v16 =	vmul.f32 $1.442695020e+00, v16;
	[tilespmem:s19+$0xFFFFFFA0] =	vst v4  }
0xfc: {  	[tilespmem:s19+$0xFFFFFFC0] =	vst v5;
	v2 =	vmul.f32 v2, v8;
	(erf) = vpow2.f32 v17  }
0xfd: {  	[tilespmem:s19+$0xFFFFFFE0] =	vst v1;
	(erf) = vpow2.f32 v16  }
0xfe: {  	v3 =	vmul.f32 v3, v7;
	v46 =	vpop (erf);
	[tilespmem:s19+$0x0] =	vst v2  }
0xff: {  	v6 =	vmul.f32 v6, v10;
	[tilespmem:s16+$0xFFFFFFB0] =	vst v46  }
0x100: {  	[tilespmem:s19+$0x20] =	vst v3  }
0x101: {  	v45 =	vld [tilespmem:s2+$0x60];
	v48 =	vpop (erf);
	[tilespmem:s19+$0x40] =	vst v6  }
0x102: {  	v55 =	vld [tilespmem:s2+$0xFFFFFFA0];
	v49 =	vpop (erf);
	[tilespmem:s16+$0xFFFFFFD0] =	vst v48  }
0x103: {  	[tilespmem:s16+$0xFFFFFFF0] =	vst v49;
	v1 =	vld [tilespmem:s2+$0xFFFFFFC0];
	v50 =	vpop (erf)  }
0x104: {  	v47 =	vbroadcast v15, $0x0;
	v57 =	vld [tilespmem:s2+$0xFFFFFFE0];
	v51 =	vpop (erf);
	[tilespmem:s16+$0x10] =	vst v50  }
0x105: {  	v11 =	vbroadcast v46, $0x0;
	[tilespmem:s16+$0x30] =	vst v51;
	v2 =	vld [tilespmem:s2+$0x0];
	v52 =	vpop (erf)  }
0x106: {  	v12 =	vmul.f32 v47, v45;
	v4 =	vbroadcast v48, $0x0;
	v3 =	vld [tilespmem:s2+$0x20];
	v53 =	vpop (erf);
	[tilespmem:s16+$0x50] =	vst v52  }
0x107: {  	v58 =	vbroadcast v49, $0x0;
	v60 =	vmul.f32 v11, v55;
	[tilespmem:s16+$0xFFFFFF90] =	vst v53;
	v59 =	vld [tilespmem:s2+$0x40]  }
0x108: {  	[tilespmem:s16+$0x60] =	vst v12;
	v5 =	vbroadcast v50, $0x0;
	v1 =	vmul.f32 v4, v1;
	v54 =	vld [tilespmem:s2+$0xFFFFFF80]  }
0x109: {  	v61 =	vbroadcast v51, $0x0;
	[tilespmem:s16+$0xFFFFFFA0] =	vst v60;
	v62 =	vmul.f32 v58, v57  }
0x10a: {  	s31 =	sadd.s32 $0x1, s31;
	v63 =	vbroadcast v52, $0x0;
	[tilespmem:s16+$0xFFFFFFC0] =	vst v1;
	v1 =	vmul.f32 v5, v2  }
0x10b: {  	p0 =	sne.s32 s31, $0x29;
	v56 =	vbroadcast v53, $0x0;
	[tilespmem:s16+$0xFFFFFFE0] =	vst v62;
	v2 =	vmul.f32 v61, v3  }
.Ltmp3:
0x10c: {  	[tilespmem:s16+$0x0] =	vst v1;
	v3 =	vmul.f32 v63, v59;
	(pc) =	sbr.rel @p0 .LBB2_4-.Ltmp3, $4  }
0x10d: {  	[tilespmem:s16+$0x20] =	vst v2;
	v7 =	vmul.f32 v56, v54  }
0x10e: {  	[tilespmem:s16+$0x40] =	vst v3  }
0x10f: {  	[tilespmem:s16+$0xFFFFFF80] =	vst v7  }
0x110: {  	[spmem:s1] =	stream.indirect.scatter.add.f32 [tilespmem:s26], [sflag:$0x4], $0x20, s0, s18, $0xb8;
	[tilespmem:$0xF200] =	vst v63  }
0x111: {  	_ =	swait.ge [sflag:s28], $0x1000  }
0x112: {  	[sflag:s28] =	ssyncset.done $0x0  }
0x113: {  	[sflag:s28] =	ssyncadd.s32 $0xFFFFF000  }
0x114: {  	_ =	swait.ge [sflag:s29], $0x1000  }
0x115: {  	s0 =	stileid.u32;
	s30 =	sadd.s32 $0x1, s30;
	[sflag:s29] =	ssyncset.done $0x0  }
0x116: {  	s0 =	sshll.u32 s0, $0x6;
	p0 =	sne.s32 s30, s10;
	[sflag:s29] =	ssyncadd.s32 $0xFFFFF000  }
.Ltmp4:
0x117: {  	s0 =	sor.u32 $0x1C05, s0;
	[bflag:$0x0] =	sbarrier.arrive $0xFFFF;
	(pc) =	sbr.rel @p0 .LBB2_1-.Ltmp4, $4  }
0x118: {  	[hbm:s9], [sflag:s0] =	dma.local [spmem:s25], $0xA00  }
0x119: {  	_ =	swait.ge [sflag:s15], $0xA00  }
0x11a: {  	[sflag:s15] =	ssyncset.done $0x0  }
0x11b: {  	s6 =	simm.s32 $0x2900;
	[sflag:s15] =	ssyncadd.s32 $0xFFFFF600  }
0x11c: {  	_ =	sfence.sel $0x180000  }
0x11d: {  	[bflag:$0x0] =	sbarrier.arrive $0xFFFF  }
0x11e: {  	_ =	strace $0x9000004A  }
0x11f: {  	s0 =	stileid.u32;
	[bflag:$0x2] =	sbarrier.arrive $0xFFFF  }
0x120: {  	p0 =	sne.s32 s0, $0x0;
	s0 =	rddreg [dreg:$0x2]  }
0x121: {  	s0 =	sadd.s32 @!p0 $0x100000, s0  }
0x122: {  	[sflag:s0] =	ssyncadd.tile.s32 @!p0 $0x1;
	_ =	shalt  }
.Lfunc_end2:
_tile_overlayer_lowered:
.L_overlay_start_2:
0x123: {  	(tag) =	ssettag $0x2  }
0x124: {  	s0 =	rddreg [dreg:$0x0];
	s2 =	stileid.u32  }
0x125: {  	s1 =	rddreg [dreg:$0x1];
	p0 =	sne.s32 s2, $0x0  }
0x126: {  	s3 =	rddreg [dreg:$0x2];
	[bflag:$0x3] =	sbarrier.arrive $0xFFFF;
	s2 =	simm.s32 @!p0 $0x1C05  }
0x127: {  	[timem:s3], [sflag:s2] =	dma.local @!p0 [hbm:s0], s1  }
0x128: {  	s0 =	simm.s32 @!p0 $0x5  }
0x129: {  	_ =	swait.ge @!p0 [sflag:s0], s1  }
0x12a: {  	s1 =	ssub.s32 @!p0 $0x0, s1;
	[sflag:s0] =	ssyncset.done @!p0 $0x0  }
0x12b: {  	[sflag:s0] =	ssyncadd.s32 @!p0 s1  }
0x12c: {  	[bflag:$0x3] =	sbarrier.arrive $0xFFFF  }
0x12d: {  	_ =	shalt  }

// kernel: kernel.7.cloned.1.call-start
scs
__scs_entry_jumppad:
0x0: {  	(pc) =	sbr.rel $0x88, $3  }
0x1: {  	(tag) =	ssettag $0x0;
	lr =	simm.s32 $0x1  }
0x2: {  	[smem:$0x3F92] =	sst lr;
	_ =	strace $0xD0000000  }
0x3: {  	_ = 	snop  }
0x4: {  	_ = 	snop  }
0x5: {  	_ = 	snop  }
0x6: {  	_ = 	snop  }
0x7: {  	_ = 	snop  }
__scs_overlays_trampoline_lowered:
0x8: {  	[smem:$0x3FA1] =	sst s0  }
0x9: {  	[smem:$0x3FA2] =	sst s1  }
0xa: {  	[smem:$0x3FA3] =	sst s2  }
0xb: {  	[smem:$0x3FA4] =	sst s3  }
0xc: {  	[smem:$0x3FA5] =	sst s4  }
0xd: {  	[smem:$0x3FA6] =	sst s5  }
0xe: {  	[smem:$0x3FA7] =	sst s6  }
0xf: {  	[smem:$0x3FA8] =	sst s7  }
0x10: {  	[smem:$0x3FA9] =	sst s8  }
0x11: {  	[smem:$0x3FAA] =	sst s9;
	s0 =	simm.s32 @!p0 $0x0  }
0x12: {  	s1 =	sld [smem:$0x3F90];
	s0 =	simm.s32 @p0 $0x1  }
0x13: {  	[smem:$0x3FAB] =	sst s0;
	s0 =	simm.s32 @!p1 $0x0  }
0x14: {  	s2 =	sld [smem:$0x3F8F];
	s0 =	simm.s32 @p1 $0x1  }
0x15: {  	[smem:$0x3FAC] =	sst s0;
	s0 =	simm.s32 @!p2 $0x0  }
0x16: {  	s3 =	sld [smem:$0x3FDB];
	s0 =	simm.s32 @p2 $0x1  }
0x17: {  	s4 =	simm.s32 $0x1BF5;
	[smem:$0x3FAE] =	sst s0  }
0x18: {  	s0 =	sld [smem:$0x3F91];
	_ =	swait.ge [sflag:s4], $0x0  }
0x19: {  	s7 =	sld [smem:$0x3F92]  }
0x1a: {  	s8 =	sadd.s32 $0xFFFFE003, lr  }
0x1b: {  	s9 =	sadd.s32 $0xFFFFFEF7, lr;
	s5 =	simm.s32 $0xFFFFFFFF;
	p2 =	slt.u32 s8, $0xFFFFF086  }
0x1c: {  	p1 =	slt.u32 s9, $0xF7A;
	s5 =	simm.s32 @!p2 $0x0  }
0x1d: {  	s5 =	simm.s32 @p1 $0x1;
	p0 =	seq.s32 s7, s2  }
0x1e: {  	s7 =	smul.u32 @!p0 $0xF7A, s2;
	p2 =	seq.s32 @!p0 s5, $0x0  }
0x1f: {  	s9 =	smul.u32 $0xF7A, s1;
	s8 =	simm.s32 @!p0 $0x1BF5;
	p2 =	por !p2, p0  }
0x20: {  	[sflag:s8] =	ssyncset.s32 @!p0 $0xFFFFF086;
	s6 =	sadd.s32 @!p0 s3, s7;
	s7 =	simm.s32 @!p0 $0x108  }
0x21: {  	s3 =	sadd.s32 s3, s9;
	s6 =	sadd.s32 @!p0 $0x88, s6;
	s7 =	simm.s32 @p2 $0x1082  }
0x22: {  	[simem:s7], [sflag:s8] =	dma.local @!p0 [hbm:s6], $0xF7A  }
0x23: {  	s9 =	sor.u32 $0xD0000000, s2;
	s6 =	simm.s32 $0x108;
	_ =	swait.ge @!p0 [sflag:s8], $0x0  }
0x24: {  	s3 =	sadd.s32 $0x88, s3;
	s6 =	simm.s32 @!p1 $0x1082;
	[sflag:s4] =	ssyncset.s32 $0xFFFFF086  }
0x25: {  	[simem:s6], [sflag:s4] =	dma.local [hbm:s3], $0xF7A  }
0x26: {  	[smem:$0x3F92] =	sst s1;
	(tag) =	ssettag s2;
	_ =	strace s9  }
0x27: {  	s1 =	sld [smem:$0x3FA2]  }
0x28: {  	s2 =	sld [smem:$0x3FA3]  }
0x29: {  	s4 =	sld [smem:$0x3FA5]  }
0x2a: {  	p0 =	seq.s32 s5, $0x0;
	s5 =	sld [smem:$0x3FA6]  }
0x2b: {  	s6 =	sld [smem:$0x3FA7]  }
0x2c: {  	s7 =	sld [smem:$0x3FA8]  }
0x2d: {  	s3 =	simm.s32 $0x108;
	s8 =	sld [smem:$0x3FA9]  }
0x2e: {  	s3 =	simm.s32 @!p0 $0x1082;
	s9 =	sld [smem:$0x3FAA]  }
0x2f: {  	lr =	sadd.s32 s0, s3;
	s0 =	sld [smem:$0x3FA1]  }
0x30: {  	s3 =	sld [smem:$0x3FA4]  }
0x31: {  	[smem:$0x3FAD] =	sst s10  }
0x32: {  	s10 =	sld [smem:$0x3FAB];
	_ =	sdelay $0x3  }
0x33: {  	p0 =	seq.s32 s10, $0x1;
	s10 =	sld [smem:$0x3FAD];
	_ =	sdelay $0x3  }
0x34: {  	[smem:$0x3FAD] =	sst s10  }
0x35: {  	s10 =	sld [smem:$0x3FAC];
	_ =	sdelay $0x3  }
0x36: {  	p1 =	seq.s32 s10, $0x1;
	s10 =	sld [smem:$0x3FAD];
	_ =	sdelay $0x3  }
0x37: {  	[smem:$0x3FAD] =	sst s10  }
0x38: {  	s10 =	sld [smem:$0x3FAE]  }
0x39: {  	_ = 	snop;
	(pc) =	sbr.ind lr, $3  }
0x3a: {  	_ = 	snop  }
0x3b: {  	_ = 	snop  }
0x3c: {  	p2 =	seq.s32 s10, $0x1;
	s10 =	sld [smem:$0x3FAD]  }
0x3d: {  	_ =	shalt  }
0x3e: {  	_ =	shalt  }
0x3f: {  	_ =	shalt  }
0x40: {  	_ =	shalt  }
0x41: {  	_ =	shalt  }
0x42: {  	_ =	shalt  }
0x43: {  	_ =	shalt  }
0x44: {  	_ =	shalt  }
0x45: {  	_ =	shalt  }
0x46: {  	_ =	shalt  }
0x47: {  	_ =	shalt  }
0x48: {  	_ =	shalt  }
0x49: {  	_ =	shalt  }
0x4a: {  	_ =	shalt  }
0x4b: {  	_ =	shalt  }
0x4c: {  	_ =	shalt  }
0x4d: {  	_ =	shalt  }
0x4e: {  	_ =	shalt  }
0x4f: {  	_ =	shalt  }
0x50: {  	_ =	shalt  }
0x51: {  	_ =	shalt  }
0x52: {  	_ =	shalt  }
0x53: {  	_ =	shalt  }
0x54: {  	_ =	shalt  }
0x55: {  	_ =	shalt  }
0x56: {  	_ =	shalt  }
0x57: {  	_ =	shalt  }
0x58: {  	_ =	shalt  }
0x59: {  	_ =	shalt  }
0x5a: {  	_ =	shalt  }
0x5b: {  	_ =	shalt  }
0x5c: {  	_ =	shalt  }
0x5d: {  	_ =	shalt  }
0x5e: {  	_ =	shalt  }
0x5f: {  	_ =	shalt  }
0x60: {  	_ =	shalt  }
0x61: {  	_ =	shalt  }
0x62: {  	_ =	shalt  }
0x63: {  	_ =	shalt  }
0x64: {  	_ =	shalt  }
0x65: {  	_ =	shalt  }
0x66: {  	_ =	shalt  }
0x67: {  	_ =	shalt  }
0x68: {  	_ =	shalt  }
0x69: {  	_ =	shalt  }
0x6a: {  	_ =	shalt  }
0x6b: {  	_ =	shalt  }
0x6c: {  	_ =	shalt  }
0x6d: {  	_ =	shalt  }
0x6e: {  	_ =	shalt  }
0x6f: {  	_ =	shalt  }
0x70: {  	_ =	shalt  }
0x71: {  	_ =	shalt  }
0x72: {  	_ =	shalt  }
0x73: {  	_ =	shalt  }
0x74: {  	_ =	shalt  }
0x75: {  	_ =	shalt  }
0x76: {  	_ =	shalt  }
0x77: {  	_ =	shalt  }
0x78: {  	_ =	shalt  }
0x79: {  	_ =	shalt  }
0x7a: {  	_ =	shalt  }
0x7b: {  	_ =	shalt  }
0x7c: {  	_ =	shalt  }
0x7d: {  	_ =	shalt  }
0x7e: {  	_ =	shalt  }
0x7f: {  	_ =	shalt  }
0x80: {  	_ =	shalt  }
0x81: {  	_ =	shalt  }
0x82: {  	_ =	shalt  }
0x83: {  	_ =	shalt  }
0x84: {  	_ =	shalt  }
0x85: {  	_ =	shalt  }
0x86: {  	_ =	shalt  }
0x87: {  	_ =	shalt  }
.Lfunc_end0:
.L_simem_size_0:
called_computation_lowered:
.L_overlay_start_0:
0x88: {  	s2 =	sld [smem:$0x3FD9]  }
0x89: {  	s3 =	sld [smem:$0x3FFE];
	_ =	sdelay $0x1  }
0x8a: {  	s1 =	srdreg.scid  }
0x8b: {  	s0 =	sand.u32 $0x1, s1  }
0x8c: {  	s16 =	sshll.u32 s0, $0xA;
	s2 =	sadd.s32 s3, s2  }
0x8d: {  	s2 =	sadd.s32 s2, s16  }
0x8e: {  	[smem:$0x3FB9] =	sst s2  }
0x8f: {  	_ = 	snop  }
0x90: {  	(tm) =	ssettm $0x1  }
0x91: {  	s17 =	sld [smem:$0x3FFB];
	_ =	sdelay $0x3  }
0x92: {  	_ =	strace s17  }
0x93: {  	s2 =	sld [smem:$0x3FFC];
	_ =	sdelay $0x3  }
0x94: {  	_ =	strace s2  }
0x95: {  	s2 =	sld [smem:$0x3FFD];
	_ =	sdelay $0x3  }
0x96: {  	_ =	strace s2  }
0x97: {  	_ =	strace $0x8FFFFFFF  }
0x98: {  	s18 =	sld [smem:$0x3FDB];
	_ =	sdelay $0x1  }
0x99: {  	s19 =	simm.s32 $_scs_section_size  }
0x9a: {  	s4 =	simm.s32 $_size__tile_overlayer_lowered;
	s5 =	simm.s32 $_tile_overlayer_lowered  }
0x9b: {  	s22 =	simm.s32 $0x1BFF;
	s21 =	sshll.u32 s5, $0x1;
	s2 =	sadd.s32 s19, s18  }
0x9c: {  	s6 =	simm.s32 $0x0;
	s20 =	sshll.u32 s4, $0x1;
	s4 =	sadd.s32 s21, s2  }
0x9d: {  	[timem:s6], [sflag:s22] =	dma.local [hbm:s4], s20  }
0x9e: {  	_ =	swait.ge [sflag:s22], s20  }
0x9f: {  	s3 =	ssub.s32 $0x0, s20;
	[sflag:s22] =	ssyncset.done $0x0  }
0xa0: {  	[sflag:s22] =	ssyncadd.s32 s3;
	_ =	sdelay $0x1  }
0xa1: {  	s23 =	simm.s32 $0x1B8B  }
0xa2: {  	_ =	swait.ge [sflag:s23], $0x1  }
0xa3: {  	[sflag:s23] =	ssyncset.done $0x0  }
0xa4: {  	s25 =	simm.s32 $0x1B8E;
	s24 =	sld [smem:$0x3FFE];
	[sflag:s23] =	ssyncadd.s32 $0xFFFFFFFF  }
0xa5: {  	s26 =	simm.s32 $execute0_lowered;
	[smem:$0x3FD2] =	sst s25  }
0xa6: {  	s4 =	sshll.u32 s26, $0x1;
	_ =	strace $0x80000046;
	[dreg:$0x1] =	wrdreg $0xFFFFFFFF  }
0xa7: {  	s28 =	simm.s32 $_size_execute0_lowered;
	s2 =	sadd.s32 s2, s4;
	[dreg:$0x0] =	wrdreg $0x0  }
0xa8: {  	s4 =	sshll.u32 s28, $0x1;
	[dreg:$0x2] =	wrdreg s2  }
0xa9: {  	[dreg:$0x3] =	wrdreg s4  }
0xaa: {  	[dreg:$0x4] =	wrdreg $0xC0  }
0xab: {  	_ =	task [dreg:s6], $0x5FFFF  }
0xac: {  	[dreg:$0x1] =	wrdreg $0xFFFFFFFF  }
0xad: {  	[dreg:$0x0] =	wrdreg $0x60  }
0xae: {  	[dreg:$0x2] =	wrdreg s24  }
0xaf: {  	[dreg:$0x3] =	wrdreg $0x102000  }
0xb0: {  	[dreg:$0x4] =	wrdreg $0x9  }
0xb1: {  	_ =	task.clear_ibuf [dreg:s6], $0x5FFFF;
	_ =	strace $0x90000046  }
0xb2: {  	s29 =	simm.s32 $0x9;
	_ =	strace $0x80000048  }
0xb3: {  	_ =	swait.ge [sflag:s29], $0x1  }
0xb4: {  	[sflag:s29] =	ssyncadd.s32 $0xFFFFFFFF  }
0xb5: {  	_ =	strace $0x90000048  }
0xb6: {  	_ =	sfence  }
0xb7: {  	s30 =	sld [smem:$0x0];
	_ =	sdelay $0x2  }
0xb8: {  	s31 =	sshll.u32 s1, $0xD;
	s1 =	sshrl.u32 s1, $0x2  }
0xb9: {  	s3 =	sand.u32 $0x4000, s31;
	s1 =	sadd.s32 s1, s30  }
0xba: {  	s0 =	sor.u32 s3, s0;
	s1 =	sshll.u32 s1, $0x11  }
0xbb: {  	s0 =	sor.u32 s1, s0  }
0xbc: {  	s0 =	sadd.s32 $0x8F2B, s0  }
0xbd: {  	[sflag:s0] =	ssyncadd.remote.s32 $0x1  }
0xbe: {  	_ =	sfence.sel $0xFFFF  }
0xbf: {  	[dreg:$0x0] =	wrdreg $0xFFFFFFFF;
	(pc) =	sbr.abs _section_cstart, $3  }
0xc0: {  	[dreg:$0x1] =	wrdreg $0xFFFFFFFF  }
0xc1: {  	_ =	task.clear_ibuf [dreg:s6], $0x2FFFF;
	_ =	strace $0x9FFFFFFF  }
0xc2: {  	(tm) =	ssettm $0x7FFFFFFF  }
0xc3: {  	_ =	shalt  }
tec
execute0_lowered:
.L_overlay_start_1:
0x0: {  	(tag) =	ssettag $0x1  }
0x1: {  	s0 =	srdreg.scid  }
0x2: {  	s1 =	rddreg [dreg:$0x0];
	s11 =	stileid.u32  }
0x3: {  	s2 =	rddreg [dreg:$0x1];
	s4 =	simm.s32 $0x0;
	s28 =	simm.s32 $0x9A00  }
0x4: {  	s0 =	sand.u32 $0x1, s0;
	[smem:$0x7FF] =	sst s4;
	s4 =	sadd.s32 $0x16800, s1  }
0x5: {  	s9 =	smul.u32 $0xC800, s11;
	s5 =	sadd.s32 $0x2800, s1;
	s6 =	sadd.s32 $0x2F800, s1  }
0x6: {  	s7 =	sadd.s32 $0x2A800, s1;
	s3 =	sshll.u32 s0, $0x4;
	s8 =	smul.u32 $0x190000, s0  }
0x7: {  	_ =	strace $0x80000047;
	s0 =	ssub.s32 $0x2, s0;
	s3 =	sor.u32 s11, s3  }
0x8: {  	s10 =	sshrl.u32 s0, $0x1;
	s11 =	smul.u32 $0x32000, s11;
	s21 =	sadd.s32 s9, s2  }
0x9: {  	s3 =	smul.u32 $0x520, s3;
	s8 =	sadd.s32 s9, s8;
	s0 =	ssub.s32 s0, s10  }
0xa: {  	[dreg:$0x6] =	wrdreg s21;
	s20 =	sshrl.u32 s11, $0x2;
	s0 =	smax.u32 s0, $0x1  }
0xb: {  	s3 =	sadd.s32 s3, s1;
	s22 =	sadd.s32 s20, s2;
	[dreg:$0x9] =	wrdreg s0  }
0xc: {  	s8 =	sshrl.u32 s8, $0x3;
	s18 =	sadd.s32 $0x3EC00, s3;
	[dreg:$0x8] =	wrdreg s22  }
0xd: {  	s1 =	sadd.s32 s8, s1;
	s3 =	sadd.s32 $0x34800, s3;
	[dreg:$0x3] =	wrdreg s18  }
0xe: {  	s29 =	simm.s32 $0xAA00;
	s19 =	sadd.s32 $0x49000, s1;
	[dreg:$0x4] =	wrdreg s3  }
0xf: {  	s30 =	simm.s32 $0x1;
	s1 =	sadd.s32 $0x62000, s1;
	[dreg:$0x5] =	wrdreg s19  }
0x10: {  	s31 =	simm.s32 $0x2;
	s23 =	sadd.s32 $0x2800, s22;
	[dreg:$0x7] =	wrdreg s1  }
0x11: {  	s21 =	simm.s32 $0xB200;
	s24 =	sadd.s32 $0x5000, s22;
	[dreg:$0xa] =	wrdreg s23  }
0x12: {  	s0 =	simm.s32 $0x3;
	s25 =	sadd.s32 $0x7800, s22;
	[dreg:$0xb] =	wrdreg s24  }
0x13: {  	s26 =	sadd.s32 $0xA000, s22;
	s22 =	simm.s32 $0x80;
	[dreg:$0xc] =	wrdreg s25  }
0x14: {  	[dreg:$0xd] =	wrdreg s26;
	s19 =	simm.s32 $0x5;
	s26 =	simm.s32 $0x7200  }
0x15: {  	v0 =	vimm.f32 $0.0e+00;
	s1 =	simm.s32 $0xDA00;
	s23 =	simm.s32 $0x4;
	s24 =	simm.s32 $0x0  }
.LBB2_1:
0x16: {  	s3 =	simm.s32 $0x0;
	s8 =	rddreg [dreg:$0x3]  }
0x17: {  	[tilespmem:s3], [sflag:$0x5] =	stream.linear.gather [hbm4b:s8+s3], $0x2900, $0x38;
	[tilespmem:$0x1CA00] =	vst v63  }
0x18: {  	_ =	swait.ge [sflag:s19], $0x2900  }
0x19: {  	[sflag:s19] =	ssyncset.done $0x0  }
0x1a: {  	s9 =	simm.s32 $0x2900;
	s25 =	rddreg [dreg:$0x4];
	[sflag:s19] =	ssyncadd.s32 $0xFFFFD700  }
0x1b: {  	[tilespmem:s9], [sflag:$0x5] =	stream.linear.gather [hbm4b:s25+s3], $0x2900, $0x38;
	[tilespmem:$0x1CA00] =	vst v63  }
0x1c: {  	_ =	swait.ge [sflag:s19], $0x2900  }
0x1d: {  	[sflag:s19] =	ssyncset.done $0x0  }
0x1e: {  	s8 =	simm.s32 $0x140;
	s3 =	simm.s32 $0x0;
	[sflag:s19] =	ssyncadd.s32 $0xFFFFD700  }
.LBB2_2:
0x1f: {  	p0 =	sne.s32 s8, $0x9EC0;
	[tilespmem:s3+$0xB240] =	vst v0;
	s9 =	smov.u32 s8;
	s8 =	sadd.s32 $0x140, s8  }
.Ltmp0:
0x20: {  	[tilespmem:s3+$0xB230] =	vst v0;
	(pc) =	sbr.rel @p0 .LBB2_2-.Ltmp0, $4  }
0x21: {  	[tilespmem:s3+$0xB220] =	vst v0  }
0x22: {  	[tilespmem:s3+$0xB200] =	vst v0  }
0x23: {  	[tilespmem:s3+$0xB210] =	vst v0  }
0x24: {  	s3 =	sshra.s32 s9, $0x2  }
0x25: {  	[tilespmem:s3+$0xB240] =	vst v0  }
0x26: {  	[tilespmem:s3+$0xB230] =	vst v0  }
0x27: {  	[tilespmem:s3+$0xB220] =	vst v0  }
0x28: {  	[tilespmem:s3+$0xB200] =	vst v0  }
0x29: {  	[tilespmem:s3+$0xB210] =	vst v0;
	s14 =	rddreg [dreg:$0x8]  }
0x2a: {  	[spmem:s14] =	stream.linear.scatter [tilespmem:s21], [sflag:$0x5], $0x2800, $0x38;
	[tilespmem:$0x1CA00] =	vst v63  }
0x2b: {  	_ =	swait.ge [sflag:s19], $0x2800  }
0x2c: {  	[sflag:s19] =	ssyncset.done $0x0  }
0x2d: {  	s15 =	rddreg [dreg:$0xa];
	[sflag:s19] =	ssyncadd.s32 $0xFFFFD800  }
0x2e: {  	[spmem:s15] =	stream.linear.scatter [tilespmem:s21], [sflag:$0x5], $0x2800, $0x38;
	[tilespmem:$0x1CA00] =	vst v63  }
0x2f: {  	_ =	swait.ge [sflag:s19], $0x2800  }
0x30: {  	[sflag:s19] =	ssyncset.done $0x0  }
0x31: {  	s16 =	rddreg [dreg:$0xb];
	[sflag:s19] =	ssyncadd.s32 $0xFFFFD800  }
0x32: {  	[spmem:s16] =	stream.linear.scatter [tilespmem:s21], [sflag:$0x5], $0x2800, $0x38;
	[tilespmem:$0x1CA00] =	vst v63  }
0x33: {  	_ =	swait.ge [sflag:s19], $0x2800  }
0x34: {  	[sflag:s19] =	ssyncset.done $0x0  }
0x35: {  	s17 =	rddreg [dreg:$0xc];
	[sflag:s19] =	ssyncadd.s32 $0xFFFFD800  }
0x36: {  	[spmem:s17] =	stream.linear.scatter [tilespmem:s21], [sflag:$0x5], $0x2800, $0x38;
	[tilespmem:$0x1CA00] =	vst v63  }
0x37: {  	_ =	swait.ge [sflag:s19], $0x2800  }
0x38: {  	[sflag:s19] =	ssyncset.done $0x0  }
0x39: {  	s18 =	rddreg [dreg:$0xd];
	[sflag:s19] =	ssyncadd.s32 $0xFFFFD800  }
0x3a: {  	[spmem:s18] =	stream.linear.scatter [tilespmem:s21], [sflag:$0x5], $0x2800, $0x38;
	[tilespmem:$0x1CA00] =	vst v63  }
0x3b: {  	_ =	swait.ge [sflag:s19], $0x2800  }
0x3c: {  	[sflag:s19] =	ssyncset.done $0x0  }
0x3d: {  	[sflag:s19] =	ssyncadd.s32 $0xFFFFD800  }
0x3e: {  	s3 =	simm.s32 $0x0;
	s8 =	simm.s32 $0x5200;
	[bflag:$0x0] =	sbarrier.arrive $0xFFFF  }
0x3f: {  	[tilespmem:s8], [sflag:$0x1] =	stream.indirect.gather [hbm4b:s4+s22], $0x40, s3, s22, $0xb8;
	[tilespmem:$0x1CA00] =	vst v63  }
0x40: {  	s20 =	simm.s32 $0x9200  }
0x41: {  	[tilespmem:s20], [sflag:$0x1] =	stream.indirect.gather [hbm4b:s6+s22], $0x10, s3, s22, $0xb8;
	[tilespmem:$0x1CA00] =	vst v63  }
0x42: {  	s25 =	simm.s32 $0x2900;
	s9 =	simm.s32 $0xA200  }
0x43: {  	[tilespmem:s9], [sflag:$0x1] =	stream.indirect.gather [hbm4b:s7+s22], $0x10, s25, s22, $0xb8;
	[tilespmem:$0x1CA00] =	vst v63  }
.LBB2_4:
0x44: {  	s9 =	sshll.u32 s3, $0x8  }
0x45: {  	s8 =	sor.u32 $0x80, s9  }
0x46: {  	[tilespmem:s26], [sflag:$0x2] =	stream.indirect.gather [hbm4b:s4+s22], $0x40, s8, s22, $0xb8;
	[tilespmem:$0x1CA00] =	vst v63  }
0x47: {  	_ = 	snop  }
0x48: {  	[tilespmem:s28], [sflag:$0x2] =	stream.indirect.gather [hbm4b:s6+s22], $0x10, s8, s22, $0xb8;
	[tilespmem:$0x1CA00] =	vst v63  }
0x49: {  	s8 =	sadd.s32 $0x2980, s9  }
0x4a: {  	[tilespmem:s29], [sflag:$0x2] =	stream.indirect.gather [hbm4b:s7+s22], $0x10, s8, s22, $0xb8;
	[tilespmem:$0x1CA00] =	vst v63  }
0x4b: {  	_ =	swait.ge [sflag:s30], $0x2000  }
0x4c: {  	[sflag:s30] =	ssyncset.done $0x0  }
0x4d: {  	[sflag:s30] =	ssyncadd.s32 $0xFFFFE000  }
0x4e: {  	_ =	swait.ge [sflag:s30], $0x800  }
0x4f: {  	[sflag:s30] =	ssyncset.done $0x0  }
0x50: {  	[sflag:s30] =	ssyncadd.s32 $0xFFFFF800  }
0x51: {  	_ =	swait.ge [sflag:s30], $0x800  }
0x52: {  	p0 =	seq.s32 s3, $0x0;
	[sflag:s30] =	ssyncset.done $0x0  }
0x53: {  	s10 =	simm.s32 @!p0 $0x3;
	[sflag:s30] =	ssyncadd.s32 $0xFFFFF800  }
0x54: {  	_ =	swait.ge @!p0 [sflag:s10], $0x2800  }
0x55: {  	[sflag:s10] =	ssyncset.done @!p0 $0x0  }
0x56: {  	s20 =	simm.s32 $0x9240;
	[sflag:s10] =	ssyncadd.s32 @!p0 $0xFFFFD800  }
0x57: {  	s11 =	simm.s32 $0xA240;
	v1 =	vld [tilespmem:s20+$0x30]  }
0x58: {  	v2 =	vld [tilespmem:s11+$0x30];
	_ =	sdelay $0x1  }
0x59: {  	v3 =	vld [tilespmem:s11+$0xFFFFFFC0]  }
0x5a: {  	v4 =	vld [tilespmem:s20+$0xFFFFFFD0]  }
0x5b: {  	v5 =	vld [tilespmem:s11+$0xFFFFFFD0]  }
0x5c: {  	v6 =	vld [tilespmem:s20+$0xFFFFFFE0];
	v1 =	vadd.f32 v2, v1  }
0x5d: {  	v7 =	vld [tilespmem:s11+$0xFFFFFFE0]  }
0x5e: {  	v8 =	vld [tilespmem:s11+$0xFFFFFFF0];
	v9 =	vmul.f32 $2.000000030e-01, v1  }
0x5f: {  	v10 =	vld [tilespmem:s20+$0x0]  }
0x60: {  	v2 =	vld [tilespmem:s20+$0xFFFFFFF0];
	v1 =	vmax.f32 v1, v9  }
0x61: {  	v11 =	vld [tilespmem:s11+$0x0];
	v1 =	vmul.f32 $1.442695020e+00, v1  }
0x62: {  	v12 =	vld [tilespmem:s20+$0x20];
	v4 =	vadd.f32 v5, v4  }
0x63: {  	v5 =	vld [tilespmem:s20+$0x10];
	v6 =	vadd.f32 v7, v6;
	(erf) = vpow2.f32 v1  }
0x64: {  	v7 =	vld [tilespmem:s11+$0x10];
	v9 =	vmul.f32 $2.000000030e-01, v4  }
0x65: {  	v2 =	vadd.f32 v8, v2;
	v8 =	vld [tilespmem:s11+$0x20];
	v1 =	vmul.f32 $2.000000030e-01, v6  }
0x66: {  	v4 =	vmax.f32 v4, v9;
	v9 =	vld [tilespmem:s20+$0xFFFFFFC0]  }
0x67: {  	v4 =	vmul.f32 $1.442695020e+00, v4;
	v1 =	vmax.f32 v6, v1  }
0x68: {  	v10 =	vadd.f32 v11, v10;
	v6 =	vmul.f32 $2.000000030e-01, v2;
	v1 =	vmul.f32 $1.442695020e+00, v1  }
0x69: {  	v5 =	vadd.f32 v7, v5;
	(erf) = vpow2.f32 v4  }
0x6a: {  	v4 =	vadd.f32 v8, v12;
	v2 =	vmax.f32 v2, v6;
	v6 =	vmul.f32 $2.000000030e-01, v10  }
0x6b: {  	v7 =	vmul.f32 $2.000000030e-01, v5;
	v3 =	vadd.f32 v3, v9;
	v2 =	vmul.f32 $1.442695020e+00, v2  }
0x6c: {  	s15 =	simm.s32 $0x5300;
	s10 =	simm.s32 $0xB340;
	v8 =	vmul.f32 $2.000000030e-01, v4;
	(erf) = vpow2.f32 v1;
	v6 =	vmax.f32 v10, v6;
	v1 =	vpop (erf)  }
0x6d: {  	v5 =	vmax.f32 v5, v7;
	v7 =	vmul.f32 $2.000000030e-01, v3;
	v6 =	vmul.f32 $1.442695020e+00, v6;
	[tilespmem:s10+$0x130] =	vst v1  }
0x6e: {  	s12 =	simm.s32 $0xA2C0;
	v4 =	vmax.f32 v4, v8;
	(erf) = vpow2.f32 v2;
	v2 =	vmul.f32 $1.442695020e+00, v5;
	v5 =	vld [tilespmem:s15+$0xC0]  }
0x6f: {  	s25 =	simm.s32 $0x92C0;
	v22 =	vld [tilespmem:s12+$0xFFFFFFC0];
	v3 =	vmax.f32 v3, v7;
	v4 =	vmul.f32 $1.442695020e+00, v4;
	(erf) = vpow2.f32 v6  }
0x70: {  	v25 =	vld [tilespmem:s25+$0xFFFFFFD0];
	(erf) = vpow2.f32 v2;
	v2 =	vmul.f32 $1.442695020e+00, v3  }
0x71: {  	v27 =	vld [tilespmem:s12+$0xFFFFFFD0];
	v3 =	vbroadcast v1, $0x0;
	(erf) = vpow2.f32 v4  }
0x72: {  	v30 =	vld [tilespmem:s25+$0xFFFFFFE0];
	(erf) = vpow2.f32 v2  }
0x73: {  	v33 =	vld [tilespmem:s12+$0xFFFFFFE0];
	v2 =	vmul.f32 v3, v5  }
0x74: {  	v36 =	vld [tilespmem:s25+$0xFFFFFFF0];
	v4 =	vpop (erf)  }
0x75: {  	v38 =	vld [tilespmem:s12+$0xFFFFFFF0];
	[tilespmem:s10+$0xFFFFFF50] =	vst v4;
	v3 =	vpop (erf)  }
0x76: {  	v5 =	vld [tilespmem:s15+$0xFFFFFF40];
	[tilespmem:s10+$0xFFFFFFA0] =	vst v3  }
0x77: {  	v11 =	vbroadcast v4, $0x0;
	[tilespmem:s10+$0xF0] =	vst v2;
	v7 =	vld [tilespmem:s15+$0xFFFFFF80];
	v2 =	vpop (erf)  }
0x78: {  	v6 =	vld [tilespmem:s15+$0xD0];
	[tilespmem:s10+$0xFFFFFFF0] =	vst v2;
	v9 =	vpop (erf)  }
0x79: {  	v12 =	vld [tilespmem:s15+$0xFFFFFFC0];
	[tilespmem:s10+$0x40] =	vst v9;
	v10 =	vpop (erf)  }
0x7a: {  	v14 =	vbroadcast v1, $0x1;
	v13 =	vld [tilespmem:s15+$0x0];
	[tilespmem:s10+$0x90] =	vst v10;
	v8 =	vpop (erf)  }
0x7b: {  	v15 =	vbroadcast v3, $0x0;
	v5 =	vmul.f32 v11, v5;
	v16 =	vld [tilespmem:s15+$0x40];
	[tilespmem:s10+$0xE0] =	vst v8;
	v11 =	vpop (erf)  }
0x7c: {  	v17 =	vbroadcast v2, $0x0;
	[tilespmem:s10+$0xFFFFFF00] =	vst v11;
	v18 =	vld [tilespmem:s15+$0x80]  }
0x7d: {  	v7 =	vmul.f32 v15, v7;
	v6 =	vmul.f32 v14, v6;
	v15 =	vld [tilespmem:s15+$0xFFFFFF00]  }
0x7e: {  	v50 =	vld [tilespmem:s12+$0x20];
	[tilespmem:s10+$0xFFFFFF10] =	vst v5;
	v5 =	vbroadcast v10, $0x0;
	v14 =	vbroadcast v9, $0x0  }
0x7f: {  	[tilespmem:s10+$0x100] =	vst v6;
	v6 =	vbroadcast v8, $0x0;
	v12 =	vmul.f32 v17, v12;
	v17 =	vld [tilespmem:s15+$0xFFFFFF50]  }
0x80: {  	v25 =	vadd.f32 v27, v25;
	[tilespmem:s10+$0xFFFFFF60] =	vst v7;
	v7 =	vbroadcast v11, $0x0;
	v13 =	vmul.f32 v14, v13;
	v14 =	vld [tilespmem:s15+$0xE0]  }
0x81: {  	v27 =	vadd.f32 v33, v30;
	v5 =	vmul.f32 v5, v16;
	v16 =	vld [tilespmem:s15+$0xFFFFFF90];
	[tilespmem:s10+$0xFFFFFFB0] =	vst v12;
	v6 =	vmul.f32 v6, v18  }
0x82: {  	v48 =	vmul.f32 $2.000000030e-01, v25;
	v12 =	vld [tilespmem:s15+$0xFFFFFFD0];
	[tilespmem:s10+$0x0] =	vst v13;
	v7 =	vmul.f32 v7, v15  }
0x83: {  	v49 =	vmul.f32 $2.000000030e-01, v27;
	v37 =	vbroadcast v1, $0x2;
	[tilespmem:s10+$0xA0] =	vst v6;
	v6 =	vld [tilespmem:s25+$0x30]  }
0x84: {  	v20 =	vbroadcast v4, $0x1;
	v21 =	vbroadcast v4, $0x2;
	[tilespmem:s10+$0xFFFFFEC0] =	vst v7;
	v7 =	vld [tilespmem:s12+$0x30]  }
0x85: {  	v23 =	vbroadcast v3, $0x1;
	v26 =	vbroadcast v3, $0x2;
	v13 =	vld [tilespmem:s15+$0x10];
	[tilespmem:s10+$0x50] =	vst v5  }
0x86: {  	v24 =	vbroadcast v2, $0x1;
	v28 =	vbroadcast v9, $0x1;
	v15 =	vld [tilespmem:s15+$0x50]  }
0x87: {  	v29 =	vbroadcast v10, $0x1;
	v17 =	vmul.f32 v20, v17;
	v20 =	vld [tilespmem:s25+$0x0]  }
0x88: {  	v32 =	vbroadcast v8, $0x1;
	v31 =	vbroadcast v11, $0x1;
	v18 =	vld [tilespmem:s15+$0x90]  }
0x89: {  	v35 =	vbroadcast v11, $0x2;
	v16 =	vmul.f32 v23, v16;
	v23 =	vld [tilespmem:s12+$0x0];
	v34 =	vadd.f32 v7, v6  }
0x8a: {  	v5 =	vbroadcast v2, $0x2;
	v14 =	vmul.f32 v37, v14;
	v19 =	vld [tilespmem:s15+$0xFFFFFF10]  }
0x8b: {  	v12 =	vmul.f32 v24, v12;
	v24 =	vld [tilespmem:s25+$0x10];
	v39 =	vmul.f32 $2.000000030e-01, v34  }
0x8c: {  	v13 =	vmul.f32 v28, v13;
	v28 =	vld [tilespmem:s12+$0x10];
	v15 =	vmul.f32 v29, v15;
	v29 =	vadd.f32 v38, v36  }
0x8d: {  	v51 =	vld [tilespmem:s25+$0xFFFFFFC0];
	[tilespmem:s10+$0xFFFFFF20] =	vst v17;
	v6 =	vbroadcast v9, $0x2;
	v18 =	vmul.f32 v32, v18;
	v34 =	vmax.f32 v34, v39  }
0x8e: {  	v30 =	vld [tilespmem:s25+$0x20];
	[tilespmem:s10+$0x110] =	vst v14;
	v52 =	vmul.f32 $2.000000030e-01, v29;
	v20 =	vadd.f32 v23, v20;
	v34 =	vmul.f32 $1.442695020e+00, v34  }
0x8f: {  	v14 =	vld [tilespmem:s15+$0xFFFFFF60];
	v19 =	vmul.f32 v31, v19;
	v23 =	vmax.f32 v25, v48;
	[tilespmem:s10+$0x60] =	vst v15;
	v15 =	vbroadcast v4, $0x3  }
0x90: {  	v25 =	vmax.f32 v27, v49;
	v23 =	vmul.f32 $1.442695020e+00, v23;
	(erf) = vpow2.f32 v34  }
0x91: {  	v27 =	vmax.f32 v29, v52;
	v29 =	vmul.f32 $2.000000030e-01, v20;
	[tilespmem:s10+$0xFFFFFED0] =	vst v19;
	v24 =	vadd.f32 v28, v24  }
0x92: {  	v19 =	vmul.f32 $1.442695020e+00, v25;
	v25 =	vmul.f32 $1.442695020e+00, v27;
	v27 =	vld [tilespmem:s15+$0xFFFFFF20]  }
0x93: {  	v22 =	vadd.f32 v22, v51;
	v17 =	vmul.f32 $2.000000030e-01, v24;
	(erf) = vpow2.f32 v23  }
0x94: {  	s13 =	simm.s32 $0x9340;
	v14 =	vmul.f32 v21, v14;
	v20 =	vmax.f32 v20, v29;
	v23 =	vadd.f32 v50, v30  }
0x95: {  	[tilespmem:s10+$0xFFFFFF70] =	vst v16;
	v49 =	vld [tilespmem:s13+$0x30];
	v20 =	vmul.f32 $1.442695020e+00, v20;
	v16 =	vmax.f32 v24, v17;
	v24 =	vmul.f32 $2.000000030e-01, v22  }
0x96: {  	[tilespmem:s10+$0xFFFFFFC0] =	vst v12;
	v21 =	vld [tilespmem:s15+$0x60];
	(erf) = vpow2.f32 v19;
	v19 =	vmul.f32 $2.000000030e-01, v23  }
0x97: {  	s20 =	simm.s32 $0xA340;
	[tilespmem:s10+$0x10] =	vst v13;
	v28 =	vld [tilespmem:s15+$0xF0];
	v16 =	vmul.f32 $1.442695020e+00, v16;
	v12 =	vmul.f32 v35, v27  }
0x98: {  	[tilespmem:s10+$0xB0] =	vst v18;
	v52 =	vld [tilespmem:s20+$0x30];
	v27 =	vbroadcast v8, $0x2;
	(erf) = vpow2.f32 v25;
	v19 =	vmax.f32 v23, v19  }
0x99: {  	s11 =	simm.s32 $0xB5C0;
	v25 =	vld [tilespmem:s15+$0xFFFFFFA0];
	(erf) = vpow2.f32 v20;
	v20 =	vmax.f32 v22, v24;
	[tilespmem:s10+$0xFFFFFEE0] =	vst v12;
	v19 =	vmul.f32 $1.442695020e+00, v19;
	v17 =	vpop (erf)  }
0x9a: {  	s12 =	simm.s32 $0x5500;
	(erf) = vpow2.f32 v16;
	v13 =	vmul.f32 $1.442695020e+00, v20;
	v18 =	vld [tilespmem:s15+$0xFFFFFF30];
	[tilespmem:s11+$0x130] =	vst v17  }
0x9b: {  	v16 =	vbroadcast v11, $0x3;
	(erf) = vpow2.f32 v19;
	v22 =	vld [tilespmem:s12+$0xC0]  }
0x9c: {  	v24 =	vld [tilespmem:s15+$0x20];
	v19 =	vbroadcast v17, $0x0;
	(erf) = vpow2.f32 v13;
	v12 =	vpop (erf)  }
0x9d: {  	v23 =	vld [tilespmem:s15+$0xFFFFFFE0];
	v13 =	vbroadcast v3, $0x3;
	v3 =	vbroadcast v1, $0x3;
	[tilespmem:s11+$0xFFFFFF50] =	vst v12  }
0x9e: {  	v1 =	vbroadcast v2, $0x3;
	v2 =	vbroadcast v9, $0x3;
	v9 =	vld [tilespmem:s12+$0xFFFFFF40]  }
0x9f: {  	v11 =	vld [tilespmem:s15+$0xA0];
	v16 =	vmul.f32 v18, v16;
	v28 =	vmul.f32 v28, v3  }
0xa0: {  	[tilespmem:s10+$0xFFFFFF30] =	vst v14;
	v18 =	vld [tilespmem:s13+$0xFFFFFFC0];
	v3 =	vbroadcast v8, $0x3;
	v4 =	vmul.f32 v19, v22;
	v22 =	vpop (erf)  }
0xa1: {  	v8 =	vmul.f32 v26, v25;
	v26 =	vbroadcast v12, $0x0;
	v19 =	vld [tilespmem:s15+$0xFFFFFF70];
	[tilespmem:s11+$0xFFFFFFA0] =	vst v22  }
0xa2: {  	v7 =	vbroadcast v10, $0x2;
	v24 =	vmul.f32 v6, v24;
	v29 =	vpop (erf);
	[tilespmem:s11+$0xF0] =	vst v4;
	v20 =	vld [tilespmem:s12+$0xFFFFFF80]  }
0xa3: {  	v9 =	vmul.f32 v26, v9;
	v4 =	vbroadcast v10, $0x3;
	[tilespmem:s11+$0xFFFFFFF0] =	vst v29;
	v25 =	vpop (erf);
	v10 =	vld [tilespmem:s12+$0xD0]  }
0xa4: {  	v31 =	vld [tilespmem:s12+$0xFFFFFFC0];
	v58 =	vbroadcast v25, $0x0;
	v44 =	vbroadcast v25, $0x1  }
0xa5: {  	[tilespmem:s11+$0x40] =	vst v25;
	v36 =	vbroadcast v25, $0x2;
	v6 =	vbroadcast v25, $0x3;
	v25 =	vld [tilespmem:s20+$0x0]  }
0xa6: {  	v32 =	vpop (erf);
	[tilespmem:s11+$0xFFFFFF10] =	vst v9;
	v53 =	vld [tilespmem:s12+$0x0]  }
0xa7: {  	v21 =	vmul.f32 v7, v21;
	[tilespmem:s11+$0x90] =	vst v32;
	v37 =	vpop (erf);
	v40 =	vld [tilespmem:s12+$0xFFFFFF50]  }
0xa8: {  	v54 =	vbroadcast v17, $0x1;
	v23 =	vmul.f32 v5, v23;
	v26 =	vld [tilespmem:s12+$0x40];
	[tilespmem:s11+$0xE0] =	vst v37;
	v38 =	vpop (erf)  }
0xa9: {  	v27 =	vmul.f32 v27, v11;
	v55 =	vbroadcast v22, $0x0;
	[tilespmem:s11+$0xFFFFFF00] =	vst v38;
	v57 =	vld [tilespmem:s12+$0x80]  }
0xaa: {  	v30 =	vbroadcast v12, $0x1;
	v14 =	vbroadcast v12, $0x2;
	v59 =	vld [tilespmem:s12+$0xFFFFFF00]  }
0xab: {  	v56 =	vbroadcast v29, $0x0;
	v20 =	vmul.f32 v55, v20;
	v55 =	vld [tilespmem:s20+$0xFFFFFFE0]  }
0xac: {  	v11 =	vbroadcast v12, $0x3;
	v10 =	vmul.f32 v54, v10;
	v54 =	vld [tilespmem:s13+$0xFFFFFFE0]  }
0xad: {  	v12 =	vbroadcast v22, $0x3;
	v31 =	vmul.f32 v56, v31;
	v56 =	vld [tilespmem:s13+$0xFFFFFFF0]  }
0xae: {  	v9 =	vbroadcast v32, $0x0;
	v30 =	vmul.f32 v30, v40;
	v40 =	vld [tilespmem:s20+$0xFFFFFFC0]  }
0xaf: {  	v42 =	vbroadcast v29, $0x1;
	v33 =	vmul.f32 v58, v53;
	[tilespmem:s11+$0xFFFFFF60] =	vst v20;
	v53 =	vld [tilespmem:s20+$0xFFFFFFD0]  }
0xb0: {  	v34 =	vbroadcast v29, $0x2;
	[tilespmem:s11+$0x100] =	vst v10;
	v9 =	vmul.f32 v9, v26;
	v26 =	vld [tilespmem:s12+$0xFFFFFF90]  }
0xb1: {  	v7 =	vbroadcast v29, $0x3;
	v45 =	vbroadcast v32, $0x1;
	[tilespmem:s11+$0xFFFFFFB0] =	vst v31;
	v60 =	vld [tilespmem:s12+$0xE0]  }
0xb2: {  	v35 =	vbroadcast v32, $0x2;
	v10 =	vbroadcast v37, $0x0;
	v41 =	vld [tilespmem:s12+$0xFFFFFFD0];
	[tilespmem:s11+$0x0] =	vst v33  }
0xb3: {  	v5 =	vbroadcast v32, $0x3;
	v20 =	vbroadcast v38, $0x0;
	v62 =	vld [tilespmem:s12+$0x10]  }
0xb4: {  	v48 =	vbroadcast v37, $0x1;
	v10 =	vmul.f32 v10, v57;
	v57 =	vld [tilespmem:s20+$0xFFFFFFF0]  }
0xb5: {  	v15 =	vmul.f32 v19, v15;
	v61 =	vmul.f32 v20, v59;
	[tilespmem:s11+$0x50] =	vst v9;
	v59 =	vld [tilespmem:s13+$0x0]  }
0xb6: {  	v47 =	vbroadcast v38, $0x1;
	v50 =	vbroadcast v38, $0x2;
	v43 =	vld [tilespmem:s12+$0x50];
	[tilespmem:s11+$0xA0] =	vst v10  }
0xb7: {  	v31 =	vbroadcast v22, $0x1;
	v20 =	vbroadcast v22, $0x2;
	v22 =	vadd.f32 v52, v49;
	[tilespmem:s11+$0xFFFFFEC0] =	vst v61;
	v61 =	vld [tilespmem:s13+$0x20]  }
0xb8: {  	[tilespmem:s10+$0xFFFFFFD0] =	vst v23;
	v9 =	vbroadcast v17, $0x2;
	v17 =	vbroadcast v17, $0x3;
	v63 =	vld [tilespmem:s12+$0x90]  }
0xb9: {  	[tilespmem:s10+$0xFFFFFF80] =	vst v8;
	v29 =	vadd.f32 v55, v54;
	v58 =	vmul.f32 $2.000000030e-01, v22;
	v26 =	vmul.f32 v31, v26;
	v31 =	vld [tilespmem:s13+$0xFFFFFFD0]  }
0xba: {  	[tilespmem:s11+$0xFFFFFF20] =	vst v30;
	v10 =	vbroadcast v38, $0x3;
	v46 =	vld [tilespmem:s12+$0xFFFFFF10];
	v9 =	vmul.f32 v9, v60  }
0xbb: {  	v38 =	vmul.f32 $2.000000030e-01, v29;
	v41 =	vmul.f32 v42, v41;
	v8 =	vmax.f32 v22, v58;
	v22 =	vld [tilespmem:s13+$0x10];
	[tilespmem:s11+$0xFFFFFF70] =	vst v26  }
0xbc: {  	v39 =	vmul.f32 v44, v62;
	v30 =	vmul.f32 $1.442695020e+00, v8;
	[tilespmem:s11+$0x110] =	vst v9;
	v23 =	vld [tilespmem:s12+$0xFFFFFFA0]  }
0xbd: {  	v8 =	vbroadcast v37, $0x3;
	v60 =	vadd.f32 v57, v56;
	v25 =	vadd.f32 v25, v59;
	[tilespmem:s11+$0xFFFFFFC0] =	vst v41;
	v51 =	vld [tilespmem:s12+$0xF0]  }
0xbe: {  	[tilespmem:s10+$0x120] =	vst v28;
	v9 =	vbroadcast v37, $0x2;
	v43 =	vmul.f32 v45, v43;
	v44 =	vld [tilespmem:s12+$0xFFFFFFE0];
	v28 =	vadd.f32 v53, v31  }
0xbf: {  	(erf) = vpow2.f32 v30;
	v62 =	vmul.f32 $2.000000030e-01, v60;
	v31 =	vld [tilespmem:s20+$0x10]  }
0xc0: {  	[tilespmem:s10+$0xC0] =	vst v27;
	v30 =	vld [tilespmem:s20+$0x20];
	v55 =	vmul.f32 $2.000000030e-01, v25;
	v26 =	vmul.f32 $2.000000030e-01, v28  }
0xc1: {  	[tilespmem:s10+$0xFFFFFF40] =	vst v15;
	v56 =	vadd.f32 v40, v18;
	v33 =	vmul.f32 v48, v63;
	v46 =	vmul.f32 v47, v46;
	v63 =	vld [tilespmem:s15+$0xFFFFFFB0]  }
0xc2: {  	[tilespmem:s11+$0x10] =	vst v39;
	v15 =	vmul.f32 v20, v23;
	v17 =	vmul.f32 v51, v17;
	v19 =	vmax.f32 v28, v26  }
0xc3: {  	[tilespmem:s11+$0x60] =	vst v43;
	v26 =	vmax.f32 v29, v38;
	v29 =	vmax.f32 v60, v62;
	v19 =	vmul.f32 $1.442695020e+00, v19  }
0xc4: {  	v49 =	vld [tilespmem:s12+$0x20];
	[tilespmem:s11+$0xFFFFFED0] =	vst v46;
	v44 =	vmul.f32 v34, v44;
	v26 =	vmul.f32 $1.442695020e+00, v26;
	v22 =	vadd.f32 v31, v22  }
0xc5: {  	v52 =	vld [tilespmem:s12+$0x60];
	[tilespmem:s11+$0xB0] =	vst v33;
	v30 =	vadd.f32 v30, v61;
	v29 =	vmul.f32 $1.442695020e+00, v29;
	(erf) = vpow2.f32 v19  }
0xc6: {  	v33 =	vld [tilespmem:s15+$0xB0];
	v57 =	vmul.f32 v63, v13;
	[tilespmem:s11+$0x120] =	vst v17;
	v19 =	vmax.f32 v25, v55;
	v17 =	vmul.f32 $2.000000030e-01, v22  }
0xc7: {  	[tilespmem:s10+$0x70] =	vst v21;
	v28 =	vld [tilespmem:s12+$0xFFFFFF20];
	v18 =	vmul.f32 $1.442695020e+00, v19;
	v19 =	vmul.f32 $2.000000030e-01, v30  }
0xc8: {  	s14 =	simm.s32 $0xB840;
	[tilespmem:s10+$0xFFFFFEF0] =	vst v16;
	v20 =	vld [tilespmem:s15+$0x70];
	(erf) = vpow2.f32 v26;
	v21 =	vpop (erf);
	v17 =	vmax.f32 v22, v17;
	v22 =	vmul.f32 $2.000000030e-01, v56  }
0xc9: {  	s16 =	simm.s32 $0x5700;
	v31 =	vld [tilespmem:s12+$0xFFFFFF60];
	(erf) = vpow2.f32 v29;
	[tilespmem:s14+$0x130] =	vst v21;
	v13 =	vmul.f32 $1.442695020e+00, v17;
	v17 =	vmax.f32 v30, v19  }
0xca: {  	[tilespmem:s11+$0xFFFFFF80] =	vst v15;
	(erf) = vpow2.f32 v18;
	v16 =	vmax.f32 v56, v22;
	v17 =	vmul.f32 $1.442695020e+00, v17;
	v22 =	vld [tilespmem:s16+$0xC0]  }
0xcb: {  	v32 =	vld [tilespmem:s12+$0xFFFFFFB0];
	(erf) = vpow2.f32 v13;
	v13 =	vmul.f32 $1.442695020e+00, v16  }
0xcc: {  	[tilespmem:s10+$0x20] =	vst v24;
	v25 =	vld [tilespmem:s12+$0xA0];
	v19 =	vmul.f32 v50, v28;
	(erf) = vpow2.f32 v17  }
0xcd: {  	[tilespmem:s10+$0xFFFFFF90] =	vst v57;
	v18 =	vld [tilespmem:s15+$0xFFFFFFF0];
	v16 =	vbroadcast v21, $0x0;
	(erf) = vpow2.f32 v13  }
0xce: {  	v36 =	vmul.f32 v36, v49;
	v14 =	vmul.f32 v14, v31;
	[tilespmem:s11+$0xFFFFFEE0] =	vst v19;
	v19 =	vld [tilespmem:s15+$0x30];
	v23 =	vpop (erf)  }
0xcf: {  	v34 =	vmul.f32 v35, v52;
	v24 =	vld [tilespmem:s12+$0xFFFFFF30];
	v13 =	vmul.f32 v16, v22;
	[tilespmem:s14+$0xFFFFFF50] =	vst v23  }
0xd0: {  	v60 =	vbroadcast v21, $0x1;
	[tilespmem:s11+$0xFFFFFF30] =	vst v14;
	v17 =	vbroadcast v23, $0x0;
	v30 =	vld [tilespmem:s16+$0xFFFFFF40]  }
0xd1: {  	v28 =	vld [tilespmem:s12+$0xFFFFFF70];
	v45 =	vbroadcast v23, $0x1;
	v14 =	vbroadcast v23, $0x2;
	v26 =	vpop (erf);
	[tilespmem:s14+$0xF0] =	vst v13  }
0xd2: {  	[tilespmem:s14+$0xFFFFFFA0] =	vst v26;
	v16 =	vbroadcast v26, $0x0;
	v51 =	vbroadcast v26, $0x1;
	v22 =	vpop (erf);
	v59 =	vld [tilespmem:s16+$0xD0]  }
0xd3: {  	v15 =	vbroadcast v26, $0x2;
	v58 =	vld [tilespmem:s16+$0xFFFFFF80];
	v42 =	vbroadcast v22, $0x0;
	[tilespmem:s14+$0xFFFFFFF0] =	vst v22;
	v27 =	vpop (erf)  }
0xd4: {  	v38 =	vbroadcast v22, $0x1;
	v13 =	vbroadcast v22, $0x2;
	v43 =	vld [tilespmem:s16+$0xFFFFFFC0];
	[tilespmem:s14+$0x40] =	vst v27;
	v29 =	vpop (erf)  }
0xd5: {  	v61 =	vbroadcast v27, $0x0;
	[tilespmem:s14+$0x90] =	vst v29;
	v31 =	vpop (erf);
	v17 =	vmul.f32 v17, v30;
	v30 =	vld [tilespmem:s16+$0x0]  }
0xd6: {  	v39 =	vbroadcast v27, $0x1;
	v62 =	vbroadcast v29, $0x0;
	v63 =	vld [tilespmem:s16+$0x40];
	[tilespmem:s14+$0xE0] =	vst v31;
	v37 =	vpop (erf)  }
0xd7: {  	v40 =	vbroadcast v29, $0x1;
	[tilespmem:s14+$0xFFFFFF00] =	vst v37;
	v55 =	vld [tilespmem:s16+$0x80];
	v50 =	vmul.f32 v60, v59  }
0xd8: {  	v53 =	vbroadcast v31, $0x0;
	v16 =	vmul.f32 v16, v58;
	v56 =	vld [tilespmem:s16+$0xFFFFFF00];
	[tilespmem:s14+$0xFFFFFF10] =	vst v17  }
0xd9: {  	v54 =	vbroadcast v37, $0x0;
	v17 =	vmul.f32 v42, v43;
	v57 =	vld [tilespmem:s16+$0xFFFFFF50];
	[tilespmem:s14+$0x100] =	vst v50  }
0xda: {  	v41 =	vbroadcast v37, $0x1;
	[tilespmem:s14+$0xFFFFFF60] =	vst v16;
	v50 =	vld [tilespmem:s16+$0xE0];
	v61 =	vmul.f32 v61, v30  }
0xdb: {  	v43 =	vbroadcast v31, $0x1;
	v58 =	vld [tilespmem:s16+$0xFFFFFF90];
	[tilespmem:s14+$0xFFFFFFB0] =	vst v17;
	v48 =	vmul.f32 v62, v63  }
0xdc: {  	v42 =	vbroadcast v31, $0x2;
	v46 =	vld [tilespmem:s16+$0xFFFFFFD0];
	v53 =	vmul.f32 v53, v55;
	[tilespmem:s14+$0x0] =	vst v61  }
0xdd: {  	v62 =	vbroadcast v21, $0x2;
	v54 =	vmul.f32 v54, v56;
	[tilespmem:s14+$0x50] =	vst v48;
	v47 =	vld [tilespmem:s16+$0x10]  }
0xde: {  	v16 =	vbroadcast v29, $0x2;
	v63 =	vmul.f32 v45, v57;
	v45 =	vld [tilespmem:s16+$0x50];
	[tilespmem:s14+$0xA0] =	vst v53  }
0xdf: {  	v17 =	vbroadcast v27, $0x2;
	[tilespmem:s14+$0xFFFFFEC0] =	vst v54;
	v48 =	vld [tilespmem:s16+$0x90];
	v50 =	vmul.f32 v62, v50  }
0xe0: {  	s17 =	simm.s32 $0x10;
	s18 =	simm.s32 $0x93C0;
	s15 =	simm.s32 $0x5700;
	v30 =	vbroadcast v37, $0x2;
	v51 =	vmul.f32 v51, v58;
	v49 =	vld [tilespmem:s16+$0xFFFFFF10];
	[tilespmem:s14+$0xFFFFFF20] =	vst v63  }
.LBB2_5:
0xe1: {  	v35 =	vld [tilespmem:s18+$0x30];
	v38 =	vmul.f32 v38, v46;
	[tilespmem:s14+$0x110] =	vst v50;
	v25 =	vmul.f32 v9, v25;
	v9 =	vmov v42  }
0xe2: {  	v37 =	vbroadcast v37, $0x3;
	s20 =	sadd.s32 $0x80, s20;
	[tilespmem:s14+$0xFFFFFF70] =	vst v51;
	v39 =	vmul.f32 v39, v47;
	v42 =	vld [tilespmem:s16+$0xF0]  }
0xe3: {  	s17 =	sadd.s32 $0x8, s17;
	v23 =	vbroadcast v23, $0x3;
	v46 =	vld [tilespmem:s20+$0x30];
	[tilespmem:s14+$0xFFFFFFC0] =	vst v38;
	v38 =	vmul.f32 v40, v45  }
0xe4: {  	v26 =	vbroadcast v26, $0x3;
	p1 =	slt.u32 s17, $0x78;
	v40 =	vld [tilespmem:s20+$0xFFFFFFC0];
	[tilespmem:s14+$0x10] =	vst v39;
	v39 =	vmul.f32 v43, v48  }
0xe5: {  	v21 =	vbroadcast v21, $0x3;
	v43 =	vld [tilespmem:s18+$0xFFFFFFD0];
	v41 =	vmul.f32 v41, v49;
	[tilespmem:s14+$0x60] =	vst v38  }
0xe6: {  	v22 =	vbroadcast v22, $0x3;
	v27 =	vbroadcast v27, $0x3;
	v38 =	vld [tilespmem:s20+$0xFFFFFFD0];
	[tilespmem:s14+$0xB0] =	vst v39  }
0xe7: {  	v29 =	vbroadcast v29, $0x3;
	v39 =	vld [tilespmem:s18+$0xFFFFFFE0];
	[tilespmem:s14+$0xFFFFFED0] =	vst v41;
	v21 =	vmul.f32 v42, v21  }
0xe8: {  	v31 =	vbroadcast v31, $0x3;
	v24 =	vmul.f32 v24, v10;
	v10 =	vmovc v37;
	v41 =	vld [tilespmem:s20+$0xFFFFFFE0];
	v35 =	vadd.f32 v46, v35;
	[tilespmem:s11+$0xFFFFFFD0] =	vst v44  }
0xe9: {  	v37 =	vld [tilespmem:s18+$0xFFFFFFF0];
	[tilespmem:s14+$0x120] =	vst v21;
	v21 =	vmul.f32 v28, v11;
	v28 =	vmul.f32 v32, v12;
	v11 =	vmovc v23;
	v12 =	vmov v26  }
0xea: {  	v18 =	vmul.f32 v18, v1;
	v1 =	vmovc v7;
	v7 =	vmov v22;
	v23 =	vld [tilespmem:s20+$0xFFFFFFF0];
	v26 =	vmul.f32 $2.000000030e-01, v35;
	[tilespmem:s11+$0x20] =	vst v36  }
0xeb: {  	v19 =	vmul.f32 v19, v2;
	v20 =	vmul.f32 v20, v4;
	v22 =	vadd.f32 v38, v43;
	v32 =	vld [tilespmem:s18+$0x0];
	[tilespmem:s11+$0x70] =	vst v34  }
0xec: {  	v2 =	vmovc v6;
	v6 =	vmov v27;
	v34 =	vld [tilespmem:s20+$0x0];
	v36 =	vmax.f32 v35, v26;
	[tilespmem:s11+$0xC0] =	vst v25;
	v25 =	vmul.f32 v33, v3  }
0xed: {  	v4 =	vmovc v5;
	v5 =	vmovc v29;
	v26 =	vmul.f32 $2.000000030e-01, v22;
	v27 =	vadd.f32 v41, v39;
	v33 =	vld [tilespmem:s18+$0x10];
	v35 =	vmul.f32 $1.442695020e+00, v36;
	[tilespmem:s11+$0xFFFFFEF0] =	vst v24  }
0xee: {  	v3 =	vmov v8;
	v8 =	vmov v31;
	v24 =	vld [tilespmem:s20+$0x10];
	[tilespmem:s11+$0xFFFFFF40] =	vst v21  }
0xef: {  	v21 =	vmul.f32 $2.000000030e-01, v27;
	v23 =	vadd.f32 v23, v37;
	v29 =	vld [tilespmem:s18+$0x20];
	(erf) = vpow2.f32 v35;
	[tilespmem:s11+$0xFFFFFF90] =	vst v28  }
0xf0: {  	v22 =	vmax.f32 v22, v26;
	v26 =	vld [tilespmem:s20+$0x20];
	[tilespmem:s10+$0xFFFFFFE0] =	vst v18  }
0xf1: {  	v18 =	vld [tilespmem:s18+$0xFFFFFFC0];
	v21 =	vmax.f32 v27, v21;
	v27 =	vmul.f32 $2.000000030e-01, v23;
	v28 =	vadd.f32 v34, v32;
	[tilespmem:s10+$0x30] =	vst v19  }
0xf2: {  	v19 =	vmul.f32 $1.442695020e+00, v22;
	v21 =	vmul.f32 $1.442695020e+00, v21;
	v22 =	vld [tilespmem:s16+$0xFFFFFF20];
	[tilespmem:s10+$0x80] =	vst v20  }
0xf3: {  	v20 =	vmax.f32 v23, v27;
	v23 =	vmul.f32 $2.000000030e-01, v28;
	v24 =	vadd.f32 v24, v33;
	v27 =	vld [tilespmem:s16+$0xFFFFFF60];
	[tilespmem:s10+$0xD0] =	vst v25;
	s10 =	smov.u32 s11;
	s11 =	smov.u32 s14  }
0xf4: {  	v20 =	vmul.f32 $1.442695020e+00, v20;
	(erf) = vpow2.f32 v19;
	v31 =	vld [tilespmem:s16+$0xFFFFFFA0]  }
0xf5: {  	v19 =	vmax.f32 v28, v23;
	v23 =	vmul.f32 $2.000000030e-01, v24;
	v26 =	vadd.f32 v26, v29;
	v36 =	vld [tilespmem:s16+$0xFFFFFFE0]  }
0xf6: {  	v28 =	vadd.f32 v40, v18;
	v18 =	vmul.f32 $1.442695020e+00, v19;
	(erf) = vpow2.f32 v21;
	v35 =	vld [tilespmem:s16+$0x20]  }
0xf7: {  	s14 =	sadd.s32 $0x280, s14;
	v19 =	vmax.f32 v24, v23;
	v23 =	vmul.f32 $2.000000030e-01, v26;
	(erf) = vpow2.f32 v20;
	v34 =	vld [tilespmem:s16+$0x60]  }
0xf8: {  	v20 =	vmul.f32 $2.000000030e-01, v28;
	v19 =	vmul.f32 $1.442695020e+00, v19;
	v21 =	vpop (erf);
	v25 =	vld [tilespmem:s16+$0xA0]  }
0xf9: {  	v22 =	vmul.f32 v30, v22;
	s16 =	sadd.s32 $0x200, s16;
	v23 =	vmax.f32 v26, v23;
	[tilespmem:s14+$0x130] =	vst v21;
	(erf) = vpow2.f32 v18;
	v18 =	vld [tilespmem:s12+$0xFFFFFFF0]  }
0xfa: {  	v20 =	vmax.f32 v28, v20;
	v28 =	vmul.f32 $1.442695020e+00, v23;
	v26 =	vld [tilespmem:s16+$0xC0];
	(erf) = vpow2.f32 v19  }
0xfb: {  	v14 =	vmul.f32 v14, v27;
	v20 =	vmul.f32 $1.442695020e+00, v20;
	[tilespmem:s11+$0xFFFFFEE0] =	vst v22;
	v19 =	vld [tilespmem:s12+$0x30]  }
0xfc: {  	v15 =	vmul.f32 v15, v31;
	(erf) = vpow2.f32 v28;
	v24 =	vld [tilespmem:s15+$0xFFFFFF30]  }
0xfd: {  	v29 =	vbroadcast v21, $0x0;
	(erf) = vpow2.f32 v20;
	v23 =	vpop (erf);
	[tilespmem:s11+$0xFFFFFF30] =	vst v14;
	v20 =	vld [tilespmem:s12+$0x70]  }
0xfe: {  	[tilespmem:s14+$0xFFFFFF50] =	vst v23;
	v30 =	vbroadcast v23, $0x0;
	v44 =	vbroadcast v23, $0x1;
	v28 =	vld [tilespmem:s15+$0xFFFFFF70]  }
0xff: {  	v14 =	vbroadcast v23, $0x2;
	v31 =	vld [tilespmem:s16+$0xFFFFFF40];
	v29 =	vmul.f32 v29, v26;
	v26 =	vpop (erf);
	[tilespmem:s11+$0xFFFFFF80] =	vst v15  }
0x100: {  	[tilespmem:s14+$0xFFFFFFA0] =	vst v26;
	v33 =	vbroadcast v26, $0x0;
	v51 =	vbroadcast v26, $0x1;
	v22 =	vpop (erf);
	v32 =	vld [tilespmem:s15+$0xFFFFFFB0]  }
0x101: {  	v37 =	vld [tilespmem:s16+$0xFFFFFF80];
	v42 =	vbroadcast v22, $0x0;
	v38 =	vbroadcast v22, $0x1;
	[tilespmem:s14+$0xF0] =	vst v29  }
0x102: {  	v15 =	vbroadcast v26, $0x2;
	v48 =	vbroadcast v22, $0x2;
	[tilespmem:s14+$0xFFFFFFF0] =	vst v22;
	v41 =	vld [tilespmem:s16+$0xD0];
	v27 =	vpop (erf)  }
0x103: {  	v43 =	vld [tilespmem:s16+$0xFFFFFFC0];
	[tilespmem:s14+$0x40] =	vst v27;
	v45 =	vbroadcast v27, $0x0;
	v39 =	vbroadcast v27, $0x1;
	v29 =	vpop (erf)  }
0x104: {  	v30 =	vmul.f32 v30, v31;
	v46 =	vld [tilespmem:s16+$0x0];
	[tilespmem:s14+$0x90] =	vst v29;
	v47 =	vbroadcast v29, $0x0  }
0x105: {  	v50 =	vbroadcast v21, $0x1;
	v40 =	vbroadcast v29, $0x1;
	v49 =	vld [tilespmem:s16+$0x40];
	v31 =	vpop (erf)  }
0x106: {  	v52 =	vmul.f32 v33, v37;
	[tilespmem:s14+$0xE0] =	vst v31;
	v53 =	vbroadcast v31, $0x0;
	v37 =	vpop (erf);
	v33 =	vld [tilespmem:s12+$0xB0];
	s12 =	smov.u32 s15;
	s15 =	smov.u32 s16  }
0x107: {  	[tilespmem:s14+$0xFFFFFF00] =	vst v37;
	v54 =	vbroadcast v37, $0x0;
	v55 =	vld [tilespmem:s16+$0x80];
	v50 =	vmul.f32 v50, v41  }
0x108: {  	v41 =	vbroadcast v37, $0x1;
	v56 =	vld [tilespmem:s16+$0xFFFFFF00];
	[tilespmem:s14+$0xFFFFFF10] =	vst v30;
	v42 =	vmul.f32 v42, v43  }
0x109: {  	v43 =	vbroadcast v31, $0x1;
	v57 =	vld [tilespmem:s16+$0xFFFFFF50];
	v45 =	vmul.f32 v45, v46;
	[tilespmem:s14+$0x100] =	vst v50  }
0x10a: {  	v30 =	vbroadcast v37, $0x2;
	[tilespmem:s14+$0xFFFFFF60] =	vst v52;
	v49 =	vmul.f32 v47, v49;
	v50 =	vld [tilespmem:s16+$0xE0]  }
0x10b: {  	v58 =	vbroadcast v27, $0x2;
	v59 =	vbroadcast v29, $0x2;
	v52 =	vld [tilespmem:s16+$0xFFFFFF90];
	[tilespmem:s14+$0xFFFFFFB0] =	vst v42  }
.Ltmp1:
0x10c: {  	v42 =	vbroadcast v31, $0x2;
	v46 =	vld [tilespmem:s16+$0xFFFFFFD0];
	[tilespmem:s14+$0x0] =	vst v45;
	v53 =	vmul.f32 v53, v55;
	(pc) =	sbr.rel @p1 .LBB2_5-.Ltmp1, $4  }
0x10d: {  	v54 =	vmul.f32 v54, v56;
	v47 =	vld [tilespmem:s16+$0x10];
	[tilespmem:s14+$0x50] =	vst v49;
	v49 =	vbroadcast v21, $0x2  }
0x10e: {  	v55 =	vmul.f32 v44, v57;
	v45 =	vld [tilespmem:s16+$0x50];
	[tilespmem:s14+$0xA0] =	vst v53;
	v44 =	vmul.f32 v13, v36;
	v13 =	vmov v48  }
0x10f: {  	v36 =	vmul.f32 v17, v35;
	v17 =	vmov v58;
	[tilespmem:s14+$0xFFFFFEC0] =	vst v54;
	v48 =	vld [tilespmem:s16+$0x90];
	v50 =	vmul.f32 v49, v50  }
0x110: {  	s18 =	sadd.s32 $0x80, s18;
	v34 =	vmul.f32 v16, v34;
	v16 =	vmov v59;
	v49 =	vld [tilespmem:s16+$0xFFFFFF10];
	[tilespmem:s14+$0xFFFFFF20] =	vst v55;
	v51 =	vmul.f32 v51, v52  }
0x111: {  	[tilespmem:s14+$0x110] =	vst v50  }
0x112: {  	[tilespmem:s11+$0xFFFFFFD0] =	vst v44  }
0x113: {  	[tilespmem:s11+$0x20] =	vst v36  }
0x114: {  	v35 =	vmul.f32 v38, v46;
	[tilespmem:s14+$0xFFFFFF70] =	vst v51  }
0x115: {  	v9 =	vmul.f32 v9, v25;
	[tilespmem:s11+$0x70] =	vst v34  }
0x116: {  	v10 =	vmul.f32 v24, v10;
	[tilespmem:s14+$0xFFFFFFC0] =	vst v35  }
0x117: {  	v11 =	vmul.f32 v28, v11;
	[tilespmem:s11+$0xC0] =	vst v9  }
0x118: {  	v12 =	vmul.f32 v32, v12;
	[tilespmem:s11+$0xFFFFFEF0] =	vst v10  }
0x119: {  	[tilespmem:s11+$0xFFFFFF40] =	vst v11;
	v55 =	vmul.f32 v41, v49  }
0x11a: {  	v1 =	vmul.f32 v18, v1;
	[tilespmem:s11+$0xFFFFFF90] =	vst v12  }
0x11b: {  	v2 =	vmul.f32 v19, v2;
	v10 =	vld [tilespmem:s16+$0xFFFFFF60];
	[tilespmem:s14+$0xFFFFFED0] =	vst v55  }
0x11c: {  	v4 =	vmul.f32 v20, v4;
	[tilespmem:s10+$0xFFFFFFE0] =	vst v1;
	v9 =	vld [tilespmem:s16+$0xFFFFFF20]  }
0x11d: {  	v51 =	vmul.f32 v39, v47;
	[tilespmem:s10+$0x30] =	vst v2  }
0x11e: {  	v53 =	vmul.f32 v40, v45;
	v11 =	vld [tilespmem:s16+$0xFFFFFFA0];
	[tilespmem:s10+$0x80] =	vst v4  }
0x11f: {  	v52 =	vld [tilespmem:s16+$0xF0];
	[tilespmem:s14+$0x10] =	vst v51;
	v54 =	vmul.f32 v43, v48  }
0x120: {  	v1 =	vld [tilespmem:s16+$0xFFFFFFE0];
	[tilespmem:s14+$0x60] =	vst v53;
	v10 =	vmul.f32 v14, v10  }
0x121: {  	v2 =	vld [tilespmem:s16+$0x20];
	[tilespmem:s14+$0xB0] =	vst v54;
	v9 =	vmul.f32 v30, v9  }
0x122: {  	v21 =	vbroadcast v21, $0x3;
	v3 =	vmul.f32 v33, v3;
	v4 =	vld [tilespmem:s16+$0x60];
	[tilespmem:s14+$0xFFFFFF30] =	vst v10  }
0x123: {  	v12 =	vld [tilespmem:s16+$0xA0];
	[tilespmem:s14+$0xFFFFFEE0] =	vst v9;
	v9 =	vmul.f32 v15, v11  }
0x124: {  	[tilespmem:s10+$0xD0] =	vst v3;
	v21 =	vmul.f32 v52, v21;
	v10 =	vld [tilespmem:s15+$0xFFFFFF70]  }
0x125: {  	v14 =	vld [tilespmem:s12+$0x30];
	v1 =	vmul.f32 v13, v1;
	[tilespmem:s14+$0xFFFFFF80] =	vst v9  }
0x126: {  	[tilespmem:s14+$0x120] =	vst v21;
	v2 =	vmul.f32 v17, v2;
	v3 =	vld [tilespmem:s15+$0xFFFFFFB0]  }
0x127: {  	v13 =	vld [tilespmem:s12+$0xFFFFFFF0];
	v4 =	vmul.f32 v16, v4;
	[tilespmem:s14+$0xFFFFFFD0] =	vst v1;
	v1 =	vbroadcast v23, $0x3  }
0x128: {  	v12 =	vmul.f32 v42, v12;
	[tilespmem:s14+$0x20] =	vst v2;
	v11 =	vld [tilespmem:s15+$0xFFFFFF30]  }
0x129: {  	v2 =	vbroadcast v26, $0x3;
	[tilespmem:s14+$0x70] =	vst v4;
	v4 =	vld [tilespmem:s12+$0xB0];
	v1 =	vmul.f32 v10, v1  }
0x12a: {  	v6 =	vmul.f32 v14, v6;
	[tilespmem:s14+$0xC0] =	vst v12;
	v15 =	vld [tilespmem:s12+$0x70]  }
0x12b: {  	v9 =	vbroadcast v37, $0x3;
	[tilespmem:s14+$0xFFFFFF40] =	vst v1;
	v1 =	vld [tilespmem:s15+$0x30];
	v2 =	vmul.f32 v3, v2  }
0x12c: {  	v7 =	vmul.f32 v13, v7;
	[tilespmem:s11+$0x30] =	vst v6;
	v3 =	vld [tilespmem:s15+$0xFFFFFFF0]  }
0x12d: {  	v9 =	vmul.f32 v11, v9;
	[tilespmem:s14+$0xFFFFFF90] =	vst v2;
	v2 =	vld [tilespmem:s15+$0x70]  }
0x12e: {  	[tilespmem:s11+$0xFFFFFFE0] =	vst v7;
	v7 =	vld [tilespmem:s15+$0xB0];
	v10 =	vbroadcast v27, $0x3;
	v4 =	vmul.f32 v4, v8  }
0x12f: {  	v5 =	vmul.f32 v15, v5;
	[tilespmem:s14+$0xFFFFFEF0] =	vst v9;
	v9 =	vbroadcast v22, $0x3  }
0x130: {  	v6 =	vbroadcast v29, $0x3;
	[tilespmem:s11+$0xD0] =	vst v4;
	v1 =	vmul.f32 v1, v10  }
0x131: {  	[tilespmem:s11+$0x80] =	vst v5;
	v5 =	vbroadcast v31, $0x3;
	v3 =	vmul.f32 v3, v9  }
0x132: {  	[tilespmem:s14+$0x30] =	vst v1;
	v2 =	vmul.f32 v2, v6  }
0x133: {  	[tilespmem:s14+$0xFFFFFFE0] =	vst v3;
	v3 =	vmul.f32 v7, v5  }
0x134: {  	s13 =	sand.u32 $0x3FFFFF00, s9;
	[tilespmem:s14+$0x80] =	vst v2  }
0x135: {  	p1 =	seq.s32 s3, $0x28;
	s10 =	sadd.s32 $0x2900, s13;
	[tilespmem:s14+$0xD0] =	vst v3  }
0x136: {  	[spmem:s2] =	stream.indirect.scatter.add.f32 [tilespmem:s21], [sflag:$0x3], $0x50, s10, s22, $0xb8;
	[tilespmem:$0x1CA00] =	vst v63  }
0x137: {  	s12 =	simm.s32 @!p1 $0x5200;
	s11 =	simm.s32 @!p1 $0x80;
	s10 =	sadd.s32 @!p1 $0x100, s9  }
0x138: {  	[tilespmem:s12], [sflag:$0x1] =	stream.indirect.gather @!p1 [hbm4b:s4+s11], $0x40, s10, s11, $0xb8;
	[tilespmem:$0x1CA00] =	vst v63  }
0x139: {  	s12 =	simm.s32 @!p1 $0x9200  }
0x13a: {  	[tilespmem:s12], [sflag:$0x1] =	stream.indirect.gather @!p1 [hbm4b:s6+s11], $0x10, s10, s11, $0xb8;
	[tilespmem:$0x1CA00] =	vst v63  }
0x13b: {  	s9 =	sadd.s32 @!p1 $0x2A00, s9;
	s10 =	simm.s32 @!p1 $0xA200  }
0x13c: {  	[tilespmem:s10], [sflag:$0x1] =	stream.indirect.gather @!p1 [hbm4b:s7+s11], $0x10, s9, s11, $0xb8;
	[tilespmem:$0x1CA00] =	vst v63  }
0x13d: {  	_ =	swait.ge [sflag:s31], $0x2000  }
0x13e: {  	[sflag:s31] =	ssyncset.done $0x0  }
0x13f: {  	[sflag:s31] =	ssyncadd.s32 $0xFFFFE000  }
0x140: {  	_ =	swait.ge [sflag:s31], $0x800  }
0x141: {  	[sflag:s31] =	ssyncset.done $0x0  }
0x142: {  	[sflag:s31] =	ssyncadd.s32 $0xFFFFF800  }
0x143: {  	_ =	swait.ge [sflag:s31], $0x800  }
0x144: {  	[sflag:s31] =	ssyncset.done $0x0  }
0x145: {  	s9 =	simm.s32 @!p0 $0x4;
	[sflag:s31] =	ssyncadd.s32 $0xFFFFF800  }
0x146: {  	_ =	swait.ge @!p0 [sflag:s9], $0x2800  }
0x147: {  	[sflag:s9] =	ssyncset.done @!p0 $0x0  }
0x148: {  	s15 =	simm.s32 $0x9A40;
	[sflag:s9] =	ssyncadd.s32 @!p0 $0xFFFFD800  }
0x149: {  	s16 =	simm.s32 $0xAA40;
	v1 =	vld [tilespmem:s15+$0x30]  }
0x14a: {  	v2 =	vld [tilespmem:s16+$0x30];
	_ =	sdelay $0x1  }
0x14b: {  	v3 =	vld [tilespmem:s16+$0xFFFFFFC0]  }
0x14c: {  	v4 =	vld [tilespmem:s15+$0xFFFFFFD0]  }
0x14d: {  	v5 =	vld [tilespmem:s16+$0xFFFFFFD0]  }
0x14e: {  	v6 =	vld [tilespmem:s15+$0xFFFFFFE0];
	v1 =	vadd.f32 v2, v1  }
0x14f: {  	v7 =	vld [tilespmem:s16+$0xFFFFFFE0]  }
0x150: {  	v8 =	vld [tilespmem:s16+$0xFFFFFFF0];
	v9 =	vmul.f32 $2.000000030e-01, v1  }
0x151: {  	v10 =	vld [tilespmem:s15+$0x0]  }
0x152: {  	v2 =	vld [tilespmem:s15+$0xFFFFFFF0];
	v1 =	vmax.f32 v1, v9  }
0x153: {  	v11 =	vld [tilespmem:s16+$0x0];
	v1 =	vmul.f32 $1.442695020e+00, v1  }
0x154: {  	v12 =	vld [tilespmem:s15+$0x20];
	v4 =	vadd.f32 v5, v4  }
0x155: {  	v5 =	vld [tilespmem:s15+$0x10];
	v6 =	vadd.f32 v7, v6;
	(erf) = vpow2.f32 v1  }
0x156: {  	v7 =	vld [tilespmem:s16+$0x10];
	v9 =	vmul.f32 $2.000000030e-01, v4  }
0x157: {  	v2 =	vadd.f32 v8, v2;
	v8 =	vld [tilespmem:s16+$0x20];
	v1 =	vmul.f32 $2.000000030e-01, v6  }
0x158: {  	v4 =	vmax.f32 v4, v9;
	v9 =	vld [tilespmem:s15+$0xFFFFFFC0]  }
0x159: {  	v4 =	vmul.f32 $1.442695020e+00, v4;
	v1 =	vmax.f32 v6, v1  }
0x15a: {  	v10 =	vadd.f32 v11, v10;
	v6 =	vmul.f32 $2.000000030e-01, v2;
	v1 =	vmul.f32 $1.442695020e+00, v1  }
0x15b: {  	v5 =	vadd.f32 v7, v5;
	(erf) = vpow2.f32 v4  }
0x15c: {  	v4 =	vadd.f32 v8, v12;
	v2 =	vmax.f32 v2, v6;
	v6 =	vmul.f32 $2.000000030e-01, v10  }
0x15d: {  	v7 =	vmul.f32 $2.000000030e-01, v5;
	v3 =	vadd.f32 v3, v9;
	v2 =	vmul.f32 $1.442695020e+00, v2  }
0x15e: {  	s17 =	simm.s32 $0x7300;
	s9 =	simm.s32 $0xDB40;
	v8 =	vmul.f32 $2.000000030e-01, v4;
	(erf) = vpow2.f32 v1;
	v6 =	vmax.f32 v10, v6;
	v1 =	vpop (erf)  }
0x15f: {  	v5 =	vmax.f32 v5, v7;
	v7 =	vmul.f32 $2.000000030e-01, v3;
	v6 =	vmul.f32 $1.442695020e+00, v6;
	[tilespmem:s9+$0x130] =	vst v1  }
0x160: {  	s20 =	simm.s32 $0xAAC0;
	v4 =	vmax.f32 v4, v8;
	(erf) = vpow2.f32 v2;
	v2 =	vmul.f32 $1.442695020e+00, v5;
	v5 =	vld [tilespmem:s17+$0xC0]  }
0x161: {  	s18 =	simm.s32 $0x9AC0;
	v22 =	vld [tilespmem:s20+$0xFFFFFFC0];
	v3 =	vmax.f32 v3, v7;
	v4 =	vmul.f32 $1.442695020e+00, v4;
	(erf) = vpow2.f32 v6  }
0x162: {  	v25 =	vld [tilespmem:s18+$0xFFFFFFD0];
	(erf) = vpow2.f32 v2;
	v2 =	vmul.f32 $1.442695020e+00, v3  }
0x163: {  	v27 =	vld [tilespmem:s20+$0xFFFFFFD0];
	v3 =	vbroadcast v1, $0x0;
	(erf) = vpow2.f32 v4  }
0x164: {  	v30 =	vld [tilespmem:s18+$0xFFFFFFE0];
	(erf) = vpow2.f32 v2  }
0x165: {  	v57 =	vld [tilespmem:s20+$0xFFFFFFE0];
	v2 =	vmul.f32 v3, v5  }
0x166: {  	v60 =	vld [tilespmem:s18+$0xFFFFFFF0];
	v4 =	vpop (erf)  }
0x167: {  	v62 =	vld [tilespmem:s20+$0xFFFFFFF0];
	[tilespmem:s9+$0xFFFFFF50] =	vst v4;
	v3 =	vpop (erf)  }
0x168: {  	v5 =	vld [tilespmem:s17+$0xFFFFFF40];
	[tilespmem:s9+$0xFFFFFFA0] =	vst v3  }
0x169: {  	v11 =	vbroadcast v4, $0x0;
	[tilespmem:s9+$0xF0] =	vst v2;
	v7 =	vld [tilespmem:s17+$0xFFFFFF80];
	v2 =	vpop (erf)  }
0x16a: {  	v6 =	vld [tilespmem:s17+$0xD0];
	[tilespmem:s9+$0xFFFFFFF0] =	vst v2;
	v9 =	vpop (erf)  }
0x16b: {  	v12 =	vld [tilespmem:s17+$0xFFFFFFC0];
	[tilespmem:s9+$0x40] =	vst v9;
	v10 =	vpop (erf)  }
0x16c: {  	v14 =	vbroadcast v1, $0x1;
	v13 =	vld [tilespmem:s17+$0x0];
	[tilespmem:s9+$0x90] =	vst v10;
	v8 =	vpop (erf)  }
0x16d: {  	v15 =	vbroadcast v3, $0x0;
	v5 =	vmul.f32 v11, v5;
	v16 =	vld [tilespmem:s17+$0x40];
	[tilespmem:s9+$0xE0] =	vst v8;
	v11 =	vpop (erf)  }
0x16e: {  	v17 =	vbroadcast v2, $0x0;
	[tilespmem:s9+$0xFFFFFF00] =	vst v11;
	v18 =	vld [tilespmem:s17+$0x80]  }
0x16f: {  	v7 =	vmul.f32 v15, v7;
	v6 =	vmul.f32 v14, v6;
	v15 =	vld [tilespmem:s17+$0xFFFFFF00]  }
0x170: {  	v44 =	vld [tilespmem:s20+$0x20];
	[tilespmem:s9+$0xFFFFFF10] =	vst v5;
	v5 =	vbroadcast v10, $0x0;
	v14 =	vbroadcast v9, $0x0  }
0x171: {  	[tilespmem:s9+$0x100] =	vst v6;
	v6 =	vbroadcast v8, $0x0;
	v12 =	vmul.f32 v17, v12;
	v17 =	vld [tilespmem:s17+$0xFFFFFF50]  }
0x172: {  	v25 =	vadd.f32 v27, v25;
	[tilespmem:s9+$0xFFFFFF60] =	vst v7;
	v7 =	vbroadcast v11, $0x0;
	v13 =	vmul.f32 v14, v13;
	v14 =	vld [tilespmem:s17+$0xE0]  }
0x173: {  	v27 =	vadd.f32 v57, v30;
	v5 =	vmul.f32 v5, v16;
	v16 =	vld [tilespmem:s17+$0xFFFFFF90];
	[tilespmem:s9+$0xFFFFFFB0] =	vst v12;
	v6 =	vmul.f32 v6, v18  }
0x174: {  	v42 =	vmul.f32 $2.000000030e-01, v25;
	v12 =	vld [tilespmem:s17+$0xFFFFFFD0];
	[tilespmem:s9+$0x0] =	vst v13;
	v7 =	vmul.f32 v7, v15  }
0x175: {  	v43 =	vmul.f32 $2.000000030e-01, v27;
	v61 =	vbroadcast v1, $0x2;
	[tilespmem:s9+$0xA0] =	vst v6;
	v6 =	vld [tilespmem:s18+$0x30]  }
0x176: {  	v20 =	vbroadcast v4, $0x1;
	v21 =	vbroadcast v4, $0x2;
	[tilespmem:s9+$0xFFFFFEC0] =	vst v7;
	v7 =	vld [tilespmem:s20+$0x30]  }
0x177: {  	v23 =	vbroadcast v3, $0x1;
	v26 =	vbroadcast v3, $0x2;
	v13 =	vld [tilespmem:s17+$0x10];
	[tilespmem:s9+$0x50] =	vst v5  }
0x178: {  	v24 =	vbroadcast v2, $0x1;
	v28 =	vbroadcast v9, $0x1;
	v15 =	vld [tilespmem:s17+$0x50]  }
0x179: {  	v29 =	vbroadcast v10, $0x1;
	v17 =	vmul.f32 v20, v17;
	v20 =	vld [tilespmem:s18+$0x0]  }
0x17a: {  	v56 =	vbroadcast v8, $0x1;
	v31 =	vbroadcast v11, $0x1;
	v18 =	vld [tilespmem:s17+$0x90]  }
0x17b: {  	v59 =	vbroadcast v11, $0x2;
	v16 =	vmul.f32 v23, v16;
	v23 =	vld [tilespmem:s20+$0x0];
	v58 =	vadd.f32 v7, v6  }
0x17c: {  	v5 =	vbroadcast v2, $0x2;
	v14 =	vmul.f32 v61, v14;
	v19 =	vld [tilespmem:s17+$0xFFFFFF10]  }
0x17d: {  	v12 =	vmul.f32 v24, v12;
	v24 =	vld [tilespmem:s18+$0x10];
	v63 =	vmul.f32 $2.000000030e-01, v58  }
0x17e: {  	v13 =	vmul.f32 v28, v13;
	v28 =	vld [tilespmem:s20+$0x10];
	v15 =	vmul.f32 v29, v15;
	v29 =	vadd.f32 v62, v60  }
0x17f: {  	v45 =	vld [tilespmem:s18+$0xFFFFFFC0];
	[tilespmem:s9+$0xFFFFFF20] =	vst v17;
	v6 =	vbroadcast v9, $0x2;
	v18 =	vmul.f32 v56, v18;
	v34 =	vmax.f32 v58, v63  }
0x180: {  	v30 =	vld [tilespmem:s18+$0x20];
	[tilespmem:s9+$0x110] =	vst v14;
	v46 =	vmul.f32 $2.000000030e-01, v29;
	v20 =	vadd.f32 v23, v20;
	v34 =	vmul.f32 $1.442695020e+00, v34  }
0x181: {  	v14 =	vld [tilespmem:s17+$0xFFFFFF60];
	v19 =	vmul.f32 v31, v19;
	v23 =	vmax.f32 v25, v42;
	[tilespmem:s9+$0x60] =	vst v15;
	v15 =	vbroadcast v4, $0x3  }
0x182: {  	v25 =	vmax.f32 v27, v43;
	v23 =	vmul.f32 $1.442695020e+00, v23;
	(erf) = vpow2.f32 v34  }
0x183: {  	v27 =	vmax.f32 v29, v46;
	v29 =	vmul.f32 $2.000000030e-01, v20;
	[tilespmem:s9+$0xFFFFFED0] =	vst v19;
	v24 =	vadd.f32 v28, v24  }
0x184: {  	v19 =	vmul.f32 $1.442695020e+00, v25;
	v25 =	vmul.f32 $1.442695020e+00, v27;
	v27 =	vld [tilespmem:s17+$0xFFFFFF20]  }
0x185: {  	v22 =	vadd.f32 v22, v45;
	v17 =	vmul.f32 $2.000000030e-01, v24;
	(erf) = vpow2.f32 v23  }
0x186: {  	v14 =	vmul.f32 v21, v14;
	v20 =	vmax.f32 v20, v29;
	v23 =	vadd.f32 v44, v30  }
0x187: {  	s25 =	simm.s32 $0x9B40;
	[tilespmem:s9+$0xFFFFFF70] =	vst v16;
	v20 =	vmul.f32 $1.442695020e+00, v20;
	v16 =	vmax.f32 v24, v17;
	v24 =	vmul.f32 $2.000000030e-01, v22  }
0x188: {  	[tilespmem:s9+$0xFFFFFFC0] =	vst v12;
	v62 =	vld [tilespmem:s25+$0x30];
	(erf) = vpow2.f32 v19;
	v19 =	vmul.f32 $2.000000030e-01, v23  }
0x189: {  	[tilespmem:s9+$0x10] =	vst v13;
	v21 =	vld [tilespmem:s17+$0x60];
	v16 =	vmul.f32 $1.442695020e+00, v16;
	v12 =	vmul.f32 v59, v27  }
0x18a: {  	[tilespmem:s9+$0xB0] =	vst v18;
	v28 =	vld [tilespmem:s17+$0xF0];
	v27 =	vbroadcast v8, $0x2;
	(erf) = vpow2.f32 v25;
	v19 =	vmax.f32 v23, v19  }
0x18b: {  	s10 =	simm.s32 $0xDDC0;
	v25 =	vld [tilespmem:s17+$0xFFFFFFA0];
	(erf) = vpow2.f32 v20;
	v20 =	vmax.f32 v22, v24;
	[tilespmem:s9+$0xFFFFFEE0] =	vst v12;
	v19 =	vmul.f32 $1.442695020e+00, v19;
	v17 =	vpop (erf)  }
0x18c: {  	s11 =	simm.s32 $0x7500;
	(erf) = vpow2.f32 v16;
	v13 =	vmul.f32 $1.442695020e+00, v20;
	v18 =	vld [tilespmem:s17+$0xFFFFFF30];
	[tilespmem:s10+$0x130] =	vst v17  }
0x18d: {  	v16 =	vbroadcast v11, $0x3;
	(erf) = vpow2.f32 v19;
	v22 =	vld [tilespmem:s11+$0xC0]  }
0x18e: {  	v24 =	vld [tilespmem:s17+$0x20];
	v19 =	vbroadcast v17, $0x0;
	(erf) = vpow2.f32 v13;
	v12 =	vpop (erf)  }
0x18f: {  	v23 =	vld [tilespmem:s17+$0xFFFFFFE0];
	v13 =	vbroadcast v3, $0x3;
	v3 =	vbroadcast v1, $0x3;
	[tilespmem:s10+$0xFFFFFF50] =	vst v12  }
0x190: {  	v1 =	vbroadcast v2, $0x3;
	v2 =	vbroadcast v9, $0x3;
	v9 =	vld [tilespmem:s11+$0xFFFFFF40]  }
0x191: {  	v11 =	vld [tilespmem:s17+$0xA0];
	v16 =	vmul.f32 v18, v16;
	v28 =	vmul.f32 v28, v3  }
0x192: {  	[tilespmem:s9+$0xFFFFFF30] =	vst v14;
	v18 =	vld [tilespmem:s25+$0xFFFFFFC0];
	v3 =	vbroadcast v8, $0x3;
	v4 =	vmul.f32 v19, v22;
	v22 =	vpop (erf)  }
0x193: {  	v8 =	vmul.f32 v26, v25;
	v26 =	vbroadcast v12, $0x0;
	v19 =	vld [tilespmem:s17+$0xFFFFFF70];
	[tilespmem:s10+$0xFFFFFFA0] =	vst v22  }
0x194: {  	v7 =	vbroadcast v10, $0x2;
	v24 =	vmul.f32 v6, v24;
	v29 =	vpop (erf);
	[tilespmem:s10+$0xF0] =	vst v4;
	v20 =	vld [tilespmem:s11+$0xFFFFFF80]  }
0x195: {  	v9 =	vmul.f32 v26, v9;
	v4 =	vbroadcast v10, $0x3;
	[tilespmem:s10+$0xFFFFFFF0] =	vst v29;
	v25 =	vpop (erf);
	v10 =	vld [tilespmem:s11+$0xD0]  }
0x196: {  	s14 =	simm.s32 $0xAB40;
	v31 =	vld [tilespmem:s11+$0xFFFFFFC0];
	v52 =	vbroadcast v25, $0x0;
	v57 =	vbroadcast v25, $0x1  }
0x197: {  	[tilespmem:s10+$0x40] =	vst v25;
	v32 =	vpop (erf);
	v36 =	vbroadcast v25, $0x2;
	v6 =	vbroadcast v25, $0x3;
	v25 =	vld [tilespmem:s14+$0x0]  }
0x198: {  	v21 =	vmul.f32 v7, v21;
	v47 =	vld [tilespmem:s11+$0x0];
	[tilespmem:s10+$0x90] =	vst v32  }
0x199: {  	v48 =	vbroadcast v17, $0x1;
	v49 =	vbroadcast v22, $0x0;
	[tilespmem:s10+$0xFFFFFF10] =	vst v9;
	v37 =	vpop (erf);
	v26 =	vld [tilespmem:s11+$0x40]  }
0x19a: {  	v23 =	vmul.f32 v5, v23;
	v27 =	vmul.f32 v27, v11;
	v40 =	vld [tilespmem:s11+$0xFFFFFF50];
	[tilespmem:s10+$0xE0] =	vst v37;
	v38 =	vpop (erf)  }
0x19b: {  	v50 =	vbroadcast v29, $0x0;
	[tilespmem:s10+$0xFFFFFF00] =	vst v38;
	v51 =	vld [tilespmem:s11+$0x80];
	v20 =	vmul.f32 v49, v20  }
0x19c: {  	v9 =	vbroadcast v32, $0x0;
	v53 =	vld [tilespmem:s11+$0xFFFFFF00];
	v10 =	vmul.f32 v48, v10  }
0x19d: {  	v31 =	vmul.f32 v50, v31;
	v33 =	vmul.f32 v52, v47;
	[tilespmem:s10+$0xFFFFFF60] =	vst v20;
	v52 =	vld [tilespmem:s14+$0x30]  }
0x19e: {  	v30 =	vbroadcast v12, $0x1;
	[tilespmem:s10+$0x100] =	vst v10;
	v9 =	vmul.f32 v9, v26;
	v26 =	vld [tilespmem:s11+$0xFFFFFF90]  }
0x19f: {  	v14 =	vbroadcast v12, $0x2;
	v10 =	vbroadcast v37, $0x0;
	[tilespmem:s10+$0xFFFFFFB0] =	vst v31;
	v54 =	vld [tilespmem:s11+$0xE0]  }
0x1a0: {  	v11 =	vbroadcast v12, $0x3;
	v20 =	vbroadcast v38, $0x0;
	v41 =	vld [tilespmem:s11+$0xFFFFFFD0];
	[tilespmem:s10+$0x0] =	vst v33  }
0x1a1: {  	v12 =	vbroadcast v22, $0x3;
	v10 =	vmul.f32 v10, v51;
	v39 =	vld [tilespmem:s11+$0x10]  }
0x1a2: {  	v42 =	vbroadcast v29, $0x1;
	v55 =	vmul.f32 v20, v53;
	[tilespmem:s10+$0x50] =	vst v9;
	v53 =	vld [tilespmem:s14+$0xFFFFFFD0]  }
0x1a3: {  	v34 =	vbroadcast v29, $0x2;
	v7 =	vbroadcast v29, $0x3;
	v56 =	vld [tilespmem:s11+$0x50];
	[tilespmem:s10+$0xA0] =	vst v10  }
0x1a4: {  	v58 =	vbroadcast v32, $0x1;
	v35 =	vbroadcast v32, $0x2;
	[tilespmem:s10+$0xFFFFFEC0] =	vst v55;
	v55 =	vld [tilespmem:s14+$0xFFFFFFE0]  }
0x1a5: {  	v5 =	vbroadcast v32, $0x3;
	v31 =	vbroadcast v22, $0x1;
	v33 =	vld [tilespmem:s11+$0x90]  }
0x1a6: {  	v61 =	vbroadcast v37, $0x1;
	v9 =	vbroadcast v17, $0x2;
	v59 =	vld [tilespmem:s11+$0xFFFFFF10]  }
0x1a7: {  	v15 =	vmul.f32 v19, v15;
	v26 =	vmul.f32 v31, v26;
	v31 =	vld [tilespmem:s25+$0xFFFFFFD0]  }
0x1a8: {  	v60 =	vbroadcast v38, $0x1;
	v9 =	vmul.f32 v9, v54;
	v54 =	vld [tilespmem:s25+$0xFFFFFFE0]  }
0x1a9: {  	[tilespmem:s9+$0xFFFFFFD0] =	vst v23;
	v50 =	vbroadcast v38, $0x2;
	v39 =	vmul.f32 v57, v39;
	v57 =	vld [tilespmem:s14+$0xFFFFFFF0]  }
0x1aa: {  	v20 =	vbroadcast v22, $0x2;
	v22 =	vadd.f32 v52, v62;
	[tilespmem:s10+$0xFFFFFF70] =	vst v26;
	v43 =	vmul.f32 v58, v56;
	v56 =	vld [tilespmem:s25+$0xFFFFFFF0]  }
0x1ab: {  	v30 =	vmul.f32 v30, v40;
	v17 =	vbroadcast v17, $0x3;
	[tilespmem:s10+$0x110] =	vst v9;
	v23 =	vld [tilespmem:s11+$0xFFFFFFA0]  }
0x1ac: {  	v10 =	vbroadcast v38, $0x3;
	v58 =	vmul.f32 $2.000000030e-01, v22;
	v63 =	vld [tilespmem:s11+$0xF0]  }
0x1ad: {  	[tilespmem:s9+$0x120] =	vst v28;
	v41 =	vmul.f32 v42, v41;
	v46 =	vmul.f32 v60, v59;
	v59 =	vld [tilespmem:s25+$0x0]  }
0x1ae: {  	[tilespmem:s9+$0xFFFFFF80] =	vst v8;
	v9 =	vbroadcast v37, $0x2;
	v28 =	vadd.f32 v53, v31;
	v8 =	vmax.f32 v22, v58;
	v22 =	vld [tilespmem:s25+$0x10]  }
0x1af: {  	[tilespmem:s10+$0xFFFFFF20] =	vst v30;
	v33 =	vmul.f32 v61, v33;
	v31 =	vld [tilespmem:s14+$0x10];
	v29 =	vadd.f32 v55, v54;
	v30 =	vmul.f32 $1.442695020e+00, v8  }
0x1b0: {  	v40 =	vld [tilespmem:s14+$0xFFFFFFC0];
	v8 =	vbroadcast v37, $0x3;
	v26 =	vmul.f32 $2.000000030e-01, v28  }
0x1b1: {  	[tilespmem:s9+$0x70] =	vst v21;
	v61 =	vld [tilespmem:s25+$0x20];
	v60 =	vadd.f32 v57, v56;
	v38 =	vmul.f32 $2.000000030e-01, v29;
	(erf) = vpow2.f32 v30  }
0x1b2: {  	[tilespmem:s9+$0xFFFFFF40] =	vst v15;
	v30 =	vld [tilespmem:s14+$0x20];
	v15 =	vmul.f32 v20, v23;
	v17 =	vmul.f32 v63, v17  }
0x1b3: {  	[tilespmem:s10+$0xFFFFFFC0] =	vst v41;
	v19 =	vmax.f32 v28, v26;
	v62 =	vmul.f32 $2.000000030e-01, v60;
	v25 =	vadd.f32 v25, v59  }
0x1b4: {  	[tilespmem:s9+$0xC0] =	vst v27;
	v44 =	vld [tilespmem:s11+$0xFFFFFFE0];
	v26 =	vmax.f32 v29, v38;
	v19 =	vmul.f32 $1.442695020e+00, v19;
	v22 =	vadd.f32 v31, v22  }
0x1b5: {  	[tilespmem:s10+$0x10] =	vst v39;
	v56 =	vadd.f32 v40, v18;
	v63 =	vld [tilespmem:s17+$0xFFFFFFB0];
	v26 =	vmul.f32 $1.442695020e+00, v26;
	v55 =	vmul.f32 $2.000000030e-01, v25  }
0x1b6: {  	v31 =	vld [tilespmem:s11+$0xFFFFFF60];
	[tilespmem:s10+$0x120] =	vst v17;
	v29 =	vmax.f32 v60, v62;
	(erf) = vpow2.f32 v19;
	v17 =	vmul.f32 $2.000000030e-01, v22  }
0x1b7: {  	[tilespmem:s10+$0x60] =	vst v43;
	v49 =	vld [tilespmem:s11+$0x20];
	v29 =	vmul.f32 $1.442695020e+00, v29;
	v30 =	vadd.f32 v30, v61;
	(erf) = vpow2.f32 v26  }
0x1b8: {  	v52 =	vld [tilespmem:s11+$0x60];
	[tilespmem:s10+$0xFFFFFED0] =	vst v46;
	v19 =	vmax.f32 v25, v55;
	v17 =	vmax.f32 v22, v17;
	v22 =	vmul.f32 $2.000000030e-01, v56  }
0x1b9: {  	[tilespmem:s9+$0xFFFFFEF0] =	vst v16;
	v28 =	vld [tilespmem:s11+$0xFFFFFF20];
	v18 =	vmul.f32 $1.442695020e+00, v19;
	v19 =	vmul.f32 $2.000000030e-01, v30  }
0x1ba: {  	s12 =	simm.s32 $0xE040;
	[tilespmem:s10+$0xB0] =	vst v33;
	v33 =	vld [tilespmem:s17+$0xB0];
	v57 =	vmul.f32 v63, v13;
	(erf) = vpow2.f32 v29;
	v21 =	vpop (erf)  }
0x1bb: {  	s16 =	simm.s32 $0x7700;
	v20 =	vld [tilespmem:s17+$0x70];
	v13 =	vmul.f32 $1.442695020e+00, v17;
	v14 =	vmul.f32 v14, v31;
	v17 =	vmax.f32 v30, v19;
	[tilespmem:s12+$0x130] =	vst v21  }
0x1bc: {  	[tilespmem:s10+$0xFFFFFF80] =	vst v15;
	v16 =	vmax.f32 v56, v22;
	(erf) = vpow2.f32 v18;
	v17 =	vmul.f32 $1.442695020e+00, v17;
	v22 =	vld [tilespmem:s16+$0xC0]  }
0x1bd: {  	v32 =	vld [tilespmem:s11+$0xFFFFFFB0];
	(erf) = vpow2.f32 v13;
	v13 =	vmul.f32 $1.442695020e+00, v16  }
0x1be: {  	[tilespmem:s9+$0x20] =	vst v24;
	v25 =	vld [tilespmem:s11+$0xA0];
	v19 =	vmul.f32 v50, v28;
	(erf) = vpow2.f32 v17  }
0x1bf: {  	v18 =	vld [tilespmem:s17+$0xFFFFFFF0];
	[tilespmem:s10+$0xFFFFFF30] =	vst v14;
	v16 =	vbroadcast v21, $0x0;
	(erf) = vpow2.f32 v13  }
0x1c0: {  	v44 =	vmul.f32 v34, v44;
	v36 =	vmul.f32 v36, v49;
	v28 =	vld [tilespmem:s11+$0xFFFFFF70];
	[tilespmem:s10+$0xFFFFFEE0] =	vst v19;
	v23 =	vpop (erf)  }
0x1c1: {  	v34 =	vmul.f32 v35, v52;
	v19 =	vld [tilespmem:s17+$0x30];
	[tilespmem:s12+$0xFFFFFF50] =	vst v23;
	v13 =	vmul.f32 v16, v22  }
0x1c2: {  	[tilespmem:s9+$0xFFFFFF90] =	vst v57;
	v60 =	vbroadcast v21, $0x1;
	v17 =	vbroadcast v23, $0x0;
	v30 =	vld [tilespmem:s16+$0xFFFFFF40]  }
0x1c3: {  	v24 =	vld [tilespmem:s11+$0xFFFFFF30];
	v45 =	vbroadcast v23, $0x1;
	v14 =	vbroadcast v23, $0x2;
	v26 =	vpop (erf);
	[tilespmem:s12+$0xF0] =	vst v13  }
0x1c4: {  	[tilespmem:s12+$0xFFFFFFA0] =	vst v26;
	v51 =	vbroadcast v26, $0x1;
	v15 =	vbroadcast v26, $0x2;
	v22 =	vpop (erf);
	v59 =	vld [tilespmem:s16+$0xD0]  }
0x1c5: {  	v16 =	vbroadcast v26, $0x0;
	v58 =	vld [tilespmem:s16+$0xFFFFFF80];
	v42 =	vbroadcast v22, $0x0;
	[tilespmem:s12+$0xFFFFFFF0] =	vst v22;
	v27 =	vpop (erf)  }
0x1c6: {  	v38 =	vbroadcast v22, $0x1;
	v13 =	vbroadcast v22, $0x2;
	v43 =	vld [tilespmem:s16+$0xFFFFFFC0];
	[tilespmem:s12+$0x40] =	vst v27;
	v29 =	vpop (erf)  }
0x1c7: {  	v61 =	vbroadcast v27, $0x0;
	v17 =	vmul.f32 v17, v30;
	v30 =	vld [tilespmem:s16+$0x0];
	[tilespmem:s12+$0x90] =	vst v29;
	v31 =	vpop (erf)  }
0x1c8: {  	v39 =	vbroadcast v27, $0x1;
	v62 =	vbroadcast v29, $0x0;
	v63 =	vld [tilespmem:s16+$0x40];
	[tilespmem:s12+$0xE0] =	vst v31;
	v37 =	vpop (erf)  }
0x1c9: {  	v40 =	vbroadcast v29, $0x1;
	[tilespmem:s12+$0xFFFFFF00] =	vst v37;
	v55 =	vld [tilespmem:s16+$0x80];
	v50 =	vmul.f32 v60, v59  }
0x1ca: {  	v16 =	vmul.f32 v16, v58;
	v53 =	vbroadcast v31, $0x0;
	[tilespmem:s12+$0xFFFFFF10] =	vst v17;
	v56 =	vld [tilespmem:s16+$0xFFFFFF00]  }
0x1cb: {  	v54 =	vbroadcast v37, $0x0;
	v17 =	vmul.f32 v42, v43;
	v57 =	vld [tilespmem:s16+$0xFFFFFF50];
	[tilespmem:s12+$0x100] =	vst v50  }
0x1cc: {  	v41 =	vbroadcast v37, $0x1;
	[tilespmem:s12+$0xFFFFFF60] =	vst v16;
	v61 =	vmul.f32 v61, v30;
	v50 =	vld [tilespmem:s16+$0xE0]  }
0x1cd: {  	v43 =	vbroadcast v31, $0x1;
	v58 =	vld [tilespmem:s16+$0xFFFFFF90];
	[tilespmem:s12+$0xFFFFFFB0] =	vst v17;
	v48 =	vmul.f32 v62, v63  }
0x1ce: {  	v16 =	vbroadcast v29, $0x2;
	v46 =	vld [tilespmem:s16+$0xFFFFFFD0];
	[tilespmem:s12+$0x0] =	vst v61;
	v53 =	vmul.f32 v53, v55  }
0x1cf: {  	v62 =	vbroadcast v21, $0x2;
	v47 =	vld [tilespmem:s16+$0x10];
	[tilespmem:s12+$0x50] =	vst v48;
	v54 =	vmul.f32 v54, v56  }
0x1d0: {  	v42 =	vbroadcast v31, $0x2;
	v63 =	vmul.f32 v45, v57;
	v45 =	vld [tilespmem:s16+$0x50];
	[tilespmem:s12+$0xA0] =	vst v53  }
0x1d1: {  	v30 =	vbroadcast v37, $0x2;
	[tilespmem:s12+$0xFFFFFEC0] =	vst v54;
	v48 =	vld [tilespmem:s16+$0x90];
	v50 =	vmul.f32 v62, v50  }
0x1d2: {  	s15 =	simm.s32 $0x7700;
	s18 =	simm.s32 $0x9BC0;
	s17 =	simm.s32 $0x10;
	v17 =	vbroadcast v27, $0x2;
	v51 =	vmul.f32 v51, v58;
	[tilespmem:s12+$0xFFFFFF20] =	vst v63;
	v49 =	vld [tilespmem:s16+$0xFFFFFF10]  }
.LBB2_7:
0x1d3: {  	v35 =	vld [tilespmem:s18+$0x30];
	v38 =	vmul.f32 v38, v46;
	[tilespmem:s12+$0x110] =	vst v50;
	v25 =	vmul.f32 v9, v25;
	v9 =	vmov v42  }
0x1d4: {  	v37 =	vbroadcast v37, $0x3;
	s14 =	sadd.s32 $0x80, s14;
	[tilespmem:s12+$0xFFFFFF70] =	vst v51;
	v39 =	vmul.f32 v39, v47;
	v42 =	vld [tilespmem:s16+$0xF0]  }
0x1d5: {  	s17 =	sadd.s32 $0x8, s17;
	v23 =	vbroadcast v23, $0x3;
	v46 =	vld [tilespmem:s14+$0x30];
	[tilespmem:s12+$0xFFFFFFC0] =	vst v38;
	v38 =	vmul.f32 v40, v45  }
0x1d6: {  	v26 =	vbroadcast v26, $0x3;
	p0 =	slt.u32 s17, $0x78;
	v40 =	vld [tilespmem:s14+$0xFFFFFFC0];
	[tilespmem:s12+$0x10] =	vst v39;
	v39 =	vmul.f32 v43, v48  }
0x1d7: {  	v21 =	vbroadcast v21, $0x3;
	v43 =	vld [tilespmem:s18+$0xFFFFFFD0];
	v41 =	vmul.f32 v41, v49;
	[tilespmem:s12+$0x60] =	vst v38  }
0x1d8: {  	v22 =	vbroadcast v22, $0x3;
	v27 =	vbroadcast v27, $0x3;
	v38 =	vld [tilespmem:s14+$0xFFFFFFD0];
	[tilespmem:s12+$0xB0] =	vst v39  }
0x1d9: {  	v29 =	vbroadcast v29, $0x3;
	v39 =	vld [tilespmem:s18+$0xFFFFFFE0];
	[tilespmem:s12+$0xFFFFFED0] =	vst v41;
	v21 =	vmul.f32 v42, v21  }
0x1da: {  	v31 =	vbroadcast v31, $0x3;
	v24 =	vmul.f32 v24, v10;
	v10 =	vmovc v37;
	v41 =	vld [tilespmem:s14+$0xFFFFFFE0];
	v35 =	vadd.f32 v46, v35;
	[tilespmem:s10+$0xFFFFFFD0] =	vst v44  }
0x1db: {  	v37 =	vld [tilespmem:s18+$0xFFFFFFF0];
	[tilespmem:s12+$0x120] =	vst v21;
	v21 =	vmul.f32 v28, v11;
	v28 =	vmul.f32 v32, v12;
	v11 =	vmovc v23;
	v12 =	vmov v26  }
0x1dc: {  	v18 =	vmul.f32 v18, v1;
	v1 =	vmovc v7;
	v7 =	vmov v22;
	v23 =	vld [tilespmem:s14+$0xFFFFFFF0];
	v26 =	vmul.f32 $2.000000030e-01, v35;
	[tilespmem:s10+$0x20] =	vst v36  }
0x1dd: {  	v19 =	vmul.f32 v19, v2;
	v20 =	vmul.f32 v20, v4;
	v22 =	vadd.f32 v38, v43;
	v32 =	vld [tilespmem:s18+$0x0];
	[tilespmem:s10+$0x70] =	vst v34  }
0x1de: {  	v2 =	vmovc v6;
	v6 =	vmov v27;
	v34 =	vld [tilespmem:s14+$0x0];
	v36 =	vmax.f32 v35, v26;
	[tilespmem:s10+$0xC0] =	vst v25;
	v25 =	vmul.f32 v33, v3  }
0x1df: {  	v4 =	vmovc v5;
	v5 =	vmovc v29;
	v26 =	vmul.f32 $2.000000030e-01, v22;
	v27 =	vadd.f32 v41, v39;
	v33 =	vld [tilespmem:s18+$0x10];
	v35 =	vmul.f32 $1.442695020e+00, v36;
	[tilespmem:s10+$0xFFFFFEF0] =	vst v24  }
0x1e0: {  	v3 =	vmov v8;
	v8 =	vmov v31;
	v24 =	vld [tilespmem:s14+$0x10];
	[tilespmem:s10+$0xFFFFFF40] =	vst v21  }
0x1e1: {  	v21 =	vmul.f32 $2.000000030e-01, v27;
	v23 =	vadd.f32 v23, v37;
	v29 =	vld [tilespmem:s18+$0x20];
	(erf) = vpow2.f32 v35;
	[tilespmem:s10+$0xFFFFFF90] =	vst v28  }
0x1e2: {  	v22 =	vmax.f32 v22, v26;
	v26 =	vld [tilespmem:s14+$0x20];
	[tilespmem:s9+$0xFFFFFFE0] =	vst v18  }
0x1e3: {  	v18 =	vld [tilespmem:s18+$0xFFFFFFC0];
	v21 =	vmax.f32 v27, v21;
	v27 =	vmul.f32 $2.000000030e-01, v23;
	v28 =	vadd.f32 v34, v32;
	[tilespmem:s9+$0x30] =	vst v19  }
0x1e4: {  	v19 =	vmul.f32 $1.442695020e+00, v22;
	v21 =	vmul.f32 $1.442695020e+00, v21;
	v22 =	vld [tilespmem:s16+$0xFFFFFF20];
	[tilespmem:s9+$0x80] =	vst v20  }
0x1e5: {  	v20 =	vmax.f32 v23, v27;
	v23 =	vmul.f32 $2.000000030e-01, v28;
	v24 =	vadd.f32 v24, v33;
	v27 =	vld [tilespmem:s16+$0xFFFFFF60];
	[tilespmem:s9+$0xD0] =	vst v25;
	s9 =	smov.u32 s10;
	s10 =	smov.u32 s12  }
0x1e6: {  	v20 =	vmul.f32 $1.442695020e+00, v20;
	(erf) = vpow2.f32 v19;
	v31 =	vld [tilespmem:s16+$0xFFFFFFA0]  }
0x1e7: {  	v19 =	vmax.f32 v28, v23;
	v23 =	vmul.f32 $2.000000030e-01, v24;
	v26 =	vadd.f32 v26, v29;
	v36 =	vld [tilespmem:s16+$0xFFFFFFE0]  }
0x1e8: {  	v28 =	vadd.f32 v40, v18;
	v18 =	vmul.f32 $1.442695020e+00, v19;
	(erf) = vpow2.f32 v21;
	v35 =	vld [tilespmem:s16+$0x20]  }
0x1e9: {  	s12 =	sadd.s32 $0x280, s12;
	v19 =	vmax.f32 v24, v23;
	v23 =	vmul.f32 $2.000000030e-01, v26;
	(erf) = vpow2.f32 v20;
	v34 =	vld [tilespmem:s16+$0x60]  }
0x1ea: {  	v20 =	vmul.f32 $2.000000030e-01, v28;
	v19 =	vmul.f32 $1.442695020e+00, v19;
	v21 =	vpop (erf);
	v25 =	vld [tilespmem:s16+$0xA0]  }
0x1eb: {  	v22 =	vmul.f32 v30, v22;
	s16 =	sadd.s32 $0x200, s16;
	v23 =	vmax.f32 v26, v23;
	[tilespmem:s12+$0x130] =	vst v21;
	(erf) = vpow2.f32 v18;
	v18 =	vld [tilespmem:s11+$0xFFFFFFF0]  }
0x1ec: {  	v20 =	vmax.f32 v28, v20;
	v28 =	vmul.f32 $1.442695020e+00, v23;
	v26 =	vld [tilespmem:s16+$0xC0];
	(erf) = vpow2.f32 v19  }
0x1ed: {  	v14 =	vmul.f32 v14, v27;
	v20 =	vmul.f32 $1.442695020e+00, v20;
	[tilespmem:s10+$0xFFFFFEE0] =	vst v22;
	v19 =	vld [tilespmem:s11+$0x30]  }
0x1ee: {  	v15 =	vmul.f32 v15, v31;
	(erf) = vpow2.f32 v28;
	v24 =	vld [tilespmem:s15+$0xFFFFFF30]  }
0x1ef: {  	v29 =	vbroadcast v21, $0x0;
	(erf) = vpow2.f32 v20;
	v23 =	vpop (erf);
	[tilespmem:s10+$0xFFFFFF30] =	vst v14;
	v20 =	vld [tilespmem:s11+$0x70]  }
0x1f0: {  	[tilespmem:s12+$0xFFFFFF50] =	vst v23;
	v30 =	vbroadcast v23, $0x0;
	v44 =	vbroadcast v23, $0x1;
	v28 =	vld [tilespmem:s15+$0xFFFFFF70]  }
0x1f1: {  	v14 =	vbroadcast v23, $0x2;
	v31 =	vld [tilespmem:s16+$0xFFFFFF40];
	v29 =	vmul.f32 v29, v26;
	v26 =	vpop (erf);
	[tilespmem:s10+$0xFFFFFF80] =	vst v15  }
0x1f2: {  	[tilespmem:s12+$0xFFFFFFA0] =	vst v26;
	v33 =	vbroadcast v26, $0x0;
	v51 =	vbroadcast v26, $0x1;
	v22 =	vpop (erf);
	v32 =	vld [tilespmem:s15+$0xFFFFFFB0]  }
0x1f3: {  	v37 =	vld [tilespmem:s16+$0xFFFFFF80];
	v42 =	vbroadcast v22, $0x0;
	v38 =	vbroadcast v22, $0x1;
	[tilespmem:s12+$0xF0] =	vst v29  }
0x1f4: {  	v15 =	vbroadcast v26, $0x2;
	v48 =	vbroadcast v22, $0x2;
	[tilespmem:s12+$0xFFFFFFF0] =	vst v22;
	v41 =	vld [tilespmem:s16+$0xD0];
	v27 =	vpop (erf)  }
0x1f5: {  	v43 =	vld [tilespmem:s16+$0xFFFFFFC0];
	[tilespmem:s12+$0x40] =	vst v27;
	v45 =	vbroadcast v27, $0x0;
	v39 =	vbroadcast v27, $0x1;
	v29 =	vpop (erf)  }
0x1f6: {  	v30 =	vmul.f32 v30, v31;
	v46 =	vld [tilespmem:s16+$0x0];
	[tilespmem:s12+$0x90] =	vst v29;
	v47 =	vbroadcast v29, $0x0  }
0x1f7: {  	v50 =	vbroadcast v21, $0x1;
	v40 =	vbroadcast v29, $0x1;
	v49 =	vld [tilespmem:s16+$0x40];
	v31 =	vpop (erf)  }
0x1f8: {  	v52 =	vmul.f32 v33, v37;
	[tilespmem:s12+$0xE0] =	vst v31;
	v53 =	vbroadcast v31, $0x0;
	v37 =	vpop (erf);
	v33 =	vld [tilespmem:s11+$0xB0];
	s11 =	smov.u32 s15;
	s15 =	smov.u32 s16  }
0x1f9: {  	[tilespmem:s12+$0xFFFFFF00] =	vst v37;
	v54 =	vbroadcast v37, $0x0;
	v55 =	vld [tilespmem:s16+$0x80];
	v50 =	vmul.f32 v50, v41  }
0x1fa: {  	v41 =	vbroadcast v37, $0x1;
	v56 =	vld [tilespmem:s16+$0xFFFFFF00];
	[tilespmem:s12+$0xFFFFFF10] =	vst v30;
	v42 =	vmul.f32 v42, v43  }
0x1fb: {  	v43 =	vbroadcast v31, $0x1;
	v57 =	vld [tilespmem:s16+$0xFFFFFF50];
	v45 =	vmul.f32 v45, v46;
	[tilespmem:s12+$0x100] =	vst v50  }
0x1fc: {  	v30 =	vbroadcast v37, $0x2;
	[tilespmem:s12+$0xFFFFFF60] =	vst v52;
	v49 =	vmul.f32 v47, v49;
	v50 =	vld [tilespmem:s16+$0xE0]  }
0x1fd: {  	v58 =	vbroadcast v27, $0x2;
	v59 =	vbroadcast v29, $0x2;
	v52 =	vld [tilespmem:s16+$0xFFFFFF90];
	[tilespmem:s12+$0xFFFFFFB0] =	vst v42  }
.Ltmp2:
0x1fe: {  	v42 =	vbroadcast v31, $0x2;
	v46 =	vld [tilespmem:s16+$0xFFFFFFD0];
	[tilespmem:s12+$0x0] =	vst v45;
	v53 =	vmul.f32 v53, v55;
	(pc) =	sbr.rel @p0 .LBB2_7-.Ltmp2, $4  }
0x1ff: {  	v54 =	vmul.f32 v54, v56;
	v47 =	vld [tilespmem:s16+$0x10];
	[tilespmem:s12+$0x50] =	vst v49;
	v49 =	vbroadcast v21, $0x2  }
0x200: {  	v55 =	vmul.f32 v44, v57;
	v45 =	vld [tilespmem:s16+$0x50];
	[tilespmem:s12+$0xA0] =	vst v53;
	v44 =	vmul.f32 v13, v36;
	v13 =	vmov v48  }
0x201: {  	v36 =	vmul.f32 v17, v35;
	v17 =	vmov v58;
	[tilespmem:s12+$0xFFFFFEC0] =	vst v54;
	v48 =	vld [tilespmem:s16+$0x90];
	v50 =	vmul.f32 v49, v50  }
0x202: {  	s18 =	sadd.s32 $0x80, s18;
	v34 =	vmul.f32 v16, v34;
	v16 =	vmov v59;
	v49 =	vld [tilespmem:s16+$0xFFFFFF10];
	[tilespmem:s12+$0xFFFFFF20] =	vst v55;
	v51 =	vmul.f32 v51, v52  }
0x203: {  	[tilespmem:s12+$0x110] =	vst v50  }
0x204: {  	[tilespmem:s10+$0xFFFFFFD0] =	vst v44  }
0x205: {  	[tilespmem:s10+$0x20] =	vst v36  }
0x206: {  	v35 =	vmul.f32 v38, v46;
	[tilespmem:s12+$0xFFFFFF70] =	vst v51  }
0x207: {  	v9 =	vmul.f32 v9, v25;
	[tilespmem:s10+$0x70] =	vst v34  }
0x208: {  	v10 =	vmul.f32 v24, v10;
	[tilespmem:s12+$0xFFFFFFC0] =	vst v35  }
0x209: {  	v11 =	vmul.f32 v28, v11;
	[tilespmem:s10+$0xC0] =	vst v9  }
0x20a: {  	v12 =	vmul.f32 v32, v12;
	[tilespmem:s10+$0xFFFFFEF0] =	vst v10  }
0x20b: {  	v1 =	vmul.f32 v18, v1;
	[tilespmem:s10+$0xFFFFFF40] =	vst v11  }
0x20c: {  	v2 =	vmul.f32 v19, v2;
	[tilespmem:s10+$0xFFFFFF90] =	vst v12  }
0x20d: {  	v4 =	vmul.f32 v20, v4;
	[tilespmem:s9+$0xFFFFFFE0] =	vst v1  }
0x20e: {  	v3 =	vmul.f32 v33, v3;
	v61 =	vmul.f32 v39, v47;
	v62 =	vld [tilespmem:s16+$0xF0];
	[tilespmem:s9+$0x30] =	vst v2  }
0x20f: {  	v63 =	vmul.f32 v40, v45;
	[tilespmem:s9+$0x80] =	vst v4;
	v45 =	vmul.f32 v43, v48;
	v48 =	vld [tilespmem:s16+$0xFFFFFF60]  }
0x210: {  	[tilespmem:s9+$0xD0] =	vst v3;
	v46 =	vmul.f32 v41, v49;
	v49 =	vld [tilespmem:s16+$0xFFFFFFA0]  }
0x211: {  	v21 =	vbroadcast v21, $0x3;
	v55 =	vld [tilespmem:s11+$0xFFFFFFF0];
	[tilespmem:s12+$0x10] =	vst v61  }
0x212: {  	v1 =	vld [tilespmem:s16+$0xFFFFFFE0];
	[tilespmem:s12+$0x60] =	vst v63  }
0x213: {  	v2 =	vld [tilespmem:s16+$0x20];
	[tilespmem:s12+$0xFFFFFED0] =	vst v46;
	v21 =	vmul.f32 v62, v21  }
0x214: {  	[tilespmem:s12+$0xB0] =	vst v45;
	v47 =	vld [tilespmem:s16+$0xFFFFFF20];
	v10 =	vmul.f32 v14, v48  }
0x215: {  	v50 =	vld [tilespmem:s16+$0x60];
	[tilespmem:s12+$0x120] =	vst v21;
	v52 =	vmul.f32 v15, v49  }
0x216: {  	v51 =	vld [tilespmem:s16+$0xA0];
	v7 =	vmul.f32 v55, v7;
	[tilespmem:s12+$0xFFFFFF30] =	vst v10  }
0x217: {  	v1 =	vmul.f32 v13, v1;
	v10 =	vld [tilespmem:s15+$0xFFFFFF70];
	[tilespmem:s12+$0xFFFFFF80] =	vst v52  }
0x218: {  	[tilespmem:s10+$0xFFFFFFE0] =	vst v7;
	v2 =	vmul.f32 v17, v2;
	v3 =	vld [tilespmem:s15+$0xFFFFFFB0]  }
0x219: {  	v56 =	vld [tilespmem:s11+$0x30];
	[tilespmem:s12+$0xFFFFFFD0] =	vst v1;
	v9 =	vmul.f32 v30, v47  }
0x21a: {  	v57 =	vld [tilespmem:s11+$0x70];
	v4 =	vmul.f32 v16, v50;
	v1 =	vbroadcast v23, $0x3;
	[tilespmem:s12+$0x20] =	vst v2  }
0x21b: {  	v58 =	vld [tilespmem:s11+$0xB0];
	v12 =	vmul.f32 v42, v51;
	v2 =	vbroadcast v26, $0x3;
	[tilespmem:s12+$0xFFFFFEE0] =	vst v9  }
0x21c: {  	[tilespmem:s12+$0x70] =	vst v4;
	v53 =	vld [tilespmem:s15+$0xFFFFFF30];
	v1 =	vmul.f32 v10, v1  }
0x21d: {  	[tilespmem:s12+$0xC0] =	vst v12;
	v2 =	vmul.f32 v3, v2;
	v3 =	vld [tilespmem:s15+$0xFFFFFFF0]  }
0x21e: {  	v6 =	vmul.f32 v56, v6;
	[tilespmem:s12+$0xFFFFFF40] =	vst v1;
	v1 =	vld [tilespmem:s15+$0x30]  }
0x21f: {  	v54 =	vbroadcast v37, $0x3;
	v5 =	vmul.f32 v57, v5;
	[tilespmem:s12+$0xFFFFFF90] =	vst v2;
	v2 =	vld [tilespmem:s15+$0x70]  }
0x220: {  	v59 =	vbroadcast v22, $0x3;
	[tilespmem:s10+$0x30] =	vst v6;
	v4 =	vmul.f32 v58, v8;
	v60 =	vld [tilespmem:s15+$0xB0]  }
0x221: {  	v61 =	vbroadcast v27, $0x3;
	[tilespmem:s10+$0x80] =	vst v5;
	v9 =	vmul.f32 v53, v54  }
0x222: {  	s3 =	sadd.s32 $0x1, s3;
	v62 =	vbroadcast v29, $0x3;
	[tilespmem:s10+$0xD0] =	vst v4;
	v3 =	vmul.f32 v3, v59  }
0x223: {  	p0 =	sne.s32 s3, $0x29;
	v63 =	vbroadcast v31, $0x3;
	[tilespmem:s12+$0xFFFFFEF0] =	vst v9;
	v1 =	vmul.f32 v1, v61  }
.Ltmp3:
0x224: {  	v2 =	vmul.f32 v2, v62;
	[tilespmem:s12+$0xFFFFFFE0] =	vst v3;
	(pc) =	sbr.rel @p0 .LBB2_4-.Ltmp3, $4  }
0x225: {  	v3 =	vmul.f32 v60, v63;
	[tilespmem:s12+$0x30] =	vst v1  }
0x226: {  	[tilespmem:s12+$0x80] =	vst v2  }
0x227: {  	[tilespmem:s12+$0xD0] =	vst v3  }
0x228: {  	[spmem:s2] =	stream.indirect.scatter.add.f32 [tilespmem:s1], [sflag:$0x4], $0x50, s8, s22, $0xb8;
	[tilespmem:$0x1CA00] =	vst v63  }
0x229: {  	_ =	swait.ge [sflag:s0], $0x2800  }
0x22a: {  	[sflag:s0] =	ssyncset.done $0x0  }
0x22b: {  	[sflag:s0] =	ssyncadd.s32 $0xFFFFD800  }
0x22c: {  	_ =	swait.ge [sflag:s23], $0x2800  }
0x22d: {  	[sflag:s23] =	ssyncset.done $0x0  }
0x22e: {  	[sflag:s23] =	ssyncadd.s32 $0xFFFFD800  }
0x22f: {  	s3 =	stileid.u32;
	[bflag:$0x0] =	sbarrier.arrive $0xFFFF  }
0x230: {  	s3 =	sshll.u32 s3, $0x6;
	s20 =	rddreg [dreg:$0x6]  }
0x231: {  	s25 =	sor.u32 $0x1C05, s3;
	s8 =	rddreg [dreg:$0x5];
	s3 =	sshrl.u32 s20, $0x3  }
0x232: {  	[hbm:s8], [sflag:s25] =	dma.local [spmem:s3], $0x1900  }
0x233: {  	_ =	swait.ge [sflag:s19], $0x1900  }
0x234: {  	[sflag:s19] =	ssyncset.done $0x0  }
0x235: {  	s9 =	simm.s32 $0x140;
	s8 =	simm.s32 $0x0;
	[sflag:s19] =	ssyncadd.s32 $0xFFFFE700  }
.LBB2_10:
0x236: {  	p0 =	sne.s32 s9, $0x9EC0;
	[tilespmem:s8+$0xB240] =	vst v0;
	s10 =	smov.u32 s9;
	s9 =	sadd.s32 $0x140, s9  }
.Ltmp4:
0x237: {  	[tilespmem:s8+$0xB230] =	vst v0;
	(pc) =	sbr.rel @p0 .LBB2_10-.Ltmp4, $4  }
0x238: {  	[tilespmem:s8+$0xB220] =	vst v0  }
0x239: {  	[tilespmem:s8+$0xB200] =	vst v0  }
0x23a: {  	[tilespmem:s8+$0xB210] =	vst v0  }
0x23b: {  	s8 =	sshra.s32 s10, $0x2  }
0x23c: {  	[tilespmem:s8+$0xB240] =	vst v0  }
0x23d: {  	[tilespmem:s8+$0xB230] =	vst v0  }
0x23e: {  	[tilespmem:s8+$0xB220] =	vst v0  }
0x23f: {  	[tilespmem:s8+$0xB200] =	vst v0  }
0x240: {  	[tilespmem:s8+$0xB210] =	vst v0;
	s13 =	rddreg [dreg:$0x8]  }
0x241: {  	[spmem:s13] =	stream.linear.scatter [tilespmem:s21], [sflag:$0x5], $0x2800, $0x38;
	[tilespmem:$0x1CA00] =	vst v63  }
0x242: {  	_ =	swait.ge [sflag:s19], $0x2800  }
0x243: {  	[sflag:s19] =	ssyncset.done $0x0  }
0x244: {  	s14 =	rddreg [dreg:$0xa];
	[sflag:s19] =	ssyncadd.s32 $0xFFFFD800  }
0x245: {  	[spmem:s14] =	stream.linear.scatter [tilespmem:s21], [sflag:$0x5], $0x2800, $0x38;
	[tilespmem:$0x1CA00] =	vst v63  }
0x246: {  	_ =	swait.ge [sflag:s19], $0x2800  }
0x247: {  	[sflag:s19] =	ssyncset.done $0x0  }
0x248: {  	s15 =	rddreg [dreg:$0xb];
	[sflag:s19] =	ssyncadd.s32 $0xFFFFD800  }
0x249: {  	[spmem:s15] =	stream.linear.scatter [tilespmem:s21], [sflag:$0x5], $0x2800, $0x38;
	[tilespmem:$0x1CA00] =	vst v63  }
0x24a: {  	_ =	swait.ge [sflag:s19], $0x2800  }
0x24b: {  	[sflag:s19] =	ssyncset.done $0x0  }
0x24c: {  	s16 =	rddreg [dreg:$0xc];
	[sflag:s19] =	ssyncadd.s32 $0xFFFFD800  }
0x24d: {  	[spmem:s16] =	stream.linear.scatter [tilespmem:s21], [sflag:$0x5], $0x2800, $0x38;
	[tilespmem:$0x1CA00] =	vst v63  }
0x24e: {  	_ =	swait.ge [sflag:s19], $0x2800  }
0x24f: {  	[sflag:s19] =	ssyncset.done $0x0  }
0x250: {  	s17 =	rddreg [dreg:$0xd];
	[sflag:s19] =	ssyncadd.s32 $0xFFFFD800  }
0x251: {  	[spmem:s17] =	stream.linear.scatter [tilespmem:s21], [sflag:$0x5], $0x2800, $0x38;
	[tilespmem:$0x1CA00] =	vst v63  }
0x252: {  	_ =	swait.ge [sflag:s19], $0x2800  }
0x253: {  	[sflag:s19] =	ssyncset.done $0x0  }
0x254: {  	[sflag:s19] =	ssyncadd.s32 $0xFFFFD800  }
0x255: {  	s8 =	simm.s32 $0x0;
	s9 =	simm.s32 $0x5200;
	[bflag:$0x0] =	sbarrier.arrive $0xFFFF  }
0x256: {  	[tilespmem:s9], [sflag:$0x1] =	stream.indirect.gather [hbm4b:s5+s22], $0x40, s8, s22, $0xb8;
	[tilespmem:$0x1CA00] =	vst v63  }
0x257: {  	s18 =	simm.s32 $0x9200  }
0x258: {  	[tilespmem:s18], [sflag:$0x1] =	stream.indirect.gather [hbm4b:s6+s22], $0x10, s8, s22, $0xb8;
	[tilespmem:$0x1CA00] =	vst v63  }
0x259: {  	s20 =	simm.s32 $0x2900;
	s10 =	simm.s32 $0xA200  }
0x25a: {  	[tilespmem:s10], [sflag:$0x1] =	stream.indirect.gather [hbm4b:s7+s22], $0x10, s20, s22, $0xb8;
	[tilespmem:$0x1CA00] =	vst v63  }
.LBB2_12:
0x25b: {  	s10 =	sshll.u32 s8, $0x8  }
0x25c: {  	s9 =	sor.u32 $0x80, s10  }
0x25d: {  	[tilespmem:s26], [sflag:$0x2] =	stream.indirect.gather [hbm4b:s5+s22], $0x40, s9, s22, $0xb8;
	[tilespmem:$0x1CA00] =	vst v63  }
0x25e: {  	_ = 	snop  }
0x25f: {  	[tilespmem:s28], [sflag:$0x2] =	stream.indirect.gather [hbm4b:s6+s22], $0x10, s9, s22, $0xb8;
	[tilespmem:$0x1CA00] =	vst v63  }
0x260: {  	s9 =	sadd.s32 $0x2980, s10  }
0x261: {  	[tilespmem:s29], [sflag:$0x2] =	stream.indirect.gather [hbm4b:s7+s22], $0x10, s9, s22, $0xb8;
	[tilespmem:$0x1CA00] =	vst v63  }
0x262: {  	_ =	swait.ge [sflag:s30], $0x2000  }
0x263: {  	[sflag:s30] =	ssyncset.done $0x0  }
0x264: {  	[sflag:s30] =	ssyncadd.s32 $0xFFFFE000  }
0x265: {  	_ =	swait.ge [sflag:s30], $0x800  }
0x266: {  	[sflag:s30] =	ssyncset.done $0x0  }
0x267: {  	[sflag:s30] =	ssyncadd.s32 $0xFFFFF800  }
0x268: {  	_ =	swait.ge [sflag:s30], $0x800  }
0x269: {  	p0 =	seq.s32 s8, $0x0;
	[sflag:s30] =	ssyncset.done $0x0  }
0x26a: {  	s11 =	simm.s32 @!p0 $0x3;
	[sflag:s30] =	ssyncadd.s32 $0xFFFFF800  }
0x26b: {  	_ =	swait.ge @!p0 [sflag:s11], $0x2800  }
0x26c: {  	[sflag:s11] =	ssyncset.done @!p0 $0x0  }
0x26d: {  	s17 =	simm.s32 $0x9240;
	[sflag:s11] =	ssyncadd.s32 @!p0 $0xFFFFD800  }
0x26e: {  	s12 =	simm.s32 $0xA240;
	v1 =	vld [tilespmem:s17+$0x30]  }
0x26f: {  	v2 =	vld [tilespmem:s12+$0x30];
	_ =	sdelay $0x1  }
0x270: {  	v3 =	vld [tilespmem:s12+$0xFFFFFFC0]  }
0x271: {  	v4 =	vld [tilespmem:s17+$0xFFFFFFD0]  }
0x272: {  	v5 =	vld [tilespmem:s12+$0xFFFFFFD0]  }
0x273: {  	v6 =	vld [tilespmem:s17+$0xFFFFFFE0];
	v1 =	vadd.f32 v2, v1  }
0x274: {  	v7 =	vld [tilespmem:s12+$0xFFFFFFE0]  }
0x275: {  	v8 =	vld [tilespmem:s12+$0xFFFFFFF0];
	v9 =	vmul.f32 $2.000000030e-01, v1  }
0x276: {  	v10 =	vld [tilespmem:s17+$0x0]  }
0x277: {  	v2 =	vld [tilespmem:s17+$0xFFFFFFF0];
	v1 =	vmax.f32 v1, v9  }
0x278: {  	v11 =	vld [tilespmem:s12+$0x0];
	v1 =	vmul.f32 $1.442695020e+00, v1  }
0x279: {  	v12 =	vld [tilespmem:s17+$0x20];
	v4 =	vadd.f32 v5, v4  }
0x27a: {  	v5 =	vld [tilespmem:s17+$0x10];
	v6 =	vadd.f32 v7, v6;
	(erf) = vpow2.f32 v1  }
0x27b: {  	v7 =	vld [tilespmem:s12+$0x10];
	v9 =	vmul.f32 $2.000000030e-01, v4  }
0x27c: {  	v2 =	vadd.f32 v8, v2;
	v8 =	vld [tilespmem:s12+$0x20];
	v1 =	vmul.f32 $2.000000030e-01, v6  }
0x27d: {  	v4 =	vmax.f32 v4, v9;
	v9 =	vld [tilespmem:s17+$0xFFFFFFC0]  }
0x27e: {  	v4 =	vmul.f32 $1.442695020e+00, v4;
	v1 =	vmax.f32 v6, v1  }
0x27f: {  	v10 =	vadd.f32 v11, v10;
	v6 =	vmul.f32 $2.000000030e-01, v2;
	v1 =	vmul.f32 $1.442695020e+00, v1  }
0x280: {  	v5 =	vadd.f32 v7, v5;
	(erf) = vpow2.f32 v4  }
0x281: {  	v4 =	vadd.f32 v8, v12;
	v2 =	vmax.f32 v2, v6;
	v6 =	vmul.f32 $2.000000030e-01, v10  }
0x282: {  	v7 =	vmul.f32 $2.000000030e-01, v5;
	v3 =	vadd.f32 v3, v9;
	v2 =	vmul.f32 $1.442695020e+00, v2  }
0x283: {  	s16 =	simm.s32 $0x5300;
	s11 =	simm.s32 $0xB340;
	v8 =	vmul.f32 $2.000000030e-01, v4;
	(erf) = vpow2.f32 v1;
	v6 =	vmax.f32 v10, v6;
	v1 =	vpop (erf)  }
0x284: {  	v5 =	vmax.f32 v5, v7;
	v7 =	vmul.f32 $2.000000030e-01, v3;
	v6 =	vmul.f32 $1.442695020e+00, v6;
	[tilespmem:s11+$0x130] =	vst v1  }
0x285: {  	s13 =	simm.s32 $0xA2C0;
	v4 =	vmax.f32 v4, v8;
	(erf) = vpow2.f32 v2;
	v2 =	vmul.f32 $1.442695020e+00, v5;
	v5 =	vld [tilespmem:s16+$0xC0]  }
0x286: {  	s18 =	simm.s32 $0x92C0;
	v22 =	vld [tilespmem:s13+$0xFFFFFFC0];
	v3 =	vmax.f32 v3, v7;
	v4 =	vmul.f32 $1.442695020e+00, v4;
	(erf) = vpow2.f32 v6  }
0x287: {  	v25 =	vld [tilespmem:s18+$0xFFFFFFD0];
	(erf) = vpow2.f32 v2;
	v2 =	vmul.f32 $1.442695020e+00, v3  }
0x288: {  	v27 =	vld [tilespmem:s13+$0xFFFFFFD0];
	v3 =	vbroadcast v1, $0x4;
	(erf) = vpow2.f32 v4  }
0x289: {  	v30 =	vld [tilespmem:s18+$0xFFFFFFE0];
	(erf) = vpow2.f32 v2  }
0x28a: {  	v33 =	vld [tilespmem:s13+$0xFFFFFFE0];
	v2 =	vmul.f32 v3, v5  }
0x28b: {  	v36 =	vld [tilespmem:s18+$0xFFFFFFF0];
	v4 =	vpop (erf)  }
0x28c: {  	v38 =	vld [tilespmem:s13+$0xFFFFFFF0];
	[tilespmem:s11+$0xFFFFFF50] =	vst v4;
	v3 =	vpop (erf)  }
0x28d: {  	v5 =	vld [tilespmem:s16+$0xFFFFFF40];
	[tilespmem:s11+$0xFFFFFFA0] =	vst v3  }
0x28e: {  	v11 =	vbroadcast v4, $0x4;
	[tilespmem:s11+$0xF0] =	vst v2;
	v7 =	vld [tilespmem:s16+$0xFFFFFF80];
	v2 =	vpop (erf)  }
0x28f: {  	v6 =	vld [tilespmem:s16+$0xD0];
	[tilespmem:s11+$0xFFFFFFF0] =	vst v2;
	v9 =	vpop (erf)  }
0x290: {  	v12 =	vld [tilespmem:s16+$0xFFFFFFC0];
	[tilespmem:s11+$0x40] =	vst v9;
	v10 =	vpop (erf)  }
0x291: {  	v14 =	vbroadcast v1, $0x5;
	v13 =	vld [tilespmem:s16+$0x0];
	[tilespmem:s11+$0x90] =	vst v10;
	v8 =	vpop (erf)  }
0x292: {  	v15 =	vbroadcast v3, $0x4;
	v5 =	vmul.f32 v11, v5;
	v16 =	vld [tilespmem:s16+$0x40];
	[tilespmem:s11+$0xE0] =	vst v8;
	v11 =	vpop (erf)  }
0x293: {  	v17 =	vbroadcast v2, $0x4;
	[tilespmem:s11+$0xFFFFFF00] =	vst v11;
	v18 =	vld [tilespmem:s16+$0x80]  }
0x294: {  	v7 =	vmul.f32 v15, v7;
	v6 =	vmul.f32 v14, v6;
	v15 =	vld [tilespmem:s16+$0xFFFFFF00]  }
0x295: {  	v50 =	vld [tilespmem:s13+$0x20];
	[tilespmem:s11+$0xFFFFFF10] =	vst v5;
	v5 =	vbroadcast v10, $0x4;
	v14 =	vbroadcast v9, $0x4  }
0x296: {  	[tilespmem:s11+$0x100] =	vst v6;
	v6 =	vbroadcast v8, $0x4;
	v12 =	vmul.f32 v17, v12;
	v17 =	vld [tilespmem:s16+$0xFFFFFF50]  }
0x297: {  	v25 =	vadd.f32 v27, v25;
	[tilespmem:s11+$0xFFFFFF60] =	vst v7;
	v7 =	vbroadcast v11, $0x4;
	v13 =	vmul.f32 v14, v13;
	v14 =	vld [tilespmem:s16+$0xE0]  }
0x298: {  	v27 =	vadd.f32 v33, v30;
	v5 =	vmul.f32 v5, v16;
	v16 =	vld [tilespmem:s16+$0xFFFFFF90];
	[tilespmem:s11+$0xFFFFFFB0] =	vst v12;
	v6 =	vmul.f32 v6, v18  }
0x299: {  	v48 =	vmul.f32 $2.000000030e-01, v25;
	v12 =	vld [tilespmem:s16+$0xFFFFFFD0];
	[tilespmem:s11+$0x0] =	vst v13;
	v7 =	vmul.f32 v7, v15  }
0x29a: {  	v49 =	vmul.f32 $2.000000030e-01, v27;
	v37 =	vbroadcast v1, $0x6;
	[tilespmem:s11+$0xA0] =	vst v6;
	v6 =	vld [tilespmem:s18+$0x30]  }
0x29b: {  	v20 =	vbroadcast v4, $0x5;
	v21 =	vbroadcast v4, $0x6;
	[tilespmem:s11+$0xFFFFFEC0] =	vst v7;
	v7 =	vld [tilespmem:s13+$0x30]  }
0x29c: {  	v23 =	vbroadcast v3, $0x5;
	v26 =	vbroadcast v3, $0x6;
	v13 =	vld [tilespmem:s16+$0x10];
	[tilespmem:s11+$0x50] =	vst v5  }
0x29d: {  	v24 =	vbroadcast v2, $0x5;
	v28 =	vbroadcast v9, $0x5;
	v15 =	vld [tilespmem:s16+$0x50]  }
0x29e: {  	v29 =	vbroadcast v10, $0x5;
	v17 =	vmul.f32 v20, v17;
	v20 =	vld [tilespmem:s18+$0x0]  }
0x29f: {  	v32 =	vbroadcast v8, $0x5;
	v31 =	vbroadcast v11, $0x5;
	v18 =	vld [tilespmem:s16+$0x90]  }
0x2a0: {  	v35 =	vbroadcast v11, $0x6;
	v16 =	vmul.f32 v23, v16;
	v23 =	vld [tilespmem:s13+$0x0];
	v34 =	vadd.f32 v7, v6  }
0x2a1: {  	v5 =	vbroadcast v2, $0x6;
	v14 =	vmul.f32 v37, v14;
	v19 =	vld [tilespmem:s16+$0xFFFFFF10]  }
0x2a2: {  	v12 =	vmul.f32 v24, v12;
	v24 =	vld [tilespmem:s18+$0x10];
	v39 =	vmul.f32 $2.000000030e-01, v34  }
0x2a3: {  	v13 =	vmul.f32 v28, v13;
	v28 =	vld [tilespmem:s13+$0x10];
	v15 =	vmul.f32 v29, v15;
	v29 =	vadd.f32 v38, v36  }
0x2a4: {  	v51 =	vld [tilespmem:s18+$0xFFFFFFC0];
	[tilespmem:s11+$0xFFFFFF20] =	vst v17;
	v6 =	vbroadcast v9, $0x6;
	v18 =	vmul.f32 v32, v18;
	v34 =	vmax.f32 v34, v39  }
0x2a5: {  	v30 =	vld [tilespmem:s18+$0x20];
	[tilespmem:s11+$0x110] =	vst v14;
	v52 =	vmul.f32 $2.000000030e-01, v29;
	v20 =	vadd.f32 v23, v20;
	v34 =	vmul.f32 $1.442695020e+00, v34  }
0x2a6: {  	v14 =	vld [tilespmem:s16+$0xFFFFFF60];
	v19 =	vmul.f32 v31, v19;
	v23 =	vmax.f32 v25, v48;
	[tilespmem:s11+$0x60] =	vst v15;
	v15 =	vbroadcast v4, $0x7  }
0x2a7: {  	v25 =	vmax.f32 v27, v49;
	v23 =	vmul.f32 $1.442695020e+00, v23;
	(erf) = vpow2.f32 v34  }
0x2a8: {  	v27 =	vmax.f32 v29, v52;
	v29 =	vmul.f32 $2.000000030e-01, v20;
	[tilespmem:s11+$0xFFFFFED0] =	vst v19;
	v24 =	vadd.f32 v28, v24  }
0x2a9: {  	v19 =	vmul.f32 $1.442695020e+00, v25;
	v25 =	vmul.f32 $1.442695020e+00, v27;
	v27 =	vld [tilespmem:s16+$0xFFFFFF20]  }
0x2aa: {  	v22 =	vadd.f32 v22, v51;
	v17 =	vmul.f32 $2.000000030e-01, v24;
	(erf) = vpow2.f32 v23  }
0x2ab: {  	s20 =	simm.s32 $0x9340;
	v14 =	vmul.f32 v21, v14;
	v20 =	vmax.f32 v20, v29;
	v23 =	vadd.f32 v50, v30  }
0x2ac: {  	[tilespmem:s11+$0xFFFFFF70] =	vst v16;
	v49 =	vld [tilespmem:s20+$0x30];
	v20 =	vmul.f32 $1.442695020e+00, v20;
	v16 =	vmax.f32 v24, v17;
	v24 =	vmul.f32 $2.000000030e-01, v22  }
0x2ad: {  	[tilespmem:s11+$0xFFFFFFC0] =	vst v12;
	v21 =	vld [tilespmem:s16+$0x60];
	(erf) = vpow2.f32 v19;
	v19 =	vmul.f32 $2.000000030e-01, v23  }
0x2ae: {  	s15 =	simm.s32 $0xA340;
	[tilespmem:s11+$0x10] =	vst v13;
	v28 =	vld [tilespmem:s16+$0xF0];
	v16 =	vmul.f32 $1.442695020e+00, v16;
	v12 =	vmul.f32 v35, v27  }
0x2af: {  	[tilespmem:s11+$0xB0] =	vst v18;
	v52 =	vld [tilespmem:s15+$0x30];
	v27 =	vbroadcast v8, $0x6;
	(erf) = vpow2.f32 v25;
	v19 =	vmax.f32 v23, v19  }
0x2b0: {  	s12 =	simm.s32 $0xB5C0;
	v25 =	vld [tilespmem:s16+$0xFFFFFFA0];
	(erf) = vpow2.f32 v20;
	v20 =	vmax.f32 v22, v24;
	[tilespmem:s11+$0xFFFFFEE0] =	vst v12;
	v19 =	vmul.f32 $1.442695020e+00, v19;
	v17 =	vpop (erf)  }
0x2b1: {  	s14 =	simm.s32 $0x5500;
	(erf) = vpow2.f32 v16;
	v13 =	vmul.f32 $1.442695020e+00, v20;
	v18 =	vld [tilespmem:s16+$0xFFFFFF30];
	[tilespmem:s12+$0x130] =	vst v17  }
0x2b2: {  	v16 =	vbroadcast v11, $0x7;
	(erf) = vpow2.f32 v19;
	v22 =	vld [tilespmem:s14+$0xC0]  }
0x2b3: {  	v24 =	vld [tilespmem:s16+$0x20];
	v19 =	vbroadcast v17, $0x4;
	(erf) = vpow2.f32 v13;
	v12 =	vpop (erf)  }
0x2b4: {  	v23 =	vld [tilespmem:s16+$0xFFFFFFE0];
	v13 =	vbroadcast v3, $0x7;
	v3 =	vbroadcast v1, $0x7;
	[tilespmem:s12+$0xFFFFFF50] =	vst v12  }
0x2b5: {  	v1 =	vbroadcast v2, $0x7;
	v2 =	vbroadcast v9, $0x7;
	v9 =	vld [tilespmem:s14+$0xFFFFFF40]  }
0x2b6: {  	v11 =	vld [tilespmem:s16+$0xA0];
	v16 =	vmul.f32 v18, v16;
	v28 =	vmul.f32 v28, v3  }
0x2b7: {  	[tilespmem:s11+$0xFFFFFF30] =	vst v14;
	v18 =	vld [tilespmem:s20+$0xFFFFFFC0];
	v3 =	vbroadcast v8, $0x7;
	v4 =	vmul.f32 v19, v22;
	v22 =	vpop (erf)  }
0x2b8: {  	v8 =	vmul.f32 v26, v25;
	v26 =	vbroadcast v12, $0x4;
	v19 =	vld [tilespmem:s16+$0xFFFFFF70];
	[tilespmem:s12+$0xFFFFFFA0] =	vst v22  }
0x2b9: {  	v7 =	vbroadcast v10, $0x6;
	v24 =	vmul.f32 v6, v24;
	v29 =	vpop (erf);
	[tilespmem:s12+$0xF0] =	vst v4;
	v20 =	vld [tilespmem:s14+$0xFFFFFF80]  }
0x2ba: {  	v9 =	vmul.f32 v26, v9;
	v4 =	vbroadcast v10, $0x7;
	[tilespmem:s12+$0xFFFFFFF0] =	vst v29;
	v25 =	vpop (erf);
	v10 =	vld [tilespmem:s14+$0xD0]  }
0x2bb: {  	v31 =	vld [tilespmem:s14+$0xFFFFFFC0];
	v58 =	vbroadcast v25, $0x4;
	v44 =	vbroadcast v25, $0x5  }
0x2bc: {  	[tilespmem:s12+$0x40] =	vst v25;
	v36 =	vbroadcast v25, $0x6;
	v6 =	vbroadcast v25, $0x7;
	v25 =	vld [tilespmem:s15+$0x0]  }
0x2bd: {  	v32 =	vpop (erf);
	[tilespmem:s12+$0xFFFFFF10] =	vst v9;
	v53 =	vld [tilespmem:s14+$0x0]  }
0x2be: {  	v21 =	vmul.f32 v7, v21;
	[tilespmem:s12+$0x90] =	vst v32;
	v37 =	vpop (erf);
	v40 =	vld [tilespmem:s14+$0xFFFFFF50]  }
0x2bf: {  	v54 =	vbroadcast v17, $0x5;
	v23 =	vmul.f32 v5, v23;
	v26 =	vld [tilespmem:s14+$0x40];
	[tilespmem:s12+$0xE0] =	vst v37;
	v38 =	vpop (erf)  }
0x2c0: {  	v27 =	vmul.f32 v27, v11;
	v55 =	vbroadcast v22, $0x4;
	[tilespmem:s12+$0xFFFFFF00] =	vst v38;
	v57 =	vld [tilespmem:s14+$0x80]  }
0x2c1: {  	v30 =	vbroadcast v12, $0x5;
	v14 =	vbroadcast v12, $0x6;
	v59 =	vld [tilespmem:s14+$0xFFFFFF00]  }
0x2c2: {  	v56 =	vbroadcast v29, $0x4;
	v20 =	vmul.f32 v55, v20;
	v55 =	vld [tilespmem:s15+$0xFFFFFFE0]  }
0x2c3: {  	v11 =	vbroadcast v12, $0x7;
	v10 =	vmul.f32 v54, v10;
	v54 =	vld [tilespmem:s20+$0xFFFFFFE0]  }
0x2c4: {  	v12 =	vbroadcast v22, $0x7;
	v31 =	vmul.f32 v56, v31;
	v56 =	vld [tilespmem:s20+$0xFFFFFFF0]  }
0x2c5: {  	v9 =	vbroadcast v32, $0x4;
	v30 =	vmul.f32 v30, v40;
	v40 =	vld [tilespmem:s15+$0xFFFFFFC0]  }
0x2c6: {  	v42 =	vbroadcast v29, $0x5;
	v33 =	vmul.f32 v58, v53;
	[tilespmem:s12+$0xFFFFFF60] =	vst v20;
	v53 =	vld [tilespmem:s15+$0xFFFFFFD0]  }
0x2c7: {  	v34 =	vbroadcast v29, $0x6;
	[tilespmem:s12+$0x100] =	vst v10;
	v9 =	vmul.f32 v9, v26;
	v26 =	vld [tilespmem:s14+$0xFFFFFF90]  }
0x2c8: {  	v7 =	vbroadcast v29, $0x7;
	v45 =	vbroadcast v32, $0x5;
	[tilespmem:s12+$0xFFFFFFB0] =	vst v31;
	v60 =	vld [tilespmem:s14+$0xE0]  }
0x2c9: {  	v35 =	vbroadcast v32, $0x6;
	v10 =	vbroadcast v37, $0x4;
	v41 =	vld [tilespmem:s14+$0xFFFFFFD0];
	[tilespmem:s12+$0x0] =	vst v33  }
0x2ca: {  	v5 =	vbroadcast v32, $0x7;
	v20 =	vbroadcast v38, $0x4;
	v62 =	vld [tilespmem:s14+$0x10]  }
0x2cb: {  	v48 =	vbroadcast v37, $0x5;
	v10 =	vmul.f32 v10, v57;
	v57 =	vld [tilespmem:s15+$0xFFFFFFF0]  }
0x2cc: {  	v15 =	vmul.f32 v19, v15;
	v61 =	vmul.f32 v20, v59;
	[tilespmem:s12+$0x50] =	vst v9;
	v59 =	vld [tilespmem:s20+$0x0]  }
0x2cd: {  	v47 =	vbroadcast v38, $0x5;
	v50 =	vbroadcast v38, $0x6;
	v43 =	vld [tilespmem:s14+$0x50];
	[tilespmem:s12+$0xA0] =	vst v10  }
0x2ce: {  	v31 =	vbroadcast v22, $0x5;
	v20 =	vbroadcast v22, $0x6;
	v22 =	vadd.f32 v52, v49;
	[tilespmem:s12+$0xFFFFFEC0] =	vst v61;
	v61 =	vld [tilespmem:s20+$0x20]  }
0x2cf: {  	[tilespmem:s11+$0xFFFFFFD0] =	vst v23;
	v9 =	vbroadcast v17, $0x6;
	v17 =	vbroadcast v17, $0x7;
	v63 =	vld [tilespmem:s14+$0x90]  }
0x2d0: {  	[tilespmem:s11+$0xFFFFFF80] =	vst v8;
	v29 =	vadd.f32 v55, v54;
	v58 =	vmul.f32 $2.000000030e-01, v22;
	v26 =	vmul.f32 v31, v26;
	v31 =	vld [tilespmem:s20+$0xFFFFFFD0]  }
0x2d1: {  	[tilespmem:s12+$0xFFFFFF20] =	vst v30;
	v10 =	vbroadcast v38, $0x7;
	v46 =	vld [tilespmem:s14+$0xFFFFFF10];
	v9 =	vmul.f32 v9, v60  }
0x2d2: {  	v38 =	vmul.f32 $2.000000030e-01, v29;
	v41 =	vmul.f32 v42, v41;
	v8 =	vmax.f32 v22, v58;
	v22 =	vld [tilespmem:s20+$0x10];
	[tilespmem:s12+$0xFFFFFF70] =	vst v26  }
0x2d3: {  	v39 =	vmul.f32 v44, v62;
	v30 =	vmul.f32 $1.442695020e+00, v8;
	[tilespmem:s12+$0x110] =	vst v9;
	v23 =	vld [tilespmem:s14+$0xFFFFFFA0]  }
0x2d4: {  	v8 =	vbroadcast v37, $0x7;
	v60 =	vadd.f32 v57, v56;
	v25 =	vadd.f32 v25, v59;
	[tilespmem:s12+$0xFFFFFFC0] =	vst v41;
	v51 =	vld [tilespmem:s14+$0xF0]  }
0x2d5: {  	[tilespmem:s11+$0x120] =	vst v28;
	v9 =	vbroadcast v37, $0x6;
	v43 =	vmul.f32 v45, v43;
	v44 =	vld [tilespmem:s14+$0xFFFFFFE0];
	v28 =	vadd.f32 v53, v31  }
0x2d6: {  	(erf) = vpow2.f32 v30;
	v62 =	vmul.f32 $2.000000030e-01, v60;
	v31 =	vld [tilespmem:s15+$0x10]  }
0x2d7: {  	[tilespmem:s11+$0xC0] =	vst v27;
	v30 =	vld [tilespmem:s15+$0x20];
	v55 =	vmul.f32 $2.000000030e-01, v25;
	v26 =	vmul.f32 $2.000000030e-01, v28  }
0x2d8: {  	[tilespmem:s11+$0xFFFFFF40] =	vst v15;
	v56 =	vadd.f32 v40, v18;
	v33 =	vmul.f32 v48, v63;
	v46 =	vmul.f32 v47, v46;
	v63 =	vld [tilespmem:s16+$0xFFFFFFB0]  }
0x2d9: {  	[tilespmem:s12+$0x10] =	vst v39;
	v15 =	vmul.f32 v20, v23;
	v17 =	vmul.f32 v51, v17;
	v19 =	vmax.f32 v28, v26  }
0x2da: {  	[tilespmem:s12+$0x60] =	vst v43;
	v26 =	vmax.f32 v29, v38;
	v29 =	vmax.f32 v60, v62;
	v19 =	vmul.f32 $1.442695020e+00, v19  }
0x2db: {  	v49 =	vld [tilespmem:s14+$0x20];
	[tilespmem:s12+$0xFFFFFED0] =	vst v46;
	v44 =	vmul.f32 v34, v44;
	v26 =	vmul.f32 $1.442695020e+00, v26;
	v22 =	vadd.f32 v31, v22  }
0x2dc: {  	v52 =	vld [tilespmem:s14+$0x60];
	[tilespmem:s12+$0xB0] =	vst v33;
	v30 =	vadd.f32 v30, v61;
	v29 =	vmul.f32 $1.442695020e+00, v29;
	(erf) = vpow2.f32 v19  }
0x2dd: {  	v33 =	vld [tilespmem:s16+$0xB0];
	v57 =	vmul.f32 v63, v13;
	[tilespmem:s12+$0x120] =	vst v17;
	v19 =	vmax.f32 v25, v55;
	v17 =	vmul.f32 $2.000000030e-01, v22  }
0x2de: {  	[tilespmem:s11+$0x70] =	vst v21;
	v28 =	vld [tilespmem:s14+$0xFFFFFF20];
	v18 =	vmul.f32 $1.442695020e+00, v19;
	v19 =	vmul.f32 $2.000000030e-01, v30  }
0x2df: {  	[tilespmem:s11+$0xFFFFFEF0] =	vst v16;
	s20 =	simm.s32 $0xB840;
	v20 =	vld [tilespmem:s16+$0x70];
	(erf) = vpow2.f32 v26;
	v21 =	vpop (erf);
	v17 =	vmax.f32 v22, v17;
	v22 =	vmul.f32 $2.000000030e-01, v56  }
0x2e0: {  	s17 =	simm.s32 $0x5700;
	v31 =	vld [tilespmem:s14+$0xFFFFFF60];
	(erf) = vpow2.f32 v29;
	[tilespmem:s20+$0x130] =	vst v21;
	v13 =	vmul.f32 $1.442695020e+00, v17;
	v17 =	vmax.f32 v30, v19  }
0x2e1: {  	[tilespmem:s12+$0xFFFFFF80] =	vst v15;
	(erf) = vpow2.f32 v18;
	v16 =	vmax.f32 v56, v22;
	v17 =	vmul.f32 $1.442695020e+00, v17;
	v22 =	vld [tilespmem:s17+$0xC0]  }
0x2e2: {  	v32 =	vld [tilespmem:s14+$0xFFFFFFB0];
	(erf) = vpow2.f32 v13;
	v13 =	vmul.f32 $1.442695020e+00, v16  }
0x2e3: {  	[tilespmem:s11+$0x20] =	vst v24;
	v25 =	vld [tilespmem:s14+$0xA0];
	v19 =	vmul.f32 v50, v28;
	(erf) = vpow2.f32 v17  }
0x2e4: {  	[tilespmem:s11+$0xFFFFFF90] =	vst v57;
	v18 =	vld [tilespmem:s16+$0xFFFFFFF0];
	v16 =	vbroadcast v21, $0x4;
	(erf) = vpow2.f32 v13  }
0x2e5: {  	v36 =	vmul.f32 v36, v49;
	v14 =	vmul.f32 v14, v31;
	[tilespmem:s12+$0xFFFFFEE0] =	vst v19;
	v19 =	vld [tilespmem:s16+$0x30];
	v23 =	vpop (erf)  }
0x2e6: {  	v34 =	vmul.f32 v35, v52;
	v24 =	vld [tilespmem:s14+$0xFFFFFF30];
	v13 =	vmul.f32 v16, v22;
	[tilespmem:s20+$0xFFFFFF50] =	vst v23  }
0x2e7: {  	v60 =	vbroadcast v21, $0x5;
	[tilespmem:s12+$0xFFFFFF30] =	vst v14;
	v17 =	vbroadcast v23, $0x4;
	v30 =	vld [tilespmem:s17+$0xFFFFFF40]  }
0x2e8: {  	v28 =	vld [tilespmem:s14+$0xFFFFFF70];
	v45 =	vbroadcast v23, $0x5;
	v14 =	vbroadcast v23, $0x6;
	v26 =	vpop (erf);
	[tilespmem:s20+$0xF0] =	vst v13  }
0x2e9: {  	[tilespmem:s20+$0xFFFFFFA0] =	vst v26;
	v16 =	vbroadcast v26, $0x4;
	v51 =	vbroadcast v26, $0x5;
	v22 =	vpop (erf);
	v59 =	vld [tilespmem:s17+$0xD0]  }
0x2ea: {  	v15 =	vbroadcast v26, $0x6;
	v58 =	vld [tilespmem:s17+$0xFFFFFF80];
	v42 =	vbroadcast v22, $0x4;
	[tilespmem:s20+$0xFFFFFFF0] =	vst v22;
	v27 =	vpop (erf)  }
0x2eb: {  	v38 =	vbroadcast v22, $0x5;
	v13 =	vbroadcast v22, $0x6;
	v43 =	vld [tilespmem:s17+$0xFFFFFFC0];
	[tilespmem:s20+$0x40] =	vst v27;
	v29 =	vpop (erf)  }
0x2ec: {  	v61 =	vbroadcast v27, $0x4;
	[tilespmem:s20+$0x90] =	vst v29;
	v31 =	vpop (erf);
	v17 =	vmul.f32 v17, v30;
	v30 =	vld [tilespmem:s17+$0x0]  }
0x2ed: {  	v39 =	vbroadcast v27, $0x5;
	v62 =	vbroadcast v29, $0x4;
	v63 =	vld [tilespmem:s17+$0x40];
	[tilespmem:s20+$0xE0] =	vst v31;
	v37 =	vpop (erf)  }
0x2ee: {  	v40 =	vbroadcast v29, $0x5;
	[tilespmem:s20+$0xFFFFFF00] =	vst v37;
	v55 =	vld [tilespmem:s17+$0x80];
	v50 =	vmul.f32 v60, v59  }
0x2ef: {  	v53 =	vbroadcast v31, $0x4;
	v16 =	vmul.f32 v16, v58;
	v56 =	vld [tilespmem:s17+$0xFFFFFF00];
	[tilespmem:s20+$0xFFFFFF10] =	vst v17  }
0x2f0: {  	v54 =	vbroadcast v37, $0x4;
	v17 =	vmul.f32 v42, v43;
	v57 =	vld [tilespmem:s17+$0xFFFFFF50];
	[tilespmem:s20+$0x100] =	vst v50  }
0x2f1: {  	v41 =	vbroadcast v37, $0x5;
	[tilespmem:s20+$0xFFFFFF60] =	vst v16;
	v50 =	vld [tilespmem:s17+$0xE0];
	v61 =	vmul.f32 v61, v30  }
0x2f2: {  	v43 =	vbroadcast v31, $0x5;
	v58 =	vld [tilespmem:s17+$0xFFFFFF90];
	[tilespmem:s20+$0xFFFFFFB0] =	vst v17;
	v48 =	vmul.f32 v62, v63  }
0x2f3: {  	v42 =	vbroadcast v31, $0x6;
	v46 =	vld [tilespmem:s17+$0xFFFFFFD0];
	v53 =	vmul.f32 v53, v55;
	[tilespmem:s20+$0x0] =	vst v61  }
0x2f4: {  	v62 =	vbroadcast v21, $0x6;
	v54 =	vmul.f32 v54, v56;
	[tilespmem:s20+$0x50] =	vst v48;
	v47 =	vld [tilespmem:s17+$0x10]  }
0x2f5: {  	v16 =	vbroadcast v29, $0x6;
	v63 =	vmul.f32 v45, v57;
	v45 =	vld [tilespmem:s17+$0x50];
	[tilespmem:s20+$0xA0] =	vst v53  }
0x2f6: {  	v17 =	vbroadcast v27, $0x6;
	[tilespmem:s20+$0xFFFFFEC0] =	vst v54;
	v48 =	vld [tilespmem:s17+$0x90];
	v50 =	vmul.f32 v62, v50  }
0x2f7: {  	s18 =	simm.s32 $0x10;
	s13 =	simm.s32 $0x93C0;
	s16 =	simm.s32 $0x5700;
	v30 =	vbroadcast v37, $0x6;
	v51 =	vmul.f32 v51, v58;
	v49 =	vld [tilespmem:s17+$0xFFFFFF10];
	[tilespmem:s20+$0xFFFFFF20] =	vst v63  }
.LBB2_13:
0x2f8: {  	v35 =	vld [tilespmem:s13+$0x30];
	v38 =	vmul.f32 v38, v46;
	[tilespmem:s20+$0x110] =	vst v50;
	v25 =	vmul.f32 v9, v25;
	v9 =	vmov v42  }
0x2f9: {  	v37 =	vbroadcast v37, $0x7;
	s15 =	sadd.s32 $0x80, s15;
	[tilespmem:s20+$0xFFFFFF70] =	vst v51;
	v39 =	vmul.f32 v39, v47;
	v42 =	vld [tilespmem:s17+$0xF0]  }
0x2fa: {  	s18 =	sadd.s32 $0x8, s18;
	v23 =	vbroadcast v23, $0x7;
	v46 =	vld [tilespmem:s15+$0x30];
	[tilespmem:s20+$0xFFFFFFC0] =	vst v38;
	v38 =	vmul.f32 v40, v45  }
0x2fb: {  	v26 =	vbroadcast v26, $0x7;
	p1 =	slt.u32 s18, $0x78;
	v40 =	vld [tilespmem:s15+$0xFFFFFFC0];
	[tilespmem:s20+$0x10] =	vst v39;
	v39 =	vmul.f32 v43, v48  }
0x2fc: {  	v21 =	vbroadcast v21, $0x7;
	v43 =	vld [tilespmem:s13+$0xFFFFFFD0];
	v41 =	vmul.f32 v41, v49;
	[tilespmem:s20+$0x60] =	vst v38  }
0x2fd: {  	v22 =	vbroadcast v22, $0x7;
	v27 =	vbroadcast v27, $0x7;
	v38 =	vld [tilespmem:s15+$0xFFFFFFD0];
	[tilespmem:s20+$0xB0] =	vst v39  }
0x2fe: {  	v29 =	vbroadcast v29, $0x7;
	v39 =	vld [tilespmem:s13+$0xFFFFFFE0];
	[tilespmem:s20+$0xFFFFFED0] =	vst v41;
	v21 =	vmul.f32 v42, v21  }
0x2ff: {  	v31 =	vbroadcast v31, $0x7;
	v24 =	vmul.f32 v24, v10;
	v10 =	vmovc v37;
	v41 =	vld [tilespmem:s15+$0xFFFFFFE0];
	v35 =	vadd.f32 v46, v35;
	[tilespmem:s12+$0xFFFFFFD0] =	vst v44  }
0x300: {  	v37 =	vld [tilespmem:s13+$0xFFFFFFF0];
	[tilespmem:s20+$0x120] =	vst v21;
	v21 =	vmul.f32 v28, v11;
	v28 =	vmul.f32 v32, v12;
	v11 =	vmovc v23;
	v12 =	vmov v26  }
0x301: {  	v18 =	vmul.f32 v18, v1;
	v1 =	vmovc v7;
	v7 =	vmov v22;
	v23 =	vld [tilespmem:s15+$0xFFFFFFF0];
	v26 =	vmul.f32 $2.000000030e-01, v35;
	[tilespmem:s12+$0x20] =	vst v36  }
0x302: {  	v19 =	vmul.f32 v19, v2;
	v20 =	vmul.f32 v20, v4;
	v22 =	vadd.f32 v38, v43;
	v32 =	vld [tilespmem:s13+$0x0];
	[tilespmem:s12+$0x70] =	vst v34  }
0x303: {  	v2 =	vmovc v6;
	v6 =	vmov v27;
	v34 =	vld [tilespmem:s15+$0x0];
	v36 =	vmax.f32 v35, v26;
	[tilespmem:s12+$0xC0] =	vst v25;
	v25 =	vmul.f32 v33, v3  }
0x304: {  	v4 =	vmovc v5;
	v5 =	vmovc v29;
	v26 =	vmul.f32 $2.000000030e-01, v22;
	v27 =	vadd.f32 v41, v39;
	v33 =	vld [tilespmem:s13+$0x10];
	v35 =	vmul.f32 $1.442695020e+00, v36;
	[tilespmem:s12+$0xFFFFFEF0] =	vst v24  }
0x305: {  	v3 =	vmov v8;
	v8 =	vmov v31;
	v24 =	vld [tilespmem:s15+$0x10];
	[tilespmem:s12+$0xFFFFFF40] =	vst v21  }
0x306: {  	v21 =	vmul.f32 $2.000000030e-01, v27;
	v23 =	vadd.f32 v23, v37;
	v29 =	vld [tilespmem:s13+$0x20];
	(erf) = vpow2.f32 v35;
	[tilespmem:s12+$0xFFFFFF90] =	vst v28  }
0x307: {  	v22 =	vmax.f32 v22, v26;
	v26 =	vld [tilespmem:s15+$0x20];
	[tilespmem:s11+$0xFFFFFFE0] =	vst v18  }
0x308: {  	v18 =	vld [tilespmem:s13+$0xFFFFFFC0];
	v21 =	vmax.f32 v27, v21;
	v27 =	vmul.f32 $2.000000030e-01, v23;
	v28 =	vadd.f32 v34, v32;
	[tilespmem:s11+$0x30] =	vst v19  }
0x309: {  	v19 =	vmul.f32 $1.442695020e+00, v22;
	v21 =	vmul.f32 $1.442695020e+00, v21;
	v22 =	vld [tilespmem:s17+$0xFFFFFF20];
	[tilespmem:s11+$0x80] =	vst v20  }
0x30a: {  	v20 =	vmax.f32 v23, v27;
	v23 =	vmul.f32 $2.000000030e-01, v28;
	v24 =	vadd.f32 v24, v33;
	v27 =	vld [tilespmem:s17+$0xFFFFFF60];
	[tilespmem:s11+$0xD0] =	vst v25;
	s11 =	smov.u32 s12;
	s12 =	smov.u32 s20  }
0x30b: {  	v20 =	vmul.f32 $1.442695020e+00, v20;
	(erf) = vpow2.f32 v19;
	v31 =	vld [tilespmem:s17+$0xFFFFFFA0]  }
0x30c: {  	v19 =	vmax.f32 v28, v23;
	v23 =	vmul.f32 $2.000000030e-01, v24;
	v26 =	vadd.f32 v26, v29;
	v36 =	vld [tilespmem:s17+$0xFFFFFFE0]  }
0x30d: {  	v28 =	vadd.f32 v40, v18;
	v18 =	vmul.f32 $1.442695020e+00, v19;
	(erf) = vpow2.f32 v21;
	v35 =	vld [tilespmem:s17+$0x20]  }
0x30e: {  	s20 =	sadd.s32 $0x280, s20;
	v19 =	vmax.f32 v24, v23;
	v23 =	vmul.f32 $2.000000030e-01, v26;
	(erf) = vpow2.f32 v20;
	v34 =	vld [tilespmem:s17+$0x60]  }
0x30f: {  	v20 =	vmul.f32 $2.000000030e-01, v28;
	v19 =	vmul.f32 $1.442695020e+00, v19;
	v21 =	vpop (erf);
	v25 =	vld [tilespmem:s17+$0xA0]  }
0x310: {  	v22 =	vmul.f32 v30, v22;
	s17 =	sadd.s32 $0x200, s17;
	v23 =	vmax.f32 v26, v23;
	[tilespmem:s20+$0x130] =	vst v21;
	(erf) = vpow2.f32 v18;
	v18 =	vld [tilespmem:s14+$0xFFFFFFF0]  }
0x311: {  	v20 =	vmax.f32 v28, v20;
	v28 =	vmul.f32 $1.442695020e+00, v23;
	v26 =	vld [tilespmem:s17+$0xC0];
	(erf) = vpow2.f32 v19  }
0x312: {  	v14 =	vmul.f32 v14, v27;
	v20 =	vmul.f32 $1.442695020e+00, v20;
	[tilespmem:s12+$0xFFFFFEE0] =	vst v22;
	v19 =	vld [tilespmem:s14+$0x30]  }
0x313: {  	v15 =	vmul.f32 v15, v31;
	(erf) = vpow2.f32 v28;
	v24 =	vld [tilespmem:s16+$0xFFFFFF30]  }
0x314: {  	v29 =	vbroadcast v21, $0x4;
	(erf) = vpow2.f32 v20;
	v23 =	vpop (erf);
	[tilespmem:s12+$0xFFFFFF30] =	vst v14;
	v20 =	vld [tilespmem:s14+$0x70]  }
0x315: {  	[tilespmem:s20+$0xFFFFFF50] =	vst v23;
	v30 =	vbroadcast v23, $0x4;
	v44 =	vbroadcast v23, $0x5;
	v28 =	vld [tilespmem:s16+$0xFFFFFF70]  }
0x316: {  	v14 =	vbroadcast v23, $0x6;
	v31 =	vld [tilespmem:s17+$0xFFFFFF40];
	v29 =	vmul.f32 v29, v26;
	v26 =	vpop (erf);
	[tilespmem:s12+$0xFFFFFF80] =	vst v15  }
0x317: {  	[tilespmem:s20+$0xFFFFFFA0] =	vst v26;
	v33 =	vbroadcast v26, $0x4;
	v51 =	vbroadcast v26, $0x5;
	v22 =	vpop (erf);
	v32 =	vld [tilespmem:s16+$0xFFFFFFB0]  }
0x318: {  	v37 =	vld [tilespmem:s17+$0xFFFFFF80];
	v42 =	vbroadcast v22, $0x4;
	v38 =	vbroadcast v22, $0x5;
	[tilespmem:s20+$0xF0] =	vst v29  }
0x319: {  	v15 =	vbroadcast v26, $0x6;
	v48 =	vbroadcast v22, $0x6;
	[tilespmem:s20+$0xFFFFFFF0] =	vst v22;
	v41 =	vld [tilespmem:s17+$0xD0];
	v27 =	vpop (erf)  }
0x31a: {  	v43 =	vld [tilespmem:s17+$0xFFFFFFC0];
	[tilespmem:s20+$0x40] =	vst v27;
	v45 =	vbroadcast v27, $0x4;
	v39 =	vbroadcast v27, $0x5;
	v29 =	vpop (erf)  }
0x31b: {  	v30 =	vmul.f32 v30, v31;
	v46 =	vld [tilespmem:s17+$0x0];
	[tilespmem:s20+$0x90] =	vst v29;
	v47 =	vbroadcast v29, $0x4  }
0x31c: {  	v50 =	vbroadcast v21, $0x5;
	v40 =	vbroadcast v29, $0x5;
	v49 =	vld [tilespmem:s17+$0x40];
	v31 =	vpop (erf)  }
0x31d: {  	v52 =	vmul.f32 v33, v37;
	[tilespmem:s20+$0xE0] =	vst v31;
	v53 =	vbroadcast v31, $0x4;
	v37 =	vpop (erf);
	v33 =	vld [tilespmem:s14+$0xB0];
	s14 =	smov.u32 s16;
	s16 =	smov.u32 s17  }
0x31e: {  	[tilespmem:s20+$0xFFFFFF00] =	vst v37;
	v54 =	vbroadcast v37, $0x4;
	v55 =	vld [tilespmem:s17+$0x80];
	v50 =	vmul.f32 v50, v41  }
0x31f: {  	v41 =	vbroadcast v37, $0x5;
	v56 =	vld [tilespmem:s17+$0xFFFFFF00];
	[tilespmem:s20+$0xFFFFFF10] =	vst v30;
	v42 =	vmul.f32 v42, v43  }
0x320: {  	v43 =	vbroadcast v31, $0x5;
	v57 =	vld [tilespmem:s17+$0xFFFFFF50];
	v45 =	vmul.f32 v45, v46;
	[tilespmem:s20+$0x100] =	vst v50  }
0x321: {  	v30 =	vbroadcast v37, $0x6;
	[tilespmem:s20+$0xFFFFFF60] =	vst v52;
	v49 =	vmul.f32 v47, v49;
	v50 =	vld [tilespmem:s17+$0xE0]  }
0x322: {  	v58 =	vbroadcast v27, $0x6;
	v59 =	vbroadcast v29, $0x6;
	v52 =	vld [tilespmem:s17+$0xFFFFFF90];
	[tilespmem:s20+$0xFFFFFFB0] =	vst v42  }
.Ltmp5:
0x323: {  	v42 =	vbroadcast v31, $0x6;
	v46 =	vld [tilespmem:s17+$0xFFFFFFD0];
	[tilespmem:s20+$0x0] =	vst v45;
	v53 =	vmul.f32 v53, v55;
	(pc) =	sbr.rel @p1 .LBB2_13-.Ltmp5, $4  }
0x324: {  	v54 =	vmul.f32 v54, v56;
	v47 =	vld [tilespmem:s17+$0x10];
	[tilespmem:s20+$0x50] =	vst v49;
	v49 =	vbroadcast v21, $0x6  }
0x325: {  	v55 =	vmul.f32 v44, v57;
	v45 =	vld [tilespmem:s17+$0x50];
	[tilespmem:s20+$0xA0] =	vst v53;
	v44 =	vmul.f32 v13, v36;
	v13 =	vmov v48  }
0x326: {  	v36 =	vmul.f32 v17, v35;
	v17 =	vmov v58;
	[tilespmem:s20+$0xFFFFFEC0] =	vst v54;
	v48 =	vld [tilespmem:s17+$0x90];
	v50 =	vmul.f32 v49, v50  }
0x327: {  	s13 =	sadd.s32 $0x80, s13;
	v34 =	vmul.f32 v16, v34;
	v16 =	vmov v59;
	v49 =	vld [tilespmem:s17+$0xFFFFFF10];
	[tilespmem:s20+$0xFFFFFF20] =	vst v55;
	v51 =	vmul.f32 v51, v52  }
0x328: {  	[tilespmem:s20+$0x110] =	vst v50  }
0x329: {  	[tilespmem:s12+$0xFFFFFFD0] =	vst v44  }
0x32a: {  	[tilespmem:s12+$0x20] =	vst v36  }
0x32b: {  	v35 =	vmul.f32 v38, v46;
	[tilespmem:s20+$0xFFFFFF70] =	vst v51  }
0x32c: {  	v9 =	vmul.f32 v9, v25;
	[tilespmem:s12+$0x70] =	vst v34  }
0x32d: {  	v10 =	vmul.f32 v24, v10;
	[tilespmem:s20+$0xFFFFFFC0] =	vst v35  }
0x32e: {  	v11 =	vmul.f32 v28, v11;
	[tilespmem:s12+$0xC0] =	vst v9  }
0x32f: {  	v12 =	vmul.f32 v32, v12;
	[tilespmem:s12+$0xFFFFFEF0] =	vst v10  }
0x330: {  	[tilespmem:s12+$0xFFFFFF40] =	vst v11;
	v55 =	vmul.f32 v41, v49  }
0x331: {  	v1 =	vmul.f32 v18, v1;
	[tilespmem:s12+$0xFFFFFF90] =	vst v12  }
0x332: {  	v2 =	vmul.f32 v19, v2;
	v10 =	vld [tilespmem:s17+$0xFFFFFF60];
	[tilespmem:s20+$0xFFFFFED0] =	vst v55  }
0x333: {  	v4 =	vmul.f32 v20, v4;
	[tilespmem:s11+$0xFFFFFFE0] =	vst v1;
	v9 =	vld [tilespmem:s17+$0xFFFFFF20]  }
0x334: {  	v51 =	vmul.f32 v39, v47;
	[tilespmem:s11+$0x30] =	vst v2  }
0x335: {  	v53 =	vmul.f32 v40, v45;
	v11 =	vld [tilespmem:s17+$0xFFFFFFA0];
	[tilespmem:s11+$0x80] =	vst v4  }
0x336: {  	v52 =	vld [tilespmem:s17+$0xF0];
	[tilespmem:s20+$0x10] =	vst v51;
	v54 =	vmul.f32 v43, v48  }
0x337: {  	v1 =	vld [tilespmem:s17+$0xFFFFFFE0];
	[tilespmem:s20+$0x60] =	vst v53;
	v10 =	vmul.f32 v14, v10  }
0x338: {  	v2 =	vld [tilespmem:s17+$0x20];
	[tilespmem:s20+$0xB0] =	vst v54;
	v9 =	vmul.f32 v30, v9  }
0x339: {  	v21 =	vbroadcast v21, $0x7;
	v3 =	vmul.f32 v33, v3;
	v4 =	vld [tilespmem:s17+$0x60];
	[tilespmem:s20+$0xFFFFFF30] =	vst v10  }
0x33a: {  	v12 =	vld [tilespmem:s17+$0xA0];
	[tilespmem:s20+$0xFFFFFEE0] =	vst v9;
	v9 =	vmul.f32 v15, v11  }
0x33b: {  	[tilespmem:s11+$0xD0] =	vst v3;
	v21 =	vmul.f32 v52, v21;
	v10 =	vld [tilespmem:s16+$0xFFFFFF70]  }
0x33c: {  	v14 =	vld [tilespmem:s14+$0x30];
	v1 =	vmul.f32 v13, v1;
	[tilespmem:s20+$0xFFFFFF80] =	vst v9  }
0x33d: {  	[tilespmem:s20+$0x120] =	vst v21;
	v2 =	vmul.f32 v17, v2;
	v3 =	vld [tilespmem:s16+$0xFFFFFFB0]  }
0x33e: {  	v13 =	vld [tilespmem:s14+$0xFFFFFFF0];
	v4 =	vmul.f32 v16, v4;
	[tilespmem:s20+$0xFFFFFFD0] =	vst v1;
	v1 =	vbroadcast v23, $0x7  }
0x33f: {  	v12 =	vmul.f32 v42, v12;
	[tilespmem:s20+$0x20] =	vst v2;
	v11 =	vld [tilespmem:s16+$0xFFFFFF30]  }
0x340: {  	v2 =	vbroadcast v26, $0x7;
	[tilespmem:s20+$0x70] =	vst v4;
	v4 =	vld [tilespmem:s14+$0xB0];
	v1 =	vmul.f32 v10, v1  }
0x341: {  	v6 =	vmul.f32 v14, v6;
	[tilespmem:s20+$0xC0] =	vst v12;
	v15 =	vld [tilespmem:s14+$0x70]  }
0x342: {  	v9 =	vbroadcast v37, $0x7;
	[tilespmem:s20+$0xFFFFFF40] =	vst v1;
	v1 =	vld [tilespmem:s16+$0x30];
	v2 =	vmul.f32 v3, v2  }
0x343: {  	v7 =	vmul.f32 v13, v7;
	[tilespmem:s12+$0x30] =	vst v6;
	v3 =	vld [tilespmem:s16+$0xFFFFFFF0]  }
0x344: {  	v9 =	vmul.f32 v11, v9;
	[tilespmem:s20+$0xFFFFFF90] =	vst v2;
	v2 =	vld [tilespmem:s16+$0x70]  }
0x345: {  	[tilespmem:s12+$0xFFFFFFE0] =	vst v7;
	v7 =	vld [tilespmem:s16+$0xB0];
	v10 =	vbroadcast v27, $0x7;
	v4 =	vmul.f32 v4, v8  }
0x346: {  	v5 =	vmul.f32 v15, v5;
	[tilespmem:s20+$0xFFFFFEF0] =	vst v9;
	v9 =	vbroadcast v22, $0x7  }
0x347: {  	v6 =	vbroadcast v29, $0x7;
	[tilespmem:s12+$0xD0] =	vst v4;
	v1 =	vmul.f32 v1, v10  }
0x348: {  	[tilespmem:s12+$0x80] =	vst v5;
	v5 =	vbroadcast v31, $0x7;
	v3 =	vmul.f32 v3, v9  }
0x349: {  	[tilespmem:s20+$0x30] =	vst v1;
	v2 =	vmul.f32 v2, v6  }
0x34a: {  	[tilespmem:s20+$0xFFFFFFE0] =	vst v3;
	v3 =	vmul.f32 v7, v5  }
0x34b: {  	s14 =	sand.u32 $0x3FFFFF00, s10;
	[tilespmem:s20+$0x80] =	vst v2  }
0x34c: {  	p1 =	seq.s32 s8, $0x28;
	s11 =	sadd.s32 $0x2900, s14;
	[tilespmem:s20+$0xD0] =	vst v3  }
0x34d: {  	[spmem:s2] =	stream.indirect.scatter.add.f32 [tilespmem:s21], [sflag:$0x3], $0x50, s11, s22, $0xb8;
	[tilespmem:$0x1CA00] =	vst v63  }
0x34e: {  	s13 =	simm.s32 @!p1 $0x5200;
	s12 =	simm.s32 @!p1 $0x80;
	s11 =	sadd.s32 @!p1 $0x100, s10  }
0x34f: {  	[tilespmem:s13], [sflag:$0x1] =	stream.indirect.gather @!p1 [hbm4b:s5+s12], $0x40, s11, s12, $0xb8;
	[tilespmem:$0x1CA00] =	vst v63  }
0x350: {  	s13 =	simm.s32 @!p1 $0x9200  }
0x351: {  	[tilespmem:s13], [sflag:$0x1] =	stream.indirect.gather @!p1 [hbm4b:s6+s12], $0x10, s11, s12, $0xb8;
	[tilespmem:$0x1CA00] =	vst v63  }
0x352: {  	s10 =	sadd.s32 @!p1 $0x2A00, s10;
	s11 =	simm.s32 @!p1 $0xA200  }
0x353: {  	[tilespmem:s11], [sflag:$0x1] =	stream.indirect.gather @!p1 [hbm4b:s7+s12], $0x10, s10, s12, $0xb8;
	[tilespmem:$0x1CA00] =	vst v63  }
0x354: {  	_ =	swait.ge [sflag:s31], $0x2000  }
0x355: {  	[sflag:s31] =	ssyncset.done $0x0  }
0x356: {  	[sflag:s31] =	ssyncadd.s32 $0xFFFFE000  }
0x357: {  	_ =	swait.ge [sflag:s31], $0x800  }
0x358: {  	[sflag:s31] =	ssyncset.done $0x0  }
0x359: {  	[sflag:s31] =	ssyncadd.s32 $0xFFFFF800  }
0x35a: {  	_ =	swait.ge [sflag:s31], $0x800  }
0x35b: {  	[sflag:s31] =	ssyncset.done $0x0  }
0x35c: {  	s10 =	simm.s32 @!p0 $0x4;
	[sflag:s31] =	ssyncadd.s32 $0xFFFFF800  }
0x35d: {  	_ =	swait.ge @!p0 [sflag:s10], $0x2800  }
0x35e: {  	[sflag:s10] =	ssyncset.done @!p0 $0x0  }
0x35f: {  	s15 =	simm.s32 $0x9A40;
	[sflag:s10] =	ssyncadd.s32 @!p0 $0xFFFFD800  }
0x360: {  	s16 =	simm.s32 $0xAA40;
	v1 =	vld [tilespmem:s15+$0x30]  }
0x361: {  	v2 =	vld [tilespmem:s16+$0x30];
	_ =	sdelay $0x1  }
0x362: {  	v3 =	vld [tilespmem:s16+$0xFFFFFFC0]  }
0x363: {  	v4 =	vld [tilespmem:s15+$0xFFFFFFD0]  }
0x364: {  	v5 =	vld [tilespmem:s16+$0xFFFFFFD0]  }
0x365: {  	v6 =	vld [tilespmem:s15+$0xFFFFFFE0];
	v1 =	vadd.f32 v2, v1  }
0x366: {  	v7 =	vld [tilespmem:s16+$0xFFFFFFE0]  }
0x367: {  	v8 =	vld [tilespmem:s16+$0xFFFFFFF0];
	v9 =	vmul.f32 $2.000000030e-01, v1  }
0x368: {  	v10 =	vld [tilespmem:s15+$0x0]  }
0x369: {  	v2 =	vld [tilespmem:s15+$0xFFFFFFF0];
	v1 =	vmax.f32 v1, v9  }
0x36a: {  	v11 =	vld [tilespmem:s16+$0x0];
	v1 =	vmul.f32 $1.442695020e+00, v1  }
0x36b: {  	v12 =	vld [tilespmem:s15+$0x20];
	v4 =	vadd.f32 v5, v4  }
0x36c: {  	v5 =	vld [tilespmem:s15+$0x10];
	v6 =	vadd.f32 v7, v6;
	(erf) = vpow2.f32 v1  }
0x36d: {  	v7 =	vld [tilespmem:s16+$0x10];
	v9 =	vmul.f32 $2.000000030e-01, v4  }
0x36e: {  	v2 =	vadd.f32 v8, v2;
	v8 =	vld [tilespmem:s16+$0x20];
	v1 =	vmul.f32 $2.000000030e-01, v6  }
0x36f: {  	v4 =	vmax.f32 v4, v9;
	v9 =	vld [tilespmem:s15+$0xFFFFFFC0]  }
0x370: {  	v4 =	vmul.f32 $1.442695020e+00, v4;
	v1 =	vmax.f32 v6, v1  }
0x371: {  	v10 =	vadd.f32 v11, v10;
	v6 =	vmul.f32 $2.000000030e-01, v2;
	v1 =	vmul.f32 $1.442695020e+00, v1  }
0x372: {  	v5 =	vadd.f32 v7, v5;
	(erf) = vpow2.f32 v4  }
0x373: {  	v4 =	vadd.f32 v8, v12;
	v2 =	vmax.f32 v2, v6;
	v6 =	vmul.f32 $2.000000030e-01, v10  }
0x374: {  	v7 =	vmul.f32 $2.000000030e-01, v5;
	v3 =	vadd.f32 v3, v9;
	v2 =	vmul.f32 $1.442695020e+00, v2  }
0x375: {  	s10 =	simm.s32 $0xDB40;
	s16 =	simm.s32 $0x7300;
	v8 =	vmul.f32 $2.000000030e-01, v4;
	(erf) = vpow2.f32 v1;
	v6 =	vmax.f32 v10, v6;
	v1 =	vpop (erf)  }
0x376: {  	v5 =	vmax.f32 v5, v7;
	v7 =	vmul.f32 $2.000000030e-01, v3;
	v6 =	vmul.f32 $1.442695020e+00, v6;
	[tilespmem:s10+$0x130] =	vst v1  }
0x377: {  	s18 =	simm.s32 $0xAAC0;
	v4 =	vmax.f32 v4, v8;
	(erf) = vpow2.f32 v2;
	v2 =	vmul.f32 $1.442695020e+00, v5;
	v5 =	vld [tilespmem:s16+$0xC0]  }
0x378: {  	s17 =	simm.s32 $0x9AC0;
	v22 =	vld [tilespmem:s18+$0xFFFFFFC0];
	v3 =	vmax.f32 v3, v7;
	v4 =	vmul.f32 $1.442695020e+00, v4;
	(erf) = vpow2.f32 v6  }
0x379: {  	v25 =	vld [tilespmem:s17+$0xFFFFFFD0];
	(erf) = vpow2.f32 v2;
	v2 =	vmul.f32 $1.442695020e+00, v3  }
0x37a: {  	v27 =	vld [tilespmem:s18+$0xFFFFFFD0];
	v3 =	vbroadcast v1, $0x4;
	(erf) = vpow2.f32 v4  }
0x37b: {  	v30 =	vld [tilespmem:s17+$0xFFFFFFE0];
	(erf) = vpow2.f32 v2  }
0x37c: {  	v57 =	vld [tilespmem:s18+$0xFFFFFFE0];
	v2 =	vmul.f32 v3, v5  }
0x37d: {  	v60 =	vld [tilespmem:s17+$0xFFFFFFF0];
	v4 =	vpop (erf)  }
0x37e: {  	v62 =	vld [tilespmem:s18+$0xFFFFFFF0];
	[tilespmem:s10+$0xFFFFFF50] =	vst v4;
	v3 =	vpop (erf)  }
0x37f: {  	v5 =	vld [tilespmem:s16+$0xFFFFFF40];
	[tilespmem:s10+$0xFFFFFFA0] =	vst v3  }
0x380: {  	v11 =	vbroadcast v4, $0x4;
	[tilespmem:s10+$0xF0] =	vst v2;
	v7 =	vld [tilespmem:s16+$0xFFFFFF80];
	v2 =	vpop (erf)  }
0x381: {  	v6 =	vld [tilespmem:s16+$0xD0];
	[tilespmem:s10+$0xFFFFFFF0] =	vst v2;
	v9 =	vpop (erf)  }
0x382: {  	v12 =	vld [tilespmem:s16+$0xFFFFFFC0];
	[tilespmem:s10+$0x40] =	vst v9;
	v10 =	vpop (erf)  }
0x383: {  	v14 =	vbroadcast v1, $0x5;
	v13 =	vld [tilespmem:s16+$0x0];
	[tilespmem:s10+$0x90] =	vst v10;
	v8 =	vpop (erf)  }
0x384: {  	v15 =	vbroadcast v3, $0x4;
	v5 =	vmul.f32 v11, v5;
	v16 =	vld [tilespmem:s16+$0x40];
	[tilespmem:s10+$0xE0] =	vst v8;
	v11 =	vpop (erf)  }
0x385: {  	v17 =	vbroadcast v2, $0x4;
	[tilespmem:s10+$0xFFFFFF00] =	vst v11;
	v18 =	vld [tilespmem:s16+$0x80]  }
0x386: {  	v7 =	vmul.f32 v15, v7;
	v6 =	vmul.f32 v14, v6;
	v15 =	vld [tilespmem:s16+$0xFFFFFF00]  }
0x387: {  	v44 =	vld [tilespmem:s18+$0x20];
	[tilespmem:s10+$0xFFFFFF10] =	vst v5;
	v5 =	vbroadcast v10, $0x4;
	v14 =	vbroadcast v9, $0x4  }
0x388: {  	[tilespmem:s10+$0x100] =	vst v6;
	v6 =	vbroadcast v8, $0x4;
	v12 =	vmul.f32 v17, v12;
	v17 =	vld [tilespmem:s16+$0xFFFFFF50]  }
0x389: {  	v25 =	vadd.f32 v27, v25;
	[tilespmem:s10+$0xFFFFFF60] =	vst v7;
	v7 =	vbroadcast v11, $0x4;
	v13 =	vmul.f32 v14, v13;
	v14 =	vld [tilespmem:s16+$0xE0]  }
0x38a: {  	v27 =	vadd.f32 v57, v30;
	v5 =	vmul.f32 v5, v16;
	v16 =	vld [tilespmem:s16+$0xFFFFFF90];
	[tilespmem:s10+$0xFFFFFFB0] =	vst v12;
	v6 =	vmul.f32 v6, v18  }
0x38b: {  	v42 =	vmul.f32 $2.000000030e-01, v25;
	v12 =	vld [tilespmem:s16+$0xFFFFFFD0];
	[tilespmem:s10+$0x0] =	vst v13;
	v7 =	vmul.f32 v7, v15  }
0x38c: {  	v43 =	vmul.f32 $2.000000030e-01, v27;
	v61 =	vbroadcast v1, $0x6;
	[tilespmem:s10+$0xA0] =	vst v6;
	v6 =	vld [tilespmem:s17+$0x30]  }
0x38d: {  	v20 =	vbroadcast v4, $0x5;
	v21 =	vbroadcast v4, $0x6;
	[tilespmem:s10+$0xFFFFFEC0] =	vst v7;
	v7 =	vld [tilespmem:s18+$0x30]  }
0x38e: {  	v23 =	vbroadcast v3, $0x5;
	v26 =	vbroadcast v3, $0x6;
	v13 =	vld [tilespmem:s16+$0x10];
	[tilespmem:s10+$0x50] =	vst v5  }
0x38f: {  	v24 =	vbroadcast v2, $0x5;
	v28 =	vbroadcast v9, $0x5;
	v15 =	vld [tilespmem:s16+$0x50]  }
0x390: {  	v29 =	vbroadcast v10, $0x5;
	v17 =	vmul.f32 v20, v17;
	v20 =	vld [tilespmem:s17+$0x0]  }
0x391: {  	v56 =	vbroadcast v8, $0x5;
	v31 =	vbroadcast v11, $0x5;
	v18 =	vld [tilespmem:s16+$0x90]  }
0x392: {  	v59 =	vbroadcast v11, $0x6;
	v16 =	vmul.f32 v23, v16;
	v23 =	vld [tilespmem:s18+$0x0];
	v58 =	vadd.f32 v7, v6  }
0x393: {  	v5 =	vbroadcast v2, $0x6;
	v14 =	vmul.f32 v61, v14;
	v19 =	vld [tilespmem:s16+$0xFFFFFF10]  }
0x394: {  	v12 =	vmul.f32 v24, v12;
	v24 =	vld [tilespmem:s17+$0x10];
	v63 =	vmul.f32 $2.000000030e-01, v58  }
0x395: {  	v13 =	vmul.f32 v28, v13;
	v28 =	vld [tilespmem:s18+$0x10];
	v15 =	vmul.f32 v29, v15;
	v29 =	vadd.f32 v62, v60  }
0x396: {  	v45 =	vld [tilespmem:s17+$0xFFFFFFC0];
	[tilespmem:s10+$0xFFFFFF20] =	vst v17;
	v6 =	vbroadcast v9, $0x6;
	v18 =	vmul.f32 v56, v18;
	v34 =	vmax.f32 v58, v63  }
0x397: {  	v30 =	vld [tilespmem:s17+$0x20];
	[tilespmem:s10+$0x110] =	vst v14;
	v46 =	vmul.f32 $2.000000030e-01, v29;
	v20 =	vadd.f32 v23, v20;
	v34 =	vmul.f32 $1.442695020e+00, v34  }
0x398: {  	v14 =	vld [tilespmem:s16+$0xFFFFFF60];
	v19 =	vmul.f32 v31, v19;
	v23 =	vmax.f32 v25, v42;
	[tilespmem:s10+$0x60] =	vst v15;
	v15 =	vbroadcast v4, $0x7  }
0x399: {  	v25 =	vmax.f32 v27, v43;
	v23 =	vmul.f32 $1.442695020e+00, v23;
	(erf) = vpow2.f32 v34  }
0x39a: {  	v27 =	vmax.f32 v29, v46;
	v29 =	vmul.f32 $2.000000030e-01, v20;
	[tilespmem:s10+$0xFFFFFED0] =	vst v19;
	v24 =	vadd.f32 v28, v24  }
0x39b: {  	v19 =	vmul.f32 $1.442695020e+00, v25;
	v25 =	vmul.f32 $1.442695020e+00, v27;
	v27 =	vld [tilespmem:s16+$0xFFFFFF20]  }
0x39c: {  	v22 =	vadd.f32 v22, v45;
	v17 =	vmul.f32 $2.000000030e-01, v24;
	(erf) = vpow2.f32 v23  }
0x39d: {  	v14 =	vmul.f32 v21, v14;
	v20 =	vmax.f32 v20, v29;
	v23 =	vadd.f32 v44, v30  }
0x39e: {  	s20 =	simm.s32 $0x9B40;
	[tilespmem:s10+$0xFFFFFF70] =	vst v16;
	v20 =	vmul.f32 $1.442695020e+00, v20;
	v16 =	vmax.f32 v24, v17;
	v24 =	vmul.f32 $2.000000030e-01, v22  }
0x39f: {  	[tilespmem:s10+$0xFFFFFFC0] =	vst v12;
	v62 =	vld [tilespmem:s20+$0x30];
	(erf) = vpow2.f32 v19;
	v19 =	vmul.f32 $2.000000030e-01, v23  }
0x3a0: {  	[tilespmem:s10+$0x10] =	vst v13;
	v21 =	vld [tilespmem:s16+$0x60];
	v16 =	vmul.f32 $1.442695020e+00, v16;
	v12 =	vmul.f32 v59, v27  }
0x3a1: {  	[tilespmem:s10+$0xB0] =	vst v18;
	v28 =	vld [tilespmem:s16+$0xF0];
	v27 =	vbroadcast v8, $0x6;
	(erf) = vpow2.f32 v25;
	v19 =	vmax.f32 v23, v19  }
0x3a2: {  	s11 =	simm.s32 $0xDDC0;
	v25 =	vld [tilespmem:s16+$0xFFFFFFA0];
	(erf) = vpow2.f32 v20;
	v20 =	vmax.f32 v22, v24;
	[tilespmem:s10+$0xFFFFFEE0] =	vst v12;
	v19 =	vmul.f32 $1.442695020e+00, v19;
	v17 =	vpop (erf)  }
0x3a3: {  	s12 =	simm.s32 $0x7500;
	(erf) = vpow2.f32 v16;
	v13 =	vmul.f32 $1.442695020e+00, v20;
	v18 =	vld [tilespmem:s16+$0xFFFFFF30];
	[tilespmem:s11+$0x130] =	vst v17  }
0x3a4: {  	v16 =	vbroadcast v11, $0x7;
	(erf) = vpow2.f32 v19;
	v22 =	vld [tilespmem:s12+$0xC0]  }
0x3a5: {  	v24 =	vld [tilespmem:s16+$0x20];
	v19 =	vbroadcast v17, $0x4;
	(erf) = vpow2.f32 v13;
	v12 =	vpop (erf)  }
0x3a6: {  	v23 =	vld [tilespmem:s16+$0xFFFFFFE0];
	v13 =	vbroadcast v3, $0x7;
	v3 =	vbroadcast v1, $0x7;
	[tilespmem:s11+$0xFFFFFF50] =	vst v12  }
0x3a7: {  	v1 =	vbroadcast v2, $0x7;
	v2 =	vbroadcast v9, $0x7;
	v9 =	vld [tilespmem:s12+$0xFFFFFF40]  }
0x3a8: {  	v11 =	vld [tilespmem:s16+$0xA0];
	v16 =	vmul.f32 v18, v16;
	v28 =	vmul.f32 v28, v3  }
0x3a9: {  	[tilespmem:s10+$0xFFFFFF30] =	vst v14;
	v18 =	vld [tilespmem:s20+$0xFFFFFFC0];
	v3 =	vbroadcast v8, $0x7;
	v4 =	vmul.f32 v19, v22;
	v22 =	vpop (erf)  }
0x3aa: {  	v8 =	vmul.f32 v26, v25;
	v26 =	vbroadcast v12, $0x4;
	v19 =	vld [tilespmem:s16+$0xFFFFFF70];
	[tilespmem:s11+$0xFFFFFFA0] =	vst v22  }
0x3ab: {  	v7 =	vbroadcast v10, $0x6;
	v24 =	vmul.f32 v6, v24;
	v29 =	vpop (erf);
	[tilespmem:s11+$0xF0] =	vst v4;
	v20 =	vld [tilespmem:s12+$0xFFFFFF80]  }
0x3ac: {  	v9 =	vmul.f32 v26, v9;
	v4 =	vbroadcast v10, $0x7;
	[tilespmem:s11+$0xFFFFFFF0] =	vst v29;
	v25 =	vpop (erf);
	v10 =	vld [tilespmem:s12+$0xD0]  }
0x3ad: {  	s15 =	simm.s32 $0xAB40;
	v31 =	vld [tilespmem:s12+$0xFFFFFFC0];
	v52 =	vbroadcast v25, $0x4;
	v57 =	vbroadcast v25, $0x5  }
0x3ae: {  	[tilespmem:s11+$0x40] =	vst v25;
	v32 =	vpop (erf);
	v36 =	vbroadcast v25, $0x6;
	v6 =	vbroadcast v25, $0x7;
	v25 =	vld [tilespmem:s15+$0x0]  }
0x3af: {  	v21 =	vmul.f32 v7, v21;
	v47 =	vld [tilespmem:s12+$0x0];
	[tilespmem:s11+$0x90] =	vst v32  }
0x3b0: {  	v48 =	vbroadcast v17, $0x5;
	v49 =	vbroadcast v22, $0x4;
	[tilespmem:s11+$0xFFFFFF10] =	vst v9;
	v37 =	vpop (erf);
	v26 =	vld [tilespmem:s12+$0x40]  }
0x3b1: {  	v23 =	vmul.f32 v5, v23;
	v27 =	vmul.f32 v27, v11;
	v40 =	vld [tilespmem:s12+$0xFFFFFF50];
	[tilespmem:s11+$0xE0] =	vst v37;
	v38 =	vpop (erf)  }
0x3b2: {  	v50 =	vbroadcast v29, $0x4;
	[tilespmem:s11+$0xFFFFFF00] =	vst v38;
	v51 =	vld [tilespmem:s12+$0x80];
	v20 =	vmul.f32 v49, v20  }
0x3b3: {  	v9 =	vbroadcast v32, $0x4;
	v53 =	vld [tilespmem:s12+$0xFFFFFF00];
	v10 =	vmul.f32 v48, v10  }
0x3b4: {  	v31 =	vmul.f32 v50, v31;
	v33 =	vmul.f32 v52, v47;
	[tilespmem:s11+$0xFFFFFF60] =	vst v20;
	v52 =	vld [tilespmem:s15+$0x30]  }
0x3b5: {  	v30 =	vbroadcast v12, $0x5;
	[tilespmem:s11+$0x100] =	vst v10;
	v9 =	vmul.f32 v9, v26;
	v26 =	vld [tilespmem:s12+$0xFFFFFF90]  }
0x3b6: {  	v14 =	vbroadcast v12, $0x6;
	v10 =	vbroadcast v37, $0x4;
	[tilespmem:s11+$0xFFFFFFB0] =	vst v31;
	v54 =	vld [tilespmem:s12+$0xE0]  }
0x3b7: {  	v11 =	vbroadcast v12, $0x7;
	v20 =	vbroadcast v38, $0x4;
	v41 =	vld [tilespmem:s12+$0xFFFFFFD0];
	[tilespmem:s11+$0x0] =	vst v33  }
0x3b8: {  	v12 =	vbroadcast v22, $0x7;
	v10 =	vmul.f32 v10, v51;
	v39 =	vld [tilespmem:s12+$0x10]  }
0x3b9: {  	v42 =	vbroadcast v29, $0x5;
	v55 =	vmul.f32 v20, v53;
	[tilespmem:s11+$0x50] =	vst v9;
	v53 =	vld [tilespmem:s15+$0xFFFFFFD0]  }
0x3ba: {  	v34 =	vbroadcast v29, $0x6;
	v7 =	vbroadcast v29, $0x7;
	v56 =	vld [tilespmem:s12+$0x50];
	[tilespmem:s11+$0xA0] =	vst v10  }
0x3bb: {  	v58 =	vbroadcast v32, $0x5;
	v35 =	vbroadcast v32, $0x6;
	[tilespmem:s11+$0xFFFFFEC0] =	vst v55;
	v55 =	vld [tilespmem:s15+$0xFFFFFFE0]  }
0x3bc: {  	v5 =	vbroadcast v32, $0x7;
	v31 =	vbroadcast v22, $0x5;
	v33 =	vld [tilespmem:s12+$0x90]  }
0x3bd: {  	v61 =	vbroadcast v37, $0x5;
	v9 =	vbroadcast v17, $0x6;
	v59 =	vld [tilespmem:s12+$0xFFFFFF10]  }
0x3be: {  	v15 =	vmul.f32 v19, v15;
	v26 =	vmul.f32 v31, v26;
	v31 =	vld [tilespmem:s20+$0xFFFFFFD0]  }
0x3bf: {  	v60 =	vbroadcast v38, $0x5;
	v9 =	vmul.f32 v9, v54;
	v54 =	vld [tilespmem:s20+$0xFFFFFFE0]  }
0x3c0: {  	[tilespmem:s10+$0xFFFFFFD0] =	vst v23;
	v50 =	vbroadcast v38, $0x6;
	v39 =	vmul.f32 v57, v39;
	v57 =	vld [tilespmem:s15+$0xFFFFFFF0]  }
0x3c1: {  	v20 =	vbroadcast v22, $0x6;
	v22 =	vadd.f32 v52, v62;
	[tilespmem:s11+$0xFFFFFF70] =	vst v26;
	v43 =	vmul.f32 v58, v56;
	v56 =	vld [tilespmem:s20+$0xFFFFFFF0]  }
0x3c2: {  	v30 =	vmul.f32 v30, v40;
	v17 =	vbroadcast v17, $0x7;
	[tilespmem:s11+$0x110] =	vst v9;
	v23 =	vld [tilespmem:s12+$0xFFFFFFA0]  }
0x3c3: {  	v10 =	vbroadcast v38, $0x7;
	v58 =	vmul.f32 $2.000000030e-01, v22;
	v63 =	vld [tilespmem:s12+$0xF0]  }
0x3c4: {  	[tilespmem:s10+$0x120] =	vst v28;
	v41 =	vmul.f32 v42, v41;
	v46 =	vmul.f32 v60, v59;
	v59 =	vld [tilespmem:s20+$0x0]  }
0x3c5: {  	[tilespmem:s10+$0xFFFFFF80] =	vst v8;
	v9 =	vbroadcast v37, $0x6;
	v28 =	vadd.f32 v53, v31;
	v8 =	vmax.f32 v22, v58;
	v22 =	vld [tilespmem:s20+$0x10]  }
0x3c6: {  	[tilespmem:s11+$0xFFFFFF20] =	vst v30;
	v33 =	vmul.f32 v61, v33;
	v31 =	vld [tilespmem:s15+$0x10];
	v29 =	vadd.f32 v55, v54;
	v30 =	vmul.f32 $1.442695020e+00, v8  }
0x3c7: {  	v40 =	vld [tilespmem:s15+$0xFFFFFFC0];
	v8 =	vbroadcast v37, $0x7;
	v26 =	vmul.f32 $2.000000030e-01, v28  }
0x3c8: {  	[tilespmem:s10+$0x70] =	vst v21;
	v61 =	vld [tilespmem:s20+$0x20];
	v60 =	vadd.f32 v57, v56;
	v38 =	vmul.f32 $2.000000030e-01, v29;
	(erf) = vpow2.f32 v30  }
0x3c9: {  	[tilespmem:s10+$0xFFFFFF40] =	vst v15;
	v30 =	vld [tilespmem:s15+$0x20];
	v15 =	vmul.f32 v20, v23;
	v17 =	vmul.f32 v63, v17  }
0x3ca: {  	[tilespmem:s11+$0xFFFFFFC0] =	vst v41;
	v19 =	vmax.f32 v28, v26;
	v62 =	vmul.f32 $2.000000030e-01, v60;
	v25 =	vadd.f32 v25, v59  }
0x3cb: {  	[tilespmem:s10+$0xC0] =	vst v27;
	v44 =	vld [tilespmem:s12+$0xFFFFFFE0];
	v26 =	vmax.f32 v29, v38;
	v19 =	vmul.f32 $1.442695020e+00, v19;
	v22 =	vadd.f32 v31, v22  }
0x3cc: {  	[tilespmem:s11+$0x10] =	vst v39;
	v56 =	vadd.f32 v40, v18;
	v63 =	vld [tilespmem:s16+$0xFFFFFFB0];
	v26 =	vmul.f32 $1.442695020e+00, v26;
	v55 =	vmul.f32 $2.000000030e-01, v25  }
0x3cd: {  	v31 =	vld [tilespmem:s12+$0xFFFFFF60];
	[tilespmem:s11+$0x120] =	vst v17;
	v29 =	vmax.f32 v60, v62;
	(erf) = vpow2.f32 v19;
	v17 =	vmul.f32 $2.000000030e-01, v22  }
0x3ce: {  	[tilespmem:s11+$0x60] =	vst v43;
	v49 =	vld [tilespmem:s12+$0x20];
	v29 =	vmul.f32 $1.442695020e+00, v29;
	v30 =	vadd.f32 v30, v61;
	(erf) = vpow2.f32 v26  }
0x3cf: {  	v52 =	vld [tilespmem:s12+$0x60];
	[tilespmem:s11+$0xFFFFFED0] =	vst v46;
	v19 =	vmax.f32 v25, v55;
	v17 =	vmax.f32 v22, v17;
	v22 =	vmul.f32 $2.000000030e-01, v56  }
0x3d0: {  	[tilespmem:s10+$0xFFFFFEF0] =	vst v16;
	v28 =	vld [tilespmem:s12+$0xFFFFFF20];
	v18 =	vmul.f32 $1.442695020e+00, v19;
	v19 =	vmul.f32 $2.000000030e-01, v30  }
0x3d1: {  	s14 =	simm.s32 $0xE040;
	[tilespmem:s11+$0xB0] =	vst v33;
	v33 =	vld [tilespmem:s16+$0xB0];
	v57 =	vmul.f32 v63, v13;
	(erf) = vpow2.f32 v29;
	v21 =	vpop (erf)  }
0x3d2: {  	s17 =	simm.s32 $0x7700;
	v20 =	vld [tilespmem:s16+$0x70];
	v13 =	vmul.f32 $1.442695020e+00, v17;
	v14 =	vmul.f32 v14, v31;
	v17 =	vmax.f32 v30, v19;
	[tilespmem:s14+$0x130] =	vst v21  }
0x3d3: {  	[tilespmem:s11+$0xFFFFFF80] =	vst v15;
	v16 =	vmax.f32 v56, v22;
	(erf) = vpow2.f32 v18;
	v17 =	vmul.f32 $1.442695020e+00, v17;
	v22 =	vld [tilespmem:s17+$0xC0]  }
0x3d4: {  	v32 =	vld [tilespmem:s12+$0xFFFFFFB0];
	(erf) = vpow2.f32 v13;
	v13 =	vmul.f32 $1.442695020e+00, v16  }
0x3d5: {  	[tilespmem:s10+$0x20] =	vst v24;
	v25 =	vld [tilespmem:s12+$0xA0];
	v19 =	vmul.f32 v50, v28;
	(erf) = vpow2.f32 v17  }
0x3d6: {  	v18 =	vld [tilespmem:s16+$0xFFFFFFF0];
	[tilespmem:s11+$0xFFFFFF30] =	vst v14;
	v16 =	vbroadcast v21, $0x4;
	(erf) = vpow2.f32 v13  }
0x3d7: {  	v44 =	vmul.f32 v34, v44;
	v36 =	vmul.f32 v36, v49;
	v28 =	vld [tilespmem:s12+$0xFFFFFF70];
	[tilespmem:s11+$0xFFFFFEE0] =	vst v19;
	v23 =	vpop (erf)  }
0x3d8: {  	v34 =	vmul.f32 v35, v52;
	v19 =	vld [tilespmem:s16+$0x30];
	[tilespmem:s14+$0xFFFFFF50] =	vst v23;
	v13 =	vmul.f32 v16, v22  }
0x3d9: {  	[tilespmem:s10+$0xFFFFFF90] =	vst v57;
	v60 =	vbroadcast v21, $0x5;
	v17 =	vbroadcast v23, $0x4;
	v30 =	vld [tilespmem:s17+$0xFFFFFF40]  }
0x3da: {  	v24 =	vld [tilespmem:s12+$0xFFFFFF30];
	v45 =	vbroadcast v23, $0x5;
	v14 =	vbroadcast v23, $0x6;
	v26 =	vpop (erf);
	[tilespmem:s14+$0xF0] =	vst v13  }
0x3db: {  	[tilespmem:s14+$0xFFFFFFA0] =	vst v26;
	v51 =	vbroadcast v26, $0x5;
	v15 =	vbroadcast v26, $0x6;
	v22 =	vpop (erf);
	v59 =	vld [tilespmem:s17+$0xD0]  }
0x3dc: {  	v16 =	vbroadcast v26, $0x4;
	v58 =	vld [tilespmem:s17+$0xFFFFFF80];
	v42 =	vbroadcast v22, $0x4;
	[tilespmem:s14+$0xFFFFFFF0] =	vst v22;
	v27 =	vpop (erf)  }
0x3dd: {  	v38 =	vbroadcast v22, $0x5;
	v13 =	vbroadcast v22, $0x6;
	v43 =	vld [tilespmem:s17+$0xFFFFFFC0];
	[tilespmem:s14+$0x40] =	vst v27;
	v29 =	vpop (erf)  }
0x3de: {  	v61 =	vbroadcast v27, $0x4;
	v17 =	vmul.f32 v17, v30;
	v30 =	vld [tilespmem:s17+$0x0];
	[tilespmem:s14+$0x90] =	vst v29;
	v31 =	vpop (erf)  }
0x3df: {  	v39 =	vbroadcast v27, $0x5;
	v62 =	vbroadcast v29, $0x4;
	v63 =	vld [tilespmem:s17+$0x40];
	[tilespmem:s14+$0xE0] =	vst v31;
	v37 =	vpop (erf)  }
0x3e0: {  	v40 =	vbroadcast v29, $0x5;
	[tilespmem:s14+$0xFFFFFF00] =	vst v37;
	v55 =	vld [tilespmem:s17+$0x80];
	v50 =	vmul.f32 v60, v59  }
0x3e1: {  	v16 =	vmul.f32 v16, v58;
	v53 =	vbroadcast v31, $0x4;
	[tilespmem:s14+$0xFFFFFF10] =	vst v17;
	v56 =	vld [tilespmem:s17+$0xFFFFFF00]  }
0x3e2: {  	v54 =	vbroadcast v37, $0x4;
	v17 =	vmul.f32 v42, v43;
	v57 =	vld [tilespmem:s17+$0xFFFFFF50];
	[tilespmem:s14+$0x100] =	vst v50  }
0x3e3: {  	v41 =	vbroadcast v37, $0x5;
	[tilespmem:s14+$0xFFFFFF60] =	vst v16;
	v61 =	vmul.f32 v61, v30;
	v50 =	vld [tilespmem:s17+$0xE0]  }
0x3e4: {  	v43 =	vbroadcast v31, $0x5;
	v58 =	vld [tilespmem:s17+$0xFFFFFF90];
	[tilespmem:s14+$0xFFFFFFB0] =	vst v17;
	v48 =	vmul.f32 v62, v63  }
0x3e5: {  	v16 =	vbroadcast v29, $0x6;
	v46 =	vld [tilespmem:s17+$0xFFFFFFD0];
	[tilespmem:s14+$0x0] =	vst v61;
	v53 =	vmul.f32 v53, v55  }
0x3e6: {  	v62 =	vbroadcast v21, $0x6;
	v47 =	vld [tilespmem:s17+$0x10];
	[tilespmem:s14+$0x50] =	vst v48;
	v54 =	vmul.f32 v54, v56  }
0x3e7: {  	v42 =	vbroadcast v31, $0x6;
	v63 =	vmul.f32 v45, v57;
	v45 =	vld [tilespmem:s17+$0x50];
	[tilespmem:s14+$0xA0] =	vst v53  }
0x3e8: {  	v30 =	vbroadcast v37, $0x6;
	[tilespmem:s14+$0xFFFFFEC0] =	vst v54;
	v48 =	vld [tilespmem:s17+$0x90];
	v50 =	vmul.f32 v62, v50  }
0x3e9: {  	s13 =	simm.s32 $0x9BC0;
	s18 =	simm.s32 $0x10;
	s16 =	simm.s32 $0x7700;
	v17 =	vbroadcast v27, $0x6;
	v51 =	vmul.f32 v51, v58;
	[tilespmem:s14+$0xFFFFFF20] =	vst v63;
	v49 =	vld [tilespmem:s17+$0xFFFFFF10]  }
.LBB2_15:
0x3ea: {  	v35 =	vld [tilespmem:s13+$0x30];
	v38 =	vmul.f32 v38, v46;
	[tilespmem:s14+$0x110] =	vst v50;
	v25 =	vmul.f32 v9, v25;
	v9 =	vmov v42  }
0x3eb: {  	v37 =	vbroadcast v37, $0x7;
	s15 =	sadd.s32 $0x80, s15;
	[tilespmem:s14+$0xFFFFFF70] =	vst v51;
	v39 =	vmul.f32 v39, v47;
	v42 =	vld [tilespmem:s17+$0xF0]  }
0x3ec: {  	s18 =	sadd.s32 $0x8, s18;
	v23 =	vbroadcast v23, $0x7;
	v46 =	vld [tilespmem:s15+$0x30];
	[tilespmem:s14+$0xFFFFFFC0] =	vst v38;
	v38 =	vmul.f32 v40, v45  }
0x3ed: {  	v26 =	vbroadcast v26, $0x7;
	p0 =	slt.u32 s18, $0x78;
	v40 =	vld [tilespmem:s15+$0xFFFFFFC0];
	[tilespmem:s14+$0x10] =	vst v39;
	v39 =	vmul.f32 v43, v48  }
0x3ee: {  	v21 =	vbroadcast v21, $0x7;
	v43 =	vld [tilespmem:s13+$0xFFFFFFD0];
	v41 =	vmul.f32 v41, v49;
	[tilespmem:s14+$0x60] =	vst v38  }
0x3ef: {  	v22 =	vbroadcast v22, $0x7;
	v27 =	vbroadcast v27, $0x7;
	v38 =	vld [tilespmem:s15+$0xFFFFFFD0];
	[tilespmem:s14+$0xB0] =	vst v39  }
0x3f0: {  	v29 =	vbroadcast v29, $0x7;
	v39 =	vld [tilespmem:s13+$0xFFFFFFE0];
	[tilespmem:s14+$0xFFFFFED0] =	vst v41;
	v21 =	vmul.f32 v42, v21  }
0x3f1: {  	v31 =	vbroadcast v31, $0x7;
	v24 =	vmul.f32 v24, v10;
	v10 =	vmovc v37;
	v41 =	vld [tilespmem:s15+$0xFFFFFFE0];
	v35 =	vadd.f32 v46, v35;
	[tilespmem:s11+$0xFFFFFFD0] =	vst v44  }
0x3f2: {  	v37 =	vld [tilespmem:s13+$0xFFFFFFF0];
	[tilespmem:s14+$0x120] =	vst v21;
	v21 =	vmul.f32 v28, v11;
	v28 =	vmul.f32 v32, v12;
	v11 =	vmovc v23;
	v12 =	vmov v26  }
0x3f3: {  	v18 =	vmul.f32 v18, v1;
	v1 =	vmovc v7;
	v7 =	vmov v22;
	v23 =	vld [tilespmem:s15+$0xFFFFFFF0];
	v26 =	vmul.f32 $2.000000030e-01, v35;
	[tilespmem:s11+$0x20] =	vst v36  }
0x3f4: {  	v19 =	vmul.f32 v19, v2;
	v20 =	vmul.f32 v20, v4;
	v22 =	vadd.f32 v38, v43;
	v32 =	vld [tilespmem:s13+$0x0];
	[tilespmem:s11+$0x70] =	vst v34  }
0x3f5: {  	v2 =	vmovc v6;
	v6 =	vmov v27;
	v34 =	vld [tilespmem:s15+$0x0];
	v36 =	vmax.f32 v35, v26;
	[tilespmem:s11+$0xC0] =	vst v25;
	v25 =	vmul.f32 v33, v3  }
0x3f6: {  	v4 =	vmovc v5;
	v5 =	vmovc v29;
	v26 =	vmul.f32 $2.000000030e-01, v22;
	v27 =	vadd.f32 v41, v39;
	v33 =	vld [tilespmem:s13+$0x10];
	v35 =	vmul.f32 $1.442695020e+00, v36;
	[tilespmem:s11+$0xFFFFFEF0] =	vst v24  }
0x3f7: {  	v3 =	vmov v8;
	v8 =	vmov v31;
	v24 =	vld [tilespmem:s15+$0x10];
	[tilespmem:s11+$0xFFFFFF40] =	vst v21  }
0x3f8: {  	v21 =	vmul.f32 $2.000000030e-01, v27;
	v23 =	vadd.f32 v23, v37;
	v29 =	vld [tilespmem:s13+$0x20];
	(erf) = vpow2.f32 v35;
	[tilespmem:s11+$0xFFFFFF90] =	vst v28  }
0x3f9: {  	v22 =	vmax.f32 v22, v26;
	v26 =	vld [tilespmem:s15+$0x20];
	[tilespmem:s10+$0xFFFFFFE0] =	vst v18  }
0x3fa: {  	v18 =	vld [tilespmem:s13+$0xFFFFFFC0];
	v21 =	vmax.f32 v27, v21;
	v27 =	vmul.f32 $2.000000030e-01, v23;
	v28 =	vadd.f32 v34, v32;
	[tilespmem:s10+$0x30] =	vst v19  }
0x3fb: {  	v19 =	vmul.f32 $1.442695020e+00, v22;
	v21 =	vmul.f32 $1.442695020e+00, v21;
	v22 =	vld [tilespmem:s17+$0xFFFFFF20];
	[tilespmem:s10+$0x80] =	vst v20  }
0x3fc: {  	v20 =	vmax.f32 v23, v27;
	v23 =	vmul.f32 $2.000000030e-01, v28;
	v24 =	vadd.f32 v24, v33;
	v27 =	vld [tilespmem:s17+$0xFFFFFF60];
	[tilespmem:s10+$0xD0] =	vst v25;
	s10 =	smov.u32 s11;
	s11 =	smov.u32 s14  }
0x3fd: {  	v20 =	vmul.f32 $1.442695020e+00, v20;
	(erf) = vpow2.f32 v19;
	v31 =	vld [tilespmem:s17+$0xFFFFFFA0]  }
0x3fe: {  	v19 =	vmax.f32 v28, v23;
	v23 =	vmul.f32 $2.000000030e-01, v24;
	v26 =	vadd.f32 v26, v29;
	v36 =	vld [tilespmem:s17+$0xFFFFFFE0]  }
0x3ff: {  	v28 =	vadd.f32 v40, v18;
	v18 =	vmul.f32 $1.442695020e+00, v19;
	(erf) = vpow2.f32 v21;
	v35 =	vld [tilespmem:s17+$0x20]  }
0x400: {  	s14 =	sadd.s32 $0x280, s14;
	v19 =	vmax.f32 v24, v23;
	v23 =	vmul.f32 $2.000000030e-01, v26;
	(erf) = vpow2.f32 v20;
	v34 =	vld [tilespmem:s17+$0x60]  }
0x401: {  	v20 =	vmul.f32 $2.000000030e-01, v28;
	v19 =	vmul.f32 $1.442695020e+00, v19;
	v21 =	vpop (erf);
	v25 =	vld [tilespmem:s17+$0xA0]  }
0x402: {  	v22 =	vmul.f32 v30, v22;
	s17 =	sadd.s32 $0x200, s17;
	v23 =	vmax.f32 v26, v23;
	[tilespmem:s14+$0x130] =	vst v21;
	(erf) = vpow2.f32 v18;
	v18 =	vld [tilespmem:s12+$0xFFFFFFF0]  }
0x403: {  	v20 =	vmax.f32 v28, v20;
	v28 =	vmul.f32 $1.442695020e+00, v23;
	v26 =	vld [tilespmem:s17+$0xC0];
	(erf) = vpow2.f32 v19  }
0x404: {  	v14 =	vmul.f32 v14, v27;
	v20 =	vmul.f32 $1.442695020e+00, v20;
	[tilespmem:s11+$0xFFFFFEE0] =	vst v22;
	v19 =	vld [tilespmem:s12+$0x30]  }
0x405: {  	v15 =	vmul.f32 v15, v31;
	(erf) = vpow2.f32 v28;
	v24 =	vld [tilespmem:s16+$0xFFFFFF30]  }
0x406: {  	v29 =	vbroadcast v21, $0x4;
	(erf) = vpow2.f32 v20;
	v23 =	vpop (erf);
	[tilespmem:s11+$0xFFFFFF30] =	vst v14;
	v20 =	vld [tilespmem:s12+$0x70]  }
0x407: {  	[tilespmem:s14+$0xFFFFFF50] =	vst v23;
	v30 =	vbroadcast v23, $0x4;
	v44 =	vbroadcast v23, $0x5;
	v28 =	vld [tilespmem:s16+$0xFFFFFF70]  }
0x408: {  	v14 =	vbroadcast v23, $0x6;
	v31 =	vld [tilespmem:s17+$0xFFFFFF40];
	v29 =	vmul.f32 v29, v26;
	v26 =	vpop (erf);
	[tilespmem:s11+$0xFFFFFF80] =	vst v15  }
0x409: {  	[tilespmem:s14+$0xFFFFFFA0] =	vst v26;
	v33 =	vbroadcast v26, $0x4;
	v51 =	vbroadcast v26, $0x5;
	v22 =	vpop (erf);
	v32 =	vld [tilespmem:s16+$0xFFFFFFB0]  }
0x40a: {  	v37 =	vld [tilespmem:s17+$0xFFFFFF80];
	v42 =	vbroadcast v22, $0x4;
	v38 =	vbroadcast v22, $0x5;
	[tilespmem:s14+$0xF0] =	vst v29  }
0x40b: {  	v15 =	vbroadcast v26, $0x6;
	v48 =	vbroadcast v22, $0x6;
	[tilespmem:s14+$0xFFFFFFF0] =	vst v22;
	v41 =	vld [tilespmem:s17+$0xD0];
	v27 =	vpop (erf)  }
0x40c: {  	v43 =	vld [tilespmem:s17+$0xFFFFFFC0];
	[tilespmem:s14+$0x40] =	vst v27;
	v45 =	vbroadcast v27, $0x4;
	v39 =	vbroadcast v27, $0x5;
	v29 =	vpop (erf)  }
0x40d: {  	v30 =	vmul.f32 v30, v31;
	v46 =	vld [tilespmem:s17+$0x0];
	[tilespmem:s14+$0x90] =	vst v29;
	v47 =	vbroadcast v29, $0x4  }
0x40e: {  	v50 =	vbroadcast v21, $0x5;
	v40 =	vbroadcast v29, $0x5;
	v49 =	vld [tilespmem:s17+$0x40];
	v31 =	vpop (erf)  }
0x40f: {  	v52 =	vmul.f32 v33, v37;
	[tilespmem:s14+$0xE0] =	vst v31;
	v53 =	vbroadcast v31, $0x4;
	v37 =	vpop (erf);
	v33 =	vld [tilespmem:s12+$0xB0];
	s12 =	smov.u32 s16;
	s16 =	smov.u32 s17  }
0x410: {  	[tilespmem:s14+$0xFFFFFF00] =	vst v37;
	v54 =	vbroadcast v37, $0x4;
	v55 =	vld [tilespmem:s17+$0x80];
	v50 =	vmul.f32 v50, v41  }
0x411: {  	v41 =	vbroadcast v37, $0x5;
	v56 =	vld [tilespmem:s17+$0xFFFFFF00];
	[tilespmem:s14+$0xFFFFFF10] =	vst v30;
	v42 =	vmul.f32 v42, v43  }
0x412: {  	v43 =	vbroadcast v31, $0x5;
	v57 =	vld [tilespmem:s17+$0xFFFFFF50];
	v45 =	vmul.f32 v45, v46;
	[tilespmem:s14+$0x100] =	vst v50  }
0x413: {  	v30 =	vbroadcast v37, $0x6;
	[tilespmem:s14+$0xFFFFFF60] =	vst v52;
	v49 =	vmul.f32 v47, v49;
	v50 =	vld [tilespmem:s17+$0xE0]  }
0x414: {  	v58 =	vbroadcast v27, $0x6;
	v59 =	vbroadcast v29, $0x6;
	v52 =	vld [tilespmem:s17+$0xFFFFFF90];
	[tilespmem:s14+$0xFFFFFFB0] =	vst v42  }
.Ltmp6:
0x415: {  	v42 =	vbroadcast v31, $0x6;
	v46 =	vld [tilespmem:s17+$0xFFFFFFD0];
	[tilespmem:s14+$0x0] =	vst v45;
	v53 =	vmul.f32 v53, v55;
	(pc) =	sbr.rel @p0 .LBB2_15-.Ltmp6, $4  }
0x416: {  	v54 =	vmul.f32 v54, v56;
	v47 =	vld [tilespmem:s17+$0x10];
	[tilespmem:s14+$0x50] =	vst v49;
	v49 =	vbroadcast v21, $0x6  }
0x417: {  	v55 =	vmul.f32 v44, v57;
	v45 =	vld [tilespmem:s17+$0x50];
	[tilespmem:s14+$0xA0] =	vst v53;
	v44 =	vmul.f32 v13, v36;
	v13 =	vmov v48  }
0x418: {  	v36 =	vmul.f32 v17, v35;
	v17 =	vmov v58;
	[tilespmem:s14+$0xFFFFFEC0] =	vst v54;
	v48 =	vld [tilespmem:s17+$0x90];
	v50 =	vmul.f32 v49, v50  }
0x419: {  	s13 =	sadd.s32 $0x80, s13;
	v34 =	vmul.f32 v16, v34;
	v16 =	vmov v59;
	v49 =	vld [tilespmem:s17+$0xFFFFFF10];
	[tilespmem:s14+$0xFFFFFF20] =	vst v55;
	v51 =	vmul.f32 v51, v52  }
0x41a: {  	[tilespmem:s14+$0x110] =	vst v50  }
0x41b: {  	[tilespmem:s11+$0xFFFFFFD0] =	vst v44  }
0x41c: {  	[tilespmem:s11+$0x20] =	vst v36  }
0x41d: {  	v35 =	vmul.f32 v38, v46;
	[tilespmem:s14+$0xFFFFFF70] =	vst v51  }
0x41e: {  	v9 =	vmul.f32 v9, v25;
	[tilespmem:s11+$0x70] =	vst v34  }
0x41f: {  	v10 =	vmul.f32 v24, v10;
	[tilespmem:s14+$0xFFFFFFC0] =	vst v35  }
0x420: {  	v11 =	vmul.f32 v28, v11;
	[tilespmem:s11+$0xC0] =	vst v9  }
0x421: {  	v12 =	vmul.f32 v32, v12;
	[tilespmem:s11+$0xFFFFFEF0] =	vst v10  }
0x422: {  	v1 =	vmul.f32 v18, v1;
	[tilespmem:s11+$0xFFFFFF40] =	vst v11  }
0x423: {  	v2 =	vmul.f32 v19, v2;
	[tilespmem:s11+$0xFFFFFF90] =	vst v12  }
0x424: {  	v4 =	vmul.f32 v20, v4;
	[tilespmem:s10+$0xFFFFFFE0] =	vst v1  }
0x425: {  	v3 =	vmul.f32 v33, v3;
	v61 =	vmul.f32 v39, v47;
	v62 =	vld [tilespmem:s17+$0xF0];
	[tilespmem:s10+$0x30] =	vst v2  }
0x426: {  	v63 =	vmul.f32 v40, v45;
	[tilespmem:s10+$0x80] =	vst v4;
	v45 =	vmul.f32 v43, v48;
	v48 =	vld [tilespmem:s17+$0xFFFFFF60]  }
0x427: {  	[tilespmem:s10+$0xD0] =	vst v3;
	v46 =	vmul.f32 v41, v49;
	v49 =	vld [tilespmem:s17+$0xFFFFFFA0]  }
0x428: {  	v21 =	vbroadcast v21, $0x7;
	v55 =	vld [tilespmem:s12+$0xFFFFFFF0];
	[tilespmem:s14+$0x10] =	vst v61  }
0x429: {  	v1 =	vld [tilespmem:s17+$0xFFFFFFE0];
	[tilespmem:s14+$0x60] =	vst v63  }
0x42a: {  	v2 =	vld [tilespmem:s17+$0x20];
	[tilespmem:s14+$0xFFFFFED0] =	vst v46;
	v21 =	vmul.f32 v62, v21  }
0x42b: {  	[tilespmem:s14+$0xB0] =	vst v45;
	v47 =	vld [tilespmem:s17+$0xFFFFFF20];
	v10 =	vmul.f32 v14, v48  }
0x42c: {  	v50 =	vld [tilespmem:s17+$0x60];
	[tilespmem:s14+$0x120] =	vst v21;
	v52 =	vmul.f32 v15, v49  }
0x42d: {  	v51 =	vld [tilespmem:s17+$0xA0];
	v7 =	vmul.f32 v55, v7;
	[tilespmem:s14+$0xFFFFFF30] =	vst v10  }
0x42e: {  	v1 =	vmul.f32 v13, v1;
	v10 =	vld [tilespmem:s16+$0xFFFFFF70];
	[tilespmem:s14+$0xFFFFFF80] =	vst v52  }
0x42f: {  	[tilespmem:s11+$0xFFFFFFE0] =	vst v7;
	v2 =	vmul.f32 v17, v2;
	v3 =	vld [tilespmem:s16+$0xFFFFFFB0]  }
0x430: {  	v56 =	vld [tilespmem:s12+$0x30];
	[tilespmem:s14+$0xFFFFFFD0] =	vst v1;
	v9 =	vmul.f32 v30, v47  }
0x431: {  	v57 =	vld [tilespmem:s12+$0x70];
	v4 =	vmul.f32 v16, v50;
	v1 =	vbroadcast v23, $0x7;
	[tilespmem:s14+$0x20] =	vst v2  }
0x432: {  	v58 =	vld [tilespmem:s12+$0xB0];
	v12 =	vmul.f32 v42, v51;
	v2 =	vbroadcast v26, $0x7;
	[tilespmem:s14+$0xFFFFFEE0] =	vst v9  }
0x433: {  	[tilespmem:s14+$0x70] =	vst v4;
	v53 =	vld [tilespmem:s16+$0xFFFFFF30];
	v1 =	vmul.f32 v10, v1  }
0x434: {  	[tilespmem:s14+$0xC0] =	vst v12;
	v2 =	vmul.f32 v3, v2;
	v3 =	vld [tilespmem:s16+$0xFFFFFFF0]  }
0x435: {  	v6 =	vmul.f32 v56, v6;
	[tilespmem:s14+$0xFFFFFF40] =	vst v1;
	v1 =	vld [tilespmem:s16+$0x30]  }
0x436: {  	v54 =	vbroadcast v37, $0x7;
	v5 =	vmul.f32 v57, v5;
	[tilespmem:s14+$0xFFFFFF90] =	vst v2;
	v2 =	vld [tilespmem:s16+$0x70]  }
0x437: {  	v59 =	vbroadcast v22, $0x7;
	[tilespmem:s11+$0x30] =	vst v6;
	v4 =	vmul.f32 v58, v8;
	v60 =	vld [tilespmem:s16+$0xB0]  }
0x438: {  	v61 =	vbroadcast v27, $0x7;
	[tilespmem:s11+$0x80] =	vst v5;
	v9 =	vmul.f32 v53, v54  }
0x439: {  	s8 =	sadd.s32 $0x1, s8;
	v62 =	vbroadcast v29, $0x7;
	[tilespmem:s11+$0xD0] =	vst v4;
	v3 =	vmul.f32 v3, v59  }
0x43a: {  	p0 =	sne.s32 s8, $0x29;
	v63 =	vbroadcast v31, $0x7;
	[tilespmem:s14+$0xFFFFFEF0] =	vst v9;
	v1 =	vmul.f32 v1, v61  }
.Ltmp7:
0x43b: {  	v2 =	vmul.f32 v2, v62;
	[tilespmem:s14+$0xFFFFFFE0] =	vst v3;
	(pc) =	sbr.rel @p0 .LBB2_12-.Ltmp7, $4  }
0x43c: {  	v3 =	vmul.f32 v60, v63;
	[tilespmem:s14+$0x30] =	vst v1  }
0x43d: {  	[tilespmem:s14+$0x80] =	vst v2  }
0x43e: {  	[tilespmem:s14+$0xD0] =	vst v3  }
0x43f: {  	[spmem:s2] =	stream.indirect.scatter.add.f32 [tilespmem:s1], [sflag:$0x4], $0x50, s9, s22, $0xb8;
	[tilespmem:$0x1CA00] =	vst v63  }
0x440: {  	_ =	swait.ge [sflag:s0], $0x2800  }
0x441: {  	[sflag:s0] =	ssyncset.done $0x0  }
0x442: {  	[sflag:s0] =	ssyncadd.s32 $0xFFFFD800  }
0x443: {  	_ =	swait.ge [sflag:s23], $0x2800  }
0x444: {  	[sflag:s23] =	ssyncset.done $0x0  }
0x445: {  	[sflag:s23] =	ssyncadd.s32 $0xFFFFD800  }
0x446: {  	[bflag:$0x0] =	sbarrier.arrive $0xFFFF  }
0x447: {  	s8 =	rddreg [dreg:$0x7]  }
0x448: {  	[hbm:s8], [sflag:s25] =	dma.local [spmem:s3], $0x1900  }
0x449: {  	_ =	swait.ge [sflag:s19], $0x1900  }
0x44a: {  	s24 =	sadd.s32 $0x1, s24;
	s25 =	rddreg [dreg:$0x9]  }
0x44b: {  	p0 =	sne.s32 s24, s25  }
.Ltmp8:
0x44c: {  	_ = 	snop;
	(pc) =	sbr.rel @p0 .LBB2_1-.Ltmp8, $3  }
0x44d: {  	_ =	sdelay $0x1  }
0x44e: {  	[sflag:s19] =	ssyncset.done $0x0  }
0x44f: {  	[sflag:s19] =	ssyncadd.s32 $0xFFFFE700  }
0x450: {  	_ =	sfence.sel $0x180000  }
0x451: {  	[bflag:$0x0] =	sbarrier.arrive $0xFFFF  }
0x452: {  	_ =	strace $0x90000047  }
0x453: {  	s0 =	stileid.u32;
	[bflag:$0x2] =	sbarrier.arrive $0xFFFF  }
0x454: {  	p0 =	sne.s32 s0, $0x0;
	s0 =	rddreg [dreg:$0x2]  }
0x455: {  	s0 =	sadd.s32 @!p0 $0x100000, s0  }
0x456: {  	[sflag:s0] =	ssyncadd.tile.s32 @!p0 $0x1;
	_ =	shalt  }
.Lfunc_end2:
_tile_overlayer_lowered:
.L_overlay_start_2:
0x457: {  	(tag) =	ssettag $0x2  }
0x458: {  	s0 =	rddreg [dreg:$0x0];
	s2 =	stileid.u32  }
0x459: {  	s1 =	rddreg [dreg:$0x1];
	p0 =	sne.s32 s2, $0x0  }
0x45a: {  	s3 =	rddreg [dreg:$0x2];
	[bflag:$0x3] =	sbarrier.arrive $0xFFFF;
	s2 =	simm.s32 @!p0 $0x1C05  }
0x45b: {  	[timem:s3], [sflag:s2] =	dma.local @!p0 [hbm:s0], s1  }
0x45c: {  	s0 =	simm.s32 @!p0 $0x5  }
0x45d: {  	_ =	swait.ge @!p0 [sflag:s0], s1  }
0x45e: {  	s1 =	ssub.s32 @!p0 $0x0, s1;
	[sflag:s0] =	ssyncset.done @!p0 $0x0  }
0x45f: {  	[sflag:s0] =	ssyncadd.s32 @!p0 s1  }
0x460: {  	[bflag:$0x3] =	sbarrier.arrive $0xFFFF  }
0x461: {  	_ =	shalt  }

</sc_bundles>
